<compile_context>
chip_gen: v7x
topology: tpu7x:2x2x1
jax: 0.10.2.dev20260603
libtpu: 0.0.44.dev20260713+nightly
codegen_flags: <defaults>
</compile_context>

<pallas_src>
import functools

import jax
import jax.numpy as jnp
from jax import lax
from jax.experimental import pallas as pl
from jax.experimental.pallas import tpu as pltpu
from jax.experimental.pallas import tpu_sc as plsc

N = 10000
E = 320000
D = 128
H = 128
C = 10
G = 128

NC = 2
NS = 16
DH = D // NC
CH = 128
NCHK = E // CH
CPB = 12
NBODY = 13
CPT = CPB * NBODY
DEGHALF = CPT // 2
DEGW = 16
NR = 6
GLAG = 5
NP = 10240
RPT = NP // NS
RQ = 128

BN = 1000
NB = N // BN


def _sc_agg_body(with_deg, *refs):
    if with_deg:
        (src4, dst2, x_hbm, acc_out, deg_out) = refs[:5]
        rest = refs[5:]
    else:
        (src4, dst2, x_hbm, acc_out) = refs[:4]
        rest = refs[4:]
    s0, d0, s1, d1 = rest[:4]
    rowsL = rest[4:4 + NR]
    rest = rest[4 + NR:]
    if with_deg:
        ones, zdeg, acc_sh, deg_sh = rest[:4]
        rest = rest[4:]
    else:
        acc_sh = rest[0]
        rest = rest[1:]
    gsems = rest[:NR]
    ssems = rest[NR:2 * NR]

    c = lax.axis_index("c")
    s = lax.axis_index("s")
    cbase = s * CPT
    rows0 = rowsL[0]

    def zrow(i, _):
        for j in range(DH // 16):
            rows0[i, pl.ds(j * 16, 16)] = jnp.zeros((16,), jnp.float32)
        return 0
    lax.fori_loop(0, CH, zrow, 0)
    if with_deg:
        def orow(i, _):
            ones[i, :] = jnp.ones((16,), jnp.float32)
            return 0
        lax.fori_loop(0, CH, orow, 0)
        def zdrow(i, _):
            zdeg[i, :] = jnp.zeros((16,), jnp.float32)
            return 0
        lax.fori_loop(0, RPT, zdrow, 0)

    for j in range(RPT // RQ):
        pltpu.sync_copy(rows0, acc_sh.at[pl.ds(s * RPT + j * RQ, RQ)])
    if with_deg:
        pltpu.sync_copy(zdeg, deg_sh.at[pl.ds(s * RPT, RPT)])
    plsc.subcore_barrier()

    def sref(p):
        if p < 0:
            return s1.at[6 + p]
        return (s0 if p < 6 else s1).at[p % 6]

    def dref(p):
        if p < 0:
            return d1.at[6 + p]
        return (d0 if p < 6 else d1).at[p % 6]

    def deg_add(t_val, didx):
        if with_deg:
            @pl.when(((c == 0) & (t_val < DEGHALF))
                     | ((c != 0) & (t_val >= DEGHALF)))
            def _():
                pltpu.sync_copy(ones, deg_sh.at[didx], add=True)

    def body(i, _):
        row0 = cbase + i * CPB
        pltpu.sync_copy(src4.at[pl.ds(c * NCHK + row0, 6)], s0)
        pltpu.sync_copy(dst2.at[pl.ds(row0, 6)], d0)
        for q in range(CPB):
            if q == 6:
                pltpu.sync_copy(src4.at[pl.ds(c * NCHK + row0 + 6, 6)], s1)
                pltpu.sync_copy(dst2.at[pl.ds(row0 + 6, 6)], d1)
            r = q % NR
            if q >= NR:
                pltpu.make_async_copy(
                    rowsL[r], acc_sh.at[dref(q - NR)], ssems[r]).wait()
            else:
                @pl.when(i > 0)
                def _(q=q, r=r):
                    pltpu.make_async_copy(
                        rowsL[r], acc_sh.at[dref(q - NR)], ssems[r]).wait()
            pltpu.async_copy(x_hbm.at[sref(q)], rowsL[r], gsems[r])
            t2 = i * CPB + q - GLAG
            r2 = (q - GLAG) % NR
            if q >= GLAG:
                pltpu.make_async_copy(
                    x_hbm.at[sref(q - GLAG)], rowsL[r2], gsems[r2]).wait()
                pltpu.async_copy(rowsL[r2], acc_sh.at[dref(q - GLAG)],
                                 ssems[r2], add=True)
                deg_add(t2, dref(q - GLAG))
            else:
                @pl.when(i > 0)
                def _(q=q, r2=r2, t2=t2):
                    pltpu.make_async_copy(
                        x_hbm.at[sref(q - GLAG)], rowsL[r2],
                        gsems[r2]).wait()
                    pltpu.async_copy(rowsL[r2], acc_sh.at[dref(q - GLAG)],
                                     ssems[r2], add=True)
                    deg_add(t2, dref(q - GLAG))
        return 0
    lax.fori_loop(0, NBODY, body, 0)

    for p in range(CPB - GLAG, CPB):
        r = p % NR
        pltpu.make_async_copy(x_hbm.at[sref(p)], rowsL[r], gsems[r]).wait()
        pltpu.async_copy(rowsL[r], acc_sh.at[dref(p)], ssems[r], add=True)
        deg_add((NBODY - 1) * CPB + p, dref(p))
    for p in range(CPB - NR, CPB):
        r = p % NR
        pltpu.make_async_copy(rowsL[r], acc_sh.at[dref(p)], ssems[r]).wait()

    @pl.when(s < NCHK - NS * CPT)
    def _():
        kx = NS * CPT + s
        pltpu.sync_copy(src4.at[pl.ds(c * NCHK + kx, 1)], s0.at[pl.ds(0, 1)])
        pltpu.sync_copy(dst2.at[pl.ds(kx, 1)], d0.at[pl.ds(0, 1)])
        pltpu.async_copy(x_hbm.at[s0.at[0]], rowsL[0], gsems[0]).wait()
        pltpu.async_copy(rowsL[0], acc_sh.at[d0.at[0]], ssems[0],
                         add=True).wait()
        if with_deg:
            @pl.when((s % 2) == c)
            def _():
                pltpu.sync_copy(ones, deg_sh.at[d0.at[0]], add=True)

    plsc.subcore_barrier()

    for j in range(RPT // RQ):
        r0 = s * RPT + j * RQ
        pltpu.sync_copy(acc_sh.at[pl.ds(r0, RQ)], acc_out.at[c, pl.ds(r0, RQ)])
    if with_deg:
        pltpu.sync_copy(deg_sh.at[pl.ds(s * RPT, RPT)],
                        deg_out.at[c, pl.ds(s * RPT, RPT)])


def _make_sc_agg(with_deg):
    mesh = plsc.VectorSubcoreMesh(core_axis_name="c", subcore_axis_name="s")
    out_type = [jax.ShapeDtypeStruct((NC, NP, DH), jnp.float32)]
    scratch = [
        pltpu.VMEM((6, CH), jnp.int32),
        pltpu.VMEM((6, CH), jnp.int32),
        pltpu.VMEM((6, CH), jnp.int32),
        pltpu.VMEM((6, CH), jnp.int32),
    ]
    scratch.extend([pltpu.VMEM((CH, DH), jnp.float32)] * NR)
    if with_deg:
        out_type.append(jax.ShapeDtypeStruct((NC, NP, DEGW), jnp.float32))
        scratch.append(pltpu.VMEM((CH, DEGW), jnp.float32))
        scratch.append(pltpu.VMEM((RPT, DEGW), jnp.float32))
    scratch.append(pltpu.VMEM_SHARED((NP, DH), jnp.float32))
    if with_deg:
        scratch.append(pltpu.VMEM_SHARED((NP, DEGW), jnp.float32))
    scratch.extend([pltpu.SemaphoreType.DMA] * (2 * NR))
    return pl.kernel(
        functools.partial(_sc_agg_body, with_deg),
        out_type=out_type,
        mesh=mesh,
        scratch_types=scratch,
        compiler_params=pltpu.CompilerParams(use_tc_tiling_on_sc=False),
    )


_sc_agg_deg = _make_sc_agg(True)
_sc_agg = _make_sc_agg(False)


def _dense_body(acc_ref, deg_ref, x_ref, wl_ref, bl_ref, wr_ref, out_ref):
    deg = deg_ref[0, :, 0:1] + deg_ref[1, :, 0:1]
    invd = 1.0 / jnp.maximum(deg, 1.0)
    hL = lax.dot_general(acc_ref[0] * invd, wl_ref[:, :DH],
                         (((1,), (1,)), ((), ())),
                         preferred_element_type=jnp.float32)
    hR = lax.dot_general(acc_ref[1] * invd, wl_ref[:, DH:],
                         (((1,), (1,)), ((), ())),
                         preferred_element_type=jnp.float32)
    h = hL + hR + bl_ref[...]
    h = h + lax.dot_general(x_ref[...], wr_ref[...], (((1,), (1,)), ((), ())),
                            preferred_element_type=jnp.float32)
    out_ref[...] = jnp.maximum(h, 0.0)


_dense = pl.pallas_call(
    _dense_body,
    grid=(NB,),
    in_specs=[
        pl.BlockSpec((NC, BN, DH), lambda i: (0, i, 0)),
        pl.BlockSpec((NC, BN, DEGW), lambda i: (0, i, 0)),
        pl.BlockSpec((BN, D), lambda i: (i, 0)),
        pl.BlockSpec((H, D), lambda i: (0, 0)),
        pl.BlockSpec((1, H), lambda i: (0, 0)),
        pl.BlockSpec((H, D), lambda i: (0, 0)),
    ],
    out_specs=pl.BlockSpec((BN, H), lambda i: (i, 0)),
    out_shape=jax.ShapeDtypeStruct((N, H), jnp.float32),
)


def _dense2_body(acc_ref, deg_ref, h_ref, wl_ref, bl_ref, wr_ref,
                 batch_ref, wfc_ref, bfc_ref, out_ref, pooled, cnts):
    i = pl.program_id(0)

    @pl.when(i == 0)
    def _():
        pooled[...] = jnp.zeros((G, H), jnp.float32)
        cnts[...] = jnp.zeros((G, 128), jnp.float32)

    deg = deg_ref[0, :, 0:1] + deg_ref[1, :, 0:1]
    invd = 1.0 / jnp.maximum(deg, 1.0)
    hL = lax.dot_general(acc_ref[0] * invd, wl_ref[:, :DH],
                         (((1,), (1,)), ((), ())),
                         preferred_element_type=jnp.float32)
    hR = lax.dot_general(acc_ref[1] * invd, wl_ref[:, DH:],
                         (((1,), (1,)), ((), ())),
                         preferred_element_type=jnp.float32)
    h = hL + hR + bl_ref[...]
    h = h + lax.dot_general(h_ref[...], wr_ref[...], (((1,), (1,)), ((), ())),
                            preferred_element_type=jnp.float32)
    h2 = jnp.maximum(h, 0.0)

    bt = batch_ref[0]
    gids = lax.broadcasted_iota(jnp.int32, (G, 1), 0)
    oht = jnp.where(bt == gids, 1.0, 0.0).astype(jnp.float32)
    pooled[...] += lax.dot_general(oht, h2, (((1,), (0,)), ((), ())),
                                   preferred_element_type=jnp.float32)
    cnts[...] += jnp.broadcast_to(
        jnp.sum(oht, axis=1, keepdims=True), (G, 128))

    @pl.when(i == NB - 1)
    def _():
        pm = pooled[...] / jnp.maximum(cnts[:, 0:1], 1.0)
        logits = lax.dot_general(pm, wfc_ref[...], (((1,), (1,)), ((), ())),
                                 preferred_element_type=jnp.float32)
        logits = logits + bfc_ref[...]
        m = jnp.max(logits, axis=-1, keepdims=True)
        ls = logits - m
        out_ref[...] = ls - jnp.log(
            jnp.sum(jnp.exp(ls), axis=-1, keepdims=True))


_dense2 = pl.pallas_call(
    _dense2_body,
    grid=(NB,),
    in_specs=[
        pl.BlockSpec((NC, BN, DH), lambda i: (0, i, 0)),
        pl.BlockSpec((NC, BN, DEGW), lambda i: (0, i, 0)),
        pl.BlockSpec((BN, H), lambda i: (i, 0)),
        pl.BlockSpec((H, H), lambda i: (0, 0)),
        pl.BlockSpec((1, H), lambda i: (0, 0)),
        pl.BlockSpec((H, H), lambda i: (0, 0)),
        pl.BlockSpec((1, 1, BN), lambda i: (i, 0, 0)),
        pl.BlockSpec((128, H), lambda i: (0, 0)),
        pl.BlockSpec((1, 128), lambda i: (0, 0)),
    ],
    out_specs=pl.BlockSpec((G, 128), lambda i: (0, 0)),
    out_shape=jax.ShapeDtypeStruct((G, 128), jnp.float32),
    scratch_shapes=[
        pltpu.VMEM((G, H), jnp.float32),
        pltpu.VMEM((G, 128), jnp.float32),
    ],
    compiler_params=pltpu.CompilerParams(
        dimension_semantics=("arbitrary",)),
)


def kernel(x, edge_index, batch, W1l, b1l, W1r, W2l, b2l, W2r, Wfc, bfc):
    src = edge_index[0]
    dst = edge_index[1]
    src4 = jnp.concatenate([src * 2, src * 2 + 1]).reshape(NC * NCHK, CH)
    dst2 = dst.reshape(NCHK, CH)
    xview = x.reshape(NC * N, DH)

    acc1, deg = _sc_agg_deg(src4, dst2, xview)
    h = _dense(acc1, deg, x, W1l, b1l.reshape(1, H), W1r)

    (acc2,) = _sc_agg(src4, dst2, h.reshape(NC * N, DH))

    batch3 = batch.reshape(NB, 1, BN)
    wfc_pad = jnp.zeros((128, H), jnp.float32).at[:C].set(Wfc)
    bfc_pad = jnp.full((1, 128), -1e30, jnp.float32).at[0, :C].set(bfc)
    out = _dense2(acc2, deg, h, W2l, b2l.reshape(1, H), W2r,
                  batch3, wfc_pad, bfc_pad)
    return out[:, :C]

# --- scband reference (transcript-rebuilt; emitter-appended) ---
"""Pipeline reference for scband-bgnnclassifier-42563125904013 (READ-ONLY COPY).

The authoritative reference and input builder live on the scoring server;
editing this copy changes nothing except your own understanding.
"""

import jax, jax.numpy as jnp
import numpy as np

N = 10000
E = 320000
D = 128
H = 128
C = 10
G = 128


def setup_inputs(seed: int = 0) -> dict:
    key = jax.random.key(seed)
    ks = jax.random.split(key, 12)
    def lin_w(k, out_d, in_d):
        bound = 1.0 / np.sqrt(in_d)
        return jax.random.uniform(k, (out_d, in_d), minval=-bound, maxval=bound, dtype=jnp.float32)
    def lin_b(k, out_d, in_d):
        bound = 1.0 / np.sqrt(in_d)
        return jax.random.uniform(k, (out_d,), minval=-bound, maxval=bound, dtype=jnp.float32)
    return {
        "x": jax.random.normal(ks[0], (N, D), dtype=jnp.float32),
        "edge_index": jax.random.randint(ks[1], (2, E), 0, N, dtype=jnp.int32),
        "batch": jnp.sort(jax.random.randint(ks[2], (N,), 0, G, dtype=jnp.int32)),
        "W1l": lin_w(ks[3], H, D), "b1l": lin_b(ks[4], H, D), "W1r": lin_w(ks[5], H, D),
        "W2l": lin_w(ks[6], H, H), "b2l": lin_b(ks[7], H, H), "W2r": lin_w(ks[8], H, H),
        "Wfc": lin_w(ks[9], C, H), "bfc": lin_b(ks[10], C, H),
    }


def _sage_conv(x, edge_index, Wl, bl, Wr):
    # PyG SAGEConv (aggr='mean', root_weight=True):
    #   out = lin_l(mean_{j in N(i)} x_j) + lin_r(x_i)
    src = edge_index[0]
    dst = edge_index[1]
    msgs = x[src]                                   # gather  [E, d]
    agg = jax.ops.segment_sum(msgs, dst, num_segments=N)
    deg = jax.ops.segment_sum(jnp.ones((edge_index.shape[1],), x.dtype), dst, num_segments=N)
    mean = agg / jnp.clip(deg, 1.0, None)[:, None]
    return mean @ Wl.T + bl + x @ Wr.T


def reference(x, edge_index, batch, W1l, b1l, W1r, W2l, b2l, W2r, Wfc, bfc):
    h = jax.nn.relu(_sage_conv(x, edge_index, W1l, b1l, W1r))
    # mc_dropout=False -> dropout is a no-op
    h = jax.nn.relu(_sage_conv(h, edge_index, W2l, b2l, W2r))
    # global_mean_pool over graph ids
    sums = jax.ops.segment_sum(h, batch, num_segments=G)
    cnts = jax.ops.segment_sum(jnp.ones((N,), h.dtype), batch, num_segments=G)
    pooled = sums / jnp.clip(cnts, 1.0, None)[:, None]
    logits = pooled @ Wfc.T + bfc
    return jax.nn.log_softmax(logits, axis=-1)

if __name__ == "__main__":
    import jax
    _d = setup_inputs()
    print(jax.jit(kernel)(*tuple(_d.values())))

</pallas_src>

<mosaic_0001>
#map = affine_map<(d0, d1) -> (0, 0)>
#map1 = affine_map<(d0, d1) -> (0, 0, 0)>
module attributes {stable_mosaic.version = 14 : i64} {
  func.func @_sc_agg_body(%arg0: i32, %arg1: i32, %arg2: memref<5000x128xi32, #tpu.memory_space<hbm>>, %arg3: memref<2500x128xi32, #tpu.memory_space<hbm>>, %arg4: memref<20000x64xf32, #tpu.memory_space<hbm>>, %arg5: memref<2x10240x64xf32, #tpu.memory_space<hbm>>, %arg6: memref<2x10240x16xf32, #tpu.memory_space<hbm>>, %arg7: memref<6x128xi32, #tpu.memory_space<vmem>>, %arg8: memref<6x128xi32, #tpu.memory_space<vmem>>, %arg9: memref<6x128xi32, #tpu.memory_space<vmem>>, %arg10: memref<6x128xi32, #tpu.memory_space<vmem>>, %arg11: memref<128x64xf32, #tpu.memory_space<vmem>>, %arg12: memref<128x64xf32, #tpu.memory_space<vmem>>, %arg13: memref<128x64xf32, #tpu.memory_space<vmem>>, %arg14: memref<128x64xf32, #tpu.memory_space<vmem>>, %arg15: memref<128x64xf32, #tpu.memory_space<vmem>>, %arg16: memref<128x64xf32, #tpu.memory_space<vmem>>, %arg17: memref<128x16xf32, #tpu.memory_space<vmem>>, %arg18: memref<640x16xf32, #tpu.memory_space<vmem>>, %arg19: memref<10240x64xf32, #tpu.memory_space<vmem_shared>>, %arg20: memref<10240x16xf32, #tpu.memory_space<vmem_shared>>, %arg21: memref<!tpu.dma_semaphore, #tpu.memory_space<semaphore_mem>>, %arg22: memref<!tpu.dma_semaphore, #tpu.memory_space<semaphore_mem>>, %arg23: memref<!tpu.dma_semaphore, #tpu.memory_space<semaphore_mem>>, %arg24: memref<!tpu.dma_semaphore, #tpu.memory_space<semaphore_mem>>, %arg25: memref<!tpu.dma_semaphore, #tpu.memory_space<semaphore_mem>>, %arg26: memref<!tpu.dma_semaphore, #tpu.memory_space<semaphore_mem>>, %arg27: memref<!tpu.dma_semaphore, #tpu.memory_space<semaphore_mem>>, %arg28: memref<!tpu.dma_semaphore, #tpu.memory_space<semaphore_mem>>, %arg29: memref<!tpu.dma_semaphore, #tpu.memory_space<semaphore_mem>>, %arg30: memref<!tpu.dma_semaphore, #tpu.memory_space<semaphore_mem>>, %arg31: memref<!tpu.dma_semaphore, #tpu.memory_space<semaphore_mem>>, %arg32: memref<!tpu.dma_semaphore, #tpu.memory_space<semaphore_mem>>) attributes {dimension_semantics = [#tpu.dimension_semantics<core_parallel>, #tpu.dimension_semantics<subcore_parallel>], iteration_bounds = array<i64: 2, 16>, scalar_prefetch = 0 : i64, scratch_operands = 26 : i64, tpu.core_type = #tpu.core_type<sc_vector_subcore>, window_params = [{transform_indices = #map}, {transform_indices = #map}, {transform_indices = #map}, {transform_indices = #map1}, {transform_indices = #map1}]} {
    %mul3A = arith.constant 156 : i32
    %mul3A_0 = arith.muli %arg1, %mul3A : i32
    %scan3A = arith.constant 0 : i32
    %scan3A_1 = arith.constant 0 : i32
    %scan3A_2 = arith.constant 128 : i32
    %scan3A_3 = arith.addi %scan3A_1, %scan3A_2 : i32
    %scan3A_4 = arith.constant 1 : i32
    %scan3A_5 = scf.for %scan3A_247 = %scan3A_1 to %scan3A_3 step %scan3A_4 iter_args(%scan3A_248 = %scan3A) -> (i32)  : i32 {
      %broadcast_in_dim3A = arith.constant 0.000000e+00 : f32
      %broadcast_in_dim3A_249 = vector.broadcast %broadcast_in_dim3A : f32 to vector<16xf32>
      %swap3A = arith.index_cast %scan3A_247 : i32 to index
      %swap3A_250 = arith.constant 0 : index
      %swap3A_251 = tpu.vector_load %arg11[%swap3A, %swap3A_250] {strides = array<i32>} : memref<128x64xf32, #tpu.memory_space<vmem>>, vector<1x16xf32>,
      %swap3A_252 = vector.shape_cast %swap3A_251 : vector<1x16xf32> to vector<16xf32>
      %swap3A_253 = vector.shape_cast %broadcast_in_dim3A_249 : vector<16xf32> to vector<1x16xf32>
      tpu.vector_store %arg11[%swap3A, %swap3A_250], %swap3A_253 {strides = array<i32>} : memref<128x64xf32, #tpu.memory_space<vmem>>, vector<1x16xf32>,
      %broadcast_in_dim3A_254 = arith.constant 0.000000e+00 : f32
      %broadcast_in_dim3A_255 = vector.broadcast %broadcast_in_dim3A_254 : f32 to vector<16xf32>
      %swap3A_256 = arith.index_cast %scan3A_247 : i32 to index
      %swap3A_257 = arith.constant 16 : index
      %swap3A_258 = tpu.vector_load %arg11[%swap3A_256, %swap3A_257] {strides = array<i32>} : memref<128x64xf32, #tpu.memory_space<vmem>>, vector<1x16xf32>,
      %swap3A_259 = vector.shape_cast %swap3A_258 : vector<1x16xf32> to vector<16xf32>
      %swap3A_260 = vector.shape_cast %broadcast_in_dim3A_255 : vector<16xf32> to vector<1x16xf32>
      tpu.vector_store %arg11[%swap3A_256, %swap3A_257], %swap3A_260 {strides = array<i32>} : memref<128x64xf32, #tpu.memory_space<vmem>>, vector<1x16xf32>,
      %broadcast_in_dim3A_261 = arith.constant 0.000000e+00 : f32
      %broadcast_in_dim3A_262 = vector.broadcast %broadcast_in_dim3A_261 : f32 to vector<16xf32>
      %swap3A_263 = arith.index_cast %scan3A_247 : i32 to index
      %swap3A_264 = arith.constant 32 : index
      %swap3A_265 = tpu.vector_load %arg11[%swap3A_263, %swap3A_264] {strides = array<i32>} : memref<128x64xf32, #tpu.memory_space<vmem>>, vector<1x16xf32>,
      %swap3A_266 = vector.shape_cast %swap3A_265 : vector<1x16xf32> to vector<16xf32>
      %swap3A_267 = vector.shape_cast %broadcast_in_dim3A_262 : vector<16xf32> to vector<1x16xf32>
      tpu.vector_store %arg11[%swap3A_263, %swap3A_264], %swap3A_267 {strides = array<i32>} : memref<128x64xf32, #tpu.memory_space<vmem>>, vector<1x16xf32>,
      %broadcast_in_dim3A_268 = arith.constant 0.000000e+00 : f32
      %broadcast_in_dim3A_269 = vector.broadcast %broadcast_in_dim3A_268 : f32 to vector<16xf32>
      %swap3A_270 = arith.index_cast %scan3A_247 : i32 to index
      %swap3A_271 = arith.constant 48 : index
      %swap3A_272 = tpu.vector_load %arg11[%swap3A_270, %swap3A_271] {strides = array<i32>} : memref<128x64xf32, #tpu.memory_space<vmem>>, vector<1x16xf32>,
      %swap3A_273 = vector.shape_cast %swap3A_272 : vector<1x16xf32> to vector<16xf32>
      %swap3A_274 = vector.shape_cast %broadcast_in_dim3A_269 : vector<16xf32> to vector<1x16xf32>
      tpu.vector_store %arg11[%swap3A_270, %swap3A_271], %swap3A_274 {strides = array<i32>} : memref<128x64xf32, #tpu.memory_space<vmem>>, vector<1x16xf32>,
      %scan3A_275 = arith.constant 0 : i32
      scf.yield %scan3A_275 : i32
    }
    %scan3A_6 = arith.constant 128 : i32
    %scan3A_7 = arith.constant 0 : i32
    %scan3A_8 = arith.constant 0 : i32
    %scan3A_9 = arith.constant 128 : i32
    %scan3A_10 = arith.addi %scan3A_8, %scan3A_9 : i32
    %scan3A_11 = arith.constant 1 : i32
    %scan3A_12 = scf.for %scan3A_247 = %scan3A_8 to %scan3A_10 step %scan3A_11 iter_args(%scan3A_248 = %scan3A_7) -> (i32)  : i32 {
      %broadcast_in_dim3A = arith.constant 1.000000e+00 : f32
      %broadcast_in_dim3A_249 = vector.broadcast %broadcast_in_dim3A : f32 to vector<16xf32>
      %swap3A = arith.index_cast %scan3A_247 : i32 to index
      %swap3A_250 = arith.constant 0 : index
      %swap3A_251 = tpu.vector_load %arg17[%swap3A, %swap3A_250] {strides = array<i32>} : memref<128x16xf32, #tpu.memory_space<vmem>>, vector<1x16xf32>,
      %swap3A_252 = vector.shape_cast %swap3A_251 : vector<1x16xf32> to vector<16xf32>
      %swap3A_253 = vector.shape_cast %broadcast_in_dim3A_249 : vector<16xf32> to vector<1x16xf32>
      tpu.vector_store %arg17[%swap3A, %swap3A_250], %swap3A_253 {strides = array<i32>} : memref<128x16xf32, #tpu.memory_space<vmem>>, vector<1x16xf32>,
      %scan3A_254 = arith.constant 0 : i32
      scf.yield %scan3A_254 : i32
    }
    %scan3A_13 = arith.constant 128 : i32
    %scan3A_14 = arith.constant 0 : i32
    %scan3A_15 = arith.constant 0 : i32
    %scan3A_16 = arith.constant 640 : i32
    %scan3A_17 = arith.addi %scan3A_15, %scan3A_16 : i32
    %scan3A_18 = arith.constant 1 : i32
    %scan3A_19 = scf.for %scan3A_247 = %scan3A_15 to %scan3A_17 step %scan3A_18 iter_args(%scan3A_248 = %scan3A_14) -> (i32)  : i32 {
      %broadcast_in_dim3A = arith.constant 0.000000e+00 : f32
      %broadcast_in_dim3A_249 = vector.broadcast %broadcast_in_dim3A : f32 to vector<16xf32>
      %swap3A = arith.index_cast %scan3A_247 : i32 to index
      %swap3A_250 = arith.constant 0 : index
      %swap3A_251 = tpu.vector_load %arg18[%swap3A, %swap3A_250] {strides = array<i32>} : memref<640x16xf32, #tpu.memory_space<vmem>>, vector<1x16xf32>,
      %swap3A_252 = vector.shape_cast %swap3A_251 : vector<1x16xf32> to vector<16xf32>
      %swap3A_253 = vector.shape_cast %broadcast_in_dim3A_249 : vector<16xf32> to vector<1x16xf32>
      tpu.vector_store %arg18[%swap3A, %swap3A_250], %swap3A_253 {strides = array<i32>} : memref<640x16xf32, #tpu.memory_space<vmem>>, vector<1x16xf32>,
      %scan3A_254 = arith.constant 0 : i32
      scf.yield %scan3A_254 : i32
    }
    %scan3A_20 = arith.constant 640 : i32
    %mul3A_21 = arith.constant 640 : i32
    %mul3A_22 = arith.muli %arg1, %mul3A_21 : i32
    %add3A = arith.constant 0 : i32
    %add3A_23 = arith.addi %mul3A_22, %add3A : i32
    "tpu.region"() ({
      %run_scoped3A = tpu.sem_alloc : memref<!tpu.dma_semaphore, #tpu.memory_space<semaphore_mem>>
      %dma_start3A_247 = arith.constant 0 : i32
      %dma_start3A_248 = tpu.memref_slice %arg19[%add3A_23, %dma_start3A_247] : memref<10240x64xf32, #tpu.memory_space<vmem_shared>> -> memref<128x64xf32, #tpu.memory_space<vmem_shared>>
      %dma_start3A_249 = arith.constant 0 : i32
      %dma_start3A_250 = tpu.memref_slice %arg19[%add3A_23, %dma_start3A_249] : memref<10240x64xf32, #tpu.memory_space<vmem_shared>> -> memref<128x64xf32, #tpu.memory_space<vmem_shared>>
      tpu.enqueue_dma source(%arg11 : memref<128x64xf32, #tpu.memory_space<vmem>>) target(%dma_start3A_250 : memref<128x64xf32, #tpu.memory_space<vmem_shared>>) target_semaphore(%run_scoped3A : memref<!tpu.dma_semaphore, #tpu.memory_space<semaphore_mem>>)
      %dma_wait3A_251 = arith.constant 0 : i32
      %dma_wait3A_252 = tpu.memref_slice %arg19[%add3A_23, %dma_wait3A_251] : memref<10240x64xf32, #tpu.memory_space<vmem_shared>> -> memref<128x64xf32, #tpu.memory_space<vmem_shared>>
      %dma_wait3A_253 = arith.constant 0 : i32
      %dma_wait3A_254 = tpu.memref_slice %arg19[%add3A_23, %dma_wait3A_253] : memref<10240x64xf32, #tpu.memory_space<vmem_shared>> -> memref<128x64xf32, #tpu.memory_space<vmem_shared>>
      tpu.wait_dma2 semaphore(%run_scoped3A : memref<!tpu.dma_semaphore, #tpu.memory_space<semaphore_mem>>) src(%arg11 : memref<128x64xf32, #tpu.memory_space<vmem>>) dst(%dma_wait3A_254 : memref<128x64xf32, #tpu.memory_space<vmem_shared>>)
      tpu.yield
    }) : () -> ()
    %mul3A_24 = arith.constant 640 : i32
    %mul3A_25 = arith.muli %arg1, %mul3A_24 : i32
    %add3A_26 = arith.constant 128 : i32
    %add3A_27 = arith.addi %mul3A_25, %add3A_26 : i32
    "tpu.region"() ({
      %run_scoped3A = tpu.sem_alloc : memref<!tpu.dma_semaphore, #tpu.memory_space<semaphore_mem>>
      %dma_start3A_247 = arith.constant 0 : i32
      %dma_start3A_248 = tpu.memref_slice %arg19[%add3A_27, %dma_start3A_247] : memref<10240x64xf32, #tpu.memory_space<vmem_shared>> -> memref<128x64xf32, #tpu.memory_space<vmem_shared>>
      %dma_start3A_249 = arith.constant 0 : i32
      %dma_start3A_250 = tpu.memref_slice %arg19[%add3A_27, %dma_start3A_249] : memref<10240x64xf32, #tpu.memory_space<vmem_shared>> -> memref<128x64xf32, #tpu.memory_space<vmem_shared>>
      tpu.enqueue_dma source(%arg11 : memref<128x64xf32, #tpu.memory_space<vmem>>) target(%dma_start3A_250 : memref<128x64xf32, #tpu.memory_space<vmem_shared>>) target_semaphore(%run_scoped3A : memref<!tpu.dma_semaphore, #tpu.memory_space<semaphore_mem>>)
      %dma_wait3A_251 = arith.constant 0 : i32
      %dma_wait3A_252 = tpu.memref_slice %arg19[%add3A_27, %dma_wait3A_251] : memref<10240x64xf32, #tpu.memory_space<vmem_shared>> -> memref<128x64xf32, #tpu.memory_space<vmem_shared>>
      %dma_wait3A_253 = arith.constant 0 : i32
      %dma_wait3A_254 = tpu.memref_slice %arg19[%add3A_27, %dma_wait3A_253] : memref<10240x64xf32, #tpu.memory_space<vmem_shared>> -> memref<128x64xf32, #tpu.memory_space<vmem_shared>>
      tpu.wait_dma2 semaphore(%run_scoped3A : memref<!tpu.dma_semaphore, #tpu.memory_space<semaphore_mem>>) src(%arg11 : memref<128x64xf32, #tpu.memory_space<vmem>>) dst(%dma_wait3A_254 : memref<128x64xf32, #tpu.memory_space<vmem_shared>>)
      tpu.yield
    }) : () -> ()
    %mul3A_28 = arith.constant 640 : i32
    %mul3A_29 = arith.muli %arg1, %mul3A_28 : i32
    %add3A_30 = arith.constant 256 : i32
    %add3A_31 = arith.addi %mul3A_29, %add3A_30 : i32
    "tpu.region"() ({
      %run_scoped3A = tpu.sem_alloc : memref<!tpu.dma_semaphore, #tpu.memory_space<semaphore_mem>>
      %dma_start3A_247 = arith.constant 0 : i32
      %dma_start3A_248 = tpu.memref_slice %arg19[%add3A_31, %dma_start3A_247] : memref<10240x64xf32, #tpu.memory_space<vmem_shared>> -> memref<128x64xf32, #tpu.memory_space<vmem_shared>>
      %dma_start3A_249 = arith.constant 0 : i32
      %dma_start3A_250 = tpu.memref_slice %arg19[%add3A_31, %dma_start3A_249] : memref<10240x64xf32, #tpu.memory_space<vmem_shared>> -> memref<128x64xf32, #tpu.memory_space<vmem_shared>>
      tpu.enqueue_dma source(%arg11 : memref<128x64xf32, #tpu.memory_space<vmem>>) target(%dma_start3A_250 : memref<128x64xf32, #tpu.memory_space<vmem_shared>>) target_semaphore(%run_scoped3A : memref<!tpu.dma_semaphore, #tpu.memory_space<semaphore_mem>>)
      %dma_wait3A_251 = arith.constant 0 : i32
      %dma_wait3A_252 = tpu.memref_slice %arg19[%add3A_31, %dma_wait3A_251] : memref<10240x64xf32, #tpu.memory_space<vmem_shared>> -> memref<128x64xf32, #tpu.memory_space<vmem_shared>>
      %dma_wait3A_253 = arith.constant 0 : i32
      %dma_wait3A_254 = tpu.memref_slice %arg19[%add3A_31, %dma_wait3A_253] : memref<10240x64xf32, #tpu.memory_space<vmem_shared>> -> memref<128x64xf32, #tpu.memory_space<vmem_shared>>
      tpu.wait_dma2 semaphore(%run_scoped3A : memref<!tpu.dma_semaphore, #tpu.memory_space<semaphore_mem>>) src(%arg11 : memref<128x64xf32, #tpu.memory_space<vmem>>) dst(%dma_wait3A_254 : memref<128x64xf32, #tpu.memory_space<vmem_shared>>)
      tpu.yield
    }) : () -> ()
    %mul3A_32 = arith.constant 640 : i32
    %mul3A_33 = arith.muli %arg1, %mul3A_32 : i32
    %add3A_34 = arith.constant 384 : i32
    %add3A_35 = arith.addi %mul3A_33, %add3A_34 : i32
    "tpu.region"() ({
      %run_scoped3A = tpu.sem_alloc : memref<!tpu.dma_semaphore, #tpu.memory_space<semaphore_mem>>
      %dma_start3A_247 = arith.constant 0 : i32
      %dma_start3A_248 = tpu.memref_slice %arg19[%add3A_35, %dma_start3A_247] : memref<10240x64xf32, #tpu.memory_space<vmem_shared>> -> memref<128x64xf32, #tpu.memory_space<vmem_shared>>
      %dma_start3A_249 = arith.constant 0 : i32
      %dma_start3A_250 = tpu.memref_slice %arg19[%add3A_35, %dma_start3A_249] : memref<10240x64xf32, #tpu.memory_space<vmem_shared>> -> memref<128x64xf32, #tpu.memory_space<vmem_shared>>
      tpu.enqueue_dma source(%arg11 : memref<128x64xf32, #tpu.memory_space<vmem>>) target(%dma_start3A_250 : memref<128x64xf32, #tpu.memory_space<vmem_shared>>) target_semaphore(%run_scoped3A : memref<!tpu.dma_semaphore, #tpu.memory_space<semaphore_mem>>)
      %dma_wait3A_251 = arith.constant 0 : i32
      %dma_wait3A_252 = tpu.memref_slice %arg19[%add3A_35, %dma_wait3A_251] : memref<10240x64xf32, #tpu.memory_space<vmem_shared>> -> memref<128x64xf32, #tpu.memory_space<vmem_shared>>
      %dma_wait3A_253 = arith.constant 0 : i32
      %dma_wait3A_254 = tpu.memref_slice %arg19[%add3A_35, %dma_wait3A_253] : memref<10240x64xf32, #tpu.memory_space<vmem_shared>> -> memref<128x64xf32, #tpu.memory_space<vmem_shared>>
      tpu.wait_dma2 semaphore(%run_scoped3A : memref<!tpu.dma_semaphore, #tpu.memory_space<semaphore_mem>>) src(%arg11 : memref<128x64xf32, #tpu.memory_space<vmem>>) dst(%dma_wait3A_254 : memref<128x64xf32, #tpu.memory_space<vmem_shared>>)
      tpu.yield
    }) : () -> ()
    %mul3A_36 = arith.constant 640 : i32
    %mul3A_37 = arith.muli %arg1, %mul3A_36 : i32
    %add3A_38 = arith.constant 512 : i32
    %add3A_39 = arith.addi %mul3A_37, %add3A_38 : i32
    "tpu.region"() ({
      %run_scoped3A = tpu.sem_alloc : memref<!tpu.dma_semaphore, #tpu.memory_space<semaphore_mem>>
      %dma_start3A_247 = arith.constant 0 : i32
      %dma_start3A_248 = tpu.memref_slice %arg19[%add3A_39, %dma_start3A_247] : memref<10240x64xf32, #tpu.memory_space<vmem_shared>> -> memref<128x64xf32, #tpu.memory_space<vmem_shared>>
      %dma_start3A_249 = arith.constant 0 : i32
      %dma_start3A_250 = tpu.memref_slice %arg19[%add3A_39, %dma_start3A_249] : memref<10240x64xf32, #tpu.memory_space<vmem_shared>> -> memref<128x64xf32, #tpu.memory_space<vmem_shared>>
      tpu.enqueue_dma source(%arg11 : memref<128x64xf32, #tpu.memory_space<vmem>>) target(%dma_start3A_250 : memref<128x64xf32, #tpu.memory_space<vmem_shared>>) target_semaphore(%run_scoped3A : memref<!tpu.dma_semaphore, #tpu.memory_space<semaphore_mem>>)
      %dma_wait3A_251 = arith.constant 0 : i32
      %dma_wait3A_252 = tpu.memref_slice %arg19[%add3A_39, %dma_wait3A_251] : memref<10240x64xf32, #tpu.memory_space<vmem_shared>> -> memref<128x64xf32, #tpu.memory_space<vmem_shared>>
      %dma_wait3A_253 = arith.constant 0 : i32
      %dma_wait3A_254 = tpu.memref_slice %arg19[%add3A_39, %dma_wait3A_253] : memref<10240x64xf32, #tpu.memory_space<vmem_shared>> -> memref<128x64xf32, #tpu.memory_space<vmem_shared>>
      tpu.wait_dma2 semaphore(%run_scoped3A : memref<!tpu.dma_semaphore, #tpu.memory_space<semaphore_mem>>) src(%arg11 : memref<128x64xf32, #tpu.memory_space<vmem>>) dst(%dma_wait3A_254 : memref<128x64xf32, #tpu.memory_space<vmem_shared>>)
      tpu.yield
    }) : () -> ()
    %mul3A_40 = arith.constant 640 : i32
    %mul3A_41 = arith.muli %arg1, %mul3A_40 : i32
    "tpu.region"() ({
      %run_scoped3A = tpu.sem_alloc : memref<!tpu.dma_semaphore, #tpu.memory_space<semaphore_mem>>
      %dma_start3A_247 = arith.constant 0 : i32
      %dma_start3A_248 = tpu.memref_slice %arg20[%mul3A_41, %dma_start3A_247] : memref<10240x16xf32, #tpu.memory_space<vmem_shared>> -> memref<640x16xf32, #tpu.memory_space<vmem_shared>>
      %dma_start3A_249 = arith.constant 0 : i32
      %dma_start3A_250 = tpu.memref_slice %arg20[%mul3A_41, %dma_start3A_249] : memref<10240x16xf32, #tpu.memory_space<vmem_shared>> -> memref<640x16xf32, #tpu.memory_space<vmem_shared>>
      tpu.enqueue_dma source(%arg18 : memref<640x16xf32, #tpu.memory_space<vmem>>) target(%dma_start3A_250 : memref<640x16xf32, #tpu.memory_space<vmem_shared>>) target_semaphore(%run_scoped3A : memref<!tpu.dma_semaphore, #tpu.memory_space<semaphore_mem>>)
      %dma_wait3A_251 = arith.constant 0 : i32
      %dma_wait3A_252 = tpu.memref_slice %arg20[%mul3A_41, %dma_wait3A_251] : memref<10240x16xf32, #tpu.memory_space<vmem_shared>> -> memref<640x16xf32, #tpu.memory_space<vmem_shared>>
      %dma_wait3A_253 = arith.constant 0 : i32
      %dma_wait3A_254 = tpu.memref_slice %arg20[%mul3A_41, %dma_wait3A_253] : memref<10240x16xf32, #tpu.memory_space<vmem_shared>> -> memref<640x16xf32, #tpu.memory_space<vmem_shared>>
      tpu.wait_dma2 semaphore(%run_scoped3A : memref<!tpu.dma_semaphore, #tpu.memory_space<semaphore_mem>>) src(%arg18 : memref<640x16xf32, #tpu.memory_space<vmem>>) dst(%dma_wait3A_254 : memref<640x16xf32, #tpu.memory_space<vmem_shared>>)
      tpu.yield
    }) : () -> ()
    %barrier3A = arith.constant 0 : index
    tpu.barrier barrier_id(%barrier3A)
    %scan3A_42 = arith.constant 0 : i32
    %scan3A_43 = arith.constant 0 : i32
    %scan3A_44 = arith.constant 13 : i32
    %scan3A_45 = arith.addi %scan3A_43, %scan3A_44 : i32
    %scan3A_46 = arith.constant 1 : i32
    %scan3A_47 = scf.for %scan3A_247 = %scan3A_43 to %scan3A_45 step %scan3A_46 iter_args(%scan3A_248 = %scan3A_42) -> (i32)  : i32 {
      %mul3A_249 = arith.constant 12 : i32
      %mul3A_250 = arith.muli %scan3A_247, %mul3A_249 : i32
      %add3A_251 = arith.addi %mul3A_0, %mul3A_250 : i32
      %mul3A_252 = arith.constant 2500 : i32
      %mul3A_253 = arith.muli %arg0, %mul3A_252 : i32
      %add3A_254 = arith.addi %mul3A_253, %add3A_251 : i32
      "tpu.region"() ({
        %run_scoped3A = tpu.sem_alloc : memref<!tpu.dma_semaphore, #tpu.memory_space<semaphore_mem>>
        %dma_start3A_716 = arith.constant 0 : i32
        %dma_start3A_717 = tpu.memref_slice %arg2[%add3A_254, %dma_start3A_716] : memref<5000x128xi32, #tpu.memory_space<hbm>> -> memref<6x128xi32, #tpu.memory_space<hbm>>
        %dma_start3A_718 = arith.constant 0 : i32
        %dma_start3A_719 = tpu.memref_slice %arg2[%add3A_254, %dma_start3A_718] : memref<5000x128xi32, #tpu.memory_space<hbm>> -> memref<6x128xi32, #tpu.memory_space<hbm>>
        tpu.enqueue_dma source(%dma_start3A_719 : memref<6x128xi32, #tpu.memory_space<hbm>>) target(%arg7 : memref<6x128xi32, #tpu.memory_space<vmem>>) target_semaphore(%run_scoped3A : memref<!tpu.dma_semaphore, #tpu.memory_space<semaphore_mem>>)
        %dma_wait3A_720 = arith.constant 0 : i32
        %dma_wait3A_721 = tpu.memref_slice %arg2[%add3A_254, %dma_wait3A_720] : memref<5000x128xi32, #tpu.memory_space<hbm>> -> memref<6x128xi32, #tpu.memory_space<hbm>>
        %dma_wait3A_722 = arith.constant 0 : i32
        %dma_wait3A_723 = tpu.memref_slice %arg2[%add3A_254, %dma_wait3A_722] : memref<5000x128xi32, #tpu.memory_space<hbm>> -> memref<6x128xi32, #tpu.memory_space<hbm>>
        tpu.wait_dma2 semaphore(%run_scoped3A : memref<!tpu.dma_semaphore, #tpu.memory_space<semaphore_mem>>) src(%dma_wait3A_723 : memref<6x128xi32, #tpu.memory_space<hbm>>) dst(%arg7 : memref<6x128xi32, #tpu.memory_space<vmem>>)
        tpu.yield
      }) : () -> ()
      "tpu.region"() ({
        %run_scoped3A = tpu.sem_alloc : memref<!tpu.dma_semaphore, #tpu.memory_space<semaphore_mem>>
        %dma_start3A_716 = arith.constant 0 : i32
        %dma_start3A_717 = tpu.memref_slice %arg3[%add3A_251, %dma_start3A_716] : memref<2500x128xi32, #tpu.memory_space<hbm>> -> memref<6x128xi32, #tpu.memory_space<hbm>>
        %dma_start3A_718 = arith.constant 0 : i32
        %dma_start3A_719 = tpu.memref_slice %arg3[%add3A_251, %dma_start3A_718] : memref<2500x128xi32, #tpu.memory_space<hbm>> -> memref<6x128xi32, #tpu.memory_space<hbm>>
        tpu.enqueue_dma source(%dma_start3A_719 : memref<6x128xi32, #tpu.memory_space<hbm>>) target(%arg8 : memref<6x128xi32, #tpu.memory_space<vmem>>) target_semaphore(%run_scoped3A : memref<!tpu.dma_semaphore, #tpu.memory_space<semaphore_mem>>)
        %dma_wait3A_720 = arith.constant 0 : i32
        %dma_wait3A_721 = tpu.memref_slice %arg3[%add3A_251, %dma_wait3A_720] : memref<2500x128xi32, #tpu.memory_space<hbm>> -> memref<6x128xi32, #tpu.memory_space<hbm>>
        %dma_wait3A_722 = arith.constant 0 : i32
        %dma_wait3A_723 = tpu.memref_slice %arg3[%add3A_251, %dma_wait3A_722] : memref<2500x128xi32, #tpu.memory_space<hbm>> -> memref<6x128xi32, #tpu.memory_space<hbm>>
        tpu.wait_dma2 semaphore(%run_scoped3A : memref<!tpu.dma_semaphore, #tpu.memory_space<semaphore_mem>>) src(%dma_wait3A_723 : memref<6x128xi32, #tpu.memory_space<hbm>>) dst(%arg8 : memref<6x128xi32, #tpu.memory_space<vmem>>)
        tpu.yield
      }) : () -> ()
      %gt3A = arith.constant 0 : i32
      %gt3A_255 = arith.cmpi sgt, %scan3A_247, %gt3A : i32
      %convert_element_type3A_256 = arith.extui %gt3A_255 : i1 to i32
      %cond3A_257 = arith.constant 0 : i32
      %cond3A_258 = arith.cmpi ne, %convert_element_type3A_256, %cond3A_257 : i32
      scf.if %cond3A_258 {
        %dma_wait3A_716 = arith.constant 0 : i32
        %dma_wait3A_717 = arith.constant 0 : i32
        %dma_wait3A_718 = tpu.memref_slice %arg10[%dma_wait3A_716, %dma_wait3A_717] : memref<6x128xi32, #tpu.memory_space<vmem>> -> memref<1x128xi32, #tpu.memory_space<vmem>>
        %dma_wait3A_719 = tpu.memref_squeeze %dma_wait3A_718 : memref<1x128xi32, #tpu.memory_space<vmem>> -> memref<128xi32, #tpu.memory_space<vmem>>
        %dma_wait3A_720 = arith.constant 0 : i32
        %dma_wait3A_721 = arith.constant 0 : i32
        %dma_wait3A_722 = tpu.memref_slice %arg19[%dma_wait3A_720, %dma_wait3A_721] : memref<10240x64xf32, #tpu.memory_space<vmem_shared>> -> memref<10240x64xf32, #tpu.memory_space<vmem_shared>>
        tpu.wait_indirect_dma semaphore(%arg27 : memref<!tpu.dma_semaphore, #tpu.memory_space<semaphore_mem>>) src(%arg11 : memref<128x64xf32, #tpu.memory_space<vmem>>) dst(%dma_wait3A_722 : memref<10240x64xf32, #tpu.memory_space<vmem_shared>>)
      } else {
      }
      %dma_start3A_259 = arith.constant 0 : i32
      %dma_start3A_260 = arith.constant 0 : i32
      %dma_start3A_261 = tpu.memref_slice %arg7[%dma_start3A_259, %dma_start3A_260] : memref<6x128xi32, #tpu.memory_space<vmem>> -> memref<1x128xi32, #tpu.memory_space<vmem>>
      %dma_start3A_262 = tpu.memref_squeeze %dma_start3A_261 : memref<1x128xi32, #tpu.memory_space<vmem>> -> memref<128xi32, #tpu.memory_space<vmem>>
      %dma_start3A_263 = arith.constant 0 : i32
      %dma_start3A_264 = arith.constant 0 : i32
      %dma_start3A_265 = tpu.memref_slice %arg4[%dma_start3A_263, %dma_start3A_264] : memref<20000x64xf32, #tpu.memory_space<hbm>> -> memref<20000x64xf32, #tpu.memory_space<hbm>>
      tpu.enqueue_indirect_dma source(%dma_start3A_265 : memref<20000x64xf32, #tpu.memory_space<hbm>>) target(%arg11 : memref<128x64xf32, #tpu.memory_space<vmem>>) offsets(%dma_start3A_262 : memref<128xi32, #tpu.memory_space<vmem>>) semaphore(%arg21 : memref<!tpu.dma_semaphore, #tpu.memory_space<semaphore_mem>>)
      %mul3A_266 = arith.constant 12 : i32
      %mul3A_267 = arith.muli %scan3A_247, %mul3A_266 : i32
      %add3A_268 = arith.constant 0 : i32
      %add3A_269 = arith.addi %mul3A_267, %add3A_268 : i32
      %sub3A = arith.constant 5 : i32
      %sub3A_270 = arith.subi %add3A_269, %sub3A : i32
      %gt3A_271 = arith.constant 0 : i32
      %gt3A_272 = arith.cmpi sgt, %scan3A_247, %gt3A_271 : i32
      %convert_element_type3A_273 = arith.extui %gt3A_272 : i1 to i32
      %cond3A_274 = arith.constant 0 : i32
      %cond3A_275 = arith.cmpi ne, %convert_element_type3A_273, %cond3A_274 : i32
      scf.if %cond3A_275 {
        %dma_wait3A_716 = arith.constant 1 : i32
        %dma_wait3A_717 = arith.constant 0 : i32
        %dma_wait3A_718 = tpu.memref_slice %arg9[%dma_wait3A_716, %dma_wait3A_717] : memref<6x128xi32, #tpu.memory_space<vmem>> -> memref<1x128xi32, #tpu.memory_space<vmem>>
        %dma_wait3A_719 = tpu.memref_squeeze %dma_wait3A_718 : memref<1x128xi32, #tpu.memory_space<vmem>> -> memref<128xi32, #tpu.memory_space<vmem>>
        %dma_wait3A_720 = arith.constant 0 : i32
        %dma_wait3A_721 = arith.constant 0 : i32
        %dma_wait3A_722 = tpu.memref_slice %arg4[%dma_wait3A_720, %dma_wait3A_721] : memref<20000x64xf32, #tpu.memory_space<hbm>> -> memref<20000x64xf32, #tpu.memory_space<hbm>>
        tpu.wait_indirect_dma semaphore(%arg22 : memref<!tpu.dma_semaphore, #tpu.memory_space<semaphore_mem>>) src(%dma_wait3A_722 : memref<20000x64xf32, #tpu.memory_space<hbm>>) dst(%arg12 : memref<128x64xf32, #tpu.memory_space<vmem>>)
        %dma_start3A_723 = arith.constant 1 : i32
        %dma_start3A_724 = arith.constant 0 : i32
        %dma_start3A_725 = tpu.memref_slice %arg10[%dma_start3A_723, %dma_start3A_724] : memref<6x128xi32, #tpu.memory_space<vmem>> -> memref<1x128xi32, #tpu.memory_space<vmem>>
        %dma_start3A_726 = tpu.memref_squeeze %dma_start3A_725 : memref<1x128xi32, #tpu.memory_space<vmem>> -> memref<128xi32, #tpu.memory_space<vmem>>
        %dma_start3A_727 = arith.constant 0 : i32
        %dma_start3A_728 = arith.constant 0 : i32
        %dma_start3A_729 = tpu.memref_slice %arg19[%dma_start3A_727, %dma_start3A_728] : memref<10240x64xf32, #tpu.memory_space<vmem_shared>> -> memref<10240x64xf32, #tpu.memory_space<vmem_shared>>
        tpu.enqueue_indirect_dma source(%arg12 : memref<128x64xf32, #tpu.memory_space<vmem>>) target(%dma_start3A_729 : memref<10240x64xf32, #tpu.memory_space<vmem_shared>>) offsets(%dma_start3A_726 : memref<128xi32, #tpu.memory_space<vmem>>) semaphore(%arg28 : memref<!tpu.dma_semaphore, #tpu.memory_space<semaphore_mem>>) {add = true}
        %eq3A_730 = arith.constant 0 : i32
        %eq3A_731 = arith.cmpi eq, %arg0, %eq3A_730 : i32
        %lt3A_732 = arith.constant 78 : i32
        %lt3A_733 = arith.cmpi slt, %sub3A_270, %lt3A_732 : i32
        %and3A_734 = arith.andi %eq3A_731, %lt3A_733 : i1
        %ne3A_735 = arith.constant 0 : i32
        %ne3A_736 = arith.cmpi ne, %arg0, %ne3A_735 : i32
        %ge3A_737 = arith.constant 78 : i32
        %ge3A_738 = arith.cmpi sge, %sub3A_270, %ge3A_737 : i32
        %and3A_739 = arith.andi %ne3A_736, %ge3A_738 : i1
        %or3A_740 = arith.ori %and3A_734, %and3A_739 : i1
        %convert_element_type3A_741 = arith.extui %or3A_740 : i1 to i32
        %cond3A_742 = arith.constant 1 : i32
        %cond3A_743 = arith.constant 0 : i32
        %cond3A_744 = arith.cmpi ne, %convert_element_type3A_741, %cond3A_743 : i32
        scf.if %cond3A_744 {
          "tpu.region"() ({
            %run_scoped3A = tpu.sem_alloc : memref<!tpu.dma_semaphore, #tpu.memory_space<semaphore_mem>>
            %dma_start3A_745 = arith.constant 0 : i32
            %dma_start3A_746 = tpu.memref_slice %arg10[%cond3A_742, %dma_start3A_745] : memref<6x128xi32, #tpu.memory_space<vmem>> -> memref<1x128xi32, #tpu.memory_space<vmem>>
            %dma_start3A_747 = tpu.memref_squeeze %dma_start3A_746 : memref<1x128xi32, #tpu.memory_space<vmem>> -> memref<128xi32, #tpu.memory_space<vmem>>
            %dma_start3A_748 = arith.constant 0 : i32
            %dma_start3A_749 = arith.constant 0 : i32
            %dma_start3A_750 = tpu.memref_slice %arg20[%dma_start3A_748, %dma_start3A_749] : memref<10240x16xf32, #tpu.memory_space<vmem_shared>> -> memref<10240x16xf32, #tpu.memory_space<vmem_shared>>
            tpu.enqueue_indirect_dma source(%arg17 : memref<128x16xf32, #tpu.memory_space<vmem>>) target(%dma_start3A_750 : memref<10240x16xf32, #tpu.memory_space<vmem_shared>>) offsets(%dma_start3A_747 : memref<128xi32, #tpu.memory_space<vmem>>) semaphore(%run_scoped3A : memref<!tpu.dma_semaphore, #tpu.memory_space<semaphore_mem>>) {add = true}
            %dma_wait3A_751 = arith.constant 0 : i32
            %dma_wait3A_752 = tpu.memref_slice %arg10[%cond3A_742, %dma_wait3A_751] : memref<6x128xi32, #tpu.memory_space<vmem>> -> memref<1x128xi32, #tpu.memory_space<vmem>>
            %dma_wait3A_753 = tpu.memref_squeeze %dma_wait3A_752 : memref<1x128xi32, #tpu.memory_space<vmem>> -> memref<128xi32, #tpu.memory_space<vmem>>
            %dma_wait3A_754 = arith.constant 0 : i32
            %dma_wait3A_755 = arith.constant 0 : i32
            %dma_wait3A_756 = tpu.memref_slice %arg20[%dma_wait3A_754, %dma_wait3A_755] : memref<10240x16xf32, #tpu.memory_space<vmem_shared>> -> memref<10240x16xf32, #tpu.memory_space<vmem_shared>>
            tpu.wait_indirect_dma semaphore(%run_scoped3A : memref<!tpu.dma_semaphore, #tpu.memory_space<semaphore_mem>>) src(%arg17 : memref<128x16xf32, #tpu.memory_space<vmem>>) dst(%dma_wait3A_756 : memref<10240x16xf32, #tpu.memory_space<vmem_shared>>)
            tpu.yield
          }) : () -> ()
        } else {
        }
      } else {
      }
      %gt3A_276 = arith.constant 0 : i32
      %gt3A_277 = arith.cmpi sgt, %scan3A_247, %gt3A_276 : i32
      %convert_element_type3A_278 = arith.extui %gt3A_277 : i1 to i32
      %cond3A_279 = arith.constant 0 : i32
      %cond3A_280 = arith.cmpi ne, %convert_element_type3A_278, %cond3A_279 : i32
      scf.if %cond3A_280 {
        %dma_wait3A_716 = arith.constant 1 : i32
        %dma_wait3A_717 = arith.constant 0 : i32
        %dma_wait3A_718 = tpu.memref_slice %arg10[%dma_wait3A_716, %dma_wait3A_717] : memref<6x128xi32, #tpu.memory_space<vmem>> -> memref<1x128xi32, #tpu.memory_space<vmem>>
        %dma_wait3A_719 = tpu.memref_squeeze %dma_wait3A_718 : memref<1x128xi32, #tpu.memory_space<vmem>> -> memref<128xi32, #tpu.memory_space<vmem>>
        %dma_wait3A_720 = arith.constant 0 : i32
        %dma_wait3A_721 = arith.constant 0 : i32
        %dma_wait3A_722 = tpu.memref_slice %arg19[%dma_wait3A_720, %dma_wait3A_721] : memref<10240x64xf32, #tpu.memory_space<vmem_shared>> -> memref<10240x64xf32, #tpu.memory_space<vmem_shared>>
        tpu.wait_indirect_dma semaphore(%arg28 : memref<!tpu.dma_semaphore, #tpu.memory_space<semaphore_mem>>) src(%arg12 : memref<128x64xf32, #tpu.memory_space<vmem>>) dst(%dma_wait3A_722 : memref<10240x64xf32, #tpu.memory_space<vmem_shared>>)
      } else {
      }
      %dma_start3A_281 = arith.constant 1 : i32
      %dma_start3A_282 = arith.constant 0 : i32
      %dma_start3A_283 = tpu.memref_slice %arg7[%dma_start3A_281, %dma_start3A_282] : memref<6x128xi32, #tpu.memory_space<vmem>> -> memref<1x128xi32, #tpu.memory_space<vmem>>
      %dma_start3A_284 = tpu.memref_squeeze %dma_start3A_283 : memref<1x128xi32, #tpu.memory_space<vmem>> -> memref<128xi32, #tpu.memory_space<vmem>>
      %dma_start3A_285 = arith.constant 0 : i32
      %dma_start3A_286 = arith.constant 0 : i32
      %dma_start3A_287 = tpu.memref_slice %arg4[%dma_start3A_285, %dma_start3A_286] : memref<20000x64xf32, #tpu.memory_space<hbm>> -> memref<20000x64xf32, #tpu.memory_space<hbm>>
      tpu.enqueue_indirect_dma source(%dma_start3A_287 : memref<20000x64xf32, #tpu.memory_space<hbm>>) target(%arg12 : memref<128x64xf32, #tpu.memory_space<vmem>>) offsets(%dma_start3A_284 : memref<128xi32, #tpu.memory_space<vmem>>) semaphore(%arg22 : memref<!tpu.dma_semaphore, #tpu.memory_space<semaphore_mem>>)
      %mul3A_288 = arith.constant 12 : i32
      %mul3A_289 = arith.muli %scan3A_247, %mul3A_288 : i32
      %add3A_290 = arith.constant 1 : i32
      %add3A_291 = arith.addi %mul3A_289, %add3A_290 : i32
      %sub3A_292 = arith.constant 5 : i32
      %sub3A_293 = arith.subi %add3A_291, %sub3A_292 : i32
      %gt3A_294 = arith.constant 0 : i32
      %gt3A_295 = arith.cmpi sgt, %scan3A_247, %gt3A_294 : i32
      %convert_element_type3A_296 = arith.extui %gt3A_295 : i1 to i32
      %cond3A_297 = arith.constant 0 : i32
      %cond3A_298 = arith.cmpi ne, %convert_element_type3A_296, %cond3A_297 : i32
      scf.if %cond3A_298 {
        %dma_wait3A_716 = arith.constant 2 : i32
        %dma_wait3A_717 = arith.constant 0 : i32
        %dma_wait3A_718 = tpu.memref_slice %arg9[%dma_wait3A_716, %dma_wait3A_717] : memref<6x128xi32, #tpu.memory_space<vmem>> -> memref<1x128xi32, #tpu.memory_space<vmem>>
        %dma_wait3A_719 = tpu.memref_squeeze %dma_wait3A_718 : memref<1x128xi32, #tpu.memory_space<vmem>> -> memref<128xi32, #tpu.memory_space<vmem>>
        %dma_wait3A_720 = arith.constant 0 : i32
        %dma_wait3A_721 = arith.constant 0 : i32
        %dma_wait3A_722 = tpu.memref_slice %arg4[%dma_wait3A_720, %dma_wait3A_721] : memref<20000x64xf32, #tpu.memory_space<hbm>> -> memref<20000x64xf32, #tpu.memory_space<hbm>>
        tpu.wait_indirect_dma semaphore(%arg23 : memref<!tpu.dma_semaphore, #tpu.memory_space<semaphore_mem>>) src(%dma_wait3A_722 : memref<20000x64xf32, #tpu.memory_space<hbm>>) dst(%arg13 : memref<128x64xf32, #tpu.memory_space<vmem>>)
        %dma_start3A_723 = arith.constant 2 : i32
        %dma_start3A_724 = arith.constant 0 : i32
        %dma_start3A_725 = tpu.memref_slice %arg10[%dma_start3A_723, %dma_start3A_724] : memref<6x128xi32, #tpu.memory_space<vmem>> -> memref<1x128xi32, #tpu.memory_space<vmem>>
        %dma_start3A_726 = tpu.memref_squeeze %dma_start3A_725 : memref<1x128xi32, #tpu.memory_space<vmem>> -> memref<128xi32, #tpu.memory_space<vmem>>
        %dma_start3A_727 = arith.constant 0 : i32
        %dma_start3A_728 = arith.constant 0 : i32
        %dma_start3A_729 = tpu.memref_slice %arg19[%dma_start3A_727, %dma_start3A_728] : memref<10240x64xf32, #tpu.memory_space<vmem_shared>> -> memref<10240x64xf32, #tpu.memory_space<vmem_shared>>
        tpu.enqueue_indirect_dma source(%arg13 : memref<128x64xf32, #tpu.memory_space<vmem>>) target(%dma_start3A_729 : memref<10240x64xf32, #tpu.memory_space<vmem_shared>>) offsets(%dma_start3A_726 : memref<128xi32, #tpu.memory_space<vmem>>) semaphore(%arg29 : memref<!tpu.dma_semaphore, #tpu.memory_space<semaphore_mem>>) {add = true}
        %eq3A_730 = arith.constant 0 : i32
        %eq3A_731 = arith.cmpi eq, %arg0, %eq3A_730 : i32
        %lt3A_732 = arith.constant 78 : i32
        %lt3A_733 = arith.cmpi slt, %sub3A_293, %lt3A_732 : i32
        %and3A_734 = arith.andi %eq3A_731, %lt3A_733 : i1
        %ne3A_735 = arith.constant 0 : i32
        %ne3A_736 = arith.cmpi ne, %arg0, %ne3A_735 : i32
        %ge3A_737 = arith.constant 78 : i32
        %ge3A_738 = arith.cmpi sge, %sub3A_293, %ge3A_737 : i32
        %and3A_739 = arith.andi %ne3A_736, %ge3A_738 : i1
        %or3A_740 = arith.ori %and3A_734, %and3A_739 : i1
        %convert_element_type3A_741 = arith.extui %or3A_740 : i1 to i32
        %cond3A_742 = arith.constant 2 : i32
        %cond3A_743 = arith.constant 0 : i32
        %cond3A_744 = arith.cmpi ne, %convert_element_type3A_741, %cond3A_743 : i32
        scf.if %cond3A_744 {
          "tpu.region"() ({
            %run_scoped3A = tpu.sem_alloc : memref<!tpu.dma_semaphore, #tpu.memory_space<semaphore_mem>>
            %dma_start3A_745 = arith.constant 0 : i32
            %dma_start3A_746 = tpu.memref_slice %arg10[%cond3A_742, %dma_start3A_745] : memref<6x128xi32, #tpu.memory_space<vmem>> -> memref<1x128xi32, #tpu.memory_space<vmem>>
            %dma_start3A_747 = tpu.memref_squeeze %dma_start3A_746 : memref<1x128xi32, #tpu.memory_space<vmem>> -> memref<128xi32, #tpu.memory_space<vmem>>
            %dma_start3A_748 = arith.constant 0 : i32
            %dma_start3A_749 = arith.constant 0 : i32
            %dma_start3A_750 = tpu.memref_slice %arg20[%dma_start3A_748, %dma_start3A_749] : memref<10240x16xf32, #tpu.memory_space<vmem_shared>> -> memref<10240x16xf32, #tpu.memory_space<vmem_shared>>
            tpu.enqueue_indirect_dma source(%arg17 : memref<128x16xf32, #tpu.memory_space<vmem>>) target(%dma_start3A_750 : memref<10240x16xf32, #tpu.memory_space<vmem_shared>>) offsets(%dma_start3A_747 : memref<128xi32, #tpu.memory_space<vmem>>) semaphore(%run_scoped3A : memref<!tpu.dma_semaphore, #tpu.memory_space<semaphore_mem>>) {add = true}
            %dma_wait3A_751 = arith.constant 0 : i32
            %dma_wait3A_752 = tpu.memref_slice %arg10[%cond3A_742, %dma_wait3A_751] : memref<6x128xi32, #tpu.memory_space<vmem>> -> memref<1x128xi32, #tpu.memory_space<vmem>>
            %dma_wait3A_753 = tpu.memref_squeeze %dma_wait3A_752 : memref<1x128xi32, #tpu.memory_space<vmem>> -> memref<128xi32, #tpu.memory_space<vmem>>
            %dma_wait3A_754 = arith.constant 0 : i32
            %dma_wait3A_755 = arith.constant 0 : i32
            %dma_wait3A_756 = tpu.memref_slice %arg20[%dma_wait3A_754, %dma_wait3A_755] : memref<10240x16xf32, #tpu.memory_space<vmem_shared>> -> memref<10240x16xf32, #tpu.memory_space<vmem_shared>>
            tpu.wait_indirect_dma semaphore(%run_scoped3A : memref<!tpu.dma_semaphore, #tpu.memory_space<semaphore_mem>>) src(%arg17 : memref<128x16xf32, #tpu.memory_space<vmem>>) dst(%dma_wait3A_756 : memref<10240x16xf32, #tpu.memory_space<vmem_shared>>)
            tpu.yield
          }) : () -> ()
        } else {
        }
      } else {
      }
      %gt3A_299 = arith.constant 0 : i32
      %gt3A_300 = arith.cmpi sgt, %scan3A_247, %gt3A_299 : i32
      %convert_element_type3A_301 = arith.extui %gt3A_300 : i1 to i32
      %cond3A_302 = arith.constant 0 : i32
      %cond3A_303 = arith.cmpi ne, %convert_element_type3A_301, %cond3A_302 : i32
      scf.if %cond3A_303 {
        %dma_wait3A_716 = arith.constant 2 : i32
        %dma_wait3A_717 = arith.constant 0 : i32
        %dma_wait3A_718 = tpu.memref_slice %arg10[%dma_wait3A_716, %dma_wait3A_717] : memref<6x128xi32, #tpu.memory_space<vmem>> -> memref<1x128xi32, #tpu.memory_space<vmem>>
        %dma_wait3A_719 = tpu.memref_squeeze %dma_wait3A_718 : memref<1x128xi32, #tpu.memory_space<vmem>> -> memref<128xi32, #tpu.memory_space<vmem>>
        %dma_wait3A_720 = arith.constant 0 : i32
        %dma_wait3A_721 = arith.constant 0 : i32
        %dma_wait3A_722 = tpu.memref_slice %arg19[%dma_wait3A_720, %dma_wait3A_721] : memref<10240x64xf32, #tpu.memory_space<vmem_shared>> -> memref<10240x64xf32, #tpu.memory_space<vmem_shared>>
        tpu.wait_indirect_dma semaphore(%arg29 : memref<!tpu.dma_semaphore, #tpu.memory_space<semaphore_mem>>) src(%arg13 : memref<128x64xf32, #tpu.memory_space<vmem>>) dst(%dma_wait3A_722 : memref<10240x64xf32, #tpu.memory_space<vmem_shared>>)
      } else {
      }
      %dma_start3A_304 = arith.constant 2 : i32
      %dma_start3A_305 = arith.constant 0 : i32
      %dma_start3A_306 = tpu.memref_slice %arg7[%dma_start3A_304, %dma_start3A_305] : memref<6x128xi32, #tpu.memory_space<vmem>> -> memref<1x128xi32, #tpu.memory_space<vmem>>
      %dma_start3A_307 = tpu.memref_squeeze %dma_start3A_306 : memref<1x128xi32, #tpu.memory_space<vmem>> -> memref<128xi32, #tpu.memory_space<vmem>>
      %dma_start3A_308 = arith.constant 0 : i32
      %dma_start3A_309 = arith.constant 0 : i32
      %dma_start3A_310 = tpu.memref_slice %arg4[%dma_start3A_308, %dma_start3A_309] : memref<20000x64xf32, #tpu.memory_space<hbm>> -> memref<20000x64xf32, #tpu.memory_space<hbm>>
      tpu.enqueue_indirect_dma source(%dma_start3A_310 : memref<20000x64xf32, #tpu.memory_space<hbm>>) target(%arg13 : memref<128x64xf32, #tpu.memory_space<vmem>>) offsets(%dma_start3A_307 : memref<128xi32, #tpu.memory_space<vmem>>) semaphore(%arg23 : memref<!tpu.dma_semaphore, #tpu.memory_space<semaphore_mem>>)
      %mul3A_311 = arith.constant 12 : i32
      %mul3A_312 = arith.muli %scan3A_247, %mul3A_311 : i32
      %add3A_313 = arith.constant 2 : i32
      %add3A_314 = arith.addi %mul3A_312, %add3A_313 : i32
      %sub3A_315 = arith.constant 5 : i32
      %sub3A_316 = arith.subi %add3A_314, %sub3A_315 : i32
      %gt3A_317 = arith.constant 0 : i32
      %gt3A_318 = arith.cmpi sgt, %scan3A_247, %gt3A_317 : i32
      %convert_element_type3A_319 = arith.extui %gt3A_318 : i1 to i32
      %cond3A_320 = arith.constant 0 : i32
      %cond3A_321 = arith.cmpi ne, %convert_element_type3A_319, %cond3A_320 : i32
      scf.if %cond3A_321 {
        %dma_wait3A_716 = arith.constant 3 : i32
        %dma_wait3A_717 = arith.constant 0 : i32
        %dma_wait3A_718 = tpu.memref_slice %arg9[%dma_wait3A_716, %dma_wait3A_717] : memref<6x128xi32, #tpu.memory_space<vmem>> -> memref<1x128xi32, #tpu.memory_space<vmem>>
        %dma_wait3A_719 = tpu.memref_squeeze %dma_wait3A_718 : memref<1x128xi32, #tpu.memory_space<vmem>> -> memref<128xi32, #tpu.memory_space<vmem>>
        %dma_wait3A_720 = arith.constant 0 : i32
        %dma_wait3A_721 = arith.constant 0 : i32
        %dma_wait3A_722 = tpu.memref_slice %arg4[%dma_wait3A_720, %dma_wait3A_721] : memref<20000x64xf32, #tpu.memory_space<hbm>> -> memref<20000x64xf32, #tpu.memory_space<hbm>>
        tpu.wait_indirect_dma semaphore(%arg24 : memref<!tpu.dma_semaphore, #tpu.memory_space<semaphore_mem>>) src(%dma_wait3A_722 : memref<20000x64xf32, #tpu.memory_space<hbm>>) dst(%arg14 : memref<128x64xf32, #tpu.memory_space<vmem>>)
        %dma_start3A_723 = arith.constant 3 : i32
        %dma_start3A_724 = arith.constant 0 : i32
        %dma_start3A_725 = tpu.memref_slice %arg10[%dma_start3A_723, %dma_start3A_724] : memref<6x128xi32, #tpu.memory_space<vmem>> -> memref<1x128xi32, #tpu.memory_space<vmem>>
        %dma_start3A_726 = tpu.memref_squeeze %dma_start3A_725 : memref<1x128xi32, #tpu.memory_space<vmem>> -> memref<128xi32, #tpu.memory_space<vmem>>
        %dma_start3A_727 = arith.constant 0 : i32
        %dma_start3A_728 = arith.constant 0 : i32
        %dma_start3A_729 = tpu.memref_slice %arg19[%dma_start3A_727, %dma_start3A_728] : memref<10240x64xf32, #tpu.memory_space<vmem_shared>> -> memref<10240x64xf32, #tpu.memory_space<vmem_shared>>
        tpu.enqueue_indirect_dma source(%arg14 : memref<128x64xf32, #tpu.memory_space<vmem>>) target(%dma_start3A_729 : memref<10240x64xf32, #tpu.memory_space<vmem_shared>>) offsets(%dma_start3A_726 : memref<128xi32, #tpu.memory_space<vmem>>) semaphore(%arg30 : memref<!tpu.dma_semaphore, #tpu.memory_space<semaphore_mem>>) {add = true}
        %eq3A_730 = arith.constant 0 : i32
        %eq3A_731 = arith.cmpi eq, %arg0, %eq3A_730 : i32
        %lt3A_732 = arith.constant 78 : i32
        %lt3A_733 = arith.cmpi slt, %sub3A_316, %lt3A_732 : i32
        %and3A_734 = arith.andi %eq3A_731, %lt3A_733 : i1
        %ne3A_735 = arith.constant 0 : i32
        %ne3A_736 = arith.cmpi ne, %arg0, %ne3A_735 : i32
        %ge3A_737 = arith.constant 78 : i32
        %ge3A_738 = arith.cmpi sge, %sub3A_316, %ge3A_737 : i32
        %and3A_739 = arith.andi %ne3A_736, %ge3A_738 : i1
        %or3A_740 = arith.ori %and3A_734, %and3A_739 : i1
        %convert_element_type3A_741 = arith.extui %or3A_740 : i1 to i32
        %cond3A_742 = arith.constant 3 : i32
        %cond3A_743 = arith.constant 0 : i32
        %cond3A_744 = arith.cmpi ne, %convert_element_type3A_741, %cond3A_743 : i32
        scf.if %cond3A_744 {
          "tpu.region"() ({
            %run_scoped3A = tpu.sem_alloc : memref<!tpu.dma_semaphore, #tpu.memory_space<semaphore_mem>>
            %dma_start3A_745 = arith.constant 0 : i32
            %dma_start3A_746 = tpu.memref_slice %arg10[%cond3A_742, %dma_start3A_745] : memref<6x128xi32, #tpu.memory_space<vmem>> -> memref<1x128xi32, #tpu.memory_space<vmem>>
            %dma_start3A_747 = tpu.memref_squeeze %dma_start3A_746 : memref<1x128xi32, #tpu.memory_space<vmem>> -> memref<128xi32, #tpu.memory_space<vmem>>
            %dma_start3A_748 = arith.constant 0 : i32
            %dma_start3A_749 = arith.constant 0 : i32
            %dma_start3A_750 = tpu.memref_slice %arg20[%dma_start3A_748, %dma_start3A_749] : memref<10240x16xf32, #tpu.memory_space<vmem_shared>> -> memref<10240x16xf32, #tpu.memory_space<vmem_shared>>
            tpu.enqueue_indirect_dma source(%arg17 : memref<128x16xf32, #tpu.memory_space<vmem>>) target(%dma_start3A_750 : memref<10240x16xf32, #tpu.memory_space<vmem_shared>>) offsets(%dma_start3A_747 : memref<128xi32, #tpu.memory_space<vmem>>) semaphore(%run_scoped3A : memref<!tpu.dma_semaphore, #tpu.memory_space<semaphore_mem>>) {add = true}
            %dma_wait3A_751 = arith.constant 0 : i32
            %dma_wait3A_752 = tpu.memref_slice %arg10[%cond3A_742, %dma_wait3A_751] : memref<6x128xi32, #tpu.memory_space<vmem>> -> memref<1x128xi32, #tpu.memory_space<vmem>>
            %dma_wait3A_753 = tpu.memref_squeeze %dma_wait3A_752 : memref<1x128xi32, #tpu.memory_space<vmem>> -> memref<128xi32, #tpu.memory_space<vmem>>
            %dma_wait3A_754 = arith.constant 0 : i32
            %dma_wait3A_755 = arith.constant 0 : i32
            %dma_wait3A_756 = tpu.memref_slice %arg20[%dma_wait3A_754, %dma_wait3A_755] : memref<10240x16xf32, #tpu.memory_space<vmem_shared>> -> memref<10240x16xf32, #tpu.memory_space<vmem_shared>>
            tpu.wait_indirect_dma semaphore(%run_scoped3A : memref<!tpu.dma_semaphore, #tpu.memory_space<semaphore_mem>>) src(%arg17 : memref<128x16xf32, #tpu.memory_space<vmem>>) dst(%dma_wait3A_756 : memref<10240x16xf32, #tpu.memory_space<vmem_shared>>)
            tpu.yield
          }) : () -> ()
        } else {
        }
      } else {
      }
      %gt3A_322 = arith.constant 0 : i32
      %gt3A_323 = arith.cmpi sgt, %scan3A_247, %gt3A_322 : i32
      %convert_element_type3A_324 = arith.extui %gt3A_323 : i1 to i32
      %cond3A_325 = arith.constant 0 : i32
      %cond3A_326 = arith.cmpi ne, %convert_element_type3A_324, %cond3A_325 : i32
      scf.if %cond3A_326 {
        %dma_wait3A_716 = arith.constant 3 : i32
        %dma_wait3A_717 = arith.constant 0 : i32
        %dma_wait3A_718 = tpu.memref_slice %arg10[%dma_wait3A_716, %dma_wait3A_717] : memref<6x128xi32, #tpu.memory_space<vmem>> -> memref<1x128xi32, #tpu.memory_space<vmem>>
        %dma_wait3A_719 = tpu.memref_squeeze %dma_wait3A_718 : memref<1x128xi32, #tpu.memory_space<vmem>> -> memref<128xi32, #tpu.memory_space<vmem>>
        %dma_wait3A_720 = arith.constant 0 : i32
        %dma_wait3A_721 = arith.constant 0 : i32
        %dma_wait3A_722 = tpu.memref_slice %arg19[%dma_wait3A_720, %dma_wait3A_721] : memref<10240x64xf32, #tpu.memory_space<vmem_shared>> -> memref<10240x64xf32, #tpu.memory_space<vmem_shared>>
        tpu.wait_indirect_dma semaphore(%arg30 : memref<!tpu.dma_semaphore, #tpu.memory_space<semaphore_mem>>) src(%arg14 : memref<128x64xf32, #tpu.memory_space<vmem>>) dst(%dma_wait3A_722 : memref<10240x64xf32, #tpu.memory_space<vmem_shared>>)
      } else {
      }
      %dma_start3A_327 = arith.constant 3 : i32
      %dma_start3A_328 = arith.constant 0 : i32
      %dma_start3A_329 = tpu.memref_slice %arg7[%dma_start3A_327, %dma_start3A_328] : memref<6x128xi32, #tpu.memory_space<vmem>> -> memref<1x128xi32, #tpu.memory_space<vmem>>
      %dma_start3A_330 = tpu.memref_squeeze %dma_start3A_329 : memref<1x128xi32, #tpu.memory_space<vmem>> -> memref<128xi32, #tpu.memory_space<vmem>>
      %dma_start3A_331 = arith.constant 0 : i32
      %dma_start3A_332 = arith.constant 0 : i32
      %dma_start3A_333 = tpu.memref_slice %arg4[%dma_start3A_331, %dma_start3A_332] : memref<20000x64xf32, #tpu.memory_space<hbm>> -> memref<20000x64xf32, #tpu.memory_space<hbm>>
      tpu.enqueue_indirect_dma source(%dma_start3A_333 : memref<20000x64xf32, #tpu.memory_space<hbm>>) target(%arg14 : memref<128x64xf32, #tpu.memory_space<vmem>>) offsets(%dma_start3A_330 : memref<128xi32, #tpu.memory_space<vmem>>) semaphore(%arg24 : memref<!tpu.dma_semaphore, #tpu.memory_space<semaphore_mem>>)
      %mul3A_334 = arith.constant 12 : i32
      %mul3A_335 = arith.muli %scan3A_247, %mul3A_334 : i32
      %add3A_336 = arith.constant 3 : i32
      %add3A_337 = arith.addi %mul3A_335, %add3A_336 : i32
      %sub3A_338 = arith.constant 5 : i32
      %sub3A_339 = arith.subi %add3A_337, %sub3A_338 : i32
      %gt3A_340 = arith.constant 0 : i32
      %gt3A_341 = arith.cmpi sgt, %scan3A_247, %gt3A_340 : i32
      %convert_element_type3A_342 = arith.extui %gt3A_341 : i1 to i32
      %cond3A_343 = arith.constant 0 : i32
      %cond3A_344 = arith.cmpi ne, %convert_element_type3A_342, %cond3A_343 : i32
      scf.if %cond3A_344 {
        %dma_wait3A_716 = arith.constant 4 : i32
        %dma_wait3A_717 = arith.constant 0 : i32
        %dma_wait3A_718 = tpu.memref_slice %arg9[%dma_wait3A_716, %dma_wait3A_717] : memref<6x128xi32, #tpu.memory_space<vmem>> -> memref<1x128xi32, #tpu.memory_space<vmem>>
        %dma_wait3A_719 = tpu.memref_squeeze %dma_wait3A_718 : memref<1x128xi32, #tpu.memory_space<vmem>> -> memref<128xi32, #tpu.memory_space<vmem>>
        %dma_wait3A_720 = arith.constant 0 : i32
        %dma_wait3A_721 = arith.constant 0 : i32
        %dma_wait3A_722 = tpu.memref_slice %arg4[%dma_wait3A_720, %dma_wait3A_721] : memref<20000x64xf32, #tpu.memory_space<hbm>> -> memref<20000x64xf32, #tpu.memory_space<hbm>>
        tpu.wait_indirect_dma semaphore(%arg25 : memref<!tpu.dma_semaphore, #tpu.memory_space<semaphore_mem>>) src(%dma_wait3A_722 : memref<20000x64xf32, #tpu.memory_space<hbm>>) dst(%arg15 : memref<128x64xf32, #tpu.memory_space<vmem>>)
        %dma_start3A_723 = arith.constant 4 : i32
        %dma_start3A_724 = arith.constant 0 : i32
        %dma_start3A_725 = tpu.memref_slice %arg10[%dma_start3A_723, %dma_start3A_724] : memref<6x128xi32, #tpu.memory_space<vmem>> -> memref<1x128xi32, #tpu.memory_space<vmem>>
        %dma_start3A_726 = tpu.memref_squeeze %dma_start3A_725 : memref<1x128xi32, #tpu.memory_space<vmem>> -> memref<128xi32, #tpu.memory_space<vmem>>
        %dma_start3A_727 = arith.constant 0 : i32
        %dma_start3A_728 = arith.constant 0 : i32
        %dma_start3A_729 = tpu.memref_slice %arg19[%dma_start3A_727, %dma_start3A_728] : memref<10240x64xf32, #tpu.memory_space<vmem_shared>> -> memref<10240x64xf32, #tpu.memory_space<vmem_shared>>
        tpu.enqueue_indirect_dma source(%arg15 : memref<128x64xf32, #tpu.memory_space<vmem>>) target(%dma_start3A_729 : memref<10240x64xf32, #tpu.memory_space<vmem_shared>>) offsets(%dma_start3A_726 : memref<128xi32, #tpu.memory_space<vmem>>) semaphore(%arg31 : memref<!tpu.dma_semaphore, #tpu.memory_space<semaphore_mem>>) {add = true}
        %eq3A_730 = arith.constant 0 : i32
        %eq3A_731 = arith.cmpi eq, %arg0, %eq3A_730 : i32
        %lt3A_732 = arith.constant 78 : i32
        %lt3A_733 = arith.cmpi slt, %sub3A_339, %lt3A_732 : i32
        %and3A_734 = arith.andi %eq3A_731, %lt3A_733 : i1
        %ne3A_735 = arith.constant 0 : i32
        %ne3A_736 = arith.cmpi ne, %arg0, %ne3A_735 : i32
        %ge3A_737 = arith.constant 78 : i32
        %ge3A_738 = arith.cmpi sge, %sub3A_339, %ge3A_737 : i32
        %and3A_739 = arith.andi %ne3A_736, %ge3A_738 : i1
        %or3A_740 = arith.ori %and3A_734, %and3A_739 : i1
        %convert_element_type3A_741 = arith.extui %or3A_740 : i1 to i32
        %cond3A_742 = arith.constant 4 : i32
        %cond3A_743 = arith.constant 0 : i32
        %cond3A_744 = arith.cmpi ne, %convert_element_type3A_741, %cond3A_743 : i32
        scf.if %cond3A_744 {
          "tpu.region"() ({
            %run_scoped3A = tpu.sem_alloc : memref<!tpu.dma_semaphore, #tpu.memory_space<semaphore_mem>>
            %dma_start3A_745 = arith.constant 0 : i32
            %dma_start3A_746 = tpu.memref_slice %arg10[%cond3A_742, %dma_start3A_745] : memref<6x128xi32, #tpu.memory_space<vmem>> -> memref<1x128xi32, #tpu.memory_space<vmem>>
            %dma_start3A_747 = tpu.memref_squeeze %dma_start3A_746 : memref<1x128xi32, #tpu.memory_space<vmem>> -> memref<128xi32, #tpu.memory_space<vmem>>
            %dma_start3A_748 = arith.constant 0 : i32
            %dma_start3A_749 = arith.constant 0 : i32
            %dma_start3A_750 = tpu.memref_slice %arg20[%dma_start3A_748, %dma_start3A_749] : memref<10240x16xf32, #tpu.memory_space<vmem_shared>> -> memref<10240x16xf32, #tpu.memory_space<vmem_shared>>
            tpu.enqueue_indirect_dma source(%arg17 : memref<128x16xf32, #tpu.memory_space<vmem>>) target(%dma_start3A_750 : memref<10240x16xf32, #tpu.memory_space<vmem_shared>>) offsets(%dma_start3A_747 : memref<128xi32, #tpu.memory_space<vmem>>) semaphore(%run_scoped3A : memref<!tpu.dma_semaphore, #tpu.memory_space<semaphore_mem>>) {add = true}
            %dma_wait3A_751 = arith.constant 0 : i32
            %dma_wait3A_752 = tpu.memref_slice %arg10[%cond3A_742, %dma_wait3A_751] : memref<6x128xi32, #tpu.memory_space<vmem>> -> memref<1x128xi32, #tpu.memory_space<vmem>>
            %dma_wait3A_753 = tpu.memref_squeeze %dma_wait3A_752 : memref<1x128xi32, #tpu.memory_space<vmem>> -> memref<128xi32, #tpu.memory_space<vmem>>
            %dma_wait3A_754 = arith.constant 0 : i32
            %dma_wait3A_755 = arith.constant 0 : i32
            %dma_wait3A_756 = tpu.memref_slice %arg20[%dma_wait3A_754, %dma_wait3A_755] : memref<10240x16xf32, #tpu.memory_space<vmem_shared>> -> memref<10240x16xf32, #tpu.memory_space<vmem_shared>>
            tpu.wait_indirect_dma semaphore(%run_scoped3A : memref<!tpu.dma_semaphore, #tpu.memory_space<semaphore_mem>>) src(%arg17 : memref<128x16xf32, #tpu.memory_space<vmem>>) dst(%dma_wait3A_756 : memref<10240x16xf32, #tpu.memory_space<vmem_shared>>)
            tpu.yield
          }) : () -> ()
        } else {
        }
      } else {
      }
      %gt3A_345 = arith.constant 0 : i32
      %gt3A_346 = arith.cmpi sgt, %scan3A_247, %gt3A_345 : i32
      %convert_element_type3A_347 = arith.extui %gt3A_346 : i1 to i32
      %cond3A_348 = arith.constant 0 : i32
      %cond3A_349 = arith.cmpi ne, %convert_element_type3A_347, %cond3A_348 : i32
      scf.if %cond3A_349 {
        %dma_wait3A_716 = arith.constant 4 : i32
        %dma_wait3A_717 = arith.constant 0 : i32
        %dma_wait3A_718 = tpu.memref_slice %arg10[%dma_wait3A_716, %dma_wait3A_717] : memref<6x128xi32, #tpu.memory_space<vmem>> -> memref<1x128xi32, #tpu.memory_space<vmem>>
        %dma_wait3A_719 = tpu.memref_squeeze %dma_wait3A_718 : memref<1x128xi32, #tpu.memory_space<vmem>> -> memref<128xi32, #tpu.memory_space<vmem>>
        %dma_wait3A_720 = arith.constant 0 : i32
        %dma_wait3A_721 = arith.constant 0 : i32
        %dma_wait3A_722 = tpu.memref_slice %arg19[%dma_wait3A_720, %dma_wait3A_721] : memref<10240x64xf32, #tpu.memory_space<vmem_shared>> -> memref<10240x64xf32, #tpu.memory_space<vmem_shared>>
        tpu.wait_indirect_dma semaphore(%arg31 : memref<!tpu.dma_semaphore, #tpu.memory_space<semaphore_mem>>) src(%arg15 : memref<128x64xf32, #tpu.memory_space<vmem>>) dst(%dma_wait3A_722 : memref<10240x64xf32, #tpu.memory_space<vmem_shared>>)
      } else {
      }
      %dma_start3A_350 = arith.constant 4 : i32
      %dma_start3A_351 = arith.constant 0 : i32
      %dma_start3A_352 = tpu.memref_slice %arg7[%dma_start3A_350, %dma_start3A_351] : memref<6x128xi32, #tpu.memory_space<vmem>> -> memref<1x128xi32, #tpu.memory_space<vmem>>
      %dma_start3A_353 = tpu.memref_squeeze %dma_start3A_352 : memref<1x128xi32, #tpu.memory_space<vmem>> -> memref<128xi32, #tpu.memory_space<vmem>>
      %dma_start3A_354 = arith.constant 0 : i32
      %dma_start3A_355 = arith.constant 0 : i32
      %dma_start3A_356 = tpu.memref_slice %arg4[%dma_start3A_354, %dma_start3A_355] : memref<20000x64xf32, #tpu.memory_space<hbm>> -> memref<20000x64xf32, #tpu.memory_space<hbm>>
      tpu.enqueue_indirect_dma source(%dma_start3A_356 : memref<20000x64xf32, #tpu.memory_space<hbm>>) target(%arg15 : memref<128x64xf32, #tpu.memory_space<vmem>>) offsets(%dma_start3A_353 : memref<128xi32, #tpu.memory_space<vmem>>) semaphore(%arg25 : memref<!tpu.dma_semaphore, #tpu.memory_space<semaphore_mem>>)
      %mul3A_357 = arith.constant 12 : i32
      %mul3A_358 = arith.muli %scan3A_247, %mul3A_357 : i32
      %add3A_359 = arith.constant 4 : i32
      %add3A_360 = arith.addi %mul3A_358, %add3A_359 : i32
      %sub3A_361 = arith.constant 5 : i32
      %sub3A_362 = arith.subi %add3A_360, %sub3A_361 : i32
      %gt3A_363 = arith.constant 0 : i32
      %gt3A_364 = arith.cmpi sgt, %scan3A_247, %gt3A_363 : i32
      %convert_element_type3A_365 = arith.extui %gt3A_364 : i1 to i32
      %cond3A_366 = arith.constant 0 : i32
      %cond3A_367 = arith.cmpi ne, %convert_element_type3A_365, %cond3A_366 : i32
      scf.if %cond3A_367 {
        %dma_wait3A_716 = arith.constant 5 : i32
        %dma_wait3A_717 = arith.constant 0 : i32
        %dma_wait3A_718 = tpu.memref_slice %arg9[%dma_wait3A_716, %dma_wait3A_717] : memref<6x128xi32, #tpu.memory_space<vmem>> -> memref<1x128xi32, #tpu.memory_space<vmem>>
        %dma_wait3A_719 = tpu.memref_squeeze %dma_wait3A_718 : memref<1x128xi32, #tpu.memory_space<vmem>> -> memref<128xi32, #tpu.memory_space<vmem>>
        %dma_wait3A_720 = arith.constant 0 : i32
        %dma_wait3A_721 = arith.constant 0 : i32
        %dma_wait3A_722 = tpu.memref_slice %arg4[%dma_wait3A_720, %dma_wait3A_721] : memref<20000x64xf32, #tpu.memory_space<hbm>> -> memref<20000x64xf32, #tpu.memory_space<hbm>>
        tpu.wait_indirect_dma semaphore(%arg26 : memref<!tpu.dma_semaphore, #tpu.memory_space<semaphore_mem>>) src(%dma_wait3A_722 : memref<20000x64xf32, #tpu.memory_space<hbm>>) dst(%arg16 : memref<128x64xf32, #tpu.memory_space<vmem>>)
        %dma_start3A_723 = arith.constant 5 : i32
        %dma_start3A_724 = arith.constant 0 : i32
        %dma_start3A_725 = tpu.memref_slice %arg10[%dma_start3A_723, %dma_start3A_724] : memref<6x128xi32, #tpu.memory_space<vmem>> -> memref<1x128xi32, #tpu.memory_space<vmem>>
        %dma_start3A_726 = tpu.memref_squeeze %dma_start3A_725 : memref<1x128xi32, #tpu.memory_space<vmem>> -> memref<128xi32, #tpu.memory_space<vmem>>
        %dma_start3A_727 = arith.constant 0 : i32
        %dma_start3A_728 = arith.constant 0 : i32
        %dma_start3A_729 = tpu.memref_slice %arg19[%dma_start3A_727, %dma_start3A_728] : memref<10240x64xf32, #tpu.memory_space<vmem_shared>> -> memref<10240x64xf32, #tpu.memory_space<vmem_shared>>
        tpu.enqueue_indirect_dma source(%arg16 : memref<128x64xf32, #tpu.memory_space<vmem>>) target(%dma_start3A_729 : memref<10240x64xf32, #tpu.memory_space<vmem_shared>>) offsets(%dma_start3A_726 : memref<128xi32, #tpu.memory_space<vmem>>) semaphore(%arg32 : memref<!tpu.dma_semaphore, #tpu.memory_space<semaphore_mem>>) {add = true}
        %eq3A_730 = arith.constant 0 : i32
        %eq3A_731 = arith.cmpi eq, %arg0, %eq3A_730 : i32
        %lt3A_732 = arith.constant 78 : i32
        %lt3A_733 = arith.cmpi slt, %sub3A_362, %lt3A_732 : i32
        %and3A_734 = arith.andi %eq3A_731, %lt3A_733 : i1
        %ne3A_735 = arith.constant 0 : i32
        %ne3A_736 = arith.cmpi ne, %arg0, %ne3A_735 : i32
        %ge3A_737 = arith.constant 78 : i32
        %ge3A_738 = arith.cmpi sge, %sub3A_362, %ge3A_737 : i32
        %and3A_739 = arith.andi %ne3A_736, %ge3A_738 : i1
        %or3A_740 = arith.ori %and3A_734, %and3A_739 : i1
        %convert_element_type3A_741 = arith.extui %or3A_740 : i1 to i32
        %cond3A_742 = arith.constant 5 : i32
        %cond3A_743 = arith.constant 0 : i32
        %cond3A_744 = arith.cmpi ne, %convert_element_type3A_741, %cond3A_743 : i32
        scf.if %cond3A_744 {
          "tpu.region"() ({
            %run_scoped3A = tpu.sem_alloc : memref<!tpu.dma_semaphore, #tpu.memory_space<semaphore_mem>>
            %dma_start3A_745 = arith.constant 0 : i32
            %dma_start3A_746 = tpu.memref_slice %arg10[%cond3A_742, %dma_start3A_745] : memref<6x128xi32, #tpu.memory_space<vmem>> -> memref<1x128xi32, #tpu.memory_space<vmem>>
            %dma_start3A_747 = tpu.memref_squeeze %dma_start3A_746 : memref<1x128xi32, #tpu.memory_space<vmem>> -> memref<128xi32, #tpu.memory_space<vmem>>
            %dma_start3A_748 = arith.constant 0 : i32
            %dma_start3A_749 = arith.constant 0 : i32
            %dma_start3A_750 = tpu.memref_slice %arg20[%dma_start3A_748, %dma_start3A_749] : memref<10240x16xf32, #tpu.memory_space<vmem_shared>> -> memref<10240x16xf32, #tpu.memory_space<vmem_shared>>
            tpu.enqueue_indirect_dma source(%arg17 : memref<128x16xf32, #tpu.memory_space<vmem>>) target(%dma_start3A_750 : memref<10240x16xf32, #tpu.memory_space<vmem_shared>>) offsets(%dma_start3A_747 : memref<128xi32, #tpu.memory_space<vmem>>) semaphore(%run_scoped3A : memref<!tpu.dma_semaphore, #tpu.memory_space<semaphore_mem>>) {add = true}
            %dma_wait3A_751 = arith.constant 0 : i32
            %dma_wait3A_752 = tpu.memref_slice %arg10[%cond3A_742, %dma_wait3A_751] : memref<6x128xi32, #tpu.memory_space<vmem>> -> memref<1x128xi32, #tpu.memory_space<vmem>>
            %dma_wait3A_753 = tpu.memref_squeeze %dma_wait3A_752 : memref<1x128xi32, #tpu.memory_space<vmem>> -> memref<128xi32, #tpu.memory_space<vmem>>
            %dma_wait3A_754 = arith.constant 0 : i32
            %dma_wait3A_755 = arith.constant 0 : i32
            %dma_wait3A_756 = tpu.memref_slice %arg20[%dma_wait3A_754, %dma_wait3A_755] : memref<10240x16xf32, #tpu.memory_space<vmem_shared>> -> memref<10240x16xf32, #tpu.memory_space<vmem_shared>>
            tpu.wait_indirect_dma semaphore(%run_scoped3A : memref<!tpu.dma_semaphore, #tpu.memory_space<semaphore_mem>>) src(%arg17 : memref<128x16xf32, #tpu.memory_space<vmem>>) dst(%dma_wait3A_756 : memref<10240x16xf32, #tpu.memory_space<vmem_shared>>)
            tpu.yield
          }) : () -> ()
        } else {
        }
      } else {
      }
      %gt3A_368 = arith.constant 0 : i32
      %gt3A_369 = arith.cmpi sgt, %scan3A_247, %gt3A_368 : i32
      %convert_element_type3A_370 = arith.extui %gt3A_369 : i1 to i32
      %cond3A_371 = arith.constant 0 : i32
      %cond3A_372 = arith.cmpi ne, %convert_element_type3A_370, %cond3A_371 : i32
      scf.if %cond3A_372 {
        %dma_wait3A_716 = arith.constant 5 : i32
        %dma_wait3A_717 = arith.constant 0 : i32
        %dma_wait3A_718 = tpu.memref_slice %arg10[%dma_wait3A_716, %dma_wait3A_717] : memref<6x128xi32, #tpu.memory_space<vmem>> -> memref<1x128xi32, #tpu.memory_space<vmem>>
        %dma_wait3A_719 = tpu.memref_squeeze %dma_wait3A_718 : memref<1x128xi32, #tpu.memory_space<vmem>> -> memref<128xi32, #tpu.memory_space<vmem>>
        %dma_wait3A_720 = arith.constant 0 : i32
        %dma_wait3A_721 = arith.constant 0 : i32
        %dma_wait3A_722 = tpu.memref_slice %arg19[%dma_wait3A_720, %dma_wait3A_721] : memref<10240x64xf32, #tpu.memory_space<vmem_shared>> -> memref<10240x64xf32, #tpu.memory_space<vmem_shared>>
        tpu.wait_indirect_dma semaphore(%arg32 : memref<!tpu.dma_semaphore, #tpu.memory_space<semaphore_mem>>) src(%arg16 : memref<128x64xf32, #tpu.memory_space<vmem>>) dst(%dma_wait3A_722 : memref<10240x64xf32, #tpu.memory_space<vmem_shared>>)
      } else {
      }
      %dma_start3A_373 = arith.constant 5 : i32
      %dma_start3A_374 = arith.constant 0 : i32
      %dma_start3A_375 = tpu.memref_slice %arg7[%dma_start3A_373, %dma_start3A_374] : memref<6x128xi32, #tpu.memory_space<vmem>> -> memref<1x128xi32, #tpu.memory_space<vmem>>
      %dma_start3A_376 = tpu.memref_squeeze %dma_start3A_375 : memref<1x128xi32, #tpu.memory_space<vmem>> -> memref<128xi32, #tpu.memory_space<vmem>>
      %dma_start3A_377 = arith.constant 0 : i32
      %dma_start3A_378 = arith.constant 0 : i32
      %dma_start3A_379 = tpu.memref_slice %arg4[%dma_start3A_377, %dma_start3A_378] : memref<20000x64xf32, #tpu.memory_space<hbm>> -> memref<20000x64xf32, #tpu.memory_space<hbm>>
      tpu.enqueue_indirect_dma source(%dma_start3A_379 : memref<20000x64xf32, #tpu.memory_space<hbm>>) target(%arg16 : memref<128x64xf32, #tpu.memory_space<vmem>>) offsets(%dma_start3A_376 : memref<128xi32, #tpu.memory_space<vmem>>) semaphore(%arg26 : memref<!tpu.dma_semaphore, #tpu.memory_space<semaphore_mem>>)
      %mul3A_380 = arith.constant 12 : i32
      %mul3A_381 = arith.muli %scan3A_247, %mul3A_380 : i32
      %add3A_382 = arith.constant 5 : i32
      %add3A_383 = arith.addi %mul3A_381, %add3A_382 : i32
      %sub3A_384 = arith.constant 5 : i32
      %sub3A_385 = arith.subi %add3A_383, %sub3A_384 : i32
      %dma_wait3A_386 = arith.constant 0 : i32
      %dma_wait3A_387 = arith.constant 0 : i32
      %dma_wait3A_388 = tpu.memref_slice %arg7[%dma_wait3A_386, %dma_wait3A_387] : memref<6x128xi32, #tpu.memory_space<vmem>> -> memref<1x128xi32, #tpu.memory_space<vmem>>
      %dma_wait3A_389 = tpu.memref_squeeze %dma_wait3A_388 : memref<1x128xi32, #tpu.memory_space<vmem>> -> memref<128xi32, #tpu.memory_space<vmem>>
      %dma_wait3A_390 = arith.constant 0 : i32
      %dma_wait3A_391 = arith.constant 0 : i32
      %dma_wait3A_392 = tpu.memref_slice %arg4[%dma_wait3A_390, %dma_wait3A_391] : memref<20000x64xf32, #tpu.memory_space<hbm>> -> memref<20000x64xf32, #tpu.memory_space<hbm>>
      tpu.wait_indirect_dma semaphore(%arg21 : memref<!tpu.dma_semaphore, #tpu.memory_space<semaphore_mem>>) src(%dma_wait3A_392 : memref<20000x64xf32, #tpu.memory_space<hbm>>) dst(%arg11 : memref<128x64xf32, #tpu.memory_space<vmem>>)
      %dma_start3A_393 = arith.constant 0 : i32
      %dma_start3A_394 = arith.constant 0 : i32
      %dma_start3A_395 = tpu.memref_slice %arg8[%dma_start3A_393, %dma_start3A_394] : memref<6x128xi32, #tpu.memory_space<vmem>> -> memref<1x128xi32, #tpu.memory_space<vmem>>
      %dma_start3A_396 = tpu.memref_squeeze %dma_start3A_395 : memref<1x128xi32, #tpu.memory_space<vmem>> -> memref<128xi32, #tpu.memory_space<vmem>>
      %dma_start3A_397 = arith.constant 0 : i32
      %dma_start3A_398 = arith.constant 0 : i32
      %dma_start3A_399 = tpu.memref_slice %arg19[%dma_start3A_397, %dma_start3A_398] : memref<10240x64xf32, #tpu.memory_space<vmem_shared>> -> memref<10240x64xf32, #tpu.memory_space<vmem_shared>>
      tpu.enqueue_indirect_dma source(%arg11 : memref<128x64xf32, #tpu.memory_space<vmem>>) target(%dma_start3A_399 : memref<10240x64xf32, #tpu.memory_space<vmem_shared>>) offsets(%dma_start3A_396 : memref<128xi32, #tpu.memory_space<vmem>>) semaphore(%arg27 : memref<!tpu.dma_semaphore, #tpu.memory_space<semaphore_mem>>) {add = true}
      %eq3A_400 = arith.constant 0 : i32
      %eq3A_401 = arith.cmpi eq, %arg0, %eq3A_400 : i32
      %lt3A_402 = arith.constant 78 : i32
      %lt3A_403 = arith.cmpi slt, %sub3A_385, %lt3A_402 : i32
      %and3A_404 = arith.andi %eq3A_401, %lt3A_403 : i1
      %ne3A_405 = arith.constant 0 : i32
      %ne3A_406 = arith.cmpi ne, %arg0, %ne3A_405 : i32
      %ge3A = arith.constant 78 : i32
      %ge3A_407 = arith.cmpi sge, %sub3A_385, %ge3A : i32
      %and3A_408 = arith.andi %ne3A_406, %ge3A_407 : i1
      %or3A_409 = arith.ori %and3A_404, %and3A_408 : i1
      %convert_element_type3A_410 = arith.extui %or3A_409 : i1 to i32
      %cond3A_411 = arith.constant 0 : i32
      %cond3A_412 = arith.constant 0 : i32
      %cond3A_413 = arith.cmpi ne, %convert_element_type3A_410, %cond3A_412 : i32
      scf.if %cond3A_413 {
        "tpu.region"() ({
          %run_scoped3A = tpu.sem_alloc : memref<!tpu.dma_semaphore, #tpu.memory_space<semaphore_mem>>
          %dma_start3A_716 = arith.constant 0 : i32
          %dma_start3A_717 = tpu.memref_slice %arg8[%cond3A_411, %dma_start3A_716] : memref<6x128xi32, #tpu.memory_space<vmem>> -> memref<1x128xi32, #tpu.memory_space<vmem>>
          %dma_start3A_718 = tpu.memref_squeeze %dma_start3A_717 : memref<1x128xi32, #tpu.memory_space<vmem>> -> memref<128xi32, #tpu.memory_space<vmem>>
          %dma_start3A_719 = arith.constant 0 : i32
          %dma_start3A_720 = arith.constant 0 : i32
          %dma_start3A_721 = tpu.memref_slice %arg20[%dma_start3A_719, %dma_start3A_720] : memref<10240x16xf32, #tpu.memory_space<vmem_shared>> -> memref<10240x16xf32, #tpu.memory_space<vmem_shared>>
          tpu.enqueue_indirect_dma source(%arg17 : memref<128x16xf32, #tpu.memory_space<vmem>>) target(%dma_start3A_721 : memref<10240x16xf32, #tpu.memory_space<vmem_shared>>) offsets(%dma_start3A_718 : memref<128xi32, #tpu.memory_space<vmem>>) semaphore(%run_scoped3A : memref<!tpu.dma_semaphore, #tpu.memory_space<semaphore_mem>>) {add = true}
          %dma_wait3A_722 = arith.constant 0 : i32
          %dma_wait3A_723 = tpu.memref_slice %arg8[%cond3A_411, %dma_wait3A_722] : memref<6x128xi32, #tpu.memory_space<vmem>> -> memref<1x128xi32, #tpu.memory_space<vmem>>
          %dma_wait3A_724 = tpu.memref_squeeze %dma_wait3A_723 : memref<1x128xi32, #tpu.memory_space<vmem>> -> memref<128xi32, #tpu.memory_space<vmem>>
          %dma_wait3A_725 = arith.constant 0 : i32
          %dma_wait3A_726 = arith.constant 0 : i32
          %dma_wait3A_727 = tpu.memref_slice %arg20[%dma_wait3A_725, %dma_wait3A_726] : memref<10240x16xf32, #tpu.memory_space<vmem_shared>> -> memref<10240x16xf32, #tpu.memory_space<vmem_shared>>
          tpu.wait_indirect_dma semaphore(%run_scoped3A : memref<!tpu.dma_semaphore, #tpu.memory_space<semaphore_mem>>) src(%arg17 : memref<128x16xf32, #tpu.memory_space<vmem>>) dst(%dma_wait3A_727 : memref<10240x16xf32, #tpu.memory_space<vmem_shared>>)
          tpu.yield
        }) : () -> ()
      } else {
      }
      %mul3A_414 = arith.constant 2500 : i32
      %mul3A_415 = arith.muli %arg0, %mul3A_414 : i32
      %add3A_416 = arith.addi %mul3A_415, %add3A_251 : i32
      %add3A_417 = arith.constant 6 : i32
      %add3A_418 = arith.addi %add3A_416, %add3A_417 : i32
      "tpu.region"() ({
        %run_scoped3A = tpu.sem_alloc : memref<!tpu.dma_semaphore, #tpu.memory_space<semaphore_mem>>
        %dma_start3A_716 = arith.constant 0 : i32
        %dma_start3A_717 = tpu.memref_slice %arg2[%add3A_418, %dma_start3A_716] : memref<5000x128xi32, #tpu.memory_space<hbm>> -> memref<6x128xi32, #tpu.memory_space<hbm>>
        %dma_start3A_718 = arith.constant 0 : i32
        %dma_start3A_719 = tpu.memref_slice %arg2[%add3A_418, %dma_start3A_718] : memref<5000x128xi32, #tpu.memory_space<hbm>> -> memref<6x128xi32, #tpu.memory_space<hbm>>
        tpu.enqueue_dma source(%dma_start3A_719 : memref<6x128xi32, #tpu.memory_space<hbm>>) target(%arg9 : memref<6x128xi32, #tpu.memory_space<vmem>>) target_semaphore(%run_scoped3A : memref<!tpu.dma_semaphore, #tpu.memory_space<semaphore_mem>>)
        %dma_wait3A_720 = arith.constant 0 : i32
        %dma_wait3A_721 = tpu.memref_slice %arg2[%add3A_418, %dma_wait3A_720] : memref<5000x128xi32, #tpu.memory_space<hbm>> -> memref<6x128xi32, #tpu.memory_space<hbm>>
        %dma_wait3A_722 = arith.constant 0 : i32
        %dma_wait3A_723 = tpu.memref_slice %arg2[%add3A_418, %dma_wait3A_722] : memref<5000x128xi32, #tpu.memory_space<hbm>> -> memref<6x128xi32, #tpu.memory_space<hbm>>
        tpu.wait_dma2 semaphore(%run_scoped3A : memref<!tpu.dma_semaphore, #tpu.memory_space<semaphore_mem>>) src(%dma_wait3A_723 : memref<6x128xi32, #tpu.memory_space<hbm>>) dst(%arg9 : memref<6x128xi32, #tpu.memory_space<vmem>>)
        tpu.yield
      }) : () -> ()
      %add3A_419 = arith.constant 6 : i32
      %add3A_420 = arith.addi %add3A_251, %add3A_419 : i32
      "tpu.region"() ({
        %run_scoped3A = tpu.sem_alloc : memref<!tpu.dma_semaphore, #tpu.memory_space<semaphore_mem>>
        %dma_start3A_716 = arith.constant 0 : i32
        %dma_start3A_717 = tpu.memref_slice %arg3[%add3A_420, %dma_start3A_716] : memref<2500x128xi32, #tpu.memory_space<hbm>> -> memref<6x128xi32, #tpu.memory_space<hbm>>
        %dma_start3A_718 = arith.constant 0 : i32
        %dma_start3A_719 = tpu.memref_slice %arg3[%add3A_420, %dma_start3A_718] : memref<2500x128xi32, #tpu.memory_space<hbm>> -> memref<6x128xi32, #tpu.memory_space<hbm>>
        tpu.enqueue_dma source(%dma_start3A_719 : memref<6x128xi32, #tpu.memory_space<hbm>>) target(%arg10 : memref<6x128xi32, #tpu.memory_space<vmem>>) target_semaphore(%run_scoped3A : memref<!tpu.dma_semaphore, #tpu.memory_space<semaphore_mem>>)
        %dma_wait3A_720 = arith.constant 0 : i32
        %dma_wait3A_721 = tpu.memref_slice %arg3[%add3A_420, %dma_wait3A_720] : memref<2500x128xi32, #tpu.memory_space<hbm>> -> memref<6x128xi32, #tpu.memory_space<hbm>>
        %dma_wait3A_722 = arith.constant 0 : i32
        %dma_wait3A_723 = tpu.memref_slice %arg3[%add3A_420, %dma_wait3A_722] : memref<2500x128xi32, #tpu.memory_space<hbm>> -> memref<6x128xi32, #tpu.memory_space<hbm>>
        tpu.wait_dma2 semaphore(%run_scoped3A : memref<!tpu.dma_semaphore, #tpu.memory_space<semaphore_mem>>) src(%dma_wait3A_723 : memref<6x128xi32, #tpu.memory_space<hbm>>) dst(%arg10 : memref<6x128xi32, #tpu.memory_space<vmem>>)
        tpu.yield
      }) : () -> ()
      %dma_wait3A_421 = arith.constant 0 : i32
      %dma_wait3A_422 = arith.constant 0 : i32
      %dma_wait3A_423 = tpu.memref_slice %arg8[%dma_wait3A_421, %dma_wait3A_422] : memref<6x128xi32, #tpu.memory_space<vmem>> -> memref<1x128xi32, #tpu.memory_space<vmem>>
      %dma_wait3A_424 = tpu.memref_squeeze %dma_wait3A_423 : memref<1x128xi32, #tpu.memory_space<vmem>> -> memref<128xi32, #tpu.memory_space<vmem>>
      %dma_wait3A_425 = arith.constant 0 : i32
      %dma_wait3A_426 = arith.constant 0 : i32
      %dma_wait3A_427 = tpu.memref_slice %arg19[%dma_wait3A_425, %dma_wait3A_426] : memref<10240x64xf32, #tpu.memory_space<vmem_shared>> -> memref<10240x64xf32, #tpu.memory_space<vmem_shared>>
      tpu.wait_indirect_dma semaphore(%arg27 : memref<!tpu.dma_semaphore, #tpu.memory_space<semaphore_mem>>) src(%arg11 : memref<128x64xf32, #tpu.memory_space<vmem>>) dst(%dma_wait3A_427 : memref<10240x64xf32, #tpu.memory_space<vmem_shared>>)
      %dma_start3A_428 = arith.constant 0 : i32
      %dma_start3A_429 = arith.constant 0 : i32
      %dma_start3A_430 = tpu.memref_slice %arg9[%dma_start3A_428, %dma_start3A_429] : memref<6x128xi32, #tpu.memory_space<vmem>> -> memref<1x128xi32, #tpu.memory_space<vmem>>
      %dma_start3A_431 = tpu.memref_squeeze %dma_start3A_430 : memref<1x128xi32, #tpu.memory_space<vmem>> -> memref<128xi32, #tpu.memory_space<vmem>>
      %dma_start3A_432 = arith.constant 0 : i32
      %dma_start3A_433 = arith.constant 0 : i32
      %dma_start3A_434 = tpu.memref_slice %arg4[%dma_start3A_432, %dma_start3A_433] : memref<20000x64xf32, #tpu.memory_space<hbm>> -> memref<20000x64xf32, #tpu.memory_space<hbm>>
      tpu.enqueue_indirect_dma source(%dma_start3A_434 : memref<20000x64xf32, #tpu.memory_space<hbm>>) target(%arg11 : memref<128x64xf32, #tpu.memory_space<vmem>>) offsets(%dma_start3A_431 : memref<128xi32, #tpu.memory_space<vmem>>) semaphore(%arg21 : memref<!tpu.dma_semaphore, #tpu.memory_space<semaphore_mem>>)
      %mul3A_435 = arith.constant 12 : i32
      %mul3A_436 = arith.muli %scan3A_247, %mul3A_435 : i32
      %add3A_437 = arith.constant 6 : i32
      %add3A_438 = arith.addi %mul3A_436, %add3A_437 : i32
      %sub3A_439 = arith.constant 5 : i32
      %sub3A_440 = arith.subi %add3A_438, %sub3A_439 : i32
      %dma_wait3A_441 = arith.constant 1 : i32
      %dma_wait3A_442 = arith.constant 0 : i32
      %dma_wait3A_443 = tpu.memref_slice %arg7[%dma_wait3A_441, %dma_wait3A_442] : memref<6x128xi32, #tpu.memory_space<vmem>> -> memref<1x128xi32, #tpu.memory_space<vmem>>
      %dma_wait3A_444 = tpu.memref_squeeze %dma_wait3A_443 : memref<1x128xi32, #tpu.memory_space<vmem>> -> memref<128xi32, #tpu.memory_space<vmem>>
      %dma_wait3A_445 = arith.constant 0 : i32
      %dma_wait3A_446 = arith.constant 0 : i32
      %dma_wait3A_447 = tpu.memref_slice %arg4[%dma_wait3A_445, %dma_wait3A_446] : memref<20000x64xf32, #tpu.memory_space<hbm>> -> memref<20000x64xf32, #tpu.memory_space<hbm>>
      tpu.wait_indirect_dma semaphore(%arg22 : memref<!tpu.dma_semaphore, #tpu.memory_space<semaphore_mem>>) src(%dma_wait3A_447 : memref<20000x64xf32, #tpu.memory_space<hbm>>) dst(%arg12 : memref<128x64xf32, #tpu.memory_space<vmem>>)
      %dma_start3A_448 = arith.constant 1 : i32
      %dma_start3A_449 = arith.constant 0 : i32
      %dma_start3A_450 = tpu.memref_slice %arg8[%dma_start3A_448, %dma_start3A_449] : memref<6x128xi32, #tpu.memory_space<vmem>> -> memref<1x128xi32, #tpu.memory_space<vmem>>
      %dma_start3A_451 = tpu.memref_squeeze %dma_start3A_450 : memref<1x128xi32, #tpu.memory_space<vmem>> -> memref<128xi32, #tpu.memory_space<vmem>>
      %dma_start3A_452 = arith.constant 0 : i32
      %dma_start3A_453 = arith.constant 0 : i32
      %dma_start3A_454 = tpu.memref_slice %arg19[%dma_start3A_452, %dma_start3A_453] : memref<10240x64xf32, #tpu.memory_space<vmem_shared>> -> memref<10240x64xf32, #tpu.memory_space<vmem_shared>>
      tpu.enqueue_indirect_dma source(%arg12 : memref<128x64xf32, #tpu.memory_space<vmem>>) target(%dma_start3A_454 : memref<10240x64xf32, #tpu.memory_space<vmem_shared>>) offsets(%dma_start3A_451 : memref<128xi32, #tpu.memory_space<vmem>>) semaphore(%arg28 : memref<!tpu.dma_semaphore, #tpu.memory_space<semaphore_mem>>) {add = true}
      %eq3A_455 = arith.constant 0 : i32
      %eq3A_456 = arith.cmpi eq, %arg0, %eq3A_455 : i32
      %lt3A_457 = arith.constant 78 : i32
      %lt3A_458 = arith.cmpi slt, %sub3A_440, %lt3A_457 : i32
      %and3A_459 = arith.andi %eq3A_456, %lt3A_458 : i1
      %ne3A_460 = arith.constant 0 : i32
      %ne3A_461 = arith.cmpi ne, %arg0, %ne3A_460 : i32
      %ge3A_462 = arith.constant 78 : i32
      %ge3A_463 = arith.cmpi sge, %sub3A_440, %ge3A_462 : i32
      %and3A_464 = arith.andi %ne3A_461, %ge3A_463 : i1
      %or3A_465 = arith.ori %and3A_459, %and3A_464 : i1
      %convert_element_type3A_466 = arith.extui %or3A_465 : i1 to i32
      %cond3A_467 = arith.constant 1 : i32
      %cond3A_468 = arith.constant 0 : i32
      %cond3A_469 = arith.cmpi ne, %convert_element_type3A_466, %cond3A_468 : i32
      scf.if %cond3A_469 {
        "tpu.region"() ({
          %run_scoped3A = tpu.sem_alloc : memref<!tpu.dma_semaphore, #tpu.memory_space<semaphore_mem>>
          %dma_start3A_716 = arith.constant 0 : i32
          %dma_start3A_717 = tpu.memref_slice %arg8[%cond3A_467, %dma_start3A_716] : memref<6x128xi32, #tpu.memory_space<vmem>> -> memref<1x128xi32, #tpu.memory_space<vmem>>
          %dma_start3A_718 = tpu.memref_squeeze %dma_start3A_717 : memref<1x128xi32, #tpu.memory_space<vmem>> -> memref<128xi32, #tpu.memory_space<vmem>>
          %dma_start3A_719 = arith.constant 0 : i32
          %dma_start3A_720 = arith.constant 0 : i32
          %dma_start3A_721 = tpu.memref_slice %arg20[%dma_start3A_719, %dma_start3A_720] : memref<10240x16xf32, #tpu.memory_space<vmem_shared>> -> memref<10240x16xf32, #tpu.memory_space<vmem_shared>>
          tpu.enqueue_indirect_dma source(%arg17 : memref<128x16xf32, #tpu.memory_space<vmem>>) target(%dma_start3A_721 : memref<10240x16xf32, #tpu.memory_space<vmem_shared>>) offsets(%dma_start3A_718 : memref<128xi32, #tpu.memory_space<vmem>>) semaphore(%run_scoped3A : memref<!tpu.dma_semaphore, #tpu.memory_space<semaphore_mem>>) {add = true}
          %dma_wait3A_722 = arith.constant 0 : i32
          %dma_wait3A_723 = tpu.memref_slice %arg8[%cond3A_467, %dma_wait3A_722] : memref<6x128xi32, #tpu.memory_space<vmem>> -> memref<1x128xi32, #tpu.memory_space<vmem>>
          %dma_wait3A_724 = tpu.memref_squeeze %dma_wait3A_723 : memref<1x128xi32, #tpu.memory_space<vmem>> -> memref<128xi32, #tpu.memory_space<vmem>>
          %dma_wait3A_725 = arith.constant 0 : i32
          %dma_wait3A_726 = arith.constant 0 : i32
          %dma_wait3A_727 = tpu.memref_slice %arg20[%dma_wait3A_725, %dma_wait3A_726] : memref<10240x16xf32, #tpu.memory_space<vmem_shared>> -> memref<10240x16xf32, #tpu.memory_space<vmem_shared>>
          tpu.wait_indirect_dma semaphore(%run_scoped3A : memref<!tpu.dma_semaphore, #tpu.memory_space<semaphore_mem>>) src(%arg17 : memref<128x16xf32, #tpu.memory_space<vmem>>) dst(%dma_wait3A_727 : memref<10240x16xf32, #tpu.memory_space<vmem_shared>>)
          tpu.yield
        }) : () -> ()
      } else {
      }
      %dma_wait3A_470 = arith.constant 1 : i32
      %dma_wait3A_471 = arith.constant 0 : i32
      %dma_wait3A_472 = tpu.memref_slice %arg8[%dma_wait3A_470, %dma_wait3A_471] : memref<6x128xi32, #tpu.memory_space<vmem>> -> memref<1x128xi32, #tpu.memory_space<vmem>>
      %dma_wait3A_473 = tpu.memref_squeeze %dma_wait3A_472 : memref<1x128xi32, #tpu.memory_space<vmem>> -> memref<128xi32, #tpu.memory_space<vmem>>
      %dma_wait3A_474 = arith.constant 0 : i32
      %dma_wait3A_475 = arith.constant 0 : i32
      %dma_wait3A_476 = tpu.memref_slice %arg19[%dma_wait3A_474, %dma_wait3A_475] : memref<10240x64xf32, #tpu.memory_space<vmem_shared>> -> memref<10240x64xf32, #tpu.memory_space<vmem_shared>>
      tpu.wait_indirect_dma semaphore(%arg28 : memref<!tpu.dma_semaphore, #tpu.memory_space<semaphore_mem>>) src(%arg12 : memref<128x64xf32, #tpu.memory_space<vmem>>) dst(%dma_wait3A_476 : memref<10240x64xf32, #tpu.memory_space<vmem_shared>>)
      %dma_start3A_477 = arith.constant 1 : i32
      %dma_start3A_478 = arith.constant 0 : i32
      %dma_start3A_479 = tpu.memref_slice %arg9[%dma_start3A_477, %dma_start3A_478] : memref<6x128xi32, #tpu.memory_space<vmem>> -> memref<1x128xi32, #tpu.memory_space<vmem>>
      %dma_start3A_480 = tpu.memref_squeeze %dma_start3A_479 : memref<1x128xi32, #tpu.memory_space<vmem>> -> memref<128xi32, #tpu.memory_space<vmem>>
      %dma_start3A_481 = arith.constant 0 : i32
      %dma_start3A_482 = arith.constant 0 : i32
      %dma_start3A_483 = tpu.memref_slice %arg4[%dma_start3A_481, %dma_start3A_482] : memref<20000x64xf32, #tpu.memory_space<hbm>> -> memref<20000x64xf32, #tpu.memory_space<hbm>>
      tpu.enqueue_indirect_dma source(%dma_start3A_483 : memref<20000x64xf32, #tpu.memory_space<hbm>>) target(%arg12 : memref<128x64xf32, #tpu.memory_space<vmem>>) offsets(%dma_start3A_480 : memref<128xi32, #tpu.memory_space<vmem>>) semaphore(%arg22 : memref<!tpu.dma_semaphore, #tpu.memory_space<semaphore_mem>>)
      %mul3A_484 = arith.constant 12 : i32
      %mul3A_485 = arith.muli %scan3A_247, %mul3A_484 : i32
      %add3A_486 = arith.constant 7 : i32
      %add3A_487 = arith.addi %mul3A_485, %add3A_486 : i32
      %sub3A_488 = arith.constant 5 : i32
      %sub3A_489 = arith.subi %add3A_487, %sub3A_488 : i32
      %dma_wait3A_490 = arith.constant 2 : i32
      %dma_wait3A_491 = arith.constant 0 : i32
      %dma_wait3A_492 = tpu.memref_slice %arg7[%dma_wait3A_490, %dma_wait3A_491] : memref<6x128xi32, #tpu.memory_space<vmem>> -> memref<1x128xi32, #tpu.memory_space<vmem>>
      %dma_wait3A_493 = tpu.memref_squeeze %dma_wait3A_492 : memref<1x128xi32, #tpu.memory_space<vmem>> -> memref<128xi32, #tpu.memory_space<vmem>>
      %dma_wait3A_494 = arith.constant 0 : i32
      %dma_wait3A_495 = arith.constant 0 : i32
      %dma_wait3A_496 = tpu.memref_slice %arg4[%dma_wait3A_494, %dma_wait3A_495] : memref<20000x64xf32, #tpu.memory_space<hbm>> -> memref<20000x64xf32, #tpu.memory_space<hbm>>
      tpu.wait_indirect_dma semaphore(%arg23 : memref<!tpu.dma_semaphore, #tpu.memory_space<semaphore_mem>>) src(%dma_wait3A_496 : memref<20000x64xf32, #tpu.memory_space<hbm>>) dst(%arg13 : memref<128x64xf32, #tpu.memory_space<vmem>>)
      %dma_start3A_497 = arith.constant 2 : i32
      %dma_start3A_498 = arith.constant 0 : i32
      %dma_start3A_499 = tpu.memref_slice %arg8[%dma_start3A_497, %dma_start3A_498] : memref<6x128xi32, #tpu.memory_space<vmem>> -> memref<1x128xi32, #tpu.memory_space<vmem>>
      %dma_start3A_500 = tpu.memref_squeeze %dma_start3A_499 : memref<1x128xi32, #tpu.memory_space<vmem>> -> memref<128xi32, #tpu.memory_space<vmem>>
      %dma_start3A_501 = arith.constant 0 : i32
      %dma_start3A_502 = arith.constant 0 : i32
      %dma_start3A_503 = tpu.memref_slice %arg19[%dma_start3A_501, %dma_start3A_502] : memref<10240x64xf32, #tpu.memory_space<vmem_shared>> -> memref<10240x64xf32, #tpu.memory_space<vmem_shared>>
      tpu.enqueue_indirect_dma source(%arg13 : memref<128x64xf32, #tpu.memory_space<vmem>>) target(%dma_start3A_503 : memref<10240x64xf32, #tpu.memory_space<vmem_shared>>) offsets(%dma_start3A_500 : memref<128xi32, #tpu.memory_space<vmem>>) semaphore(%arg29 : memref<!tpu.dma_semaphore, #tpu.memory_space<semaphore_mem>>) {add = true}
      %eq3A_504 = arith.constant 0 : i32
      %eq3A_505 = arith.cmpi eq, %arg0, %eq3A_504 : i32
      %lt3A_506 = arith.constant 78 : i32
      %lt3A_507 = arith.cmpi slt, %sub3A_489, %lt3A_506 : i32
      %and3A_508 = arith.andi %eq3A_505, %lt3A_507 : i1
      %ne3A_509 = arith.constant 0 : i32
      %ne3A_510 = arith.cmpi ne, %arg0, %ne3A_509 : i32
      %ge3A_511 = arith.constant 78 : i32
      %ge3A_512 = arith.cmpi sge, %sub3A_489, %ge3A_511 : i32
      %and3A_513 = arith.andi %ne3A_510, %ge3A_512 : i1
      %or3A_514 = arith.ori %and3A_508, %and3A_513 : i1
      %convert_element_type3A_515 = arith.extui %or3A_514 : i1 to i32
      %cond3A_516 = arith.constant 2 : i32
      %cond3A_517 = arith.constant 0 : i32
      %cond3A_518 = arith.cmpi ne, %convert_element_type3A_515, %cond3A_517 : i32
      scf.if %cond3A_518 {
        "tpu.region"() ({
          %run_scoped3A = tpu.sem_alloc : memref<!tpu.dma_semaphore, #tpu.memory_space<semaphore_mem>>
          %dma_start3A_716 = arith.constant 0 : i32
          %dma_start3A_717 = tpu.memref_slice %arg8[%cond3A_516, %dma_start3A_716] : memref<6x128xi32, #tpu.memory_space<vmem>> -> memref<1x128xi32, #tpu.memory_space<vmem>>
          %dma_start3A_718 = tpu.memref_squeeze %dma_start3A_717 : memref<1x128xi32, #tpu.memory_space<vmem>> -> memref<128xi32, #tpu.memory_space<vmem>>
          %dma_start3A_719 = arith.constant 0 : i32
          %dma_start3A_720 = arith.constant 0 : i32
          %dma_start3A_721 = tpu.memref_slice %arg20[%dma_start3A_719, %dma_start3A_720] : memref<10240x16xf32, #tpu.memory_space<vmem_shared>> -> memref<10240x16xf32, #tpu.memory_space<vmem_shared>>
          tpu.enqueue_indirect_dma source(%arg17 : memref<128x16xf32, #tpu.memory_space<vmem>>) target(%dma_start3A_721 : memref<10240x16xf32, #tpu.memory_space<vmem_shared>>) offsets(%dma_start3A_718 : memref<128xi32, #tpu.memory_space<vmem>>) semaphore(%run_scoped3A : memref<!tpu.dma_semaphore, #tpu.memory_space<semaphore_mem>>) {add = true}
          %dma_wait3A_722 = arith.constant 0 : i32
          %dma_wait3A_723 = tpu.memref_slice %arg8[%cond3A_516, %dma_wait3A_722] : memref<6x128xi32, #tpu.memory_space<vmem>> -> memref<1x128xi32, #tpu.memory_space<vmem>>
          %dma_wait3A_724 = tpu.memref_squeeze %dma_wait3A_723 : memref<1x128xi32, #tpu.memory_space<vmem>> -> memref<128xi32, #tpu.memory_space<vmem>>
          %dma_wait3A_725 = arith.constant 0 : i32
          %dma_wait3A_726 = arith.constant 0 : i32
          %dma_wait3A_727 = tpu.memref_slice %arg20[%dma_wait3A_725, %dma_wait3A_726] : memref<10240x16xf32, #tpu.memory_space<vmem_shared>> -> memref<10240x16xf32, #tpu.memory_space<vmem_shared>>
          tpu.wait_indirect_dma semaphore(%run_scoped3A : memref<!tpu.dma_semaphore, #tpu.memory_space<semaphore_mem>>) src(%arg17 : memref<128x16xf32, #tpu.memory_space<vmem>>) dst(%dma_wait3A_727 : memref<10240x16xf32, #tpu.memory_space<vmem_shared>>)
          tpu.yield
        }) : () -> ()
      } else {
      }
      %dma_wait3A_519 = arith.constant 2 : i32
      %dma_wait3A_520 = arith.constant 0 : i32
      %dma_wait3A_521 = tpu.memref_slice %arg8[%dma_wait3A_519, %dma_wait3A_520] : memref<6x128xi32, #tpu.memory_space<vmem>> -> memref<1x128xi32, #tpu.memory_space<vmem>>
      %dma_wait3A_522 = tpu.memref_squeeze %dma_wait3A_521 : memref<1x128xi32, #tpu.memory_space<vmem>> -> memref<128xi32, #tpu.memory_space<vmem>>
      %dma_wait3A_523 = arith.constant 0 : i32
      %dma_wait3A_524 = arith.constant 0 : i32
      %dma_wait3A_525 = tpu.memref_slice %arg19[%dma_wait3A_523, %dma_wait3A_524] : memref<10240x64xf32, #tpu.memory_space<vmem_shared>> -> memref<10240x64xf32, #tpu.memory_space<vmem_shared>>
      tpu.wait_indirect_dma semaphore(%arg29 : memref<!tpu.dma_semaphore, #tpu.memory_space<semaphore_mem>>) src(%arg13 : memref<128x64xf32, #tpu.memory_space<vmem>>) dst(%dma_wait3A_525 : memref<10240x64xf32, #tpu.memory_space<vmem_shared>>)
      %dma_start3A_526 = arith.constant 2 : i32
      %dma_start3A_527 = arith.constant 0 : i32
      %dma_start3A_528 = tpu.memref_slice %arg9[%dma_start3A_526, %dma_start3A_527] : memref<6x128xi32, #tpu.memory_space<vmem>> -> memref<1x128xi32, #tpu.memory_space<vmem>>
      %dma_start3A_529 = tpu.memref_squeeze %dma_start3A_528 : memref<1x128xi32, #tpu.memory_space<vmem>> -> memref<128xi32, #tpu.memory_space<vmem>>
      %dma_start3A_530 = arith.constant 0 : i32
      %dma_start3A_531 = arith.constant 0 : i32
      %dma_start3A_532 = tpu.memref_slice %arg4[%dma_start3A_530, %dma_start3A_531] : memref<20000x64xf32, #tpu.memory_space<hbm>> -> memref<20000x64xf32, #tpu.memory_space<hbm>>
      tpu.enqueue_indirect_dma source(%dma_start3A_532 : memref<20000x64xf32, #tpu.memory_space<hbm>>) target(%arg13 : memref<128x64xf32, #tpu.memory_space<vmem>>) offsets(%dma_start3A_529 : memref<128xi32, #tpu.memory_space<vmem>>) semaphore(%arg23 : memref<!tpu.dma_semaphore, #tpu.memory_space<semaphore_mem>>)
      %mul3A_533 = arith.constant 12 : i32
      %mul3A_534 = arith.muli %scan3A_247, %mul3A_533 : i32
      %add3A_535 = arith.constant 8 : i32
      %add3A_536 = arith.addi %mul3A_534, %add3A_535 : i32
      %sub3A_537 = arith.constant 5 : i32
      %sub3A_538 = arith.subi %add3A_536, %sub3A_537 : i32
      %dma_wait3A_539 = arith.constant 3 : i32
      %dma_wait3A_540 = arith.constant 0 : i32
      %dma_wait3A_541 = tpu.memref_slice %arg7[%dma_wait3A_539, %dma_wait3A_540] : memref<6x128xi32, #tpu.memory_space<vmem>> -> memref<1x128xi32, #tpu.memory_space<vmem>>
      %dma_wait3A_542 = tpu.memref_squeeze %dma_wait3A_541 : memref<1x128xi32, #tpu.memory_space<vmem>> -> memref<128xi32, #tpu.memory_space<vmem>>
      %dma_wait3A_543 = arith.constant 0 : i32
      %dma_wait3A_544 = arith.constant 0 : i32
      %dma_wait3A_545 = tpu.memref_slice %arg4[%dma_wait3A_543, %dma_wait3A_544] : memref<20000x64xf32, #tpu.memory_space<hbm>> -> memref<20000x64xf32, #tpu.memory_space<hbm>>
      tpu.wait_indirect_dma semaphore(%arg24 : memref<!tpu.dma_semaphore, #tpu.memory_space<semaphore_mem>>) src(%dma_wait3A_545 : memref<20000x64xf32, #tpu.memory_space<hbm>>) dst(%arg14 : memref<128x64xf32, #tpu.memory_space<vmem>>)
      %dma_start3A_546 = arith.constant 3 : i32
      %dma_start3A_547 = arith.constant 0 : i32
      %dma_start3A_548 = tpu.memref_slice %arg8[%dma_start3A_546, %dma_start3A_547] : memref<6x128xi32, #tpu.memory_space<vmem>> -> memref<1x128xi32, #tpu.memory_space<vmem>>
      %dma_start3A_549 = tpu.memref_squeeze %dma_start3A_548 : memref<1x128xi32, #tpu.memory_space<vmem>> -> memref<128xi32, #tpu.memory_space<vmem>>
      %dma_start3A_550 = arith.constant 0 : i32
      %dma_start3A_551 = arith.constant 0 : i32
      %dma_start3A_552 = tpu.memref_slice %arg19[%dma_start3A_550, %dma_start3A_551] : memref<10240x64xf32, #tpu.memory_space<vmem_shared>> -> memref<10240x64xf32, #tpu.memory_space<vmem_shared>>
      tpu.enqueue_indirect_dma source(%arg14 : memref<128x64xf32, #tpu.memory_space<vmem>>) target(%dma_start3A_552 : memref<10240x64xf32, #tpu.memory_space<vmem_shared>>) offsets(%dma_start3A_549 : memref<128xi32, #tpu.memory_space<vmem>>) semaphore(%arg30 : memref<!tpu.dma_semaphore, #tpu.memory_space<semaphore_mem>>) {add = true}
      %eq3A_553 = arith.constant 0 : i32
      %eq3A_554 = arith.cmpi eq, %arg0, %eq3A_553 : i32
      %lt3A_555 = arith.constant 78 : i32
      %lt3A_556 = arith.cmpi slt, %sub3A_538, %lt3A_555 : i32
      %and3A_557 = arith.andi %eq3A_554, %lt3A_556 : i1
      %ne3A_558 = arith.constant 0 : i32
      %ne3A_559 = arith.cmpi ne, %arg0, %ne3A_558 : i32
      %ge3A_560 = arith.constant 78 : i32
      %ge3A_561 = arith.cmpi sge, %sub3A_538, %ge3A_560 : i32
      %and3A_562 = arith.andi %ne3A_559, %ge3A_561 : i1
      %or3A_563 = arith.ori %and3A_557, %and3A_562 : i1
      %convert_element_type3A_564 = arith.extui %or3A_563 : i1 to i32
      %cond3A_565 = arith.constant 3 : i32
      %cond3A_566 = arith.constant 0 : i32
      %cond3A_567 = arith.cmpi ne, %convert_element_type3A_564, %cond3A_566 : i32
      scf.if %cond3A_567 {
        "tpu.region"() ({
          %run_scoped3A = tpu.sem_alloc : memref<!tpu.dma_semaphore, #tpu.memory_space<semaphore_mem>>
          %dma_start3A_716 = arith.constant 0 : i32
          %dma_start3A_717 = tpu.memref_slice %arg8[%cond3A_565, %dma_start3A_716] : memref<6x128xi32, #tpu.memory_space<vmem>> -> memref<1x128xi32, #tpu.memory_space<vmem>>
          %dma_start3A_718 = tpu.memref_squeeze %dma_start3A_717 : memref<1x128xi32, #tpu.memory_space<vmem>> -> memref<128xi32, #tpu.memory_space<vmem>>
          %dma_start3A_719 = arith.constant 0 : i32
          %dma_start3A_720 = arith.constant 0 : i32
          %dma_start3A_721 = tpu.memref_slice %arg20[%dma_start3A_719, %dma_start3A_720] : memref<10240x16xf32, #tpu.memory_space<vmem_shared>> -> memref<10240x16xf32, #tpu.memory_space<vmem_shared>>
          tpu.enqueue_indirect_dma source(%arg17 : memref<128x16xf32, #tpu.memory_space<vmem>>) target(%dma_start3A_721 : memref<10240x16xf32, #tpu.memory_space<vmem_shared>>) offsets(%dma_start3A_718 : memref<128xi32, #tpu.memory_space<vmem>>) semaphore(%run_scoped3A : memref<!tpu.dma_semaphore, #tpu.memory_space<semaphore_mem>>) {add = true}
          %dma_wait3A_722 = arith.constant 0 : i32
          %dma_wait3A_723 = tpu.memref_slice %arg8[%cond3A_565, %dma_wait3A_722] : memref<6x128xi32, #tpu.memory_space<vmem>> -> memref<1x128xi32, #tpu.memory_space<vmem>>
          %dma_wait3A_724 = tpu.memref_squeeze %dma_wait3A_723 : memref<1x128xi32, #tpu.memory_space<vmem>> -> memref<128xi32, #tpu.memory_space<vmem>>
          %dma_wait3A_725 = arith.constant 0 : i32
          %dma_wait3A_726 = arith.constant 0 : i32
          %dma_wait3A_727 = tpu.memref_slice %arg20[%dma_wait3A_725, %dma_wait3A_726] : memref<10240x16xf32, #tpu.memory_space<vmem_shared>> -> memref<10240x16xf32, #tpu.memory_space<vmem_shared>>
          tpu.wait_indirect_dma semaphore(%run_scoped3A : memref<!tpu.dma_semaphore, #tpu.memory_space<semaphore_mem>>) src(%arg17 : memref<128x16xf32, #tpu.memory_space<vmem>>) dst(%dma_wait3A_727 : memref<10240x16xf32, #tpu.memory_space<vmem_shared>>)
          tpu.yield
        }) : () -> ()
      } else {
      }
      %dma_wait3A_568 = arith.constant 3 : i32
      %dma_wait3A_569 = arith.constant 0 : i32
      %dma_wait3A_570 = tpu.memref_slice %arg8[%dma_wait3A_568, %dma_wait3A_569] : memref<6x128xi32, #tpu.memory_space<vmem>> -> memref<1x128xi32, #tpu.memory_space<vmem>>
      %dma_wait3A_571 = tpu.memref_squeeze %dma_wait3A_570 : memref<1x128xi32, #tpu.memory_space<vmem>> -> memref<128xi32, #tpu.memory_space<vmem>>
      %dma_wait3A_572 = arith.constant 0 : i32
      %dma_wait3A_573 = arith.constant 0 : i32
      %dma_wait3A_574 = tpu.memref_slice %arg19[%dma_wait3A_572, %dma_wait3A_573] : memref<10240x64xf32, #tpu.memory_space<vmem_shared>> -> memref<10240x64xf32, #tpu.memory_space<vmem_shared>>
      tpu.wait_indirect_dma semaphore(%arg30 : memref<!tpu.dma_semaphore, #tpu.memory_space<semaphore_mem>>) src(%arg14 : memref<128x64xf32, #tpu.memory_space<vmem>>) dst(%dma_wait3A_574 : memref<10240x64xf32, #tpu.memory_space<vmem_shared>>)
      %dma_start3A_575 = arith.constant 3 : i32
      %dma_start3A_576 = arith.constant 0 : i32
      %dma_start3A_577 = tpu.memref_slice %arg9[%dma_start3A_575, %dma_start3A_576] : memref<6x128xi32, #tpu.memory_space<vmem>> -> memref<1x128xi32, #tpu.memory_space<vmem>>
      %dma_start3A_578 = tpu.memref_squeeze %dma_start3A_577 : memref<1x128xi32, #tpu.memory_space<vmem>> -> memref<128xi32, #tpu.memory_space<vmem>>
      %dma_start3A_579 = arith.constant 0 : i32
      %dma_start3A_580 = arith.constant 0 : i32
      %dma_start3A_581 = tpu.memref_slice %arg4[%dma_start3A_579, %dma_start3A_580] : memref<20000x64xf32, #tpu.memory_space<hbm>> -> memref<20000x64xf32, #tpu.memory_space<hbm>>
      tpu.enqueue_indirect_dma source(%dma_start3A_581 : memref<20000x64xf32, #tpu.memory_space<hbm>>) target(%arg14 : memref<128x64xf32, #tpu.memory_space<vmem>>) offsets(%dma_start3A_578 : memref<128xi32, #tpu.memory_space<vmem>>) semaphore(%arg24 : memref<!tpu.dma_semaphore, #tpu.memory_space<semaphore_mem>>)
      %mul3A_582 = arith.constant 12 : i32
      %mul3A_583 = arith.muli %scan3A_247, %mul3A_582 : i32
      %add3A_584 = arith.constant 9 : i32
      %add3A_585 = arith.addi %mul3A_583, %add3A_584 : i32
      %sub3A_586 = arith.constant 5 : i32
      %sub3A_587 = arith.subi %add3A_585, %sub3A_586 : i32
      %dma_wait3A_588 = arith.constant 4 : i32
      %dma_wait3A_589 = arith.constant 0 : i32
      %dma_wait3A_590 = tpu.memref_slice %arg7[%dma_wait3A_588, %dma_wait3A_589] : memref<6x128xi32, #tpu.memory_space<vmem>> -> memref<1x128xi32, #tpu.memory_space<vmem>>
      %dma_wait3A_591 = tpu.memref_squeeze %dma_wait3A_590 : memref<1x128xi32, #tpu.memory_space<vmem>> -> memref<128xi32, #tpu.memory_space<vmem>>
      %dma_wait3A_592 = arith.constant 0 : i32
      %dma_wait3A_593 = arith.constant 0 : i32
      %dma_wait3A_594 = tpu.memref_slice %arg4[%dma_wait3A_592, %dma_wait3A_593] : memref<20000x64xf32, #tpu.memory_space<hbm>> -> memref<20000x64xf32, #tpu.memory_space<hbm>>
      tpu.wait_indirect_dma semaphore(%arg25 : memref<!tpu.dma_semaphore, #tpu.memory_space<semaphore_mem>>) src(%dma_wait3A_594 : memref<20000x64xf32, #tpu.memory_space<hbm>>) dst(%arg15 : memref<128x64xf32, #tpu.memory_space<vmem>>)
      %dma_start3A_595 = arith.constant 4 : i32
      %dma_start3A_596 = arith.constant 0 : i32
      %dma_start3A_597 = tpu.memref_slice %arg8[%dma_start3A_595, %dma_start3A_596] : memref<6x128xi32, #tpu.memory_space<vmem>> -> memref<1x128xi32, #tpu.memory_space<vmem>>
      %dma_start3A_598 = tpu.memref_squeeze %dma_start3A_597 : memref<1x128xi32, #tpu.memory_space<vmem>> -> memref<128xi32, #tpu.memory_space<vmem>>
      %dma_start3A_599 = arith.constant 0 : i32
      %dma_start3A_600 = arith.constant 0 : i32
      %dma_start3A_601 = tpu.memref_slice %arg19[%dma_start3A_599, %dma_start3A_600] : memref<10240x64xf32, #tpu.memory_space<vmem_shared>> -> memref<10240x64xf32, #tpu.memory_space<vmem_shared>>
      tpu.enqueue_indirect_dma source(%arg15 : memref<128x64xf32, #tpu.memory_space<vmem>>) target(%dma_start3A_601 : memref<10240x64xf32, #tpu.memory_space<vmem_shared>>) offsets(%dma_start3A_598 : memref<128xi32, #tpu.memory_space<vmem>>) semaphore(%arg31 : memref<!tpu.dma_semaphore, #tpu.memory_space<semaphore_mem>>) {add = true}
      %eq3A_602 = arith.constant 0 : i32
      %eq3A_603 = arith.cmpi eq, %arg0, %eq3A_602 : i32
      %lt3A_604 = arith.constant 78 : i32
      %lt3A_605 = arith.cmpi slt, %sub3A_587, %lt3A_604 : i32
      %and3A_606 = arith.andi %eq3A_603, %lt3A_605 : i1
      %ne3A_607 = arith.constant 0 : i32
      %ne3A_608 = arith.cmpi ne, %arg0, %ne3A_607 : i32
      %ge3A_609 = arith.constant 78 : i32
      %ge3A_610 = arith.cmpi sge, %sub3A_587, %ge3A_609 : i32
      %and3A_611 = arith.andi %ne3A_608, %ge3A_610 : i1
      %or3A_612 = arith.ori %and3A_606, %and3A_611 : i1
      %convert_element_type3A_613 = arith.extui %or3A_612 : i1 to i32
      %cond3A_614 = arith.constant 4 : i32
      %cond3A_615 = arith.constant 0 : i32
      %cond3A_616 = arith.cmpi ne, %convert_element_type3A_613, %cond3A_615 : i32
      scf.if %cond3A_616 {
        "tpu.region"() ({
          %run_scoped3A = tpu.sem_alloc : memref<!tpu.dma_semaphore, #tpu.memory_space<semaphore_mem>>
          %dma_start3A_716 = arith.constant 0 : i32
          %dma_start3A_717 = tpu.memref_slice %arg8[%cond3A_614, %dma_start3A_716] : memref<6x128xi32, #tpu.memory_space<vmem>> -> memref<1x128xi32, #tpu.memory_space<vmem>>
          %dma_start3A_718 = tpu.memref_squeeze %dma_start3A_717 : memref<1x128xi32, #tpu.memory_space<vmem>> -> memref<128xi32, #tpu.memory_space<vmem>>
          %dma_start3A_719 = arith.constant 0 : i32
          %dma_start3A_720 = arith.constant 0 : i32
          %dma_start3A_721 = tpu.memref_slice %arg20[%dma_start3A_719, %dma_start3A_720] : memref<10240x16xf32, #tpu.memory_space<vmem_shared>> -> memref<10240x16xf32, #tpu.memory_space<vmem_shared>>
          tpu.enqueue_indirect_dma source(%arg17 : memref<128x16xf32, #tpu.memory_space<vmem>>) target(%dma_start3A_721 : memref<10240x16xf32, #tpu.memory_space<vmem_shared>>) offsets(%dma_start3A_718 : memref<128xi32, #tpu.memory_space<vmem>>) semaphore(%run_scoped3A : memref<!tpu.dma_semaphore, #tpu.memory_space<semaphore_mem>>) {add = true}
          %dma_wait3A_722 = arith.constant 0 : i32
          %dma_wait3A_723 = tpu.memref_slice %arg8[%cond3A_614, %dma_wait3A_722] : memref<6x128xi32, #tpu.memory_space<vmem>> -> memref<1x128xi32, #tpu.memory_space<vmem>>
          %dma_wait3A_724 = tpu.memref_squeeze %dma_wait3A_723 : memref<1x128xi32, #tpu.memory_space<vmem>> -> memref<128xi32, #tpu.memory_space<vmem>>
          %dma_wait3A_725 = arith.constant 0 : i32
          %dma_wait3A_726 = arith.constant 0 : i32
          %dma_wait3A_727 = tpu.memref_slice %arg20[%dma_wait3A_725, %dma_wait3A_726] : memref<10240x16xf32, #tpu.memory_space<vmem_shared>> -> memref<10240x16xf32, #tpu.memory_space<vmem_shared>>
          tpu.wait_indirect_dma semaphore(%run_scoped3A : memref<!tpu.dma_semaphore, #tpu.memory_space<semaphore_mem>>) src(%arg17 : memref<128x16xf32, #tpu.memory_space<vmem>>) dst(%dma_wait3A_727 : memref<10240x16xf32, #tpu.memory_space<vmem_shared>>)
          tpu.yield
        }) : () -> ()
      } else {
      }
      %dma_wait3A_617 = arith.constant 4 : i32
      %dma_wait3A_618 = arith.constant 0 : i32
      %dma_wait3A_619 = tpu.memref_slice %arg8[%dma_wait3A_617, %dma_wait3A_618] : memref<6x128xi32, #tpu.memory_space<vmem>> -> memref<1x128xi32, #tpu.memory_space<vmem>>
      %dma_wait3A_620 = tpu.memref_squeeze %dma_wait3A_619 : memref<1x128xi32, #tpu.memory_space<vmem>> -> memref<128xi32, #tpu.memory_space<vmem>>
      %dma_wait3A_621 = arith.constant 0 : i32
      %dma_wait3A_622 = arith.constant 0 : i32
      %dma_wait3A_623 = tpu.memref_slice %arg19[%dma_wait3A_621, %dma_wait3A_622] : memref<10240x64xf32, #tpu.memory_space<vmem_shared>> -> memref<10240x64xf32, #tpu.memory_space<vmem_shared>>
      tpu.wait_indirect_dma semaphore(%arg31 : memref<!tpu.dma_semaphore, #tpu.memory_space<semaphore_mem>>) src(%arg15 : memref<128x64xf32, #tpu.memory_space<vmem>>) dst(%dma_wait3A_623 : memref<10240x64xf32, #tpu.memory_space<vmem_shared>>)
      %dma_start3A_624 = arith.constant 4 : i32
      %dma_start3A_625 = arith.constant 0 : i32
      %dma_start3A_626 = tpu.memref_slice %arg9[%dma_start3A_624, %dma_start3A_625] : memref<6x128xi32, #tpu.memory_space<vmem>> -> memref<1x128xi32, #tpu.memory_space<vmem>>
      %dma_start3A_627 = tpu.memref_squeeze %dma_start3A_626 : memref<1x128xi32, #tpu.memory_space<vmem>> -> memref<128xi32, #tpu.memory_space<vmem>>
      %dma_start3A_628 = arith.constant 0 : i32
      %dma_start3A_629 = arith.constant 0 : i32
      %dma_start3A_630 = tpu.memref_slice %arg4[%dma_start3A_628, %dma_start3A_629] : memref<20000x64xf32, #tpu.memory_space<hbm>> -> memref<20000x64xf32, #tpu.memory_space<hbm>>
      tpu.enqueue_indirect_dma source(%dma_start3A_630 : memref<20000x64xf32, #tpu.memory_space<hbm>>) target(%arg15 : memref<128x64xf32, #tpu.memory_space<vmem>>) offsets(%dma_start3A_627 : memref<128xi32, #tpu.memory_space<vmem>>) semaphore(%arg25 : memref<!tpu.dma_semaphore, #tpu.memory_space<semaphore_mem>>)
      %mul3A_631 = arith.constant 12 : i32
      %mul3A_632 = arith.muli %scan3A_247, %mul3A_631 : i32
      %add3A_633 = arith.constant 10 : i32
      %add3A_634 = arith.addi %mul3A_632, %add3A_633 : i32
      %sub3A_635 = arith.constant 5 : i32
      %sub3A_636 = arith.subi %add3A_634, %sub3A_635 : i32
      %dma_wait3A_637 = arith.constant 5 : i32
      %dma_wait3A_638 = arith.constant 0 : i32
      %dma_wait3A_639 = tpu.memref_slice %arg7[%dma_wait3A_637, %dma_wait3A_638] : memref<6x128xi32, #tpu.memory_space<vmem>> -> memref<1x128xi32, #tpu.memory_space<vmem>>
      %dma_wait3A_640 = tpu.memref_squeeze %dma_wait3A_639 : memref<1x128xi32, #tpu.memory_space<vmem>> -> memref<128xi32, #tpu.memory_space<vmem>>
      %dma_wait3A_641 = arith.constant 0 : i32
      %dma_wait3A_642 = arith.constant 0 : i32
      %dma_wait3A_643 = tpu.memref_slice %arg4[%dma_wait3A_641, %dma_wait3A_642] : memref<20000x64xf32, #tpu.memory_space<hbm>> -> memref<20000x64xf32, #tpu.memory_space<hbm>>
      tpu.wait_indirect_dma semaphore(%arg26 : memref<!tpu.dma_semaphore, #tpu.memory_space<semaphore_mem>>) src(%dma_wait3A_643 : memref<20000x64xf32, #tpu.memory_space<hbm>>) dst(%arg16 : memref<128x64xf32, #tpu.memory_space<vmem>>)
      %dma_start3A_644 = arith.constant 5 : i32
      %dma_start3A_645 = arith.constant 0 : i32
      %dma_start3A_646 = tpu.memref_slice %arg8[%dma_start3A_644, %dma_start3A_645] : memref<6x128xi32, #tpu.memory_space<vmem>> -> memref<1x128xi32, #tpu.memory_space<vmem>>
      %dma_start3A_647 = tpu.memref_squeeze %dma_start3A_646 : memref<1x128xi32, #tpu.memory_space<vmem>> -> memref<128xi32, #tpu.memory_space<vmem>>
      %dma_start3A_648 = arith.constant 0 : i32
      %dma_start3A_649 = arith.constant 0 : i32
      %dma_start3A_650 = tpu.memref_slice %arg19[%dma_start3A_648, %dma_start3A_649] : memref<10240x64xf32, #tpu.memory_space<vmem_shared>> -> memref<10240x64xf32, #tpu.memory_space<vmem_shared>>
      tpu.enqueue_indirect_dma source(%arg16 : memref<128x64xf32, #tpu.memory_space<vmem>>) target(%dma_start3A_650 : memref<10240x64xf32, #tpu.memory_space<vmem_shared>>) offsets(%dma_start3A_647 : memref<128xi32, #tpu.memory_space<vmem>>) semaphore(%arg32 : memref<!tpu.dma_semaphore, #tpu.memory_space<semaphore_mem>>) {add = true}
      %eq3A_651 = arith.constant 0 : i32
      %eq3A_652 = arith.cmpi eq, %arg0, %eq3A_651 : i32
      %lt3A_653 = arith.constant 78 : i32
      %lt3A_654 = arith.cmpi slt, %sub3A_636, %lt3A_653 : i32
      %and3A_655 = arith.andi %eq3A_652, %lt3A_654 : i1
      %ne3A_656 = arith.constant 0 : i32
      %ne3A_657 = arith.cmpi ne, %arg0, %ne3A_656 : i32
      %ge3A_658 = arith.constant 78 : i32
      %ge3A_659 = arith.cmpi sge, %sub3A_636, %ge3A_658 : i32
      %and3A_660 = arith.andi %ne3A_657, %ge3A_659 : i1
      %or3A_661 = arith.ori %and3A_655, %and3A_660 : i1
      %convert_element_type3A_662 = arith.extui %or3A_661 : i1 to i32
      %cond3A_663 = arith.constant 5 : i32
      %cond3A_664 = arith.constant 0 : i32
      %cond3A_665 = arith.cmpi ne, %convert_element_type3A_662, %cond3A_664 : i32
      scf.if %cond3A_665 {
        "tpu.region"() ({
          %run_scoped3A = tpu.sem_alloc : memref<!tpu.dma_semaphore, #tpu.memory_space<semaphore_mem>>
          %dma_start3A_716 = arith.constant 0 : i32
          %dma_start3A_717 = tpu.memref_slice %arg8[%cond3A_663, %dma_start3A_716] : memref<6x128xi32, #tpu.memory_space<vmem>> -> memref<1x128xi32, #tpu.memory_space<vmem>>
          %dma_start3A_718 = tpu.memref_squeeze %dma_start3A_717 : memref<1x128xi32, #tpu.memory_space<vmem>> -> memref<128xi32, #tpu.memory_space<vmem>>
          %dma_start3A_719 = arith.constant 0 : i32
          %dma_start3A_720 = arith.constant 0 : i32
          %dma_start3A_721 = tpu.memref_slice %arg20[%dma_start3A_719, %dma_start3A_720] : memref<10240x16xf32, #tpu.memory_space<vmem_shared>> -> memref<10240x16xf32, #tpu.memory_space<vmem_shared>>
          tpu.enqueue_indirect_dma source(%arg17 : memref<128x16xf32, #tpu.memory_space<vmem>>) target(%dma_start3A_721 : memref<10240x16xf32, #tpu.memory_space<vmem_shared>>) offsets(%dma_start3A_718 : memref<128xi32, #tpu.memory_space<vmem>>) semaphore(%run_scoped3A : memref<!tpu.dma_semaphore, #tpu.memory_space<semaphore_mem>>) {add = true}
          %dma_wait3A_722 = arith.constant 0 : i32
          %dma_wait3A_723 = tpu.memref_slice %arg8[%cond3A_663, %dma_wait3A_722] : memref<6x128xi32, #tpu.memory_space<vmem>> -> memref<1x128xi32, #tpu.memory_space<vmem>>
          %dma_wait3A_724 = tpu.memref_squeeze %dma_wait3A_723 : memref<1x128xi32, #tpu.memory_space<vmem>> -> memref<128xi32, #tpu.memory_space<vmem>>
          %dma_wait3A_725 = arith.constant 0 : i32
          %dma_wait3A_726 = arith.constant 0 : i32
          %dma_wait3A_727 = tpu.memref_slice %arg20[%dma_wait3A_725, %dma_wait3A_726] : memref<10240x16xf32, #tpu.memory_space<vmem_shared>> -> memref<10240x16xf32, #tpu.memory_space<vmem_shared>>
          tpu.wait_indirect_dma semaphore(%run_scoped3A : memref<!tpu.dma_semaphore, #tpu.memory_space<semaphore_mem>>) src(%arg17 : memref<128x16xf32, #tpu.memory_space<vmem>>) dst(%dma_wait3A_727 : memref<10240x16xf32, #tpu.memory_space<vmem_shared>>)
          tpu.yield
        }) : () -> ()
      } else {
      }
      %dma_wait3A_666 = arith.constant 5 : i32
      %dma_wait3A_667 = arith.constant 0 : i32
      %dma_wait3A_668 = tpu.memref_slice %arg8[%dma_wait3A_666, %dma_wait3A_667] : memref<6x128xi32, #tpu.memory_space<vmem>> -> memref<1x128xi32, #tpu.memory_space<vmem>>
      %dma_wait3A_669 = tpu.memref_squeeze %dma_wait3A_668 : memref<1x128xi32, #tpu.memory_space<vmem>> -> memref<128xi32, #tpu.memory_space<vmem>>
      %dma_wait3A_670 = arith.constant 0 : i32
      %dma_wait3A_671 = arith.constant 0 : i32
      %dma_wait3A_672 = tpu.memref_slice %arg19[%dma_wait3A_670, %dma_wait3A_671] : memref<10240x64xf32, #tpu.memory_space<vmem_shared>> -> memref<10240x64xf32, #tpu.memory_space<vmem_shared>>
      tpu.wait_indirect_dma semaphore(%arg32 : memref<!tpu.dma_semaphore, #tpu.memory_space<semaphore_mem>>) src(%arg16 : memref<128x64xf32, #tpu.memory_space<vmem>>) dst(%dma_wait3A_672 : memref<10240x64xf32, #tpu.memory_space<vmem_shared>>)
      %dma_start3A_673 = arith.constant 5 : i32
      %dma_start3A_674 = arith.constant 0 : i32
      %dma_start3A_675 = tpu.memref_slice %arg9[%dma_start3A_673, %dma_start3A_674] : memref<6x128xi32, #tpu.memory_space<vmem>> -> memref<1x128xi32, #tpu.memory_space<vmem>>
      %dma_start3A_676 = tpu.memref_squeeze %dma_start3A_675 : memref<1x128xi32, #tpu.memory_space<vmem>> -> memref<128xi32, #tpu.memory_space<vmem>>
      %dma_start3A_677 = arith.constant 0 : i32
      %dma_start3A_678 = arith.constant 0 : i32
      %dma_start3A_679 = tpu.memref_slice %arg4[%dma_start3A_677, %dma_start3A_678] : memref<20000x64xf32, #tpu.memory_space<hbm>> -> memref<20000x64xf32, #tpu.memory_space<hbm>>
      tpu.enqueue_indirect_dma source(%dma_start3A_679 : memref<20000x64xf32, #tpu.memory_space<hbm>>) target(%arg16 : memref<128x64xf32, #tpu.memory_space<vmem>>) offsets(%dma_start3A_676 : memref<128xi32, #tpu.memory_space<vmem>>) semaphore(%arg26 : memref<!tpu.dma_semaphore, #tpu.memory_space<semaphore_mem>>)
      %mul3A_680 = arith.constant 12 : i32
      %mul3A_681 = arith.muli %scan3A_247, %mul3A_680 : i32
      %add3A_682 = arith.constant 11 : i32
      %add3A_683 = arith.addi %mul3A_681, %add3A_682 : i32
      %sub3A_684 = arith.constant 5 : i32
      %sub3A_685 = arith.subi %add3A_683, %sub3A_684 : i32
      %dma_wait3A_686 = arith.constant 0 : i32
      %dma_wait3A_687 = arith.constant 0 : i32
      %dma_wait3A_688 = tpu.memref_slice %arg9[%dma_wait3A_686, %dma_wait3A_687] : memref<6x128xi32, #tpu.memory_space<vmem>> -> memref<1x128xi32, #tpu.memory_space<vmem>>
      %dma_wait3A_689 = tpu.memref_squeeze %dma_wait3A_688 : memref<1x128xi32, #tpu.memory_space<vmem>> -> memref<128xi32, #tpu.memory_space<vmem>>
      %dma_wait3A_690 = arith.constant 0 : i32
      %dma_wait3A_691 = arith.constant 0 : i32
      %dma_wait3A_692 = tpu.memref_slice %arg4[%dma_wait3A_690, %dma_wait3A_691] : memref<20000x64xf32, #tpu.memory_space<hbm>> -> memref<20000x64xf32, #tpu.memory_space<hbm>>
      tpu.wait_indirect_dma semaphore(%arg21 : memref<!tpu.dma_semaphore, #tpu.memory_space<semaphore_mem>>) src(%dma_wait3A_692 : memref<20000x64xf32, #tpu.memory_space<hbm>>) dst(%arg11 : memref<128x64xf32, #tpu.memory_space<vmem>>)
      %dma_start3A_693 = arith.constant 0 : i32
      %dma_start3A_694 = arith.constant 0 : i32
      %dma_start3A_695 = tpu.memref_slice %arg10[%dma_start3A_693, %dma_start3A_694] : memref<6x128xi32, #tpu.memory_space<vmem>> -> memref<1x128xi32, #tpu.memory_space<vmem>>
      %dma_start3A_696 = tpu.memref_squeeze %dma_start3A_695 : memref<1x128xi32, #tpu.memory_space<vmem>> -> memref<128xi32, #tpu.memory_space<vmem>>
      %dma_start3A_697 = arith.constant 0 : i32
      %dma_start3A_698 = arith.constant 0 : i32
      %dma_start3A_699 = tpu.memref_slice %arg19[%dma_start3A_697, %dma_start3A_698] : memref<10240x64xf32, #tpu.memory_space<vmem_shared>> -> memref<10240x64xf32, #tpu.memory_space<vmem_shared>>
      tpu.enqueue_indirect_dma source(%arg11 : memref<128x64xf32, #tpu.memory_space<vmem>>) target(%dma_start3A_699 : memref<10240x64xf32, #tpu.memory_space<vmem_shared>>) offsets(%dma_start3A_696 : memref<128xi32, #tpu.memory_space<vmem>>) semaphore(%arg27 : memref<!tpu.dma_semaphore, #tpu.memory_space<semaphore_mem>>) {add = true}
      %eq3A_700 = arith.constant 0 : i32
      %eq3A_701 = arith.cmpi eq, %arg0, %eq3A_700 : i32
      %lt3A_702 = arith.constant 78 : i32
      %lt3A_703 = arith.cmpi slt, %sub3A_685, %lt3A_702 : i32
      %and3A_704 = arith.andi %eq3A_701, %lt3A_703 : i1
      %ne3A_705 = arith.constant 0 : i32
      %ne3A_706 = arith.cmpi ne, %arg0, %ne3A_705 : i32
      %ge3A_707 = arith.constant 78 : i32
      %ge3A_708 = arith.cmpi sge, %sub3A_685, %ge3A_707 : i32
      %and3A_709 = arith.andi %ne3A_706, %ge3A_708 : i1
      %or3A_710 = arith.ori %and3A_704, %and3A_709 : i1
      %convert_element_type3A_711 = arith.extui %or3A_710 : i1 to i32
      %cond3A_712 = arith.constant 0 : i32
      %cond3A_713 = arith.constant 0 : i32
      %cond3A_714 = arith.cmpi ne, %convert_element_type3A_711, %cond3A_713 : i32
      scf.if %cond3A_714 {
        "tpu.region"() ({
          %run_scoped3A = tpu.sem_alloc : memref<!tpu.dma_semaphore, #tpu.memory_space<semaphore_mem>>
          %dma_start3A_716 = arith.constant 0 : i32
          %dma_start3A_717 = tpu.memref_slice %arg10[%cond3A_712, %dma_start3A_716] : memref<6x128xi32, #tpu.memory_space<vmem>> -> memref<1x128xi32, #tpu.memory_space<vmem>>
          %dma_start3A_718 = tpu.memref_squeeze %dma_start3A_717 : memref<1x128xi32, #tpu.memory_space<vmem>> -> memref<128xi32, #tpu.memory_space<vmem>>
          %dma_start3A_719 = arith.constant 0 : i32
          %dma_start3A_720 = arith.constant 0 : i32
          %dma_start3A_721 = tpu.memref_slice %arg20[%dma_start3A_719, %dma_start3A_720] : memref<10240x16xf32, #tpu.memory_space<vmem_shared>> -> memref<10240x16xf32, #tpu.memory_space<vmem_shared>>
          tpu.enqueue_indirect_dma source(%arg17 : memref<128x16xf32, #tpu.memory_space<vmem>>) target(%dma_start3A_721 : memref<10240x16xf32, #tpu.memory_space<vmem_shared>>) offsets(%dma_start3A_718 : memref<128xi32, #tpu.memory_space<vmem>>) semaphore(%run_scoped3A : memref<!tpu.dma_semaphore, #tpu.memory_space<semaphore_mem>>) {add = true}
          %dma_wait3A_722 = arith.constant 0 : i32
          %dma_wait3A_723 = tpu.memref_slice %arg10[%cond3A_712, %dma_wait3A_722] : memref<6x128xi32, #tpu.memory_space<vmem>> -> memref<1x128xi32, #tpu.memory_space<vmem>>
          %dma_wait3A_724 = tpu.memref_squeeze %dma_wait3A_723 : memref<1x128xi32, #tpu.memory_space<vmem>> -> memref<128xi32, #tpu.memory_space<vmem>>
          %dma_wait3A_725 = arith.constant 0 : i32
          %dma_wait3A_726 = arith.constant 0 : i32
          %dma_wait3A_727 = tpu.memref_slice %arg20[%dma_wait3A_725, %dma_wait3A_726] : memref<10240x16xf32, #tpu.memory_space<vmem_shared>> -> memref<10240x16xf32, #tpu.memory_space<vmem_shared>>
          tpu.wait_indirect_dma semaphore(%run_scoped3A : memref<!tpu.dma_semaphore, #tpu.memory_space<semaphore_mem>>) src(%arg17 : memref<128x16xf32, #tpu.memory_space<vmem>>) dst(%dma_wait3A_727 : memref<10240x16xf32, #tpu.memory_space<vmem_shared>>)
          tpu.yield
        }) : () -> ()
      } else {
      }
      %scan3A_715 = arith.constant 0 : i32
      scf.yield %scan3A_715 : i32
    }
    %scan3A_48 = arith.constant 13 : i32
    %dma_wait3A = arith.constant 1 : i32
    %dma_wait3A_49 = arith.constant 0 : i32
    %dma_wait3A_50 = tpu.memref_slice %arg9[%dma_wait3A, %dma_wait3A_49] : memref<6x128xi32, #tpu.memory_space<vmem>> -> memref<1x128xi32, #tpu.memory_space<vmem>>
    %dma_wait3A_51 = tpu.memref_squeeze %dma_wait3A_50 : memref<1x128xi32, #tpu.memory_space<vmem>> -> memref<128xi32, #tpu.memory_space<vmem>>
    %dma_wait3A_52 = arith.constant 0 : i32
    %dma_wait3A_53 = arith.constant 0 : i32
    %dma_wait3A_54 = tpu.memref_slice %arg4[%dma_wait3A_52, %dma_wait3A_53] : memref<20000x64xf32, #tpu.memory_space<hbm>> -> memref<20000x64xf32, #tpu.memory_space<hbm>>
    tpu.wait_indirect_dma semaphore(%arg22 : memref<!tpu.dma_semaphore, #tpu.memory_space<semaphore_mem>>) src(%dma_wait3A_54 : memref<20000x64xf32, #tpu.memory_space<hbm>>) dst(%arg12 : memref<128x64xf32, #tpu.memory_space<vmem>>)
    %dma_start3A = arith.constant 1 : i32
    %dma_start3A_55 = arith.constant 0 : i32
    %dma_start3A_56 = tpu.memref_slice %arg10[%dma_start3A, %dma_start3A_55] : memref<6x128xi32, #tpu.memory_space<vmem>> -> memref<1x128xi32, #tpu.memory_space<vmem>>
    %dma_start3A_57 = tpu.memref_squeeze %dma_start3A_56 : memref<1x128xi32, #tpu.memory_space<vmem>> -> memref<128xi32, #tpu.memory_space<vmem>>
    %dma_start3A_58 = arith.constant 0 : i32
    %dma_start3A_59 = arith.constant 0 : i32
    %dma_start3A_60 = tpu.memref_slice %arg19[%dma_start3A_58, %dma_start3A_59] : memref<10240x64xf32, #tpu.memory_space<vmem_shared>> -> memref<10240x64xf32, #tpu.memory_space<vmem_shared>>
    tpu.enqueue_indirect_dma source(%arg12 : memref<128x64xf32, #tpu.memory_space<vmem>>) target(%dma_start3A_60 : memref<10240x64xf32, #tpu.memory_space<vmem_shared>>) offsets(%dma_start3A_57 : memref<128xi32, #tpu.memory_space<vmem>>) semaphore(%arg28 : memref<!tpu.dma_semaphore, #tpu.memory_space<semaphore_mem>>) {add = true}
    %eq3A = arith.constant 0 : i32
    %eq3A_61 = arith.cmpi eq, %arg0, %eq3A : i32
    %and3A = arith.constant false
    %and3A_62 = arith.andi %eq3A_61, %and3A : i1
    %ne3A = arith.constant 0 : i32
    %ne3A_63 = arith.cmpi ne, %arg0, %ne3A : i32
    %and3A_64 = arith.constant true
    %and3A_65 = arith.andi %ne3A_63, %and3A_64 : i1
    %or3A = arith.ori %and3A_62, %and3A_65 : i1
    %convert_element_type3A = arith.extui %or3A : i1 to i32
    %cond3A = arith.constant 1 : i32
    %cond3A_66 = arith.constant 0 : i32
    %cond3A_67 = arith.cmpi ne, %convert_element_type3A, %cond3A_66 : i32
    scf.if %cond3A_67 {
      "tpu.region"() ({
        %run_scoped3A = tpu.sem_alloc : memref<!tpu.dma_semaphore, #tpu.memory_space<semaphore_mem>>
        %dma_start3A_247 = arith.constant 0 : i32
        %dma_start3A_248 = tpu.memref_slice %arg10[%cond3A, %dma_start3A_247] : memref<6x128xi32, #tpu.memory_space<vmem>> -> memref<1x128xi32, #tpu.memory_space<vmem>>
        %dma_start3A_249 = tpu.memref_squeeze %dma_start3A_248 : memref<1x128xi32, #tpu.memory_space<vmem>> -> memref<128xi32, #tpu.memory_space<vmem>>
        %dma_start3A_250 = arith.constant 0 : i32
        %dma_start3A_251 = arith.constant 0 : i32
        %dma_start3A_252 = tpu.memref_slice %arg20[%dma_start3A_250, %dma_start3A_251] : memref<10240x16xf32, #tpu.memory_space<vmem_shared>> -> memref<10240x16xf32, #tpu.memory_space<vmem_shared>>
        tpu.enqueue_indirect_dma source(%arg17 : memref<128x16xf32, #tpu.memory_space<vmem>>) target(%dma_start3A_252 : memref<10240x16xf32, #tpu.memory_space<vmem_shared>>) offsets(%dma_start3A_249 : memref<128xi32, #tpu.memory_space<vmem>>) semaphore(%run_scoped3A : memref<!tpu.dma_semaphore, #tpu.memory_space<semaphore_mem>>) {add = true}
        %dma_wait3A_253 = arith.constant 0 : i32
        %dma_wait3A_254 = tpu.memref_slice %arg10[%cond3A, %dma_wait3A_253] : memref<6x128xi32, #tpu.memory_space<vmem>> -> memref<1x128xi32, #tpu.memory_space<vmem>>
        %dma_wait3A_255 = tpu.memref_squeeze %dma_wait3A_254 : memref<1x128xi32, #tpu.memory_space<vmem>> -> memref<128xi32, #tpu.memory_space<vmem>>
        %dma_wait3A_256 = arith.constant 0 : i32
        %dma_wait3A_257 = arith.constant 0 : i32
        %dma_wait3A_258 = tpu.memref_slice %arg20[%dma_wait3A_256, %dma_wait3A_257] : memref<10240x16xf32, #tpu.memory_space<vmem_shared>> -> memref<10240x16xf32, #tpu.memory_space<vmem_shared>>
        tpu.wait_indirect_dma semaphore(%run_scoped3A : memref<!tpu.dma_semaphore, #tpu.memory_space<semaphore_mem>>) src(%arg17 : memref<128x16xf32, #tpu.memory_space<vmem>>) dst(%dma_wait3A_258 : memref<10240x16xf32, #tpu.memory_space<vmem_shared>>)
        tpu.yield
      }) : () -> ()
    } else {
    }
    %dma_wait3A_68 = arith.constant 2 : i32
    %dma_wait3A_69 = arith.constant 0 : i32
    %dma_wait3A_70 = tpu.memref_slice %arg9[%dma_wait3A_68, %dma_wait3A_69] : memref<6x128xi32, #tpu.memory_space<vmem>> -> memref<1x128xi32, #tpu.memory_space<vmem>>
    %dma_wait3A_71 = tpu.memref_squeeze %dma_wait3A_70 : memref<1x128xi32, #tpu.memory_space<vmem>> -> memref<128xi32, #tpu.memory_space<vmem>>
    %dma_wait3A_72 = arith.constant 0 : i32
    %dma_wait3A_73 = arith.constant 0 : i32
    %dma_wait3A_74 = tpu.memref_slice %arg4[%dma_wait3A_72, %dma_wait3A_73] : memref<20000x64xf32, #tpu.memory_space<hbm>> -> memref<20000x64xf32, #tpu.memory_space<hbm>>
    tpu.wait_indirect_dma semaphore(%arg23 : memref<!tpu.dma_semaphore, #tpu.memory_space<semaphore_mem>>) src(%dma_wait3A_74 : memref<20000x64xf32, #tpu.memory_space<hbm>>) dst(%arg13 : memref<128x64xf32, #tpu.memory_space<vmem>>)
    %dma_start3A_75 = arith.constant 2 : i32
    %dma_start3A_76 = arith.constant 0 : i32
    %dma_start3A_77 = tpu.memref_slice %arg10[%dma_start3A_75, %dma_start3A_76] : memref<6x128xi32, #tpu.memory_space<vmem>> -> memref<1x128xi32, #tpu.memory_space<vmem>>
    %dma_start3A_78 = tpu.memref_squeeze %dma_start3A_77 : memref<1x128xi32, #tpu.memory_space<vmem>> -> memref<128xi32, #tpu.memory_space<vmem>>
    %dma_start3A_79 = arith.constant 0 : i32
    %dma_start3A_80 = arith.constant 0 : i32
    %dma_start3A_81 = tpu.memref_slice %arg19[%dma_start3A_79, %dma_start3A_80] : memref<10240x64xf32, #tpu.memory_space<vmem_shared>> -> memref<10240x64xf32, #tpu.memory_space<vmem_shared>>
    tpu.enqueue_indirect_dma source(%arg13 : memref<128x64xf32, #tpu.memory_space<vmem>>) target(%dma_start3A_81 : memref<10240x64xf32, #tpu.memory_space<vmem_shared>>) offsets(%dma_start3A_78 : memref<128xi32, #tpu.memory_space<vmem>>) semaphore(%arg29 : memref<!tpu.dma_semaphore, #tpu.memory_space<semaphore_mem>>) {add = true}
    %eq3A_82 = arith.constant 0 : i32
    %eq3A_83 = arith.cmpi eq, %arg0, %eq3A_82 : i32
    %and3A_84 = arith.constant false
    %and3A_85 = arith.andi %eq3A_83, %and3A_84 : i1
    %ne3A_86 = arith.constant 0 : i32
    %ne3A_87 = arith.cmpi ne, %arg0, %ne3A_86 : i32
    %and3A_88 = arith.constant true
    %and3A_89 = arith.andi %ne3A_87, %and3A_88 : i1
    %or3A_90 = arith.ori %and3A_85, %and3A_89 : i1
    %convert_element_type3A_91 = arith.extui %or3A_90 : i1 to i32
    %cond3A_92 = arith.constant 2 : i32
    %cond3A_93 = arith.constant 0 : i32
    %cond3A_94 = arith.cmpi ne, %convert_element_type3A_91, %cond3A_93 : i32
    scf.if %cond3A_94 {
      "tpu.region"() ({
        %run_scoped3A = tpu.sem_alloc : memref<!tpu.dma_semaphore, #tpu.memory_space<semaphore_mem>>
        %dma_start3A_247 = arith.constant 0 : i32
        %dma_start3A_248 = tpu.memref_slice %arg10[%cond3A_92, %dma_start3A_247] : memref<6x128xi32, #tpu.memory_space<vmem>> -> memref<1x128xi32, #tpu.memory_space<vmem>>
        %dma_start3A_249 = tpu.memref_squeeze %dma_start3A_248 : memref<1x128xi32, #tpu.memory_space<vmem>> -> memref<128xi32, #tpu.memory_space<vmem>>
        %dma_start3A_250 = arith.constant 0 : i32
        %dma_start3A_251 = arith.constant 0 : i32
        %dma_start3A_252 = tpu.memref_slice %arg20[%dma_start3A_250, %dma_start3A_251] : memref<10240x16xf32, #tpu.memory_space<vmem_shared>> -> memref<10240x16xf32, #tpu.memory_space<vmem_shared>>
        tpu.enqueue_indirect_dma source(%arg17 : memref<128x16xf32, #tpu.memory_space<vmem>>) target(%dma_start3A_252 : memref<10240x16xf32, #tpu.memory_space<vmem_shared>>) offsets(%dma_start3A_249 : memref<128xi32, #tpu.memory_space<vmem>>) semaphore(%run_scoped3A : memref<!tpu.dma_semaphore, #tpu.memory_space<semaphore_mem>>) {add = true}
        %dma_wait3A_253 = arith.constant 0 : i32
        %dma_wait3A_254 = tpu.memref_slice %arg10[%cond3A_92, %dma_wait3A_253] : memref<6x128xi32, #tpu.memory_space<vmem>> -> memref<1x128xi32, #tpu.memory_space<vmem>>
        %dma_wait3A_255 = tpu.memref_squeeze %dma_wait3A_254 : memref<1x128xi32, #tpu.memory_space<vmem>> -> memref<128xi32, #tpu.memory_space<vmem>>
        %dma_wait3A_256 = arith.constant 0 : i32
        %dma_wait3A_257 = arith.constant 0 : i32
        %dma_wait3A_258 = tpu.memref_slice %arg20[%dma_wait3A_256, %dma_wait3A_257] : memref<10240x16xf32, #tpu.memory_space<vmem_shared>> -> memref<10240x16xf32, #tpu.memory_space<vmem_shared>>
        tpu.wait_indirect_dma semaphore(%run_scoped3A : memref<!tpu.dma_semaphore, #tpu.memory_space<semaphore_mem>>) src(%arg17 : memref<128x16xf32, #tpu.memory_space<vmem>>) dst(%dma_wait3A_258 : memref<10240x16xf32, #tpu.memory_space<vmem_shared>>)
        tpu.yield
      }) : () -> ()
    } else {
    }
    %dma_wait3A_95 = arith.constant 3 : i32
    %dma_wait3A_96 = arith.constant 0 : i32
    %dma_wait3A_97 = tpu.memref_slice %arg9[%dma_wait3A_95, %dma_wait3A_96] : memref<6x128xi32, #tpu.memory_space<vmem>> -> memref<1x128xi32, #tpu.memory_space<vmem>>
    %dma_wait3A_98 = tpu.memref_squeeze %dma_wait3A_97 : memref<1x128xi32, #tpu.memory_space<vmem>> -> memref<128xi32, #tpu.memory_space<vmem>>
    %dma_wait3A_99 = arith.constant 0 : i32
    %dma_wait3A_100 = arith.constant 0 : i32
    %dma_wait3A_101 = tpu.memref_slice %arg4[%dma_wait3A_99, %dma_wait3A_100] : memref<20000x64xf32, #tpu.memory_space<hbm>> -> memref<20000x64xf32, #tpu.memory_space<hbm>>
    tpu.wait_indirect_dma semaphore(%arg24 : memref<!tpu.dma_semaphore, #tpu.memory_space<semaphore_mem>>) src(%dma_wait3A_101 : memref<20000x64xf32, #tpu.memory_space<hbm>>) dst(%arg14 : memref<128x64xf32, #tpu.memory_space<vmem>>)
    %dma_start3A_102 = arith.constant 3 : i32
    %dma_start3A_103 = arith.constant 0 : i32
    %dma_start3A_104 = tpu.memref_slice %arg10[%dma_start3A_102, %dma_start3A_103] : memref<6x128xi32, #tpu.memory_space<vmem>> -> memref<1x128xi32, #tpu.memory_space<vmem>>
    %dma_start3A_105 = tpu.memref_squeeze %dma_start3A_104 : memref<1x128xi32, #tpu.memory_space<vmem>> -> memref<128xi32, #tpu.memory_space<vmem>>
    %dma_start3A_106 = arith.constant 0 : i32
    %dma_start3A_107 = arith.constant 0 : i32
    %dma_start3A_108 = tpu.memref_slice %arg19[%dma_start3A_106, %dma_start3A_107] : memref<10240x64xf32, #tpu.memory_space<vmem_shared>> -> memref<10240x64xf32, #tpu.memory_space<vmem_shared>>
    tpu.enqueue_indirect_dma source(%arg14 : memref<128x64xf32, #tpu.memory_space<vmem>>) target(%dma_start3A_108 : memref<10240x64xf32, #tpu.memory_space<vmem_shared>>) offsets(%dma_start3A_105 : memref<128xi32, #tpu.memory_space<vmem>>) semaphore(%arg30 : memref<!tpu.dma_semaphore, #tpu.memory_space<semaphore_mem>>) {add = true}
    %eq3A_109 = arith.constant 0 : i32
    %eq3A_110 = arith.cmpi eq, %arg0, %eq3A_109 : i32
    %and3A_111 = arith.constant false
    %and3A_112 = arith.andi %eq3A_110, %and3A_111 : i1
    %ne3A_113 = arith.constant 0 : i32
    %ne3A_114 = arith.cmpi ne, %arg0, %ne3A_113 : i32
    %and3A_115 = arith.constant true
    %and3A_116 = arith.andi %ne3A_114, %and3A_115 : i1
    %or3A_117 = arith.ori %and3A_112, %and3A_116 : i1
    %convert_element_type3A_118 = arith.extui %or3A_117 : i1 to i32
    %cond3A_119 = arith.constant 3 : i32
    %cond3A_120 = arith.constant 0 : i32
    %cond3A_121 = arith.cmpi ne, %convert_element_type3A_118, %cond3A_120 : i32
    scf.if %cond3A_121 {
      "tpu.region"() ({
        %run_scoped3A = tpu.sem_alloc : memref<!tpu.dma_semaphore, #tpu.memory_space<semaphore_mem>>
        %dma_start3A_247 = arith.constant 0 : i32
        %dma_start3A_248 = tpu.memref_slice %arg10[%cond3A_119, %dma_start3A_247] : memref<6x128xi32, #tpu.memory_space<vmem>> -> memref<1x128xi32, #tpu.memory_space<vmem>>
        %dma_start3A_249 = tpu.memref_squeeze %dma_start3A_248 : memref<1x128xi32, #tpu.memory_space<vmem>> -> memref<128xi32, #tpu.memory_space<vmem>>
        %dma_start3A_250 = arith.constant 0 : i32
        %dma_start3A_251 = arith.constant 0 : i32
        %dma_start3A_252 = tpu.memref_slice %arg20[%dma_start3A_250, %dma_start3A_251] : memref<10240x16xf32, #tpu.memory_space<vmem_shared>> -> memref<10240x16xf32, #tpu.memory_space<vmem_shared>>
        tpu.enqueue_indirect_dma source(%arg17 : memref<128x16xf32, #tpu.memory_space<vmem>>) target(%dma_start3A_252 : memref<10240x16xf32, #tpu.memory_space<vmem_shared>>) offsets(%dma_start3A_249 : memref<128xi32, #tpu.memory_space<vmem>>) semaphore(%run_scoped3A : memref<!tpu.dma_semaphore, #tpu.memory_space<semaphore_mem>>) {add = true}
        %dma_wait3A_253 = arith.constant 0 : i32
        %dma_wait3A_254 = tpu.memref_slice %arg10[%cond3A_119, %dma_wait3A_253] : memref<6x128xi32, #tpu.memory_space<vmem>> -> memref<1x128xi32, #tpu.memory_space<vmem>>
        %dma_wait3A_255 = tpu.memref_squeeze %dma_wait3A_254 : memref<1x128xi32, #tpu.memory_space<vmem>> -> memref<128xi32, #tpu.memory_space<vmem>>
        %dma_wait3A_256 = arith.constant 0 : i32
        %dma_wait3A_257 = arith.constant 0 : i32
        %dma_wait3A_258 = tpu.memref_slice %arg20[%dma_wait3A_256, %dma_wait3A_257] : memref<10240x16xf32, #tpu.memory_space<vmem_shared>> -> memref<10240x16xf32, #tpu.memory_space<vmem_shared>>
        tpu.wait_indirect_dma semaphore(%run_scoped3A : memref<!tpu.dma_semaphore, #tpu.memory_space<semaphore_mem>>) src(%arg17 : memref<128x16xf32, #tpu.memory_space<vmem>>) dst(%dma_wait3A_258 : memref<10240x16xf32, #tpu.memory_space<vmem_shared>>)
        tpu.yield
      }) : () -> ()
    } else {
    }
    %dma_wait3A_122 = arith.constant 4 : i32
    %dma_wait3A_123 = arith.constant 0 : i32
    %dma_wait3A_124 = tpu.memref_slice %arg9[%dma_wait3A_122, %dma_wait3A_123] : memref<6x128xi32, #tpu.memory_space<vmem>> -> memref<1x128xi32, #tpu.memory_space<vmem>>
    %dma_wait3A_125 = tpu.memref_squeeze %dma_wait3A_124 : memref<1x128xi32, #tpu.memory_space<vmem>> -> memref<128xi32, #tpu.memory_space<vmem>>
    %dma_wait3A_126 = arith.constant 0 : i32
    %dma_wait3A_127 = arith.constant 0 : i32
    %dma_wait3A_128 = tpu.memref_slice %arg4[%dma_wait3A_126, %dma_wait3A_127] : memref<20000x64xf32, #tpu.memory_space<hbm>> -> memref<20000x64xf32, #tpu.memory_space<hbm>>
    tpu.wait_indirect_dma semaphore(%arg25 : memref<!tpu.dma_semaphore, #tpu.memory_space<semaphore_mem>>) src(%dma_wait3A_128 : memref<20000x64xf32, #tpu.memory_space<hbm>>) dst(%arg15 : memref<128x64xf32, #tpu.memory_space<vmem>>)
    %dma_start3A_129 = arith.constant 4 : i32
    %dma_start3A_130 = arith.constant 0 : i32
    %dma_start3A_131 = tpu.memref_slice %arg10[%dma_start3A_129, %dma_start3A_130] : memref<6x128xi32, #tpu.memory_space<vmem>> -> memref<1x128xi32, #tpu.memory_space<vmem>>
    %dma_start3A_132 = tpu.memref_squeeze %dma_start3A_131 : memref<1x128xi32, #tpu.memory_space<vmem>> -> memref<128xi32, #tpu.memory_space<vmem>>
    %dma_start3A_133 = arith.constant 0 : i32
    %dma_start3A_134 = arith.constant 0 : i32
    %dma_start3A_135 = tpu.memref_slice %arg19[%dma_start3A_133, %dma_start3A_134] : memref<10240x64xf32, #tpu.memory_space<vmem_shared>> -> memref<10240x64xf32, #tpu.memory_space<vmem_shared>>
    tpu.enqueue_indirect_dma source(%arg15 : memref<128x64xf32, #tpu.memory_space<vmem>>) target(%dma_start3A_135 : memref<10240x64xf32, #tpu.memory_space<vmem_shared>>) offsets(%dma_start3A_132 : memref<128xi32, #tpu.memory_space<vmem>>) semaphore(%arg31 : memref<!tpu.dma_semaphore, #tpu.memory_space<semaphore_mem>>) {add = true}
    %eq3A_136 = arith.constant 0 : i32
    %eq3A_137 = arith.cmpi eq, %arg0, %eq3A_136 : i32
    %and3A_138 = arith.constant false
    %and3A_139 = arith.andi %eq3A_137, %and3A_138 : i1
    %ne3A_140 = arith.constant 0 : i32
    %ne3A_141 = arith.cmpi ne, %arg0, %ne3A_140 : i32
    %and3A_142 = arith.constant true
    %and3A_143 = arith.andi %ne3A_141, %and3A_142 : i1
    %or3A_144 = arith.ori %and3A_139, %and3A_143 : i1
    %convert_element_type3A_145 = arith.extui %or3A_144 : i1 to i32
    %cond3A_146 = arith.constant 4 : i32
    %cond3A_147 = arith.constant 0 : i32
    %cond3A_148 = arith.cmpi ne, %convert_element_type3A_145, %cond3A_147 : i32
    scf.if %cond3A_148 {
      "tpu.region"() ({
        %run_scoped3A = tpu.sem_alloc : memref<!tpu.dma_semaphore, #tpu.memory_space<semaphore_mem>>
        %dma_start3A_247 = arith.constant 0 : i32
        %dma_start3A_248 = tpu.memref_slice %arg10[%cond3A_146, %dma_start3A_247] : memref<6x128xi32, #tpu.memory_space<vmem>> -> memref<1x128xi32, #tpu.memory_space<vmem>>
        %dma_start3A_249 = tpu.memref_squeeze %dma_start3A_248 : memref<1x128xi32, #tpu.memory_space<vmem>> -> memref<128xi32, #tpu.memory_space<vmem>>
        %dma_start3A_250 = arith.constant 0 : i32
        %dma_start3A_251 = arith.constant 0 : i32
        %dma_start3A_252 = tpu.memref_slice %arg20[%dma_start3A_250, %dma_start3A_251] : memref<10240x16xf32, #tpu.memory_space<vmem_shared>> -> memref<10240x16xf32, #tpu.memory_space<vmem_shared>>
        tpu.enqueue_indirect_dma source(%arg17 : memref<128x16xf32, #tpu.memory_space<vmem>>) target(%dma_start3A_252 : memref<10240x16xf32, #tpu.memory_space<vmem_shared>>) offsets(%dma_start3A_249 : memref<128xi32, #tpu.memory_space<vmem>>) semaphore(%run_scoped3A : memref<!tpu.dma_semaphore, #tpu.memory_space<semaphore_mem>>) {add = true}
        %dma_wait3A_253 = arith.constant 0 : i32
        %dma_wait3A_254 = tpu.memref_slice %arg10[%cond3A_146, %dma_wait3A_253] : memref<6x128xi32, #tpu.memory_space<vmem>> -> memref<1x128xi32, #tpu.memory_space<vmem>>
        %dma_wait3A_255 = tpu.memref_squeeze %dma_wait3A_254 : memref<1x128xi32, #tpu.memory_space<vmem>> -> memref<128xi32, #tpu.memory_space<vmem>>
        %dma_wait3A_256 = arith.constant 0 : i32
        %dma_wait3A_257 = arith.constant 0 : i32
        %dma_wait3A_258 = tpu.memref_slice %arg20[%dma_wait3A_256, %dma_wait3A_257] : memref<10240x16xf32, #tpu.memory_space<vmem_shared>> -> memref<10240x16xf32, #tpu.memory_space<vmem_shared>>
        tpu.wait_indirect_dma semaphore(%run_scoped3A : memref<!tpu.dma_semaphore, #tpu.memory_space<semaphore_mem>>) src(%arg17 : memref<128x16xf32, #tpu.memory_space<vmem>>) dst(%dma_wait3A_258 : memref<10240x16xf32, #tpu.memory_space<vmem_shared>>)
        tpu.yield
      }) : () -> ()
    } else {
    }
    %dma_wait3A_149 = arith.constant 5 : i32
    %dma_wait3A_150 = arith.constant 0 : i32
    %dma_wait3A_151 = tpu.memref_slice %arg9[%dma_wait3A_149, %dma_wait3A_150] : memref<6x128xi32, #tpu.memory_space<vmem>> -> memref<1x128xi32, #tpu.memory_space<vmem>>
    %dma_wait3A_152 = tpu.memref_squeeze %dma_wait3A_151 : memref<1x128xi32, #tpu.memory_space<vmem>> -> memref<128xi32, #tpu.memory_space<vmem>>
    %dma_wait3A_153 = arith.constant 0 : i32
    %dma_wait3A_154 = arith.constant 0 : i32
    %dma_wait3A_155 = tpu.memref_slice %arg4[%dma_wait3A_153, %dma_wait3A_154] : memref<20000x64xf32, #tpu.memory_space<hbm>> -> memref<20000x64xf32, #tpu.memory_space<hbm>>
    tpu.wait_indirect_dma semaphore(%arg26 : memref<!tpu.dma_semaphore, #tpu.memory_space<semaphore_mem>>) src(%dma_wait3A_155 : memref<20000x64xf32, #tpu.memory_space<hbm>>) dst(%arg16 : memref<128x64xf32, #tpu.memory_space<vmem>>)
    %dma_start3A_156 = arith.constant 5 : i32
    %dma_start3A_157 = arith.constant 0 : i32
    %dma_start3A_158 = tpu.memref_slice %arg10[%dma_start3A_156, %dma_start3A_157] : memref<6x128xi32, #tpu.memory_space<vmem>> -> memref<1x128xi32, #tpu.memory_space<vmem>>
    %dma_start3A_159 = tpu.memref_squeeze %dma_start3A_158 : memref<1x128xi32, #tpu.memory_space<vmem>> -> memref<128xi32, #tpu.memory_space<vmem>>
    %dma_start3A_160 = arith.constant 0 : i32
    %dma_start3A_161 = arith.constant 0 : i32
    %dma_start3A_162 = tpu.memref_slice %arg19[%dma_start3A_160, %dma_start3A_161] : memref<10240x64xf32, #tpu.memory_space<vmem_shared>> -> memref<10240x64xf32, #tpu.memory_space<vmem_shared>>
    tpu.enqueue_indirect_dma source(%arg16 : memref<128x64xf32, #tpu.memory_space<vmem>>) target(%dma_start3A_162 : memref<10240x64xf32, #tpu.memory_space<vmem_shared>>) offsets(%dma_start3A_159 : memref<128xi32, #tpu.memory_space<vmem>>) semaphore(%arg32 : memref<!tpu.dma_semaphore, #tpu.memory_space<semaphore_mem>>) {add = true}
    %eq3A_163 = arith.constant 0 : i32
    %eq3A_164 = arith.cmpi eq, %arg0, %eq3A_163 : i32
    %and3A_165 = arith.constant false
    %and3A_166 = arith.andi %eq3A_164, %and3A_165 : i1
    %ne3A_167 = arith.constant 0 : i32
    %ne3A_168 = arith.cmpi ne, %arg0, %ne3A_167 : i32
    %and3A_169 = arith.constant true
    %and3A_170 = arith.andi %ne3A_168, %and3A_169 : i1
    %or3A_171 = arith.ori %and3A_166, %and3A_170 : i1
    %convert_element_type3A_172 = arith.extui %or3A_171 : i1 to i32
    %cond3A_173 = arith.constant 5 : i32
    %cond3A_174 = arith.constant 0 : i32
    %cond3A_175 = arith.cmpi ne, %convert_element_type3A_172, %cond3A_174 : i32
    scf.if %cond3A_175 {
      "tpu.region"() ({
        %run_scoped3A = tpu.sem_alloc : memref<!tpu.dma_semaphore, #tpu.memory_space<semaphore_mem>>
        %dma_start3A_247 = arith.constant 0 : i32
        %dma_start3A_248 = tpu.memref_slice %arg10[%cond3A_173, %dma_start3A_247] : memref<6x128xi32, #tpu.memory_space<vmem>> -> memref<1x128xi32, #tpu.memory_space<vmem>>
        %dma_start3A_249 = tpu.memref_squeeze %dma_start3A_248 : memref<1x128xi32, #tpu.memory_space<vmem>> -> memref<128xi32, #tpu.memory_space<vmem>>
        %dma_start3A_250 = arith.constant 0 : i32
        %dma_start3A_251 = arith.constant 0 : i32
        %dma_start3A_252 = tpu.memref_slice %arg20[%dma_start3A_250, %dma_start3A_251] : memref<10240x16xf32, #tpu.memory_space<vmem_shared>> -> memref<10240x16xf32, #tpu.memory_space<vmem_shared>>
        tpu.enqueue_indirect_dma source(%arg17 : memref<128x16xf32, #tpu.memory_space<vmem>>) target(%dma_start3A_252 : memref<10240x16xf32, #tpu.memory_space<vmem_shared>>) offsets(%dma_start3A_249 : memref<128xi32, #tpu.memory_space<vmem>>) semaphore(%run_scoped3A : memref<!tpu.dma_semaphore, #tpu.memory_space<semaphore_mem>>) {add = true}
        %dma_wait3A_253 = arith.constant 0 : i32
        %dma_wait3A_254 = tpu.memref_slice %arg10[%cond3A_173, %dma_wait3A_253] : memref<6x128xi32, #tpu.memory_space<vmem>> -> memref<1x128xi32, #tpu.memory_space<vmem>>
        %dma_wait3A_255 = tpu.memref_squeeze %dma_wait3A_254 : memref<1x128xi32, #tpu.memory_space<vmem>> -> memref<128xi32, #tpu.memory_space<vmem>>
        %dma_wait3A_256 = arith.constant 0 : i32
        %dma_wait3A_257 = arith.constant 0 : i32
        %dma_wait3A_258 = tpu.memref_slice %arg20[%dma_wait3A_256, %dma_wait3A_257] : memref<10240x16xf32, #tpu.memory_space<vmem_shared>> -> memref<10240x16xf32, #tpu.memory_space<vmem_shared>>
        tpu.wait_indirect_dma semaphore(%run_scoped3A : memref<!tpu.dma_semaphore, #tpu.memory_space<semaphore_mem>>) src(%arg17 : memref<128x16xf32, #tpu.memory_space<vmem>>) dst(%dma_wait3A_258 : memref<10240x16xf32, #tpu.memory_space<vmem_shared>>)
        tpu.yield
      }) : () -> ()
    } else {
    }
    %dma_wait3A_176 = arith.constant 0 : i32
    %dma_wait3A_177 = arith.constant 0 : i32
    %dma_wait3A_178 = tpu.memref_slice %arg10[%dma_wait3A_176, %dma_wait3A_177] : memref<6x128xi32, #tpu.memory_space<vmem>> -> memref<1x128xi32, #tpu.memory_space<vmem>>
    %dma_wait3A_179 = tpu.memref_squeeze %dma_wait3A_178 : memref<1x128xi32, #tpu.memory_space<vmem>> -> memref<128xi32, #tpu.memory_space<vmem>>
    %dma_wait3A_180 = arith.constant 0 : i32
    %dma_wait3A_181 = arith.constant 0 : i32
    %dma_wait3A_182 = tpu.memref_slice %arg19[%dma_wait3A_180, %dma_wait3A_181] : memref<10240x64xf32, #tpu.memory_space<vmem_shared>> -> memref<10240x64xf32, #tpu.memory_space<vmem_shared>>
    tpu.wait_indirect_dma semaphore(%arg27 : memref<!tpu.dma_semaphore, #tpu.memory_space<semaphore_mem>>) src(%arg11 : memref<128x64xf32, #tpu.memory_space<vmem>>) dst(%dma_wait3A_182 : memref<10240x64xf32, #tpu.memory_space<vmem_shared>>)
    %dma_wait3A_183 = arith.constant 1 : i32
    %dma_wait3A_184 = arith.constant 0 : i32
    %dma_wait3A_185 = tpu.memref_slice %arg10[%dma_wait3A_183, %dma_wait3A_184] : memref<6x128xi32, #tpu.memory_space<vmem>> -> memref<1x128xi32, #tpu.memory_space<vmem>>
    %dma_wait3A_186 = tpu.memref_squeeze %dma_wait3A_185 : memref<1x128xi32, #tpu.memory_space<vmem>> -> memref<128xi32, #tpu.memory_space<vmem>>
    %dma_wait3A_187 = arith.constant 0 : i32
    %dma_wait3A_188 = arith.constant 0 : i32
    %dma_wait3A_189 = tpu.memref_slice %arg19[%dma_wait3A_187, %dma_wait3A_188] : memref<10240x64xf32, #tpu.memory_space<vmem_shared>> -> memref<10240x64xf32, #tpu.memory_space<vmem_shared>>
    tpu.wait_indirect_dma semaphore(%arg28 : memref<!tpu.dma_semaphore, #tpu.memory_space<semaphore_mem>>) src(%arg12 : memref<128x64xf32, #tpu.memory_space<vmem>>) dst(%dma_wait3A_189 : memref<10240x64xf32, #tpu.memory_space<vmem_shared>>)
    %dma_wait3A_190 = arith.constant 2 : i32
    %dma_wait3A_191 = arith.constant 0 : i32
    %dma_wait3A_192 = tpu.memref_slice %arg10[%dma_wait3A_190, %dma_wait3A_191] : memref<6x128xi32, #tpu.memory_space<vmem>> -> memref<1x128xi32, #tpu.memory_space<vmem>>
    %dma_wait3A_193 = tpu.memref_squeeze %dma_wait3A_192 : memref<1x128xi32, #tpu.memory_space<vmem>> -> memref<128xi32, #tpu.memory_space<vmem>>
    %dma_wait3A_194 = arith.constant 0 : i32
    %dma_wait3A_195 = arith.constant 0 : i32
    %dma_wait3A_196 = tpu.memref_slice %arg19[%dma_wait3A_194, %dma_wait3A_195] : memref<10240x64xf32, #tpu.memory_space<vmem_shared>> -> memref<10240x64xf32, #tpu.memory_space<vmem_shared>>
    tpu.wait_indirect_dma semaphore(%arg29 : memref<!tpu.dma_semaphore, #tpu.memory_space<semaphore_mem>>) src(%arg13 : memref<128x64xf32, #tpu.memory_space<vmem>>) dst(%dma_wait3A_196 : memref<10240x64xf32, #tpu.memory_space<vmem_shared>>)
    %dma_wait3A_197 = arith.constant 3 : i32
    %dma_wait3A_198 = arith.constant 0 : i32
    %dma_wait3A_199 = tpu.memref_slice %arg10[%dma_wait3A_197, %dma_wait3A_198] : memref<6x128xi32, #tpu.memory_space<vmem>> -> memref<1x128xi32, #tpu.memory_space<vmem>>
    %dma_wait3A_200 = tpu.memref_squeeze %dma_wait3A_199 : memref<1x128xi32, #tpu.memory_space<vmem>> -> memref<128xi32, #tpu.memory_space<vmem>>
    %dma_wait3A_201 = arith.constant 0 : i32
    %dma_wait3A_202 = arith.constant 0 : i32
    %dma_wait3A_203 = tpu.memref_slice %arg19[%dma_wait3A_201, %dma_wait3A_202] : memref<10240x64xf32, #tpu.memory_space<vmem_shared>> -> memref<10240x64xf32, #tpu.memory_space<vmem_shared>>
    tpu.wait_indirect_dma semaphore(%arg30 : memref<!tpu.dma_semaphore, #tpu.memory_space<semaphore_mem>>) src(%arg14 : memref<128x64xf32, #tpu.memory_space<vmem>>) dst(%dma_wait3A_203 : memref<10240x64xf32, #tpu.memory_space<vmem_shared>>)
    %dma_wait3A_204 = arith.constant 4 : i32
    %dma_wait3A_205 = arith.constant 0 : i32
    %dma_wait3A_206 = tpu.memref_slice %arg10[%dma_wait3A_204, %dma_wait3A_205] : memref<6x128xi32, #tpu.memory_space<vmem>> -> memref<1x128xi32, #tpu.memory_space<vmem>>
    %dma_wait3A_207 = tpu.memref_squeeze %dma_wait3A_206 : memref<1x128xi32, #tpu.memory_space<vmem>> -> memref<128xi32, #tpu.memory_space<vmem>>
    %dma_wait3A_208 = arith.constant 0 : i32
    %dma_wait3A_209 = arith.constant 0 : i32
    %dma_wait3A_210 = tpu.memref_slice %arg19[%dma_wait3A_208, %dma_wait3A_209] : memref<10240x64xf32, #tpu.memory_space<vmem_shared>> -> memref<10240x64xf32, #tpu.memory_space<vmem_shared>>
    tpu.wait_indirect_dma semaphore(%arg31 : memref<!tpu.dma_semaphore, #tpu.memory_space<semaphore_mem>>) src(%arg15 : memref<128x64xf32, #tpu.memory_space<vmem>>) dst(%dma_wait3A_210 : memref<10240x64xf32, #tpu.memory_space<vmem_shared>>)
    %dma_wait3A_211 = arith.constant 5 : i32
    %dma_wait3A_212 = arith.constant 0 : i32
    %dma_wait3A_213 = tpu.memref_slice %arg10[%dma_wait3A_211, %dma_wait3A_212] : memref<6x128xi32, #tpu.memory_space<vmem>> -> memref<1x128xi32, #tpu.memory_space<vmem>>
    %dma_wait3A_214 = tpu.memref_squeeze %dma_wait3A_213 : memref<1x128xi32, #tpu.memory_space<vmem>> -> memref<128xi32, #tpu.memory_space<vmem>>
    %dma_wait3A_215 = arith.constant 0 : i32
    %dma_wait3A_216 = arith.constant 0 : i32
    %dma_wait3A_217 = tpu.memref_slice %arg19[%dma_wait3A_215, %dma_wait3A_216] : memref<10240x64xf32, #tpu.memory_space<vmem_shared>> -> memref<10240x64xf32, #tpu.memory_space<vmem_shared>>
    tpu.wait_indirect_dma semaphore(%arg32 : memref<!tpu.dma_semaphore, #tpu.memory_space<semaphore_mem>>) src(%arg16 : memref<128x64xf32, #tpu.memory_space<vmem>>) dst(%dma_wait3A_217 : memref<10240x64xf32, #tpu.memory_space<vmem_shared>>)
    %lt3A = arith.constant 4 : i32
    %lt3A_218 = arith.cmpi slt, %arg1, %lt3A : i32
    %convert_element_type3A_219 = arith.extui %lt3A_218 : i1 to i32
    %cond3A_220 = arith.constant 0 : i32
    %cond3A_221 = arith.cmpi ne, %convert_element_type3A_219, %cond3A_220 : i32
    scf.if %cond3A_221 {
      %add3A_247 = arith.constant 2496 : i32
      %add3A_248 = arith.addi %add3A_247, %arg1 : i32
      %mul3A_249 = arith.constant 2500 : i32
      %mul3A_250 = arith.muli %arg0, %mul3A_249 : i32
      %add3A_251 = arith.addi %mul3A_250, %add3A_248 : i32
      "tpu.region"() ({
        %run_scoped3A = tpu.sem_alloc : memref<!tpu.dma_semaphore, #tpu.memory_space<semaphore_mem>>
        %dma_start3A_297 = arith.constant 0 : i32
        %dma_start3A_298 = arith.constant 0 : i32
        %dma_start3A_299 = tpu.memref_slice %arg7[%dma_start3A_297, %dma_start3A_298] : memref<6x128xi32, #tpu.memory_space<vmem>> -> memref<1x128xi32, #tpu.memory_space<vmem>>
        %dma_start3A_300 = arith.constant 0 : i32
        %dma_start3A_301 = tpu.memref_slice %arg2[%add3A_251, %dma_start3A_300] : memref<5000x128xi32, #tpu.memory_space<hbm>> -> memref<1x128xi32, #tpu.memory_space<hbm>>
        %dma_start3A_302 = arith.constant 0 : i32
        %dma_start3A_303 = arith.constant 0 : i32
        %dma_start3A_304 = tpu.memref_slice %arg7[%dma_start3A_302, %dma_start3A_303] : memref<6x128xi32, #tpu.memory_space<vmem>> -> memref<1x128xi32, #tpu.memory_space<vmem>>
        %dma_start3A_305 = arith.constant 0 : i32
        %dma_start3A_306 = tpu.memref_slice %arg2[%add3A_251, %dma_start3A_305] : memref<5000x128xi32, #tpu.memory_space<hbm>> -> memref<1x128xi32, #tpu.memory_space<hbm>>
        tpu.enqueue_dma source(%dma_start3A_306 : memref<1x128xi32, #tpu.memory_space<hbm>>) target(%dma_start3A_304 : memref<1x128xi32, #tpu.memory_space<vmem>>) target_semaphore(%run_scoped3A : memref<!tpu.dma_semaphore, #tpu.memory_space<semaphore_mem>>)
        %dma_wait3A_307 = arith.constant 0 : i32
        %dma_wait3A_308 = arith.constant 0 : i32
        %dma_wait3A_309 = tpu.memref_slice %arg7[%dma_wait3A_307, %dma_wait3A_308] : memref<6x128xi32, #tpu.memory_space<vmem>> -> memref<1x128xi32, #tpu.memory_space<vmem>>
        %dma_wait3A_310 = arith.constant 0 : i32
        %dma_wait3A_311 = tpu.memref_slice %arg2[%add3A_251, %dma_wait3A_310] : memref<5000x128xi32, #tpu.memory_space<hbm>> -> memref<1x128xi32, #tpu.memory_space<hbm>>
        %dma_wait3A_312 = arith.constant 0 : i32
        %dma_wait3A_313 = arith.constant 0 : i32
        %dma_wait3A_314 = tpu.memref_slice %arg7[%dma_wait3A_312, %dma_wait3A_313] : memref<6x128xi32, #tpu.memory_space<vmem>> -> memref<1x128xi32, #tpu.memory_space<vmem>>
        %dma_wait3A_315 = arith.constant 0 : i32
        %dma_wait3A_316 = tpu.memref_slice %arg2[%add3A_251, %dma_wait3A_315] : memref<5000x128xi32, #tpu.memory_space<hbm>> -> memref<1x128xi32, #tpu.memory_space<hbm>>
        tpu.wait_dma2 semaphore(%run_scoped3A : memref<!tpu.dma_semaphore, #tpu.memory_space<semaphore_mem>>) src(%dma_wait3A_316 : memref<1x128xi32, #tpu.memory_space<hbm>>) dst(%dma_wait3A_314 : memref<1x128xi32, #tpu.memory_space<vmem>>)
        tpu.yield
      }) : () -> ()
      "tpu.region"() ({
        %run_scoped3A = tpu.sem_alloc : memref<!tpu.dma_semaphore, #tpu.memory_space<semaphore_mem>>
        %dma_start3A_297 = arith.constant 0 : i32
        %dma_start3A_298 = arith.constant 0 : i32
        %dma_start3A_299 = tpu.memref_slice %arg8[%dma_start3A_297, %dma_start3A_298] : memref<6x128xi32, #tpu.memory_space<vmem>> -> memref<1x128xi32, #tpu.memory_space<vmem>>
        %dma_start3A_300 = arith.constant 0 : i32
        %dma_start3A_301 = tpu.memref_slice %arg3[%add3A_248, %dma_start3A_300] : memref<2500x128xi32, #tpu.memory_space<hbm>> -> memref<1x128xi32, #tpu.memory_space<hbm>>
        %dma_start3A_302 = arith.constant 0 : i32
        %dma_start3A_303 = arith.constant 0 : i32
        %dma_start3A_304 = tpu.memref_slice %arg8[%dma_start3A_302, %dma_start3A_303] : memref<6x128xi32, #tpu.memory_space<vmem>> -> memref<1x128xi32, #tpu.memory_space<vmem>>
        %dma_start3A_305 = arith.constant 0 : i32
        %dma_start3A_306 = tpu.memref_slice %arg3[%add3A_248, %dma_start3A_305] : memref<2500x128xi32, #tpu.memory_space<hbm>> -> memref<1x128xi32, #tpu.memory_space<hbm>>
        tpu.enqueue_dma source(%dma_start3A_306 : memref<1x128xi32, #tpu.memory_space<hbm>>) target(%dma_start3A_304 : memref<1x128xi32, #tpu.memory_space<vmem>>) target_semaphore(%run_scoped3A : memref<!tpu.dma_semaphore, #tpu.memory_space<semaphore_mem>>)
        %dma_wait3A_307 = arith.constant 0 : i32
        %dma_wait3A_308 = arith.constant 0 : i32
        %dma_wait3A_309 = tpu.memref_slice %arg8[%dma_wait3A_307, %dma_wait3A_308] : memref<6x128xi32, #tpu.memory_space<vmem>> -> memref<1x128xi32, #tpu.memory_space<vmem>>
        %dma_wait3A_310 = arith.constant 0 : i32
        %dma_wait3A_311 = tpu.memref_slice %arg3[%add3A_248, %dma_wait3A_310] : memref<2500x128xi32, #tpu.memory_space<hbm>> -> memref<1x128xi32, #tpu.memory_space<hbm>>
        %dma_wait3A_312 = arith.constant 0 : i32
        %dma_wait3A_313 = arith.constant 0 : i32
        %dma_wait3A_314 = tpu.memref_slice %arg8[%dma_wait3A_312, %dma_wait3A_313] : memref<6x128xi32, #tpu.memory_space<vmem>> -> memref<1x128xi32, #tpu.memory_space<vmem>>
        %dma_wait3A_315 = arith.constant 0 : i32
        %dma_wait3A_316 = tpu.memref_slice %arg3[%add3A_248, %dma_wait3A_315] : memref<2500x128xi32, #tpu.memory_space<hbm>> -> memref<1x128xi32, #tpu.memory_space<hbm>>
        tpu.wait_dma2 semaphore(%run_scoped3A : memref<!tpu.dma_semaphore, #tpu.memory_space<semaphore_mem>>) src(%dma_wait3A_316 : memref<1x128xi32, #tpu.memory_space<hbm>>) dst(%dma_wait3A_314 : memref<1x128xi32, #tpu.memory_space<vmem>>)
        tpu.yield
      }) : () -> ()
      %dma_start3A_252 = arith.constant 0 : i32
      %dma_start3A_253 = arith.constant 0 : i32
      %dma_start3A_254 = tpu.memref_slice %arg7[%dma_start3A_252, %dma_start3A_253] : memref<6x128xi32, #tpu.memory_space<vmem>> -> memref<1x128xi32, #tpu.memory_space<vmem>>
      %dma_start3A_255 = tpu.memref_squeeze %dma_start3A_254 : memref<1x128xi32, #tpu.memory_space<vmem>> -> memref<128xi32, #tpu.memory_space<vmem>>
      %dma_start3A_256 = arith.constant 0 : i32
      %dma_start3A_257 = arith.constant 0 : i32
      %dma_start3A_258 = tpu.memref_slice %arg4[%dma_start3A_256, %dma_start3A_257] : memref<20000x64xf32, #tpu.memory_space<hbm>> -> memref<20000x64xf32, #tpu.memory_space<hbm>>
      tpu.enqueue_indirect_dma source(%dma_start3A_258 : memref<20000x64xf32, #tpu.memory_space<hbm>>) target(%arg11 : memref<128x64xf32, #tpu.memory_space<vmem>>) offsets(%dma_start3A_255 : memref<128xi32, #tpu.memory_space<vmem>>) semaphore(%arg21 : memref<!tpu.dma_semaphore, #tpu.memory_space<semaphore_mem>>)
      %dma_wait3A_259 = arith.constant 0 : i32
      %dma_wait3A_260 = arith.constant 0 : i32
      %dma_wait3A_261 = tpu.memref_slice %arg7[%dma_wait3A_259, %dma_wait3A_260] : memref<6x128xi32, #tpu.memory_space<vmem>> -> memref<1x128xi32, #tpu.memory_space<vmem>>
      %dma_wait3A_262 = tpu.memref_squeeze %dma_wait3A_261 : memref<1x128xi32, #tpu.memory_space<vmem>> -> memref<128xi32, #tpu.memory_space<vmem>>
      %dma_wait3A_263 = arith.constant 0 : i32
      %dma_wait3A_264 = arith.constant 0 : i32
      %dma_wait3A_265 = tpu.memref_slice %arg4[%dma_wait3A_263, %dma_wait3A_264] : memref<20000x64xf32, #tpu.memory_space<hbm>> -> memref<20000x64xf32, #tpu.memory_space<hbm>>
      tpu.wait_indirect_dma semaphore(%arg21 : memref<!tpu.dma_semaphore, #tpu.memory_space<semaphore_mem>>) src(%dma_wait3A_265 : memref<20000x64xf32, #tpu.memory_space<hbm>>) dst(%arg11 : memref<128x64xf32, #tpu.memory_space<vmem>>)
      %dma_start3A_266 = arith.constant 0 : i32
      %dma_start3A_267 = arith.constant 0 : i32
      %dma_start3A_268 = tpu.memref_slice %arg8[%dma_start3A_266, %dma_start3A_267] : memref<6x128xi32, #tpu.memory_space<vmem>> -> memref<1x128xi32, #tpu.memory_space<vmem>>
      %dma_start3A_269 = tpu.memref_squeeze %dma_start3A_268 : memref<1x128xi32, #tpu.memory_space<vmem>> -> memref<128xi32, #tpu.memory_space<vmem>>
      %dma_start3A_270 = arith.constant 0 : i32
      %dma_start3A_271 = arith.constant 0 : i32
      %dma_start3A_272 = tpu.memref_slice %arg19[%dma_start3A_270, %dma_start3A_271] : memref<10240x64xf32, #tpu.memory_space<vmem_shared>> -> memref<10240x64xf32, #tpu.memory_space<vmem_shared>>
      tpu.enqueue_indirect_dma source(%arg11 : memref<128x64xf32, #tpu.memory_space<vmem>>) target(%dma_start3A_272 : memref<10240x64xf32, #tpu.memory_space<vmem_shared>>) offsets(%dma_start3A_269 : memref<128xi32, #tpu.memory_space<vmem>>) semaphore(%arg27 : memref<!tpu.dma_semaphore, #tpu.memory_space<semaphore_mem>>) {add = true}
      %dma_wait3A_273 = arith.constant 0 : i32
      %dma_wait3A_274 = arith.constant 0 : i32
      %dma_wait3A_275 = tpu.memref_slice %arg8[%dma_wait3A_273, %dma_wait3A_274] : memref<6x128xi32, #tpu.memory_space<vmem>> -> memref<1x128xi32, #tpu.memory_space<vmem>>
      %dma_wait3A_276 = tpu.memref_squeeze %dma_wait3A_275 : memref<1x128xi32, #tpu.memory_space<vmem>> -> memref<128xi32, #tpu.memory_space<vmem>>
      %dma_wait3A_277 = arith.constant 0 : i32
      %dma_wait3A_278 = arith.constant 0 : i32
      %dma_wait3A_279 = tpu.memref_slice %arg19[%dma_wait3A_277, %dma_wait3A_278] : memref<10240x64xf32, #tpu.memory_space<vmem_shared>> -> memref<10240x64xf32, #tpu.memory_space<vmem_shared>>
      tpu.wait_indirect_dma semaphore(%arg27 : memref<!tpu.dma_semaphore, #tpu.memory_space<semaphore_mem>>) src(%arg11 : memref<128x64xf32, #tpu.memory_space<vmem>>) dst(%dma_wait3A_279 : memref<10240x64xf32, #tpu.memory_space<vmem_shared>>)
      %jit3A = arith.constant 2 : i32
      %eq3A_280 = arith.constant 0 : i32
      %eq3A_281 = arith.cmpi eq, %jit3A, %eq3A_280 : i32
      %jit3A_282 = arith.constant 1 : i32
      %select_n3A = arith.select %eq3A_281, %jit3A_282, %jit3A : i32
      %rem3A = arith.remsi %arg1, %select_n3A : i32
      %ne3A_283 = arith.constant 0 : i32
      %ne3A_284 = arith.cmpi ne, %rem3A, %ne3A_283 : i32
      %lt3A_285 = arith.constant 0 : i32
      %lt3A_286 = arith.cmpi slt, %rem3A, %lt3A_285 : i32
      %lt3A_287 = arith.constant 0 : i32
      %lt3A_288 = arith.cmpi slt, %select_n3A, %lt3A_287 : i32
      %ne3A_289 = arith.xori %lt3A_286, %lt3A_288 : i1
      %and3A_290 = arith.andi %ne3A_289, %ne3A_284 : i1
      %add3A_291 = arith.addi %rem3A, %select_n3A : i32
      %select_n3A_292 = arith.select %and3A_290, %add3A_291, %rem3A : i32
      %eq3A_293 = arith.cmpi eq, %select_n3A_292, %arg0 : i32
      %convert_element_type3A_294 = arith.extui %eq3A_293 : i1 to i32
      %cond3A_295 = arith.constant 0 : i32
      %cond3A_296 = arith.cmpi ne, %convert_element_type3A_294, %cond3A_295 : i32
      scf.if %cond3A_296 {
        %run_scoped3A = arith.constant 0 : i32
        "tpu.region"() ({
          %run_scoped3A_297 = tpu.sem_alloc : memref<!tpu.dma_semaphore, #tpu.memory_space<semaphore_mem>>
          %dma_start3A_298 = arith.constant 0 : i32
          %dma_start3A_299 = tpu.memref_slice %arg8[%run_scoped3A, %dma_start3A_298] : memref<6x128xi32, #tpu.memory_space<vmem>> -> memref<1x128xi32, #tpu.memory_space<vmem>>
          %dma_start3A_300 = tpu.memref_squeeze %dma_start3A_299 : memref<1x128xi32, #tpu.memory_space<vmem>> -> memref<128xi32, #tpu.memory_space<vmem>>
          %dma_start3A_301 = arith.constant 0 : i32
          %dma_start3A_302 = arith.constant 0 : i32
          %dma_start3A_303 = tpu.memref_slice %arg20[%dma_start3A_301, %dma_start3A_302] : memref<10240x16xf32, #tpu.memory_space<vmem_shared>> -> memref<10240x16xf32, #tpu.memory_space<vmem_shared>>
          tpu.enqueue_indirect_dma source(%arg17 : memref<128x16xf32, #tpu.memory_space<vmem>>) target(%dma_start3A_303 : memref<10240x16xf32, #tpu.memory_space<vmem_shared>>) offsets(%dma_start3A_300 : memref<128xi32, #tpu.memory_space<vmem>>) semaphore(%run_scoped3A_297 : memref<!tpu.dma_semaphore, #tpu.memory_space<semaphore_mem>>) {add = true}
          %dma_wait3A_304 = arith.constant 0 : i32
          %dma_wait3A_305 = tpu.memref_slice %arg8[%run_scoped3A, %dma_wait3A_304] : memref<6x128xi32, #tpu.memory_space<vmem>> -> memref<1x128xi32, #tpu.memory_space<vmem>>
          %dma_wait3A_306 = tpu.memref_squeeze %dma_wait3A_305 : memref<1x128xi32, #tpu.memory_space<vmem>> -> memref<128xi32, #tpu.memory_space<vmem>>
          %dma_wait3A_307 = arith.constant 0 : i32
          %dma_wait3A_308 = arith.constant 0 : i32
          %dma_wait3A_309 = tpu.memref_slice %arg20[%dma_wait3A_307, %dma_wait3A_308] : memref<10240x16xf32, #tpu.memory_space<vmem_shared>> -> memref<10240x16xf32, #tpu.memory_space<vmem_shared>>
          tpu.wait_indirect_dma semaphore(%run_scoped3A_297 : memref<!tpu.dma_semaphore, #tpu.memory_space<semaphore_mem>>) src(%arg17 : memref<128x16xf32, #tpu.memory_space<vmem>>) dst(%dma_wait3A_309 : memref<10240x16xf32, #tpu.memory_space<vmem_shared>>)
          tpu.yield
        }) : () -> ()
      } else {
      }
    } else {
    }
    %barrier3A_222 = arith.constant 0 : index
    tpu.barrier barrier_id(%barrier3A_222)
    %mul3A_223 = arith.constant 640 : i32
    %mul3A_224 = arith.muli %arg1, %mul3A_223 : i32
    %add3A_225 = arith.constant 0 : i32
    %add3A_226 = arith.addi %mul3A_224, %add3A_225 : i32
    "tpu.region"() ({
      %run_scoped3A = tpu.sem_alloc : memref<!tpu.dma_semaphore, #tpu.memory_space<semaphore_mem>>
      %dma_start3A_247 = arith.constant 0 : i32
      %dma_start3A_248 = tpu.memref_slice %arg5[%arg0, %add3A_226, %dma_start3A_247] : memref<2x10240x64xf32, #tpu.memory_space<hbm>> -> memref<1x128x64xf32, #tpu.memory_space<hbm>>
      %dma_start3A_249 = tpu.memref_squeeze %dma_start3A_248 : memref<1x128x64xf32, #tpu.memory_space<hbm>> -> memref<128x64xf32, #tpu.memory_space<hbm>>
      %dma_start3A_250 = arith.constant 0 : i32
      %dma_start3A_251 = tpu.memref_slice %arg19[%add3A_226, %dma_start3A_250] : memref<10240x64xf32, #tpu.memory_space<vmem_shared>> -> memref<128x64xf32, #tpu.memory_space<vmem_shared>>
      tpu.enqueue_dma source(%dma_start3A_251 : memref<128x64xf32, #tpu.memory_space<vmem_shared>>) target(%dma_start3A_249 : memref<128x64xf32, #tpu.memory_space<hbm>>) target_semaphore(%run_scoped3A : memref<!tpu.dma_semaphore, #tpu.memory_space<semaphore_mem>>)
      %dma_wait3A_252 = arith.constant 0 : i32
      %dma_wait3A_253 = tpu.memref_slice %arg5[%arg0, %add3A_226, %dma_wait3A_252] : memref<2x10240x64xf32, #tpu.memory_space<hbm>> -> memref<1x128x64xf32, #tpu.memory_space<hbm>>
      %dma_wait3A_254 = tpu.memref_squeeze %dma_wait3A_253 : memref<1x128x64xf32, #tpu.memory_space<hbm>> -> memref<128x64xf32, #tpu.memory_space<hbm>>
      %dma_wait3A_255 = arith.constant 0 : i32
      %dma_wait3A_256 = tpu.memref_slice %arg19[%add3A_226, %dma_wait3A_255] : memref<10240x64xf32, #tpu.memory_space<vmem_shared>> -> memref<128x64xf32, #tpu.memory_space<vmem_shared>>
      tpu.wait_dma2 semaphore(%run_scoped3A : memref<!tpu.dma_semaphore, #tpu.memory_space<semaphore_mem>>) src(%dma_wait3A_256 : memref<128x64xf32, #tpu.memory_space<vmem_shared>>) dst(%dma_wait3A_254 : memref<128x64xf32, #tpu.memory_space<hbm>>)
      tpu.yield
    }) : () -> ()
    %mul3A_227 = arith.constant 640 : i32
    %mul3A_228 = arith.muli %arg1, %mul3A_227 : i32
    %add3A_229 = arith.constant 128 : i32
    %add3A_230 = arith.addi %mul3A_228, %add3A_229 : i32
    "tpu.region"() ({
      %run_scoped3A = tpu.sem_alloc : memref<!tpu.dma_semaphore, #tpu.memory_space<semaphore_mem>>
      %dma_start3A_247 = arith.constant 0 : i32
      %dma_start3A_248 = tpu.memref_slice %arg5[%arg0, %add3A_230, %dma_start3A_247] : memref<2x10240x64xf32, #tpu.memory_space<hbm>> -> memref<1x128x64xf32, #tpu.memory_space<hbm>>
      %dma_start3A_249 = tpu.memref_squeeze %dma_start3A_248 : memref<1x128x64xf32, #tpu.memory_space<hbm>> -> memref<128x64xf32, #tpu.memory_space<hbm>>
      %dma_start3A_250 = arith.constant 0 : i32
      %dma_start3A_251 = tpu.memref_slice %arg19[%add3A_230, %dma_start3A_250] : memref<10240x64xf32, #tpu.memory_space<vmem_shared>> -> memref<128x64xf32, #tpu.memory_space<vmem_shared>>
      tpu.enqueue_dma source(%dma_start3A_251 : memref<128x64xf32, #tpu.memory_space<vmem_shared>>) target(%dma_start3A_249 : memref<128x64xf32, #tpu.memory_space<hbm>>) target_semaphore(%run_scoped3A : memref<!tpu.dma_semaphore, #tpu.memory_space<semaphore_mem>>)
      %dma_wait3A_252 = arith.constant 0 : i32
      %dma_wait3A_253 = tpu.memref_slice %arg5[%arg0, %add3A_230, %dma_wait3A_252] : memref<2x10240x64xf32, #tpu.memory_space<hbm>> -> memref<1x128x64xf32, #tpu.memory_space<hbm>>
      %dma_wait3A_254 = tpu.memref_squeeze %dma_wait3A_253 : memref<1x128x64xf32, #tpu.memory_space<hbm>> -> memref<128x64xf32, #tpu.memory_space<hbm>>
      %dma_wait3A_255 = arith.constant 0 : i32
      %dma_wait3A_256 = tpu.memref_slice %arg19[%add3A_230, %dma_wait3A_255] : memref<10240x64xf32, #tpu.memory_space<vmem_shared>> -> memref<128x64xf32, #tpu.memory_space<vmem_shared>>
      tpu.wait_dma2 semaphore(%run_scoped3A : memref<!tpu.dma_semaphore, #tpu.memory_space<semaphore_mem>>) src(%dma_wait3A_256 : memref<128x64xf32, #tpu.memory_space<vmem_shared>>) dst(%dma_wait3A_254 : memref<128x64xf32, #tpu.memory_space<hbm>>)
      tpu.yield
    }) : () -> ()
    %mul3A_231 = arith.constant 640 : i32
    %mul3A_232 = arith.muli %arg1, %mul3A_231 : i32
    %add3A_233 = arith.constant 256 : i32
    %add3A_234 = arith.addi %mul3A_232, %add3A_233 : i32
    "tpu.region"() ({
      %run_scoped3A = tpu.sem_alloc : memref<!tpu.dma_semaphore, #tpu.memory_space<semaphore_mem>>
      %dma_start3A_247 = arith.constant 0 : i32
      %dma_start3A_248 = tpu.memref_slice %arg5[%arg0, %add3A_234, %dma_start3A_247] : memref<2x10240x64xf32, #tpu.memory_space<hbm>> -> memref<1x128x64xf32, #tpu.memory_space<hbm>>
      %dma_start3A_249 = tpu.memref_squeeze %dma_start3A_248 : memref<1x128x64xf32, #tpu.memory_space<hbm>> -> memref<128x64xf32, #tpu.memory_space<hbm>>
      %dma_start3A_250 = arith.constant 0 : i32
      %dma_start3A_251 = tpu.memref_slice %arg19[%add3A_234, %dma_start3A_250] : memref<10240x64xf32, #tpu.memory_space<vmem_shared>> -> memref<128x64xf32, #tpu.memory_space<vmem_shared>>
      tpu.enqueue_dma source(%dma_start3A_251 : memref<128x64xf32, #tpu.memory_space<vmem_shared>>) target(%dma_start3A_249 : memref<128x64xf32, #tpu.memory_space<hbm>>) target_semaphore(%run_scoped3A : memref<!tpu.dma_semaphore, #tpu.memory_space<semaphore_mem>>)
      %dma_wait3A_252 = arith.constant 0 : i32
      %dma_wait3A_253 = tpu.memref_slice %arg5[%arg0, %add3A_234, %dma_wait3A_252] : memref<2x10240x64xf32, #tpu.memory_space<hbm>> -> memref<1x128x64xf32, #tpu.memory_space<hbm>>
      %dma_wait3A_254 = tpu.memref_squeeze %dma_wait3A_253 : memref<1x128x64xf32, #tpu.memory_space<hbm>> -> memref<128x64xf32, #tpu.memory_space<hbm>>
      %dma_wait3A_255 = arith.constant 0 : i32
      %dma_wait3A_256 = tpu.memref_slice %arg19[%add3A_234, %dma_wait3A_255] : memref<10240x64xf32, #tpu.memory_space<vmem_shared>> -> memref<128x64xf32, #tpu.memory_space<vmem_shared>>
      tpu.wait_dma2 semaphore(%run_scoped3A : memref<!tpu.dma_semaphore, #tpu.memory_space<semaphore_mem>>) src(%dma_wait3A_256 : memref<128x64xf32, #tpu.memory_space<vmem_shared>>) dst(%dma_wait3A_254 : memref<128x64xf32, #tpu.memory_space<hbm>>)
      tpu.yield
    }) : () -> ()
    %mul3A_235 = arith.constant 640 : i32
    %mul3A_236 = arith.muli %arg1, %mul3A_235 : i32
    %add3A_237 = arith.constant 384 : i32
    %add3A_238 = arith.addi %mul3A_236, %add3A_237 : i32
    "tpu.region"() ({
      %run_scoped3A = tpu.sem_alloc : memref<!tpu.dma_semaphore, #tpu.memory_space<semaphore_mem>>
      %dma_start3A_247 = arith.constant 0 : i32
      %dma_start3A_248 = tpu.memref_slice %arg5[%arg0, %add3A_238, %dma_start3A_247] : memref<2x10240x64xf32, #tpu.memory_space<hbm>> -> memref<1x128x64xf32, #tpu.memory_space<hbm>>
      %dma_start3A_249 = tpu.memref_squeeze %dma_start3A_248 : memref<1x128x64xf32, #tpu.memory_space<hbm>> -> memref<128x64xf32, #tpu.memory_space<hbm>>
      %dma_start3A_250 = arith.constant 0 : i32
      %dma_start3A_251 = tpu.memref_slice %arg19[%add3A_238, %dma_start3A_250] : memref<10240x64xf32, #tpu.memory_space<vmem_shared>> -> memref<128x64xf32, #tpu.memory_space<vmem_shared>>
      tpu.enqueue_dma source(%dma_start3A_251 : memref<128x64xf32, #tpu.memory_space<vmem_shared>>) target(%dma_start3A_249 : memref<128x64xf32, #tpu.memory_space<hbm>>) target_semaphore(%run_scoped3A : memref<!tpu.dma_semaphore, #tpu.memory_space<semaphore_mem>>)
      %dma_wait3A_252 = arith.constant 0 : i32
      %dma_wait3A_253 = tpu.memref_slice %arg5[%arg0, %add3A_238, %dma_wait3A_252] : memref<2x10240x64xf32, #tpu.memory_space<hbm>> -> memref<1x128x64xf32, #tpu.memory_space<hbm>>
      %dma_wait3A_254 = tpu.memref_squeeze %dma_wait3A_253 : memref<1x128x64xf32, #tpu.memory_space<hbm>> -> memref<128x64xf32, #tpu.memory_space<hbm>>
      %dma_wait3A_255 = arith.constant 0 : i32
      %dma_wait3A_256 = tpu.memref_slice %arg19[%add3A_238, %dma_wait3A_255] : memref<10240x64xf32, #tpu.memory_space<vmem_shared>> -> memref<128x64xf32, #tpu.memory_space<vmem_shared>>
      tpu.wait_dma2 semaphore(%run_scoped3A : memref<!tpu.dma_semaphore, #tpu.memory_space<semaphore_mem>>) src(%dma_wait3A_256 : memref<128x64xf32, #tpu.memory_space<vmem_shared>>) dst(%dma_wait3A_254 : memref<128x64xf32, #tpu.memory_space<hbm>>)
      tpu.yield
    }) : () -> ()
    %mul3A_239 = arith.constant 640 : i32
    %mul3A_240 = arith.muli %arg1, %mul3A_239 : i32
    %add3A_241 = arith.constant 512 : i32
    %add3A_242 = arith.addi %mul3A_240, %add3A_241 : i32
    "tpu.region"() ({
      %run_scoped3A = tpu.sem_alloc : memref<!tpu.dma_semaphore, #tpu.memory_space<semaphore_mem>>
      %dma_start3A_247 = arith.constant 0 : i32
      %dma_start3A_248 = tpu.memref_slice %arg5[%arg0, %add3A_242, %dma_start3A_247] : memref<2x10240x64xf32, #tpu.memory_space<hbm>> -> memref<1x128x64xf32, #tpu.memory_space<hbm>>
      %dma_start3A_249 = tpu.memref_squeeze %dma_start3A_248 : memref<1x128x64xf32, #tpu.memory_space<hbm>> -> memref<128x64xf32, #tpu.memory_space<hbm>>
      %dma_start3A_250 = arith.constant 0 : i32
      %dma_start3A_251 = tpu.memref_slice %arg19[%add3A_242, %dma_start3A_250] : memref<10240x64xf32, #tpu.memory_space<vmem_shared>> -> memref<128x64xf32, #tpu.memory_space<vmem_shared>>
      tpu.enqueue_dma source(%dma_start3A_251 : memref<128x64xf32, #tpu.memory_space<vmem_shared>>) target(%dma_start3A_249 : memref<128x64xf32, #tpu.memory_space<hbm>>) target_semaphore(%run_scoped3A : memref<!tpu.dma_semaphore, #tpu.memory_space<semaphore_mem>>)
      %dma_wait3A_252 = arith.constant 0 : i32
      %dma_wait3A_253 = tpu.memref_slice %arg5[%arg0, %add3A_242, %dma_wait3A_252] : memref<2x10240x64xf32, #tpu.memory_space<hbm>> -> memref<1x128x64xf32, #tpu.memory_space<hbm>>
      %dma_wait3A_254 = tpu.memref_squeeze %dma_wait3A_253 : memref<1x128x64xf32, #tpu.memory_space<hbm>> -> memref<128x64xf32, #tpu.memory_space<hbm>>
      %dma_wait3A_255 = arith.constant 0 : i32
      %dma_wait3A_256 = tpu.memref_slice %arg19[%add3A_242, %dma_wait3A_255] : memref<10240x64xf32, #tpu.memory_space<vmem_shared>> -> memref<128x64xf32, #tpu.memory_space<vmem_shared>>
      tpu.wait_dma2 semaphore(%run_scoped3A : memref<!tpu.dma_semaphore, #tpu.memory_space<semaphore_mem>>) src(%dma_wait3A_256 : memref<128x64xf32, #tpu.memory_space<vmem_shared>>) dst(%dma_wait3A_254 : memref<128x64xf32, #tpu.memory_space<hbm>>)
      tpu.yield
    }) : () -> ()
    %mul3A_243 = arith.constant 640 : i32
    %mul3A_244 = arith.muli %arg1, %mul3A_243 : i32
    %mul3A_245 = arith.constant 640 : i32
    %mul3A_246 = arith.muli %arg1, %mul3A_245 : i32
    "tpu.region"() ({
      %run_scoped3A = tpu.sem_alloc : memref<!tpu.dma_semaphore, #tpu.memory_space<semaphore_mem>>
      %dma_start3A_247 = arith.constant 0 : i32
      %dma_start3A_248 = tpu.memref_slice %arg6[%arg0, %mul3A_246, %dma_start3A_247] : memref<2x10240x16xf32, #tpu.memory_space<hbm>> -> memref<1x640x16xf32, #tpu.memory_space<hbm>>
      %dma_start3A_249 = tpu.memref_squeeze %dma_start3A_248 : memref<1x640x16xf32, #tpu.memory_space<hbm>> -> memref<640x16xf32, #tpu.memory_space<hbm>>
      %dma_start3A_250 = arith.constant 0 : i32
      %dma_start3A_251 = tpu.memref_slice %arg20[%mul3A_244, %dma_start3A_250] : memref<10240x16xf32, #tpu.memory_space<vmem_shared>> -> memref<640x16xf32, #tpu.memory_space<vmem_shared>>
      tpu.enqueue_dma source(%dma_start3A_251 : memref<640x16xf32, #tpu.memory_space<vmem_shared>>) target(%dma_start3A_249 : memref<640x16xf32, #tpu.memory_space<hbm>>) target_semaphore(%run_scoped3A : memref<!tpu.dma_semaphore, #tpu.memory_space<semaphore_mem>>)
      %dma_wait3A_252 = arith.constant 0 : i32
      %dma_wait3A_253 = tpu.memref_slice %arg6[%arg0, %mul3A_246, %dma_wait3A_252] : memref<2x10240x16xf32, #tpu.memory_space<hbm>> -> memref<1x640x16xf32, #tpu.memory_space<hbm>>
      %dma_wait3A_254 = tpu.memref_squeeze %dma_wait3A_253 : memref<1x640x16xf32, #tpu.memory_space<hbm>> -> memref<640x16xf32, #tpu.memory_space<hbm>>
      %dma_wait3A_255 = arith.constant 0 : i32
      %dma_wait3A_256 = tpu.memref_slice %arg20[%mul3A_244, %dma_wait3A_255] : memref<10240x16xf32, #tpu.memory_space<vmem_shared>> -> memref<640x16xf32, #tpu.memory_space<vmem_shared>>
      tpu.wait_dma2 semaphore(%run_scoped3A : memref<!tpu.dma_semaphore, #tpu.memory_space<semaphore_mem>>) src(%dma_wait3A_256 : memref<640x16xf32, #tpu.memory_space<vmem_shared>>) dst(%dma_wait3A_254 : memref<640x16xf32, #tpu.memory_space<hbm>>)
      tpu.yield
    }) : () -> ()
    return
  }
}

#map = affine_map<(d0, d1) -> (0, 0)>
#map1 = affine_map<(d0, d1) -> (0, 0, 0)>
module attributes {stable_mosaic.version = 14 : i64} {
  func.func @_sc_agg_body(%arg0: i32, %arg1: i32, %arg2: memref<5000x128xi32, #tpu.memory_space<hbm>>, %arg3: memref<2500x128xi32, #tpu.memory_space<hbm>>, %arg4: memref<20000x64xf32, #tpu.memory_space<hbm>>, %arg5: memref<2x10240x64xf32, #tpu.memory_space<hbm>>, %arg6: memref<6x128xi32, #tpu.memory_space<vmem>>, %arg7: memref<6x128xi32, #tpu.memory_space<vmem>>, %arg8: memref<6x128xi32, #tpu.memory_space<vmem>>, %arg9: memref<6x128xi32, #tpu.memory_space<vmem>>, %arg10: memref<128x64xf32, #tpu.memory_space<vmem>>, %arg11: memref<128x64xf32, #tpu.memory_space<vmem>>, %arg12: memref<128x64xf32, #tpu.memory_space<vmem>>, %arg13: memref<128x64xf32, #tpu.memory_space<vmem>>, %arg14: memref<128x64xf32, #tpu.memory_space<vmem>>, %arg15: memref<128x64xf32, #tpu.memory_space<vmem>>, %arg16: memref<10240x64xf32, #tpu.memory_space<vmem_shared>>, %arg17: memref<!tpu.dma_semaphore, #tpu.memory_space<semaphore_mem>>, %arg18: memref<!tpu.dma_semaphore, #tpu.memory_space<semaphore_mem>>, %arg19: memref<!tpu.dma_semaphore, #tpu.memory_space<semaphore_mem>>, %arg20: memref<!tpu.dma_semaphore, #tpu.memory_space<semaphore_mem>>, %arg21: memref<!tpu.dma_semaphore, #tpu.memory_space<semaphore_mem>>, %arg22: memref<!tpu.dma_semaphore, #tpu.memory_space<semaphore_mem>>, %arg23: memref<!tpu.dma_semaphore, #tpu.memory_space<semaphore_mem>>, %arg24: memref<!tpu.dma_semaphore, #tpu.memory_space<semaphore_mem>>, %arg25: memref<!tpu.dma_semaphore, #tpu.memory_space<semaphore_mem>>, %arg26: memref<!tpu.dma_semaphore, #tpu.memory_space<semaphore_mem>>, %arg27: memref<!tpu.dma_semaphore, #tpu.memory_space<semaphore_mem>>, %arg28: memref<!tpu.dma_semaphore, #tpu.memory_space<semaphore_mem>>) attributes {dimension_semantics = [#tpu.dimension_semantics<core_parallel>, #tpu.dimension_semantics<subcore_parallel>], iteration_bounds = array<i64: 2, 16>, scalar_prefetch = 0 : i64, scratch_operands = 23 : i64, tpu.core_type = #tpu.core_type<sc_vector_subcore>, window_params = [{transform_indices = #map}, {transform_indices = #map}, {transform_indices = #map}, {transform_indices = #map1}]} {
    %mul3A = arith.constant 156 : i32
    %mul3A_0 = arith.muli %arg1, %mul3A : i32
    %scan3A = arith.constant 0 : i32
    %scan3A_1 = arith.constant 0 : i32
    %scan3A_2 = arith.constant 128 : i32
    %scan3A_3 = arith.addi %scan3A_1, %scan3A_2 : i32
    %scan3A_4 = arith.constant 1 : i32
    %scan3A_5 = scf.for %scan3A_166 = %scan3A_1 to %scan3A_3 step %scan3A_4 iter_args(%scan3A_167 = %scan3A) -> (i32)  : i32 {
      %broadcast_in_dim3A = arith.constant 0.000000e+00 : f32
      %broadcast_in_dim3A_168 = vector.broadcast %broadcast_in_dim3A : f32 to vector<16xf32>
      %swap3A = arith.index_cast %scan3A_166 : i32 to index
      %swap3A_169 = arith.constant 0 : index
      %swap3A_170 = tpu.vector_load %arg10[%swap3A, %swap3A_169] {strides = array<i32>} : memref<128x64xf32, #tpu.memory_space<vmem>>, vector<1x16xf32>,
      %swap3A_171 = vector.shape_cast %swap3A_170 : vector<1x16xf32> to vector<16xf32>
      %swap3A_172 = vector.shape_cast %broadcast_in_dim3A_168 : vector<16xf32> to vector<1x16xf32>
      tpu.vector_store %arg10[%swap3A, %swap3A_169], %swap3A_172 {strides = array<i32>} : memref<128x64xf32, #tpu.memory_space<vmem>>, vector<1x16xf32>,
      %broadcast_in_dim3A_173 = arith.constant 0.000000e+00 : f32
      %broadcast_in_dim3A_174 = vector.broadcast %broadcast_in_dim3A_173 : f32 to vector<16xf32>
      %swap3A_175 = arith.index_cast %scan3A_166 : i32 to index
      %swap3A_176 = arith.constant 16 : index
      %swap3A_177 = tpu.vector_load %arg10[%swap3A_175, %swap3A_176] {strides = array<i32>} : memref<128x64xf32, #tpu.memory_space<vmem>>, vector<1x16xf32>,
      %swap3A_178 = vector.shape_cast %swap3A_177 : vector<1x16xf32> to vector<16xf32>
      %swap3A_179 = vector.shape_cast %broadcast_in_dim3A_174 : vector<16xf32> to vector<1x16xf32>
      tpu.vector_store %arg10[%swap3A_175, %swap3A_176], %swap3A_179 {strides = array<i32>} : memref<128x64xf32, #tpu.memory_space<vmem>>, vector<1x16xf32>,
      %broadcast_in_dim3A_180 = arith.constant 0.000000e+00 : f32
      %broadcast_in_dim3A_181 = vector.broadcast %broadcast_in_dim3A_180 : f32 to vector<16xf32>
      %swap3A_182 = arith.index_cast %scan3A_166 : i32 to index
      %swap3A_183 = arith.constant 32 : index
      %swap3A_184 = tpu.vector_load %arg10[%swap3A_182, %swap3A_183] {strides = array<i32>} : memref<128x64xf32, #tpu.memory_space<vmem>>, vector<1x16xf32>,
      %swap3A_185 = vector.shape_cast %swap3A_184 : vector<1x16xf32> to vector<16xf32>
      %swap3A_186 = vector.shape_cast %broadcast_in_dim3A_181 : vector<16xf32> to vector<1x16xf32>
      tpu.vector_store %arg10[%swap3A_182, %swap3A_183], %swap3A_186 {strides = array<i32>} : memref<128x64xf32, #tpu.memory_space<vmem>>, vector<1x16xf32>,
      %broadcast_in_dim3A_187 = arith.constant 0.000000e+00 : f32
      %broadcast_in_dim3A_188 = vector.broadcast %broadcast_in_dim3A_187 : f32 to vector<16xf32>
      %swap3A_189 = arith.index_cast %scan3A_166 : i32 to index
      %swap3A_190 = arith.constant 48 : index
      %swap3A_191 = tpu.vector_load %arg10[%swap3A_189, %swap3A_190] {strides = array<i32>} : memref<128x64xf32, #tpu.memory_space<vmem>>, vector<1x16xf32>,
      %swap3A_192 = vector.shape_cast %swap3A_191 : vector<1x16xf32> to vector<16xf32>
      %swap3A_193 = vector.shape_cast %broadcast_in_dim3A_188 : vector<16xf32> to vector<1x16xf32>
      tpu.vector_store %arg10[%swap3A_189, %swap3A_190], %swap3A_193 {strides = array<i32>} : memref<128x64xf32, #tpu.memory_space<vmem>>, vector<1x16xf32>,
      %scan3A_194 = arith.constant 0 : i32
      scf.yield %scan3A_194 : i32
    }
    %scan3A_6 = arith.constant 128 : i32
    %mul3A_7 = arith.constant 640 : i32
    %mul3A_8 = arith.muli %arg1, %mul3A_7 : i32
    %add3A = arith.constant 0 : i32
    %add3A_9 = arith.addi %mul3A_8, %add3A : i32
    "tpu.region"() ({
      %run_scoped3A = tpu.sem_alloc : memref<!tpu.dma_semaphore, #tpu.memory_space<semaphore_mem>>
      %dma_start3A_166 = arith.constant 0 : i32
      %dma_start3A_167 = tpu.memref_slice %arg16[%add3A_9, %dma_start3A_166] : memref<10240x64xf32, #tpu.memory_space<vmem_shared>> -> memref<128x64xf32, #tpu.memory_space<vmem_shared>>
      %dma_start3A_168 = arith.constant 0 : i32
      %dma_start3A_169 = tpu.memref_slice %arg16[%add3A_9, %dma_start3A_168] : memref<10240x64xf32, #tpu.memory_space<vmem_shared>> -> memref<128x64xf32, #tpu.memory_space<vmem_shared>>
      tpu.enqueue_dma source(%arg10 : memref<128x64xf32, #tpu.memory_space<vmem>>) target(%dma_start3A_169 : memref<128x64xf32, #tpu.memory_space<vmem_shared>>) target_semaphore(%run_scoped3A : memref<!tpu.dma_semaphore, #tpu.memory_space<semaphore_mem>>)
      %dma_wait3A_170 = arith.constant 0 : i32
      %dma_wait3A_171 = tpu.memref_slice %arg16[%add3A_9, %dma_wait3A_170] : memref<10240x64xf32, #tpu.memory_space<vmem_shared>> -> memref<128x64xf32, #tpu.memory_space<vmem_shared>>
      %dma_wait3A_172 = arith.constant 0 : i32
      %dma_wait3A_173 = tpu.memref_slice %arg16[%add3A_9, %dma_wait3A_172] : memref<10240x64xf32, #tpu.memory_space<vmem_shared>> -> memref<128x64xf32, #tpu.memory_space<vmem_shared>>
      tpu.wait_dma2 semaphore(%run_scoped3A : memref<!tpu.dma_semaphore, #tpu.memory_space<semaphore_mem>>) src(%arg10 : memref<128x64xf32, #tpu.memory_space<vmem>>) dst(%dma_wait3A_173 : memref<128x64xf32, #tpu.memory_space<vmem_shared>>)
      tpu.yield
    }) : () -> ()
    %mul3A_10 = arith.constant 640 : i32
    %mul3A_11 = arith.muli %arg1, %mul3A_10 : i32
    %add3A_12 = arith.constant 128 : i32
    %add3A_13 = arith.addi %mul3A_11, %add3A_12 : i32
    "tpu.region"() ({
      %run_scoped3A = tpu.sem_alloc : memref<!tpu.dma_semaphore, #tpu.memory_space<semaphore_mem>>
      %dma_start3A_166 = arith.constant 0 : i32
      %dma_start3A_167 = tpu.memref_slice %arg16[%add3A_13, %dma_start3A_166] : memref<10240x64xf32, #tpu.memory_space<vmem_shared>> -> memref<128x64xf32, #tpu.memory_space<vmem_shared>>
      %dma_start3A_168 = arith.constant 0 : i32
      %dma_start3A_169 = tpu.memref_slice %arg16[%add3A_13, %dma_start3A_168] : memref<10240x64xf32, #tpu.memory_space<vmem_shared>> -> memref<128x64xf32, #tpu.memory_space<vmem_shared>>
      tpu.enqueue_dma source(%arg10 : memref<128x64xf32, #tpu.memory_space<vmem>>) target(%dma_start3A_169 : memref<128x64xf32, #tpu.memory_space<vmem_shared>>) target_semaphore(%run_scoped3A : memref<!tpu.dma_semaphore, #tpu.memory_space<semaphore_mem>>)
      %dma_wait3A_170 = arith.constant 0 : i32
      %dma_wait3A_171 = tpu.memref_slice %arg16[%add3A_13, %dma_wait3A_170] : memref<10240x64xf32, #tpu.memory_space<vmem_shared>> -> memref<128x64xf32, #tpu.memory_space<vmem_shared>>
      %dma_wait3A_172 = arith.constant 0 : i32
      %dma_wait3A_173 = tpu.memref_slice %arg16[%add3A_13, %dma_wait3A_172] : memref<10240x64xf32, #tpu.memory_space<vmem_shared>> -> memref<128x64xf32, #tpu.memory_space<vmem_shared>>
      tpu.wait_dma2 semaphore(%run_scoped3A : memref<!tpu.dma_semaphore, #tpu.memory_space<semaphore_mem>>) src(%arg10 : memref<128x64xf32, #tpu.memory_space<vmem>>) dst(%dma_wait3A_173 : memref<128x64xf32, #tpu.memory_space<vmem_shared>>)
      tpu.yield
    }) : () -> ()
    %mul3A_14 = arith.constant 640 : i32
    %mul3A_15 = arith.muli %arg1, %mul3A_14 : i32
    %add3A_16 = arith.constant 256 : i32
    %add3A_17 = arith.addi %mul3A_15, %add3A_16 : i32
    "tpu.region"() ({
      %run_scoped3A = tpu.sem_alloc : memref<!tpu.dma_semaphore, #tpu.memory_space<semaphore_mem>>
      %dma_start3A_166 = arith.constant 0 : i32
      %dma_start3A_167 = tpu.memref_slice %arg16[%add3A_17, %dma_start3A_166] : memref<10240x64xf32, #tpu.memory_space<vmem_shared>> -> memref<128x64xf32, #tpu.memory_space<vmem_shared>>
      %dma_start3A_168 = arith.constant 0 : i32
      %dma_start3A_169 = tpu.memref_slice %arg16[%add3A_17, %dma_start3A_168] : memref<10240x64xf32, #tpu.memory_space<vmem_shared>> -> memref<128x64xf32, #tpu.memory_space<vmem_shared>>
      tpu.enqueue_dma source(%arg10 : memref<128x64xf32, #tpu.memory_space<vmem>>) target(%dma_start3A_169 : memref<128x64xf32, #tpu.memory_space<vmem_shared>>) target_semaphore(%run_scoped3A : memref<!tpu.dma_semaphore, #tpu.memory_space<semaphore_mem>>)
      %dma_wait3A_170 = arith.constant 0 : i32
      %dma_wait3A_171 = tpu.memref_slice %arg16[%add3A_17, %dma_wait3A_170] : memref<10240x64xf32, #tpu.memory_space<vmem_shared>> -> memref<128x64xf32, #tpu.memory_space<vmem_shared>>
      %dma_wait3A_172 = arith.constant 0 : i32
      %dma_wait3A_173 = tpu.memref_slice %arg16[%add3A_17, %dma_wait3A_172] : memref<10240x64xf32, #tpu.memory_space<vmem_shared>> -> memref<128x64xf32, #tpu.memory_space<vmem_shared>>
      tpu.wait_dma2 semaphore(%run_scoped3A : memref<!tpu.dma_semaphore, #tpu.memory_space<semaphore_mem>>) src(%arg10 : memref<128x64xf32, #tpu.memory_space<vmem>>) dst(%dma_wait3A_173 : memref<128x64xf32, #tpu.memory_space<vmem_shared>>)
      tpu.yield
    }) : () -> ()
    %mul3A_18 = arith.constant 640 : i32
    %mul3A_19 = arith.muli %arg1, %mul3A_18 : i32
    %add3A_20 = arith.constant 384 : i32
    %add3A_21 = arith.addi %mul3A_19, %add3A_20 : i32
    "tpu.region"() ({
      %run_scoped3A = tpu.sem_alloc : memref<!tpu.dma_semaphore, #tpu.memory_space<semaphore_mem>>
      %dma_start3A_166 = arith.constant 0 : i32
      %dma_start3A_167 = tpu.memref_slice %arg16[%add3A_21, %dma_start3A_166] : memref<10240x64xf32, #tpu.memory_space<vmem_shared>> -> memref<128x64xf32, #tpu.memory_space<vmem_shared>>
      %dma_start3A_168 = arith.constant 0 : i32
      %dma_start3A_169 = tpu.memref_slice %arg16[%add3A_21, %dma_start3A_168] : memref<10240x64xf32, #tpu.memory_space<vmem_shared>> -> memref<128x64xf32, #tpu.memory_space<vmem_shared>>
      tpu.enqueue_dma source(%arg10 : memref<128x64xf32, #tpu.memory_space<vmem>>) target(%dma_start3A_169 : memref<128x64xf32, #tpu.memory_space<vmem_shared>>) target_semaphore(%run_scoped3A : memref<!tpu.dma_semaphore, #tpu.memory_space<semaphore_mem>>)
      %dma_wait3A_170 = arith.constant 0 : i32
      %dma_wait3A_171 = tpu.memref_slice %arg16[%add3A_21, %dma_wait3A_170] : memref<10240x64xf32, #tpu.memory_space<vmem_shared>> -> memref<128x64xf32, #tpu.memory_space<vmem_shared>>
      %dma_wait3A_172 = arith.constant 0 : i32
      %dma_wait3A_173 = tpu.memref_slice %arg16[%add3A_21, %dma_wait3A_172] : memref<10240x64xf32, #tpu.memory_space<vmem_shared>> -> memref<128x64xf32, #tpu.memory_space<vmem_shared>>
      tpu.wait_dma2 semaphore(%run_scoped3A : memref<!tpu.dma_semaphore, #tpu.memory_space<semaphore_mem>>) src(%arg10 : memref<128x64xf32, #tpu.memory_space<vmem>>) dst(%dma_wait3A_173 : memref<128x64xf32, #tpu.memory_space<vmem_shared>>)
      tpu.yield
    }) : () -> ()
    %mul3A_22 = arith.constant 640 : i32
    %mul3A_23 = arith.muli %arg1, %mul3A_22 : i32
    %add3A_24 = arith.constant 512 : i32
    %add3A_25 = arith.addi %mul3A_23, %add3A_24 : i32
    "tpu.region"() ({
      %run_scoped3A = tpu.sem_alloc : memref<!tpu.dma_semaphore, #tpu.memory_space<semaphore_mem>>
      %dma_start3A_166 = arith.constant 0 : i32
      %dma_start3A_167 = tpu.memref_slice %arg16[%add3A_25, %dma_start3A_166] : memref<10240x64xf32, #tpu.memory_space<vmem_shared>> -> memref<128x64xf32, #tpu.memory_space<vmem_shared>>
      %dma_start3A_168 = arith.constant 0 : i32
      %dma_start3A_169 = tpu.memref_slice %arg16[%add3A_25, %dma_start3A_168] : memref<10240x64xf32, #tpu.memory_space<vmem_shared>> -> memref<128x64xf32, #tpu.memory_space<vmem_shared>>
      tpu.enqueue_dma source(%arg10 : memref<128x64xf32, #tpu.memory_space<vmem>>) target(%dma_start3A_169 : memref<128x64xf32, #tpu.memory_space<vmem_shared>>) target_semaphore(%run_scoped3A : memref<!tpu.dma_semaphore, #tpu.memory_space<semaphore_mem>>)
      %dma_wait3A_170 = arith.constant 0 : i32
      %dma_wait3A_171 = tpu.memref_slice %arg16[%add3A_25, %dma_wait3A_170] : memref<10240x64xf32, #tpu.memory_space<vmem_shared>> -> memref<128x64xf32, #tpu.memory_space<vmem_shared>>
      %dma_wait3A_172 = arith.constant 0 : i32
      %dma_wait3A_173 = tpu.memref_slice %arg16[%add3A_25, %dma_wait3A_172] : memref<10240x64xf32, #tpu.memory_space<vmem_shared>> -> memref<128x64xf32, #tpu.memory_space<vmem_shared>>
      tpu.wait_dma2 semaphore(%run_scoped3A : memref<!tpu.dma_semaphore, #tpu.memory_space<semaphore_mem>>) src(%arg10 : memref<128x64xf32, #tpu.memory_space<vmem>>) dst(%dma_wait3A_173 : memref<128x64xf32, #tpu.memory_space<vmem_shared>>)
      tpu.yield
    }) : () -> ()
    %barrier3A = arith.constant 0 : index
    tpu.barrier barrier_id(%barrier3A)
    %scan3A_26 = arith.constant 0 : i32
    %scan3A_27 = arith.constant 0 : i32
    %scan3A_28 = arith.constant 13 : i32
    %scan3A_29 = arith.addi %scan3A_27, %scan3A_28 : i32
    %scan3A_30 = arith.constant 1 : i32
    %scan3A_31 = scf.for %scan3A_166 = %scan3A_27 to %scan3A_29 step %scan3A_30 iter_args(%scan3A_167 = %scan3A_26) -> (i32)  : i32 {
      %mul3A_168 = arith.constant 12 : i32
      %mul3A_169 = arith.muli %scan3A_166, %mul3A_168 : i32
      %add3A_170 = arith.addi %mul3A_0, %mul3A_169 : i32
      %mul3A_171 = arith.constant 2500 : i32
      %mul3A_172 = arith.muli %arg0, %mul3A_171 : i32
      %add3A_173 = arith.addi %mul3A_172, %add3A_170 : i32
      "tpu.region"() ({
        %run_scoped3A = tpu.sem_alloc : memref<!tpu.dma_semaphore, #tpu.memory_space<semaphore_mem>>
        %dma_start3A_531 = arith.constant 0 : i32
        %dma_start3A_532 = tpu.memref_slice %arg2[%add3A_173, %dma_start3A_531] : memref<5000x128xi32, #tpu.memory_space<hbm>> -> memref<6x128xi32, #tpu.memory_space<hbm>>
        %dma_start3A_533 = arith.constant 0 : i32
        %dma_start3A_534 = tpu.memref_slice %arg2[%add3A_173, %dma_start3A_533] : memref<5000x128xi32, #tpu.memory_space<hbm>> -> memref<6x128xi32, #tpu.memory_space<hbm>>
        tpu.enqueue_dma source(%dma_start3A_534 : memref<6x128xi32, #tpu.memory_space<hbm>>) target(%arg6 : memref<6x128xi32, #tpu.memory_space<vmem>>) target_semaphore(%run_scoped3A : memref<!tpu.dma_semaphore, #tpu.memory_space<semaphore_mem>>)
        %dma_wait3A_535 = arith.constant 0 : i32
        %dma_wait3A_536 = tpu.memref_slice %arg2[%add3A_173, %dma_wait3A_535] : memref<5000x128xi32, #tpu.memory_space<hbm>> -> memref<6x128xi32, #tpu.memory_space<hbm>>
        %dma_wait3A_537 = arith.constant 0 : i32
        %dma_wait3A_538 = tpu.memref_slice %arg2[%add3A_173, %dma_wait3A_537] : memref<5000x128xi32, #tpu.memory_space<hbm>> -> memref<6x128xi32, #tpu.memory_space<hbm>>
        tpu.wait_dma2 semaphore(%run_scoped3A : memref<!tpu.dma_semaphore, #tpu.memory_space<semaphore_mem>>) src(%dma_wait3A_538 : memref<6x128xi32, #tpu.memory_space<hbm>>) dst(%arg6 : memref<6x128xi32, #tpu.memory_space<vmem>>)
        tpu.yield
      }) : () -> ()
      "tpu.region"() ({
        %run_scoped3A = tpu.sem_alloc : memref<!tpu.dma_semaphore, #tpu.memory_space<semaphore_mem>>
        %dma_start3A_531 = arith.constant 0 : i32
        %dma_start3A_532 = tpu.memref_slice %arg3[%add3A_170, %dma_start3A_531] : memref<2500x128xi32, #tpu.memory_space<hbm>> -> memref<6x128xi32, #tpu.memory_space<hbm>>
        %dma_start3A_533 = arith.constant 0 : i32
        %dma_start3A_534 = tpu.memref_slice %arg3[%add3A_170, %dma_start3A_533] : memref<2500x128xi32, #tpu.memory_space<hbm>> -> memref<6x128xi32, #tpu.memory_space<hbm>>
        tpu.enqueue_dma source(%dma_start3A_534 : memref<6x128xi32, #tpu.memory_space<hbm>>) target(%arg7 : memref<6x128xi32, #tpu.memory_space<vmem>>) target_semaphore(%run_scoped3A : memref<!tpu.dma_semaphore, #tpu.memory_space<semaphore_mem>>)
        %dma_wait3A_535 = arith.constant 0 : i32
        %dma_wait3A_536 = tpu.memref_slice %arg3[%add3A_170, %dma_wait3A_535] : memref<2500x128xi32, #tpu.memory_space<hbm>> -> memref<6x128xi32, #tpu.memory_space<hbm>>
        %dma_wait3A_537 = arith.constant 0 : i32
        %dma_wait3A_538 = tpu.memref_slice %arg3[%add3A_170, %dma_wait3A_537] : memref<2500x128xi32, #tpu.memory_space<hbm>> -> memref<6x128xi32, #tpu.memory_space<hbm>>
        tpu.wait_dma2 semaphore(%run_scoped3A : memref<!tpu.dma_semaphore, #tpu.memory_space<semaphore_mem>>) src(%dma_wait3A_538 : memref<6x128xi32, #tpu.memory_space<hbm>>) dst(%arg7 : memref<6x128xi32, #tpu.memory_space<vmem>>)
        tpu.yield
      }) : () -> ()
      %gt3A = arith.constant 0 : i32
      %gt3A_174 = arith.cmpi sgt, %scan3A_166, %gt3A : i32
      %convert_element_type3A_175 = arith.extui %gt3A_174 : i1 to i32
      %cond3A_176 = arith.constant 0 : i32
      %cond3A_177 = arith.cmpi ne, %convert_element_type3A_175, %cond3A_176 : i32
      scf.if %cond3A_177 {
        %dma_wait3A_531 = arith.constant 0 : i32
        %dma_wait3A_532 = arith.constant 0 : i32
        %dma_wait3A_533 = tpu.memref_slice %arg9[%dma_wait3A_531, %dma_wait3A_532] : memref<6x128xi32, #tpu.memory_space<vmem>> -> memref<1x128xi32, #tpu.memory_space<vmem>>
        %dma_wait3A_534 = tpu.memref_squeeze %dma_wait3A_533 : memref<1x128xi32, #tpu.memory_space<vmem>> -> memref<128xi32, #tpu.memory_space<vmem>>
        %dma_wait3A_535 = arith.constant 0 : i32
        %dma_wait3A_536 = arith.constant 0 : i32
        %dma_wait3A_537 = tpu.memref_slice %arg16[%dma_wait3A_535, %dma_wait3A_536] : memref<10240x64xf32, #tpu.memory_space<vmem_shared>> -> memref<10240x64xf32, #tpu.memory_space<vmem_shared>>
        tpu.wait_indirect_dma semaphore(%arg23 : memref<!tpu.dma_semaphore, #tpu.memory_space<semaphore_mem>>) src(%arg10 : memref<128x64xf32, #tpu.memory_space<vmem>>) dst(%dma_wait3A_537 : memref<10240x64xf32, #tpu.memory_space<vmem_shared>>)
      } else {
      }
      %dma_start3A_178 = arith.constant 0 : i32
      %dma_start3A_179 = arith.constant 0 : i32
      %dma_start3A_180 = tpu.memref_slice %arg6[%dma_start3A_178, %dma_start3A_179] : memref<6x128xi32, #tpu.memory_space<vmem>> -> memref<1x128xi32, #tpu.memory_space<vmem>>
      %dma_start3A_181 = tpu.memref_squeeze %dma_start3A_180 : memref<1x128xi32, #tpu.memory_space<vmem>> -> memref<128xi32, #tpu.memory_space<vmem>>
      %dma_start3A_182 = arith.constant 0 : i32
      %dma_start3A_183 = arith.constant 0 : i32
      %dma_start3A_184 = tpu.memref_slice %arg4[%dma_start3A_182, %dma_start3A_183] : memref<20000x64xf32, #tpu.memory_space<hbm>> -> memref<20000x64xf32, #tpu.memory_space<hbm>>
      tpu.enqueue_indirect_dma source(%dma_start3A_184 : memref<20000x64xf32, #tpu.memory_space<hbm>>) target(%arg10 : memref<128x64xf32, #tpu.memory_space<vmem>>) offsets(%dma_start3A_181 : memref<128xi32, #tpu.memory_space<vmem>>) semaphore(%arg17 : memref<!tpu.dma_semaphore, #tpu.memory_space<semaphore_mem>>)
      %mul3A_185 = arith.constant 12 : i32
      %mul3A_186 = arith.muli %scan3A_166, %mul3A_185 : i32
      %add3A_187 = arith.constant 0 : i32
      %add3A_188 = arith.addi %mul3A_186, %add3A_187 : i32
      %sub3A = arith.constant 5 : i32
      %sub3A_189 = arith.subi %add3A_188, %sub3A : i32
      %gt3A_190 = arith.constant 0 : i32
      %gt3A_191 = arith.cmpi sgt, %scan3A_166, %gt3A_190 : i32
      %convert_element_type3A_192 = arith.extui %gt3A_191 : i1 to i32
      %cond3A_193 = arith.constant 0 : i32
      %cond3A_194 = arith.cmpi ne, %convert_element_type3A_192, %cond3A_193 : i32
      scf.if %cond3A_194 {
        %dma_wait3A_531 = arith.constant 1 : i32
        %dma_wait3A_532 = arith.constant 0 : i32
        %dma_wait3A_533 = tpu.memref_slice %arg8[%dma_wait3A_531, %dma_wait3A_532] : memref<6x128xi32, #tpu.memory_space<vmem>> -> memref<1x128xi32, #tpu.memory_space<vmem>>
        %dma_wait3A_534 = tpu.memref_squeeze %dma_wait3A_533 : memref<1x128xi32, #tpu.memory_space<vmem>> -> memref<128xi32, #tpu.memory_space<vmem>>
        %dma_wait3A_535 = arith.constant 0 : i32
        %dma_wait3A_536 = arith.constant 0 : i32
        %dma_wait3A_537 = tpu.memref_slice %arg4[%dma_wait3A_535, %dma_wait3A_536] : memref<20000x64xf32, #tpu.memory_space<hbm>> -> memref<20000x64xf32, #tpu.memory_space<hbm>>
        tpu.wait_indirect_dma semaphore(%arg18 : memref<!tpu.dma_semaphore, #tpu.memory_space<semaphore_mem>>) src(%dma_wait3A_537 : memref<20000x64xf32, #tpu.memory_space<hbm>>) dst(%arg11 : memref<128x64xf32, #tpu.memory_space<vmem>>)
        %dma_start3A_538 = arith.constant 1 : i32
        %dma_start3A_539 = arith.constant 0 : i32
        %dma_start3A_540 = tpu.memref_slice %arg9[%dma_start3A_538, %dma_start3A_539] : memref<6x128xi32, #tpu.memory_space<vmem>> -> memref<1x128xi32, #tpu.memory_space<vmem>>
        %dma_start3A_541 = tpu.memref_squeeze %dma_start3A_540 : memref<1x128xi32, #tpu.memory_space<vmem>> -> memref<128xi32, #tpu.memory_space<vmem>>
        %dma_start3A_542 = arith.constant 0 : i32
        %dma_start3A_543 = arith.constant 0 : i32
        %dma_start3A_544 = tpu.memref_slice %arg16[%dma_start3A_542, %dma_start3A_543] : memref<10240x64xf32, #tpu.memory_space<vmem_shared>> -> memref<10240x64xf32, #tpu.memory_space<vmem_shared>>
        tpu.enqueue_indirect_dma source(%arg11 : memref<128x64xf32, #tpu.memory_space<vmem>>) target(%dma_start3A_544 : memref<10240x64xf32, #tpu.memory_space<vmem_shared>>) offsets(%dma_start3A_541 : memref<128xi32, #tpu.memory_space<vmem>>) semaphore(%arg24 : memref<!tpu.dma_semaphore, #tpu.memory_space<semaphore_mem>>) {add = true}
      } else {
      }
      %gt3A_195 = arith.constant 0 : i32
      %gt3A_196 = arith.cmpi sgt, %scan3A_166, %gt3A_195 : i32
      %convert_element_type3A_197 = arith.extui %gt3A_196 : i1 to i32
      %cond3A_198 = arith.constant 0 : i32
      %cond3A_199 = arith.cmpi ne, %convert_element_type3A_197, %cond3A_198 : i32
      scf.if %cond3A_199 {
        %dma_wait3A_531 = arith.constant 1 : i32
        %dma_wait3A_532 = arith.constant 0 : i32
        %dma_wait3A_533 = tpu.memref_slice %arg9[%dma_wait3A_531, %dma_wait3A_532] : memref<6x128xi32, #tpu.memory_space<vmem>> -> memref<1x128xi32, #tpu.memory_space<vmem>>
        %dma_wait3A_534 = tpu.memref_squeeze %dma_wait3A_533 : memref<1x128xi32, #tpu.memory_space<vmem>> -> memref<128xi32, #tpu.memory_space<vmem>>
        %dma_wait3A_535 = arith.constant 0 : i32
        %dma_wait3A_536 = arith.constant 0 : i32
        %dma_wait3A_537 = tpu.memref_slice %arg16[%dma_wait3A_535, %dma_wait3A_536] : memref<10240x64xf32, #tpu.memory_space<vmem_shared>> -> memref<10240x64xf32, #tpu.memory_space<vmem_shared>>
        tpu.wait_indirect_dma semaphore(%arg24 : memref<!tpu.dma_semaphore, #tpu.memory_space<semaphore_mem>>) src(%arg11 : memref<128x64xf32, #tpu.memory_space<vmem>>) dst(%dma_wait3A_537 : memref<10240x64xf32, #tpu.memory_space<vmem_shared>>)
      } else {
      }
      %dma_start3A_200 = arith.constant 1 : i32
      %dma_start3A_201 = arith.constant 0 : i32
      %dma_start3A_202 = tpu.memref_slice %arg6[%dma_start3A_200, %dma_start3A_201] : memref<6x128xi32, #tpu.memory_space<vmem>> -> memref<1x128xi32, #tpu.memory_space<vmem>>
      %dma_start3A_203 = tpu.memref_squeeze %dma_start3A_202 : memref<1x128xi32, #tpu.memory_space<vmem>> -> memref<128xi32, #tpu.memory_space<vmem>>
      %dma_start3A_204 = arith.constant 0 : i32
      %dma_start3A_205 = arith.constant 0 : i32
      %dma_start3A_206 = tpu.memref_slice %arg4[%dma_start3A_204, %dma_start3A_205] : memref<20000x64xf32, #tpu.memory_space<hbm>> -> memref<20000x64xf32, #tpu.memory_space<hbm>>
      tpu.enqueue_indirect_dma source(%dma_start3A_206 : memref<20000x64xf32, #tpu.memory_space<hbm>>) target(%arg11 : memref<128x64xf32, #tpu.memory_space<vmem>>) offsets(%dma_start3A_203 : memref<128xi32, #tpu.memory_space<vmem>>) semaphore(%arg18 : memref<!tpu.dma_semaphore, #tpu.memory_space<semaphore_mem>>)
      %mul3A_207 = arith.constant 12 : i32
      %mul3A_208 = arith.muli %scan3A_166, %mul3A_207 : i32
      %add3A_209 = arith.constant 1 : i32
      %add3A_210 = arith.addi %mul3A_208, %add3A_209 : i32
      %sub3A_211 = arith.constant 5 : i32
      %sub3A_212 = arith.subi %add3A_210, %sub3A_211 : i32
      %gt3A_213 = arith.constant 0 : i32
      %gt3A_214 = arith.cmpi sgt, %scan3A_166, %gt3A_213 : i32
      %convert_element_type3A_215 = arith.extui %gt3A_214 : i1 to i32
      %cond3A_216 = arith.constant 0 : i32
      %cond3A_217 = arith.cmpi ne, %convert_element_type3A_215, %cond3A_216 : i32
      scf.if %cond3A_217 {
        %dma_wait3A_531 = arith.constant 2 : i32
        %dma_wait3A_532 = arith.constant 0 : i32
        %dma_wait3A_533 = tpu.memref_slice %arg8[%dma_wait3A_531, %dma_wait3A_532] : memref<6x128xi32, #tpu.memory_space<vmem>> -> memref<1x128xi32, #tpu.memory_space<vmem>>
        %dma_wait3A_534 = tpu.memref_squeeze %dma_wait3A_533 : memref<1x128xi32, #tpu.memory_space<vmem>> -> memref<128xi32, #tpu.memory_space<vmem>>
        %dma_wait3A_535 = arith.constant 0 : i32
        %dma_wait3A_536 = arith.constant 0 : i32
        %dma_wait3A_537 = tpu.memref_slice %arg4[%dma_wait3A_535, %dma_wait3A_536] : memref<20000x64xf32, #tpu.memory_space<hbm>> -> memref<20000x64xf32, #tpu.memory_space<hbm>>
        tpu.wait_indirect_dma semaphore(%arg19 : memref<!tpu.dma_semaphore, #tpu.memory_space<semaphore_mem>>) src(%dma_wait3A_537 : memref<20000x64xf32, #tpu.memory_space<hbm>>) dst(%arg12 : memref<128x64xf32, #tpu.memory_space<vmem>>)
        %dma_start3A_538 = arith.constant 2 : i32
        %dma_start3A_539 = arith.constant 0 : i32
        %dma_start3A_540 = tpu.memref_slice %arg9[%dma_start3A_538, %dma_start3A_539] : memref<6x128xi32, #tpu.memory_space<vmem>> -> memref<1x128xi32, #tpu.memory_space<vmem>>
        %dma_start3A_541 = tpu.memref_squeeze %dma_start3A_540 : memref<1x128xi32, #tpu.memory_space<vmem>> -> memref<128xi32, #tpu.memory_space<vmem>>
        %dma_start3A_542 = arith.constant 0 : i32
        %dma_start3A_543 = arith.constant 0 : i32
        %dma_start3A_544 = tpu.memref_slice %arg16[%dma_start3A_542, %dma_start3A_543] : memref<10240x64xf32, #tpu.memory_space<vmem_shared>> -> memref<10240x64xf32, #tpu.memory_space<vmem_shared>>
        tpu.enqueue_indirect_dma source(%arg12 : memref<128x64xf32, #tpu.memory_space<vmem>>) target(%dma_start3A_544 : memref<10240x64xf32, #tpu.memory_space<vmem_shared>>) offsets(%dma_start3A_541 : memref<128xi32, #tpu.memory_space<vmem>>) semaphore(%arg25 : memref<!tpu.dma_semaphore, #tpu.memory_space<semaphore_mem>>) {add = true}
      } else {
      }
      %gt3A_218 = arith.constant 0 : i32
      %gt3A_219 = arith.cmpi sgt, %scan3A_166, %gt3A_218 : i32
      %convert_element_type3A_220 = arith.extui %gt3A_219 : i1 to i32
      %cond3A_221 = arith.constant 0 : i32
      %cond3A_222 = arith.cmpi ne, %convert_element_type3A_220, %cond3A_221 : i32
      scf.if %cond3A_222 {
        %dma_wait3A_531 = arith.constant 2 : i32
        %dma_wait3A_532 = arith.constant 0 : i32
        %dma_wait3A_533 = tpu.memref_slice %arg9[%dma_wait3A_531, %dma_wait3A_532] : memref<6x128xi32, #tpu.memory_space<vmem>> -> memref<1x128xi32, #tpu.memory_space<vmem>>
        %dma_wait3A_534 = tpu.memref_squeeze %dma_wait3A_533 : memref<1x128xi32, #tpu.memory_space<vmem>> -> memref<128xi32, #tpu.memory_space<vmem>>
        %dma_wait3A_535 = arith.constant 0 : i32
        %dma_wait3A_536 = arith.constant 0 : i32
        %dma_wait3A_537 = tpu.memref_slice %arg16[%dma_wait3A_535, %dma_wait3A_536] : memref<10240x64xf32, #tpu.memory_space<vmem_shared>> -> memref<10240x64xf32, #tpu.memory_space<vmem_shared>>
        tpu.wait_indirect_dma semaphore(%arg25 : memref<!tpu.dma_semaphore, #tpu.memory_space<semaphore_mem>>) src(%arg12 : memref<128x64xf32, #tpu.memory_space<vmem>>) dst(%dma_wait3A_537 : memref<10240x64xf32, #tpu.memory_space<vmem_shared>>)
      } else {
      }
      %dma_start3A_223 = arith.constant 2 : i32
      %dma_start3A_224 = arith.constant 0 : i32
      %dma_start3A_225 = tpu.memref_slice %arg6[%dma_start3A_223, %dma_start3A_224] : memref<6x128xi32, #tpu.memory_space<vmem>> -> memref<1x128xi32, #tpu.memory_space<vmem>>
      %dma_start3A_226 = tpu.memref_squeeze %dma_start3A_225 : memref<1x128xi32, #tpu.memory_space<vmem>> -> memref<128xi32, #tpu.memory_space<vmem>>
      %dma_start3A_227 = arith.constant 0 : i32
      %dma_start3A_228 = arith.constant 0 : i32
      %dma_start3A_229 = tpu.memref_slice %arg4[%dma_start3A_227, %dma_start3A_228] : memref<20000x64xf32, #tpu.memory_space<hbm>> -> memref<20000x64xf32, #tpu.memory_space<hbm>>
      tpu.enqueue_indirect_dma source(%dma_start3A_229 : memref<20000x64xf32, #tpu.memory_space<hbm>>) target(%arg12 : memref<128x64xf32, #tpu.memory_space<vmem>>) offsets(%dma_start3A_226 : memref<128xi32, #tpu.memory_space<vmem>>) semaphore(%arg19 : memref<!tpu.dma_semaphore, #tpu.memory_space<semaphore_mem>>)
      %mul3A_230 = arith.constant 12 : i32
      %mul3A_231 = arith.muli %scan3A_166, %mul3A_230 : i32
      %add3A_232 = arith.constant 2 : i32
      %add3A_233 = arith.addi %mul3A_231, %add3A_232 : i32
      %sub3A_234 = arith.constant 5 : i32
      %sub3A_235 = arith.subi %add3A_233, %sub3A_234 : i32
      %gt3A_236 = arith.constant 0 : i32
      %gt3A_237 = arith.cmpi sgt, %scan3A_166, %gt3A_236 : i32
      %convert_element_type3A_238 = arith.extui %gt3A_237 : i1 to i32
      %cond3A_239 = arith.constant 0 : i32
      %cond3A_240 = arith.cmpi ne, %convert_element_type3A_238, %cond3A_239 : i32
      scf.if %cond3A_240 {
        %dma_wait3A_531 = arith.constant 3 : i32
        %dma_wait3A_532 = arith.constant 0 : i32
        %dma_wait3A_533 = tpu.memref_slice %arg8[%dma_wait3A_531, %dma_wait3A_532] : memref<6x128xi32, #tpu.memory_space<vmem>> -> memref<1x128xi32, #tpu.memory_space<vmem>>
        %dma_wait3A_534 = tpu.memref_squeeze %dma_wait3A_533 : memref<1x128xi32, #tpu.memory_space<vmem>> -> memref<128xi32, #tpu.memory_space<vmem>>
        %dma_wait3A_535 = arith.constant 0 : i32
        %dma_wait3A_536 = arith.constant 0 : i32
        %dma_wait3A_537 = tpu.memref_slice %arg4[%dma_wait3A_535, %dma_wait3A_536] : memref<20000x64xf32, #tpu.memory_space<hbm>> -> memref<20000x64xf32, #tpu.memory_space<hbm>>
        tpu.wait_indirect_dma semaphore(%arg20 : memref<!tpu.dma_semaphore, #tpu.memory_space<semaphore_mem>>) src(%dma_wait3A_537 : memref<20000x64xf32, #tpu.memory_space<hbm>>) dst(%arg13 : memref<128x64xf32, #tpu.memory_space<vmem>>)
        %dma_start3A_538 = arith.constant 3 : i32
        %dma_start3A_539 = arith.constant 0 : i32
        %dma_start3A_540 = tpu.memref_slice %arg9[%dma_start3A_538, %dma_start3A_539] : memref<6x128xi32, #tpu.memory_space<vmem>> -> memref<1x128xi32, #tpu.memory_space<vmem>>
        %dma_start3A_541 = tpu.memref_squeeze %dma_start3A_540 : memref<1x128xi32, #tpu.memory_space<vmem>> -> memref<128xi32, #tpu.memory_space<vmem>>
        %dma_start3A_542 = arith.constant 0 : i32
        %dma_start3A_543 = arith.constant 0 : i32
        %dma_start3A_544 = tpu.memref_slice %arg16[%dma_start3A_542, %dma_start3A_543] : memref<10240x64xf32, #tpu.memory_space<vmem_shared>> -> memref<10240x64xf32, #tpu.memory_space<vmem_shared>>
        tpu.enqueue_indirect_dma source(%arg13 : memref<128x64xf32, #tpu.memory_space<vmem>>) target(%dma_start3A_544 : memref<10240x64xf32, #tpu.memory_space<vmem_shared>>) offsets(%dma_start3A_541 : memref<128xi32, #tpu.memory_space<vmem>>) semaphore(%arg26 : memref<!tpu.dma_semaphore, #tpu.memory_space<semaphore_mem>>) {add = true}
      } else {
      }
      %gt3A_241 = arith.constant 0 : i32
      %gt3A_242 = arith.cmpi sgt, %scan3A_166, %gt3A_241 : i32
      %convert_element_type3A_243 = arith.extui %gt3A_242 : i1 to i32
      %cond3A_244 = arith.constant 0 : i32
      %cond3A_245 = arith.cmpi ne, %convert_element_type3A_243, %cond3A_244 : i32
      scf.if %cond3A_245 {
        %dma_wait3A_531 = arith.constant 3 : i32
        %dma_wait3A_532 = arith.constant 0 : i32
        %dma_wait3A_533 = tpu.memref_slice %arg9[%dma_wait3A_531, %dma_wait3A_532] : memref<6x128xi32, #tpu.memory_space<vmem>> -> memref<1x128xi32, #tpu.memory_space<vmem>>
        %dma_wait3A_534 = tpu.memref_squeeze %dma_wait3A_533 : memref<1x128xi32, #tpu.memory_space<vmem>> -> memref<128xi32, #tpu.memory_space<vmem>>
        %dma_wait3A_535 = arith.constant 0 : i32
        %dma_wait3A_536 = arith.constant 0 : i32
        %dma_wait3A_537 = tpu.memref_slice %arg16[%dma_wait3A_535, %dma_wait3A_536] : memref<10240x64xf32, #tpu.memory_space<vmem_shared>> -> memref<10240x64xf32, #tpu.memory_space<vmem_shared>>
        tpu.wait_indirect_dma semaphore(%arg26 : memref<!tpu.dma_semaphore, #tpu.memory_space<semaphore_mem>>) src(%arg13 : memref<128x64xf32, #tpu.memory_space<vmem>>) dst(%dma_wait3A_537 : memref<10240x64xf32, #tpu.memory_space<vmem_shared>>)
      } else {
      }
      %dma_start3A_246 = arith.constant 3 : i32
      %dma_start3A_247 = arith.constant 0 : i32
      %dma_start3A_248 = tpu.memref_slice %arg6[%dma_start3A_246, %dma_start3A_247] : memref<6x128xi32, #tpu.memory_space<vmem>> -> memref<1x128xi32, #tpu.memory_space<vmem>>
      %dma_start3A_249 = tpu.memref_squeeze %dma_start3A_248 : memref<1x128xi32, #tpu.memory_space<vmem>> -> memref<128xi32, #tpu.memory_space<vmem>>
      %dma_start3A_250 = arith.constant 0 : i32
      %dma_start3A_251 = arith.constant 0 : i32
      %dma_start3A_252 = tpu.memref_slice %arg4[%dma_start3A_250, %dma_start3A_251] : memref<20000x64xf32, #tpu.memory_space<hbm>> -> memref<20000x64xf32, #tpu.memory_space<hbm>>
      tpu.enqueue_indirect_dma source(%dma_start3A_252 : memref<20000x64xf32, #tpu.memory_space<hbm>>) target(%arg13 : memref<128x64xf32, #tpu.memory_space<vmem>>) offsets(%dma_start3A_249 : memref<128xi32, #tpu.memory_space<vmem>>) semaphore(%arg20 : memref<!tpu.dma_semaphore, #tpu.memory_space<semaphore_mem>>)
      %mul3A_253 = arith.constant 12 : i32
      %mul3A_254 = arith.muli %scan3A_166, %mul3A_253 : i32
      %add3A_255 = arith.constant 3 : i32
      %add3A_256 = arith.addi %mul3A_254, %add3A_255 : i32
      %sub3A_257 = arith.constant 5 : i32
      %sub3A_258 = arith.subi %add3A_256, %sub3A_257 : i32
      %gt3A_259 = arith.constant 0 : i32
      %gt3A_260 = arith.cmpi sgt, %scan3A_166, %gt3A_259 : i32
      %convert_element_type3A_261 = arith.extui %gt3A_260 : i1 to i32
      %cond3A_262 = arith.constant 0 : i32
      %cond3A_263 = arith.cmpi ne, %convert_element_type3A_261, %cond3A_262 : i32
      scf.if %cond3A_263 {
        %dma_wait3A_531 = arith.constant 4 : i32
        %dma_wait3A_532 = arith.constant 0 : i32
        %dma_wait3A_533 = tpu.memref_slice %arg8[%dma_wait3A_531, %dma_wait3A_532] : memref<6x128xi32, #tpu.memory_space<vmem>> -> memref<1x128xi32, #tpu.memory_space<vmem>>
        %dma_wait3A_534 = tpu.memref_squeeze %dma_wait3A_533 : memref<1x128xi32, #tpu.memory_space<vmem>> -> memref<128xi32, #tpu.memory_space<vmem>>
        %dma_wait3A_535 = arith.constant 0 : i32
        %dma_wait3A_536 = arith.constant 0 : i32
        %dma_wait3A_537 = tpu.memref_slice %arg4[%dma_wait3A_535, %dma_wait3A_536] : memref<20000x64xf32, #tpu.memory_space<hbm>> -> memref<20000x64xf32, #tpu.memory_space<hbm>>
        tpu.wait_indirect_dma semaphore(%arg21 : memref<!tpu.dma_semaphore, #tpu.memory_space<semaphore_mem>>) src(%dma_wait3A_537 : memref<20000x64xf32, #tpu.memory_space<hbm>>) dst(%arg14 : memref<128x64xf32, #tpu.memory_space<vmem>>)
        %dma_start3A_538 = arith.constant 4 : i32
        %dma_start3A_539 = arith.constant 0 : i32
        %dma_start3A_540 = tpu.memref_slice %arg9[%dma_start3A_538, %dma_start3A_539] : memref<6x128xi32, #tpu.memory_space<vmem>> -> memref<1x128xi32, #tpu.memory_space<vmem>>
        %dma_start3A_541 = tpu.memref_squeeze %dma_start3A_540 : memref<1x128xi32, #tpu.memory_space<vmem>> -> memref<128xi32, #tpu.memory_space<vmem>>
        %dma_start3A_542 = arith.constant 0 : i32
        %dma_start3A_543 = arith.constant 0 : i32
        %dma_start3A_544 = tpu.memref_slice %arg16[%dma_start3A_542, %dma_start3A_543] : memref<10240x64xf32, #tpu.memory_space<vmem_shared>> -> memref<10240x64xf32, #tpu.memory_space<vmem_shared>>
        tpu.enqueue_indirect_dma source(%arg14 : memref<128x64xf32, #tpu.memory_space<vmem>>) target(%dma_start3A_544 : memref<10240x64xf32, #tpu.memory_space<vmem_shared>>) offsets(%dma_start3A_541 : memref<128xi32, #tpu.memory_space<vmem>>) semaphore(%arg27 : memref<!tpu.dma_semaphore, #tpu.memory_space<semaphore_mem>>) {add = true}
      } else {
      }
      %gt3A_264 = arith.constant 0 : i32
      %gt3A_265 = arith.cmpi sgt, %scan3A_166, %gt3A_264 : i32
      %convert_element_type3A_266 = arith.extui %gt3A_265 : i1 to i32
      %cond3A_267 = arith.constant 0 : i32
      %cond3A_268 = arith.cmpi ne, %convert_element_type3A_266, %cond3A_267 : i32
      scf.if %cond3A_268 {
        %dma_wait3A_531 = arith.constant 4 : i32
        %dma_wait3A_532 = arith.constant 0 : i32
        %dma_wait3A_533 = tpu.memref_slice %arg9[%dma_wait3A_531, %dma_wait3A_532] : memref<6x128xi32, #tpu.memory_space<vmem>> -> memref<1x128xi32, #tpu.memory_space<vmem>>
        %dma_wait3A_534 = tpu.memref_squeeze %dma_wait3A_533 : memref<1x128xi32, #tpu.memory_space<vmem>> -> memref<128xi32, #tpu.memory_space<vmem>>
        %dma_wait3A_535 = arith.constant 0 : i32
        %dma_wait3A_536 = arith.constant 0 : i32
        %dma_wait3A_537 = tpu.memref_slice %arg16[%dma_wait3A_535, %dma_wait3A_536] : memref<10240x64xf32, #tpu.memory_space<vmem_shared>> -> memref<10240x64xf32, #tpu.memory_space<vmem_shared>>
        tpu.wait_indirect_dma semaphore(%arg27 : memref<!tpu.dma_semaphore, #tpu.memory_space<semaphore_mem>>) src(%arg14 : memref<128x64xf32, #tpu.memory_space<vmem>>) dst(%dma_wait3A_537 : memref<10240x64xf32, #tpu.memory_space<vmem_shared>>)
      } else {
      }
      %dma_start3A_269 = arith.constant 4 : i32
      %dma_start3A_270 = arith.constant 0 : i32
      %dma_start3A_271 = tpu.memref_slice %arg6[%dma_start3A_269, %dma_start3A_270] : memref<6x128xi32, #tpu.memory_space<vmem>> -> memref<1x128xi32, #tpu.memory_space<vmem>>
      %dma_start3A_272 = tpu.memref_squeeze %dma_start3A_271 : memref<1x128xi32, #tpu.memory_space<vmem>> -> memref<128xi32, #tpu.memory_space<vmem>>
      %dma_start3A_273 = arith.constant 0 : i32
      %dma_start3A_274 = arith.constant 0 : i32
      %dma_start3A_275 = tpu.memref_slice %arg4[%dma_start3A_273, %dma_start3A_274] : memref<20000x64xf32, #tpu.memory_space<hbm>> -> memref<20000x64xf32, #tpu.memory_space<hbm>>
      tpu.enqueue_indirect_dma source(%dma_start3A_275 : memref<20000x64xf32, #tpu.memory_space<hbm>>) target(%arg14 : memref<128x64xf32, #tpu.memory_space<vmem>>) offsets(%dma_start3A_272 : memref<128xi32, #tpu.memory_space<vmem>>) semaphore(%arg21 : memref<!tpu.dma_semaphore, #tpu.memory_space<semaphore_mem>>)
      %mul3A_276 = arith.constant 12 : i32
      %mul3A_277 = arith.muli %scan3A_166, %mul3A_276 : i32
      %add3A_278 = arith.constant 4 : i32
      %add3A_279 = arith.addi %mul3A_277, %add3A_278 : i32
      %sub3A_280 = arith.constant 5 : i32
      %sub3A_281 = arith.subi %add3A_279, %sub3A_280 : i32
      %gt3A_282 = arith.constant 0 : i32
      %gt3A_283 = arith.cmpi sgt, %scan3A_166, %gt3A_282 : i32
      %convert_element_type3A_284 = arith.extui %gt3A_283 : i1 to i32
      %cond3A_285 = arith.constant 0 : i32
      %cond3A_286 = arith.cmpi ne, %convert_element_type3A_284, %cond3A_285 : i32
      scf.if %cond3A_286 {
        %dma_wait3A_531 = arith.constant 5 : i32
        %dma_wait3A_532 = arith.constant 0 : i32
        %dma_wait3A_533 = tpu.memref_slice %arg8[%dma_wait3A_531, %dma_wait3A_532] : memref<6x128xi32, #tpu.memory_space<vmem>> -> memref<1x128xi32, #tpu.memory_space<vmem>>
        %dma_wait3A_534 = tpu.memref_squeeze %dma_wait3A_533 : memref<1x128xi32, #tpu.memory_space<vmem>> -> memref<128xi32, #tpu.memory_space<vmem>>
        %dma_wait3A_535 = arith.constant 0 : i32
        %dma_wait3A_536 = arith.constant 0 : i32
        %dma_wait3A_537 = tpu.memref_slice %arg4[%dma_wait3A_535, %dma_wait3A_536] : memref<20000x64xf32, #tpu.memory_space<hbm>> -> memref<20000x64xf32, #tpu.memory_space<hbm>>
        tpu.wait_indirect_dma semaphore(%arg22 : memref<!tpu.dma_semaphore, #tpu.memory_space<semaphore_mem>>) src(%dma_wait3A_537 : memref<20000x64xf32, #tpu.memory_space<hbm>>) dst(%arg15 : memref<128x64xf32, #tpu.memory_space<vmem>>)
        %dma_start3A_538 = arith.constant 5 : i32
        %dma_start3A_539 = arith.constant 0 : i32
        %dma_start3A_540 = tpu.memref_slice %arg9[%dma_start3A_538, %dma_start3A_539] : memref<6x128xi32, #tpu.memory_space<vmem>> -> memref<1x128xi32, #tpu.memory_space<vmem>>
        %dma_start3A_541 = tpu.memref_squeeze %dma_start3A_540 : memref<1x128xi32, #tpu.memory_space<vmem>> -> memref<128xi32, #tpu.memory_space<vmem>>
        %dma_start3A_542 = arith.constant 0 : i32
        %dma_start3A_543 = arith.constant 0 : i32
        %dma_start3A_544 = tpu.memref_slice %arg16[%dma_start3A_542, %dma_start3A_543] : memref<10240x64xf32, #tpu.memory_space<vmem_shared>> -> memref<10240x64xf32, #tpu.memory_space<vmem_shared>>
        tpu.enqueue_indirect_dma source(%arg15 : memref<128x64xf32, #tpu.memory_space<vmem>>) target(%dma_start3A_544 : memref<10240x64xf32, #tpu.memory_space<vmem_shared>>) offsets(%dma_start3A_541 : memref<128xi32, #tpu.memory_space<vmem>>) semaphore(%arg28 : memref<!tpu.dma_semaphore, #tpu.memory_space<semaphore_mem>>) {add = true}
      } else {
      }
      %gt3A_287 = arith.constant 0 : i32
      %gt3A_288 = arith.cmpi sgt, %scan3A_166, %gt3A_287 : i32
      %convert_element_type3A_289 = arith.extui %gt3A_288 : i1 to i32
      %cond3A_290 = arith.constant 0 : i32
      %cond3A_291 = arith.cmpi ne, %convert_element_type3A_289, %cond3A_290 : i32
      scf.if %cond3A_291 {
        %dma_wait3A_531 = arith.constant 5 : i32
        %dma_wait3A_532 = arith.constant 0 : i32
        %dma_wait3A_533 = tpu.memref_slice %arg9[%dma_wait3A_531, %dma_wait3A_532] : memref<6x128xi32, #tpu.memory_space<vmem>> -> memref<1x128xi32, #tpu.memory_space<vmem>>
        %dma_wait3A_534 = tpu.memref_squeeze %dma_wait3A_533 : memref<1x128xi32, #tpu.memory_space<vmem>> -> memref<128xi32, #tpu.memory_space<vmem>>
        %dma_wait3A_535 = arith.constant 0 : i32
        %dma_wait3A_536 = arith.constant 0 : i32
        %dma_wait3A_537 = tpu.memref_slice %arg16[%dma_wait3A_535, %dma_wait3A_536] : memref<10240x64xf32, #tpu.memory_space<vmem_shared>> -> memref<10240x64xf32, #tpu.memory_space<vmem_shared>>
        tpu.wait_indirect_dma semaphore(%arg28 : memref<!tpu.dma_semaphore, #tpu.memory_space<semaphore_mem>>) src(%arg15 : memref<128x64xf32, #tpu.memory_space<vmem>>) dst(%dma_wait3A_537 : memref<10240x64xf32, #tpu.memory_space<vmem_shared>>)
      } else {
      }
      %dma_start3A_292 = arith.constant 5 : i32
      %dma_start3A_293 = arith.constant 0 : i32
      %dma_start3A_294 = tpu.memref_slice %arg6[%dma_start3A_292, %dma_start3A_293] : memref<6x128xi32, #tpu.memory_space<vmem>> -> memref<1x128xi32, #tpu.memory_space<vmem>>
      %dma_start3A_295 = tpu.memref_squeeze %dma_start3A_294 : memref<1x128xi32, #tpu.memory_space<vmem>> -> memref<128xi32, #tpu.memory_space<vmem>>
      %dma_start3A_296 = arith.constant 0 : i32
      %dma_start3A_297 = arith.constant 0 : i32
      %dma_start3A_298 = tpu.memref_slice %arg4[%dma_start3A_296, %dma_start3A_297] : memref<20000x64xf32, #tpu.memory_space<hbm>> -> memref<20000x64xf32, #tpu.memory_space<hbm>>
      tpu.enqueue_indirect_dma source(%dma_start3A_298 : memref<20000x64xf32, #tpu.memory_space<hbm>>) target(%arg15 : memref<128x64xf32, #tpu.memory_space<vmem>>) offsets(%dma_start3A_295 : memref<128xi32, #tpu.memory_space<vmem>>) semaphore(%arg22 : memref<!tpu.dma_semaphore, #tpu.memory_space<semaphore_mem>>)
      %mul3A_299 = arith.constant 12 : i32
      %mul3A_300 = arith.muli %scan3A_166, %mul3A_299 : i32
      %add3A_301 = arith.constant 5 : i32
      %add3A_302 = arith.addi %mul3A_300, %add3A_301 : i32
      %sub3A_303 = arith.constant 5 : i32
      %sub3A_304 = arith.subi %add3A_302, %sub3A_303 : i32
      %dma_wait3A_305 = arith.constant 0 : i32
      %dma_wait3A_306 = arith.constant 0 : i32
      %dma_wait3A_307 = tpu.memref_slice %arg6[%dma_wait3A_305, %dma_wait3A_306] : memref<6x128xi32, #tpu.memory_space<vmem>> -> memref<1x128xi32, #tpu.memory_space<vmem>>
      %dma_wait3A_308 = tpu.memref_squeeze %dma_wait3A_307 : memref<1x128xi32, #tpu.memory_space<vmem>> -> memref<128xi32, #tpu.memory_space<vmem>>
      %dma_wait3A_309 = arith.constant 0 : i32
      %dma_wait3A_310 = arith.constant 0 : i32
      %dma_wait3A_311 = tpu.memref_slice %arg4[%dma_wait3A_309, %dma_wait3A_310] : memref<20000x64xf32, #tpu.memory_space<hbm>> -> memref<20000x64xf32, #tpu.memory_space<hbm>>
      tpu.wait_indirect_dma semaphore(%arg17 : memref<!tpu.dma_semaphore, #tpu.memory_space<semaphore_mem>>) src(%dma_wait3A_311 : memref<20000x64xf32, #tpu.memory_space<hbm>>) dst(%arg10 : memref<128x64xf32, #tpu.memory_space<vmem>>)
      %dma_start3A_312 = arith.constant 0 : i32
      %dma_start3A_313 = arith.constant 0 : i32
      %dma_start3A_314 = tpu.memref_slice %arg7[%dma_start3A_312, %dma_start3A_313] : memref<6x128xi32, #tpu.memory_space<vmem>> -> memref<1x128xi32, #tpu.memory_space<vmem>>
      %dma_start3A_315 = tpu.memref_squeeze %dma_start3A_314 : memref<1x128xi32, #tpu.memory_space<vmem>> -> memref<128xi32, #tpu.memory_space<vmem>>
      %dma_start3A_316 = arith.constant 0 : i32
      %dma_start3A_317 = arith.constant 0 : i32
      %dma_start3A_318 = tpu.memref_slice %arg16[%dma_start3A_316, %dma_start3A_317] : memref<10240x64xf32, #tpu.memory_space<vmem_shared>> -> memref<10240x64xf32, #tpu.memory_space<vmem_shared>>
      tpu.enqueue_indirect_dma source(%arg10 : memref<128x64xf32, #tpu.memory_space<vmem>>) target(%dma_start3A_318 : memref<10240x64xf32, #tpu.memory_space<vmem_shared>>) offsets(%dma_start3A_315 : memref<128xi32, #tpu.memory_space<vmem>>) semaphore(%arg23 : memref<!tpu.dma_semaphore, #tpu.memory_space<semaphore_mem>>) {add = true}
      %mul3A_319 = arith.constant 2500 : i32
      %mul3A_320 = arith.muli %arg0, %mul3A_319 : i32
      %add3A_321 = arith.addi %mul3A_320, %add3A_170 : i32
      %add3A_322 = arith.constant 6 : i32
      %add3A_323 = arith.addi %add3A_321, %add3A_322 : i32
      "tpu.region"() ({
        %run_scoped3A = tpu.sem_alloc : memref<!tpu.dma_semaphore, #tpu.memory_space<semaphore_mem>>
        %dma_start3A_531 = arith.constant 0 : i32
        %dma_start3A_532 = tpu.memref_slice %arg2[%add3A_323, %dma_start3A_531] : memref<5000x128xi32, #tpu.memory_space<hbm>> -> memref<6x128xi32, #tpu.memory_space<hbm>>
        %dma_start3A_533 = arith.constant 0 : i32
        %dma_start3A_534 = tpu.memref_slice %arg2[%add3A_323, %dma_start3A_533] : memref<5000x128xi32, #tpu.memory_space<hbm>> -> memref<6x128xi32, #tpu.memory_space<hbm>>
        tpu.enqueue_dma source(%dma_start3A_534 : memref<6x128xi32, #tpu.memory_space<hbm>>) target(%arg8 : memref<6x128xi32, #tpu.memory_space<vmem>>) target_semaphore(%run_scoped3A : memref<!tpu.dma_semaphore, #tpu.memory_space<semaphore_mem>>)
        %dma_wait3A_535 = arith.constant 0 : i32
        %dma_wait3A_536 = tpu.memref_slice %arg2[%add3A_323, %dma_wait3A_535] : memref<5000x128xi32, #tpu.memory_space<hbm>> -> memref<6x128xi32, #tpu.memory_space<hbm>>
        %dma_wait3A_537 = arith.constant 0 : i32
        %dma_wait3A_538 = tpu.memref_slice %arg2[%add3A_323, %dma_wait3A_537] : memref<5000x128xi32, #tpu.memory_space<hbm>> -> memref<6x128xi32, #tpu.memory_space<hbm>>
        tpu.wait_dma2 semaphore(%run_scoped3A : memref<!tpu.dma_semaphore, #tpu.memory_space<semaphore_mem>>) src(%dma_wait3A_538 : memref<6x128xi32, #tpu.memory_space<hbm>>) dst(%arg8 : memref<6x128xi32, #tpu.memory_space<vmem>>)
        tpu.yield
      }) : () -> ()
      %add3A_324 = arith.constant 6 : i32
      %add3A_325 = arith.addi %add3A_170, %add3A_324 : i32
      "tpu.region"() ({
        %run_scoped3A = tpu.sem_alloc : memref<!tpu.dma_semaphore, #tpu.memory_space<semaphore_mem>>
        %dma_start3A_531 = arith.constant 0 : i32
        %dma_start3A_532 = tpu.memref_slice %arg3[%add3A_325, %dma_start3A_531] : memref<2500x128xi32, #tpu.memory_space<hbm>> -> memref<6x128xi32, #tpu.memory_space<hbm>>
        %dma_start3A_533 = arith.constant 0 : i32
        %dma_start3A_534 = tpu.memref_slice %arg3[%add3A_325, %dma_start3A_533] : memref<2500x128xi32, #tpu.memory_space<hbm>> -> memref<6x128xi32, #tpu.memory_space<hbm>>
        tpu.enqueue_dma source(%dma_start3A_534 : memref<6x128xi32, #tpu.memory_space<hbm>>) target(%arg9 : memref<6x128xi32, #tpu.memory_space<vmem>>) target_semaphore(%run_scoped3A : memref<!tpu.dma_semaphore, #tpu.memory_space<semaphore_mem>>)
        %dma_wait3A_535 = arith.constant 0 : i32
        %dma_wait3A_536 = tpu.memref_slice %arg3[%add3A_325, %dma_wait3A_535] : memref<2500x128xi32, #tpu.memory_space<hbm>> -> memref<6x128xi32, #tpu.memory_space<hbm>>
        %dma_wait3A_537 = arith.constant 0 : i32
        %dma_wait3A_538 = tpu.memref_slice %arg3[%add3A_325, %dma_wait3A_537] : memref<2500x128xi32, #tpu.memory_space<hbm>> -> memref<6x128xi32, #tpu.memory_space<hbm>>
        tpu.wait_dma2 semaphore(%run_scoped3A : memref<!tpu.dma_semaphore, #tpu.memory_space<semaphore_mem>>) src(%dma_wait3A_538 : memref<6x128xi32, #tpu.memory_space<hbm>>) dst(%arg9 : memref<6x128xi32, #tpu.memory_space<vmem>>)
        tpu.yield
      }) : () -> ()
      %dma_wait3A_326 = arith.constant 0 : i32
      %dma_wait3A_327 = arith.constant 0 : i32
      %dma_wait3A_328 = tpu.memref_slice %arg7[%dma_wait3A_326, %dma_wait3A_327] : memref<6x128xi32, #tpu.memory_space<vmem>> -> memref<1x128xi32, #tpu.memory_space<vmem>>
      %dma_wait3A_329 = tpu.memref_squeeze %dma_wait3A_328 : memref<1x128xi32, #tpu.memory_space<vmem>> -> memref<128xi32, #tpu.memory_space<vmem>>
      %dma_wait3A_330 = arith.constant 0 : i32
      %dma_wait3A_331 = arith.constant 0 : i32
      %dma_wait3A_332 = tpu.memref_slice %arg16[%dma_wait3A_330, %dma_wait3A_331] : memref<10240x64xf32, #tpu.memory_space<vmem_shared>> -> memref<10240x64xf32, #tpu.memory_space<vmem_shared>>
      tpu.wait_indirect_dma semaphore(%arg23 : memref<!tpu.dma_semaphore, #tpu.memory_space<semaphore_mem>>) src(%arg10 : memref<128x64xf32, #tpu.memory_space<vmem>>) dst(%dma_wait3A_332 : memref<10240x64xf32, #tpu.memory_space<vmem_shared>>)
      %dma_start3A_333 = arith.constant 0 : i32
      %dma_start3A_334 = arith.constant 0 : i32
      %dma_start3A_335 = tpu.memref_slice %arg8[%dma_start3A_333, %dma_start3A_334] : memref<6x128xi32, #tpu.memory_space<vmem>> -> memref<1x128xi32, #tpu.memory_space<vmem>>
      %dma_start3A_336 = tpu.memref_squeeze %dma_start3A_335 : memref<1x128xi32, #tpu.memory_space<vmem>> -> memref<128xi32, #tpu.memory_space<vmem>>
      %dma_start3A_337 = arith.constant 0 : i32
      %dma_start3A_338 = arith.constant 0 : i32
      %dma_start3A_339 = tpu.memref_slice %arg4[%dma_start3A_337, %dma_start3A_338] : memref<20000x64xf32, #tpu.memory_space<hbm>> -> memref<20000x64xf32, #tpu.memory_space<hbm>>
      tpu.enqueue_indirect_dma source(%dma_start3A_339 : memref<20000x64xf32, #tpu.memory_space<hbm>>) target(%arg10 : memref<128x64xf32, #tpu.memory_space<vmem>>) offsets(%dma_start3A_336 : memref<128xi32, #tpu.memory_space<vmem>>) semaphore(%arg17 : memref<!tpu.dma_semaphore, #tpu.memory_space<semaphore_mem>>)
      %mul3A_340 = arith.constant 12 : i32
      %mul3A_341 = arith.muli %scan3A_166, %mul3A_340 : i32
      %add3A_342 = arith.constant 6 : i32
      %add3A_343 = arith.addi %mul3A_341, %add3A_342 : i32
      %sub3A_344 = arith.constant 5 : i32
      %sub3A_345 = arith.subi %add3A_343, %sub3A_344 : i32
      %dma_wait3A_346 = arith.constant 1 : i32
      %dma_wait3A_347 = arith.constant 0 : i32
      %dma_wait3A_348 = tpu.memref_slice %arg6[%dma_wait3A_346, %dma_wait3A_347] : memref<6x128xi32, #tpu.memory_space<vmem>> -> memref<1x128xi32, #tpu.memory_space<vmem>>
      %dma_wait3A_349 = tpu.memref_squeeze %dma_wait3A_348 : memref<1x128xi32, #tpu.memory_space<vmem>> -> memref<128xi32, #tpu.memory_space<vmem>>
      %dma_wait3A_350 = arith.constant 0 : i32
      %dma_wait3A_351 = arith.constant 0 : i32
      %dma_wait3A_352 = tpu.memref_slice %arg4[%dma_wait3A_350, %dma_wait3A_351] : memref<20000x64xf32, #tpu.memory_space<hbm>> -> memref<20000x64xf32, #tpu.memory_space<hbm>>
      tpu.wait_indirect_dma semaphore(%arg18 : memref<!tpu.dma_semaphore, #tpu.memory_space<semaphore_mem>>) src(%dma_wait3A_352 : memref<20000x64xf32, #tpu.memory_space<hbm>>) dst(%arg11 : memref<128x64xf32, #tpu.memory_space<vmem>>)
      %dma_start3A_353 = arith.constant 1 : i32
      %dma_start3A_354 = arith.constant 0 : i32
      %dma_start3A_355 = tpu.memref_slice %arg7[%dma_start3A_353, %dma_start3A_354] : memref<6x128xi32, #tpu.memory_space<vmem>> -> memref<1x128xi32, #tpu.memory_space<vmem>>
      %dma_start3A_356 = tpu.memref_squeeze %dma_start3A_355 : memref<1x128xi32, #tpu.memory_space<vmem>> -> memref<128xi32, #tpu.memory_space<vmem>>
      %dma_start3A_357 = arith.constant 0 : i32
      %dma_start3A_358 = arith.constant 0 : i32
      %dma_start3A_359 = tpu.memref_slice %arg16[%dma_start3A_357, %dma_start3A_358] : memref<10240x64xf32, #tpu.memory_space<vmem_shared>> -> memref<10240x64xf32, #tpu.memory_space<vmem_shared>>
      tpu.enqueue_indirect_dma source(%arg11 : memref<128x64xf32, #tpu.memory_space<vmem>>) target(%dma_start3A_359 : memref<10240x64xf32, #tpu.memory_space<vmem_shared>>) offsets(%dma_start3A_356 : memref<128xi32, #tpu.memory_space<vmem>>) semaphore(%arg24 : memref<!tpu.dma_semaphore, #tpu.memory_space<semaphore_mem>>) {add = true}
      %dma_wait3A_360 = arith.constant 1 : i32
      %dma_wait3A_361 = arith.constant 0 : i32
      %dma_wait3A_362 = tpu.memref_slice %arg7[%dma_wait3A_360, %dma_wait3A_361] : memref<6x128xi32, #tpu.memory_space<vmem>> -> memref<1x128xi32, #tpu.memory_space<vmem>>
      %dma_wait3A_363 = tpu.memref_squeeze %dma_wait3A_362 : memref<1x128xi32, #tpu.memory_space<vmem>> -> memref<128xi32, #tpu.memory_space<vmem>>
      %dma_wait3A_364 = arith.constant 0 : i32
      %dma_wait3A_365 = arith.constant 0 : i32
      %dma_wait3A_366 = tpu.memref_slice %arg16[%dma_wait3A_364, %dma_wait3A_365] : memref<10240x64xf32, #tpu.memory_space<vmem_shared>> -> memref<10240x64xf32, #tpu.memory_space<vmem_shared>>
      tpu.wait_indirect_dma semaphore(%arg24 : memref<!tpu.dma_semaphore, #tpu.memory_space<semaphore_mem>>) src(%arg11 : memref<128x64xf32, #tpu.memory_space<vmem>>) dst(%dma_wait3A_366 : memref<10240x64xf32, #tpu.memory_space<vmem_shared>>)
      %dma_start3A_367 = arith.constant 1 : i32
      %dma_start3A_368 = arith.constant 0 : i32
      %dma_start3A_369 = tpu.memref_slice %arg8[%dma_start3A_367, %dma_start3A_368] : memref<6x128xi32, #tpu.memory_space<vmem>> -> memref<1x128xi32, #tpu.memory_space<vmem>>
      %dma_start3A_370 = tpu.memref_squeeze %dma_start3A_369 : memref<1x128xi32, #tpu.memory_space<vmem>> -> memref<128xi32, #tpu.memory_space<vmem>>
      %dma_start3A_371 = arith.constant 0 : i32
      %dma_start3A_372 = arith.constant 0 : i32
      %dma_start3A_373 = tpu.memref_slice %arg4[%dma_start3A_371, %dma_start3A_372] : memref<20000x64xf32, #tpu.memory_space<hbm>> -> memref<20000x64xf32, #tpu.memory_space<hbm>>
      tpu.enqueue_indirect_dma source(%dma_start3A_373 : memref<20000x64xf32, #tpu.memory_space<hbm>>) target(%arg11 : memref<128x64xf32, #tpu.memory_space<vmem>>) offsets(%dma_start3A_370 : memref<128xi32, #tpu.memory_space<vmem>>) semaphore(%arg18 : memref<!tpu.dma_semaphore, #tpu.memory_space<semaphore_mem>>)
      %mul3A_374 = arith.constant 12 : i32
      %mul3A_375 = arith.muli %scan3A_166, %mul3A_374 : i32
      %add3A_376 = arith.constant 7 : i32
      %add3A_377 = arith.addi %mul3A_375, %add3A_376 : i32
      %sub3A_378 = arith.constant 5 : i32
      %sub3A_379 = arith.subi %add3A_377, %sub3A_378 : i32
      %dma_wait3A_380 = arith.constant 2 : i32
      %dma_wait3A_381 = arith.constant 0 : i32
      %dma_wait3A_382 = tpu.memref_slice %arg6[%dma_wait3A_380, %dma_wait3A_381] : memref<6x128xi32, #tpu.memory_space<vmem>> -> memref<1x128xi32, #tpu.memory_space<vmem>>
      %dma_wait3A_383 = tpu.memref_squeeze %dma_wait3A_382 : memref<1x128xi32, #tpu.memory_space<vmem>> -> memref<128xi32, #tpu.memory_space<vmem>>
      %dma_wait3A_384 = arith.constant 0 : i32
      %dma_wait3A_385 = arith.constant 0 : i32
      %dma_wait3A_386 = tpu.memref_slice %arg4[%dma_wait3A_384, %dma_wait3A_385] : memref<20000x64xf32, #tpu.memory_space<hbm>> -> memref<20000x64xf32, #tpu.memory_space<hbm>>
      tpu.wait_indirect_dma semaphore(%arg19 : memref<!tpu.dma_semaphore, #tpu.memory_space<semaphore_mem>>) src(%dma_wait3A_386 : memref<20000x64xf32, #tpu.memory_space<hbm>>) dst(%arg12 : memref<128x64xf32, #tpu.memory_space<vmem>>)
      %dma_start3A_387 = arith.constant 2 : i32
      %dma_start3A_388 = arith.constant 0 : i32
      %dma_start3A_389 = tpu.memref_slice %arg7[%dma_start3A_387, %dma_start3A_388] : memref<6x128xi32, #tpu.memory_space<vmem>> -> memref<1x128xi32, #tpu.memory_space<vmem>>
      %dma_start3A_390 = tpu.memref_squeeze %dma_start3A_389 : memref<1x128xi32, #tpu.memory_space<vmem>> -> memref<128xi32, #tpu.memory_space<vmem>>
      %dma_start3A_391 = arith.constant 0 : i32
      %dma_start3A_392 = arith.constant 0 : i32
      %dma_start3A_393 = tpu.memref_slice %arg16[%dma_start3A_391, %dma_start3A_392] : memref<10240x64xf32, #tpu.memory_space<vmem_shared>> -> memref<10240x64xf32, #tpu.memory_space<vmem_shared>>
      tpu.enqueue_indirect_dma source(%arg12 : memref<128x64xf32, #tpu.memory_space<vmem>>) target(%dma_start3A_393 : memref<10240x64xf32, #tpu.memory_space<vmem_shared>>) offsets(%dma_start3A_390 : memref<128xi32, #tpu.memory_space<vmem>>) semaphore(%arg25 : memref<!tpu.dma_semaphore, #tpu.memory_space<semaphore_mem>>) {add = true}
      %dma_wait3A_394 = arith.constant 2 : i32
      %dma_wait3A_395 = arith.constant 0 : i32
      %dma_wait3A_396 = tpu.memref_slice %arg7[%dma_wait3A_394, %dma_wait3A_395] : memref<6x128xi32, #tpu.memory_space<vmem>> -> memref<1x128xi32, #tpu.memory_space<vmem>>
      %dma_wait3A_397 = tpu.memref_squeeze %dma_wait3A_396 : memref<1x128xi32, #tpu.memory_space<vmem>> -> memref<128xi32, #tpu.memory_space<vmem>>
      %dma_wait3A_398 = arith.constant 0 : i32
      %dma_wait3A_399 = arith.constant 0 : i32
      %dma_wait3A_400 = tpu.memref_slice %arg16[%dma_wait3A_398, %dma_wait3A_399] : memref<10240x64xf32, #tpu.memory_space<vmem_shared>> -> memref<10240x64xf32, #tpu.memory_space<vmem_shared>>
      tpu.wait_indirect_dma semaphore(%arg25 : memref<!tpu.dma_semaphore, #tpu.memory_space<semaphore_mem>>) src(%arg12 : memref<128x64xf32, #tpu.memory_space<vmem>>) dst(%dma_wait3A_400 : memref<10240x64xf32, #tpu.memory_space<vmem_shared>>)
      %dma_start3A_401 = arith.constant 2 : i32
      %dma_start3A_402 = arith.constant 0 : i32
      %dma_start3A_403 = tpu.memref_slice %arg8[%dma_start3A_401, %dma_start3A_402] : memref<6x128xi32, #tpu.memory_space<vmem>> -> memref<1x128xi32, #tpu.memory_space<vmem>>
      %dma_start3A_404 = tpu.memref_squeeze %dma_start3A_403 : memref<1x128xi32, #tpu.memory_space<vmem>> -> memref<128xi32, #tpu.memory_space<vmem>>
      %dma_start3A_405 = arith.constant 0 : i32
      %dma_start3A_406 = arith.constant 0 : i32
      %dma_start3A_407 = tpu.memref_slice %arg4[%dma_start3A_405, %dma_start3A_406] : memref<20000x64xf32, #tpu.memory_space<hbm>> -> memref<20000x64xf32, #tpu.memory_space<hbm>>
      tpu.enqueue_indirect_dma source(%dma_start3A_407 : memref<20000x64xf32, #tpu.memory_space<hbm>>) target(%arg12 : memref<128x64xf32, #tpu.memory_space<vmem>>) offsets(%dma_start3A_404 : memref<128xi32, #tpu.memory_space<vmem>>) semaphore(%arg19 : memref<!tpu.dma_semaphore, #tpu.memory_space<semaphore_mem>>)
      %mul3A_408 = arith.constant 12 : i32
      %mul3A_409 = arith.muli %scan3A_166, %mul3A_408 : i32
      %add3A_410 = arith.constant 8 : i32
      %add3A_411 = arith.addi %mul3A_409, %add3A_410 : i32
      %sub3A_412 = arith.constant 5 : i32
      %sub3A_413 = arith.subi %add3A_411, %sub3A_412 : i32
      %dma_wait3A_414 = arith.constant 3 : i32
      %dma_wait3A_415 = arith.constant 0 : i32
      %dma_wait3A_416 = tpu.memref_slice %arg6[%dma_wait3A_414, %dma_wait3A_415] : memref<6x128xi32, #tpu.memory_space<vmem>> -> memref<1x128xi32, #tpu.memory_space<vmem>>
      %dma_wait3A_417 = tpu.memref_squeeze %dma_wait3A_416 : memref<1x128xi32, #tpu.memory_space<vmem>> -> memref<128xi32, #tpu.memory_space<vmem>>
      %dma_wait3A_418 = arith.constant 0 : i32
      %dma_wait3A_419 = arith.constant 0 : i32
      %dma_wait3A_420 = tpu.memref_slice %arg4[%dma_wait3A_418, %dma_wait3A_419] : memref<20000x64xf32, #tpu.memory_space<hbm>> -> memref<20000x64xf32, #tpu.memory_space<hbm>>
      tpu.wait_indirect_dma semaphore(%arg20 : memref<!tpu.dma_semaphore, #tpu.memory_space<semaphore_mem>>) src(%dma_wait3A_420 : memref<20000x64xf32, #tpu.memory_space<hbm>>) dst(%arg13 : memref<128x64xf32, #tpu.memory_space<vmem>>)
      %dma_start3A_421 = arith.constant 3 : i32
      %dma_start3A_422 = arith.constant 0 : i32
      %dma_start3A_423 = tpu.memref_slice %arg7[%dma_start3A_421, %dma_start3A_422] : memref<6x128xi32, #tpu.memory_space<vmem>> -> memref<1x128xi32, #tpu.memory_space<vmem>>
      %dma_start3A_424 = tpu.memref_squeeze %dma_start3A_423 : memref<1x128xi32, #tpu.memory_space<vmem>> -> memref<128xi32, #tpu.memory_space<vmem>>
      %dma_start3A_425 = arith.constant 0 : i32
      %dma_start3A_426 = arith.constant 0 : i32
      %dma_start3A_427 = tpu.memref_slice %arg16[%dma_start3A_425, %dma_start3A_426] : memref<10240x64xf32, #tpu.memory_space<vmem_shared>> -> memref<10240x64xf32, #tpu.memory_space<vmem_shared>>
      tpu.enqueue_indirect_dma source(%arg13 : memref<128x64xf32, #tpu.memory_space<vmem>>) target(%dma_start3A_427 : memref<10240x64xf32, #tpu.memory_space<vmem_shared>>) offsets(%dma_start3A_424 : memref<128xi32, #tpu.memory_space<vmem>>) semaphore(%arg26 : memref<!tpu.dma_semaphore, #tpu.memory_space<semaphore_mem>>) {add = true}
      %dma_wait3A_428 = arith.constant 3 : i32
      %dma_wait3A_429 = arith.constant 0 : i32
      %dma_wait3A_430 = tpu.memref_slice %arg7[%dma_wait3A_428, %dma_wait3A_429] : memref<6x128xi32, #tpu.memory_space<vmem>> -> memref<1x128xi32, #tpu.memory_space<vmem>>
      %dma_wait3A_431 = tpu.memref_squeeze %dma_wait3A_430 : memref<1x128xi32, #tpu.memory_space<vmem>> -> memref<128xi32, #tpu.memory_space<vmem>>
      %dma_wait3A_432 = arith.constant 0 : i32
      %dma_wait3A_433 = arith.constant 0 : i32
      %dma_wait3A_434 = tpu.memref_slice %arg16[%dma_wait3A_432, %dma_wait3A_433] : memref<10240x64xf32, #tpu.memory_space<vmem_shared>> -> memref<10240x64xf32, #tpu.memory_space<vmem_shared>>
      tpu.wait_indirect_dma semaphore(%arg26 : memref<!tpu.dma_semaphore, #tpu.memory_space<semaphore_mem>>) src(%arg13 : memref<128x64xf32, #tpu.memory_space<vmem>>) dst(%dma_wait3A_434 : memref<10240x64xf32, #tpu.memory_space<vmem_shared>>)
      %dma_start3A_435 = arith.constant 3 : i32
      %dma_start3A_436 = arith.constant 0 : i32
      %dma_start3A_437 = tpu.memref_slice %arg8[%dma_start3A_435, %dma_start3A_436] : memref<6x128xi32, #tpu.memory_space<vmem>> -> memref<1x128xi32, #tpu.memory_space<vmem>>
      %dma_start3A_438 = tpu.memref_squeeze %dma_start3A_437 : memref<1x128xi32, #tpu.memory_space<vmem>> -> memref<128xi32, #tpu.memory_space<vmem>>
      %dma_start3A_439 = arith.constant 0 : i32
      %dma_start3A_440 = arith.constant 0 : i32
      %dma_start3A_441 = tpu.memref_slice %arg4[%dma_start3A_439, %dma_start3A_440] : memref<20000x64xf32, #tpu.memory_space<hbm>> -> memref<20000x64xf32, #tpu.memory_space<hbm>>
      tpu.enqueue_indirect_dma source(%dma_start3A_441 : memref<20000x64xf32, #tpu.memory_space<hbm>>) target(%arg13 : memref<128x64xf32, #tpu.memory_space<vmem>>) offsets(%dma_start3A_438 : memref<128xi32, #tpu.memory_space<vmem>>) semaphore(%arg20 : memref<!tpu.dma_semaphore, #tpu.memory_space<semaphore_mem>>)
      %mul3A_442 = arith.constant 12 : i32
      %mul3A_443 = arith.muli %scan3A_166, %mul3A_442 : i32
      %add3A_444 = arith.constant 9 : i32
      %add3A_445 = arith.addi %mul3A_443, %add3A_444 : i32
      %sub3A_446 = arith.constant 5 : i32
      %sub3A_447 = arith.subi %add3A_445, %sub3A_446 : i32
      %dma_wait3A_448 = arith.constant 4 : i32
      %dma_wait3A_449 = arith.constant 0 : i32
      %dma_wait3A_450 = tpu.memref_slice %arg6[%dma_wait3A_448, %dma_wait3A_449] : memref<6x128xi32, #tpu.memory_space<vmem>> -> memref<1x128xi32, #tpu.memory_space<vmem>>
      %dma_wait3A_451 = tpu.memref_squeeze %dma_wait3A_450 : memref<1x128xi32, #tpu.memory_space<vmem>> -> memref<128xi32, #tpu.memory_space<vmem>>
      %dma_wait3A_452 = arith.constant 0 : i32
      %dma_wait3A_453 = arith.constant 0 : i32
      %dma_wait3A_454 = tpu.memref_slice %arg4[%dma_wait3A_452, %dma_wait3A_453] : memref<20000x64xf32, #tpu.memory_space<hbm>> -> memref<20000x64xf32, #tpu.memory_space<hbm>>
      tpu.wait_indirect_dma semaphore(%arg21 : memref<!tpu.dma_semaphore, #tpu.memory_space<semaphore_mem>>) src(%dma_wait3A_454 : memref<20000x64xf32, #tpu.memory_space<hbm>>) dst(%arg14 : memref<128x64xf32, #tpu.memory_space<vmem>>)
      %dma_start3A_455 = arith.constant 4 : i32
      %dma_start3A_456 = arith.constant 0 : i32
      %dma_start3A_457 = tpu.memref_slice %arg7[%dma_start3A_455, %dma_start3A_456] : memref<6x128xi32, #tpu.memory_space<vmem>> -> memref<1x128xi32, #tpu.memory_space<vmem>>
      %dma_start3A_458 = tpu.memref_squeeze %dma_start3A_457 : memref<1x128xi32, #tpu.memory_space<vmem>> -> memref<128xi32, #tpu.memory_space<vmem>>
      %dma_start3A_459 = arith.constant 0 : i32
      %dma_start3A_460 = arith.constant 0 : i32
      %dma_start3A_461 = tpu.memref_slice %arg16[%dma_start3A_459, %dma_start3A_460] : memref<10240x64xf32, #tpu.memory_space<vmem_shared>> -> memref<10240x64xf32, #tpu.memory_space<vmem_shared>>
      tpu.enqueue_indirect_dma source(%arg14 : memref<128x64xf32, #tpu.memory_space<vmem>>) target(%dma_start3A_461 : memref<10240x64xf32, #tpu.memory_space<vmem_shared>>) offsets(%dma_start3A_458 : memref<128xi32, #tpu.memory_space<vmem>>) semaphore(%arg27 : memref<!tpu.dma_semaphore, #tpu.memory_space<semaphore_mem>>) {add = true}
      %dma_wait3A_462 = arith.constant 4 : i32
      %dma_wait3A_463 = arith.constant 0 : i32
      %dma_wait3A_464 = tpu.memref_slice %arg7[%dma_wait3A_462, %dma_wait3A_463] : memref<6x128xi32, #tpu.memory_space<vmem>> -> memref<1x128xi32, #tpu.memory_space<vmem>>
      %dma_wait3A_465 = tpu.memref_squeeze %dma_wait3A_464 : memref<1x128xi32, #tpu.memory_space<vmem>> -> memref<128xi32, #tpu.memory_space<vmem>>
      %dma_wait3A_466 = arith.constant 0 : i32
      %dma_wait3A_467 = arith.constant 0 : i32
      %dma_wait3A_468 = tpu.memref_slice %arg16[%dma_wait3A_466, %dma_wait3A_467] : memref<10240x64xf32, #tpu.memory_space<vmem_shared>> -> memref<10240x64xf32, #tpu.memory_space<vmem_shared>>
      tpu.wait_indirect_dma semaphore(%arg27 : memref<!tpu.dma_semaphore, #tpu.memory_space<semaphore_mem>>) src(%arg14 : memref<128x64xf32, #tpu.memory_space<vmem>>) dst(%dma_wait3A_468 : memref<10240x64xf32, #tpu.memory_space<vmem_shared>>)
      %dma_start3A_469 = arith.constant 4 : i32
      %dma_start3A_470 = arith.constant 0 : i32
      %dma_start3A_471 = tpu.memref_slice %arg8[%dma_start3A_469, %dma_start3A_470] : memref<6x128xi32, #tpu.memory_space<vmem>> -> memref<1x128xi32, #tpu.memory_space<vmem>>
      %dma_start3A_472 = tpu.memref_squeeze %dma_start3A_471 : memref<1x128xi32, #tpu.memory_space<vmem>> -> memref<128xi32, #tpu.memory_space<vmem>>
      %dma_start3A_473 = arith.constant 0 : i32
      %dma_start3A_474 = arith.constant 0 : i32
      %dma_start3A_475 = tpu.memref_slice %arg4[%dma_start3A_473, %dma_start3A_474] : memref<20000x64xf32, #tpu.memory_space<hbm>> -> memref<20000x64xf32, #tpu.memory_space<hbm>>
      tpu.enqueue_indirect_dma source(%dma_start3A_475 : memref<20000x64xf32, #tpu.memory_space<hbm>>) target(%arg14 : memref<128x64xf32, #tpu.memory_space<vmem>>) offsets(%dma_start3A_472 : memref<128xi32, #tpu.memory_space<vmem>>) semaphore(%arg21 : memref<!tpu.dma_semaphore, #tpu.memory_space<semaphore_mem>>)
      %mul3A_476 = arith.constant 12 : i32
      %mul3A_477 = arith.muli %scan3A_166, %mul3A_476 : i32
      %add3A_478 = arith.constant 10 : i32
      %add3A_479 = arith.addi %mul3A_477, %add3A_478 : i32
      %sub3A_480 = arith.constant 5 : i32
      %sub3A_481 = arith.subi %add3A_479, %sub3A_480 : i32
      %dma_wait3A_482 = arith.constant 5 : i32
      %dma_wait3A_483 = arith.constant 0 : i32
      %dma_wait3A_484 = tpu.memref_slice %arg6[%dma_wait3A_482, %dma_wait3A_483] : memref<6x128xi32, #tpu.memory_space<vmem>> -> memref<1x128xi32, #tpu.memory_space<vmem>>
      %dma_wait3A_485 = tpu.memref_squeeze %dma_wait3A_484 : memref<1x128xi32, #tpu.memory_space<vmem>> -> memref<128xi32, #tpu.memory_space<vmem>>
      %dma_wait3A_486 = arith.constant 0 : i32
      %dma_wait3A_487 = arith.constant 0 : i32
      %dma_wait3A_488 = tpu.memref_slice %arg4[%dma_wait3A_486, %dma_wait3A_487] : memref<20000x64xf32, #tpu.memory_space<hbm>> -> memref<20000x64xf32, #tpu.memory_space<hbm>>
      tpu.wait_indirect_dma semaphore(%arg22 : memref<!tpu.dma_semaphore, #tpu.memory_space<semaphore_mem>>) src(%dma_wait3A_488 : memref<20000x64xf32, #tpu.memory_space<hbm>>) dst(%arg15 : memref<128x64xf32, #tpu.memory_space<vmem>>)
      %dma_start3A_489 = arith.constant 5 : i32
      %dma_start3A_490 = arith.constant 0 : i32
      %dma_start3A_491 = tpu.memref_slice %arg7[%dma_start3A_489, %dma_start3A_490] : memref<6x128xi32, #tpu.memory_space<vmem>> -> memref<1x128xi32, #tpu.memory_space<vmem>>
      %dma_start3A_492 = tpu.memref_squeeze %dma_start3A_491 : memref<1x128xi32, #tpu.memory_space<vmem>> -> memref<128xi32, #tpu.memory_space<vmem>>
      %dma_start3A_493 = arith.constant 0 : i32
      %dma_start3A_494 = arith.constant 0 : i32
      %dma_start3A_495 = tpu.memref_slice %arg16[%dma_start3A_493, %dma_start3A_494] : memref<10240x64xf32, #tpu.memory_space<vmem_shared>> -> memref<10240x64xf32, #tpu.memory_space<vmem_shared>>
      tpu.enqueue_indirect_dma source(%arg15 : memref<128x64xf32, #tpu.memory_space<vmem>>) target(%dma_start3A_495 : memref<10240x64xf32, #tpu.memory_space<vmem_shared>>) offsets(%dma_start3A_492 : memref<128xi32, #tpu.memory_space<vmem>>) semaphore(%arg28 : memref<!tpu.dma_semaphore, #tpu.memory_space<semaphore_mem>>) {add = true}
      %dma_wait3A_496 = arith.constant 5 : i32
      %dma_wait3A_497 = arith.constant 0 : i32
      %dma_wait3A_498 = tpu.memref_slice %arg7[%dma_wait3A_496, %dma_wait3A_497] : memref<6x128xi32, #tpu.memory_space<vmem>> -> memref<1x128xi32, #tpu.memory_space<vmem>>
      %dma_wait3A_499 = tpu.memref_squeeze %dma_wait3A_498 : memref<1x128xi32, #tpu.memory_space<vmem>> -> memref<128xi32, #tpu.memory_space<vmem>>
      %dma_wait3A_500 = arith.constant 0 : i32
      %dma_wait3A_501 = arith.constant 0 : i32
      %dma_wait3A_502 = tpu.memref_slice %arg16[%dma_wait3A_500, %dma_wait3A_501] : memref<10240x64xf32, #tpu.memory_space<vmem_shared>> -> memref<10240x64xf32, #tpu.memory_space<vmem_shared>>
      tpu.wait_indirect_dma semaphore(%arg28 : memref<!tpu.dma_semaphore, #tpu.memory_space<semaphore_mem>>) src(%arg15 : memref<128x64xf32, #tpu.memory_space<vmem>>) dst(%dma_wait3A_502 : memref<10240x64xf32, #tpu.memory_space<vmem_shared>>)
      %dma_start3A_503 = arith.constant 5 : i32
      %dma_start3A_504 = arith.constant 0 : i32
      %dma_start3A_505 = tpu.memref_slice %arg8[%dma_start3A_503, %dma_start3A_504] : memref<6x128xi32, #tpu.memory_space<vmem>> -> memref<1x128xi32, #tpu.memory_space<vmem>>
      %dma_start3A_506 = tpu.memref_squeeze %dma_start3A_505 : memref<1x128xi32, #tpu.memory_space<vmem>> -> memref<128xi32, #tpu.memory_space<vmem>>
      %dma_start3A_507 = arith.constant 0 : i32
      %dma_start3A_508 = arith.constant 0 : i32
      %dma_start3A_509 = tpu.memref_slice %arg4[%dma_start3A_507, %dma_start3A_508] : memref<20000x64xf32, #tpu.memory_space<hbm>> -> memref<20000x64xf32, #tpu.memory_space<hbm>>
      tpu.enqueue_indirect_dma source(%dma_start3A_509 : memref<20000x64xf32, #tpu.memory_space<hbm>>) target(%arg15 : memref<128x64xf32, #tpu.memory_space<vmem>>) offsets(%dma_start3A_506 : memref<128xi32, #tpu.memory_space<vmem>>) semaphore(%arg22 : memref<!tpu.dma_semaphore, #tpu.memory_space<semaphore_mem>>)
      %mul3A_510 = arith.constant 12 : i32
      %mul3A_511 = arith.muli %scan3A_166, %mul3A_510 : i32
      %add3A_512 = arith.constant 11 : i32
      %add3A_513 = arith.addi %mul3A_511, %add3A_512 : i32
      %sub3A_514 = arith.constant 5 : i32
      %sub3A_515 = arith.subi %add3A_513, %sub3A_514 : i32
      %dma_wait3A_516 = arith.constant 0 : i32
      %dma_wait3A_517 = arith.constant 0 : i32
      %dma_wait3A_518 = tpu.memref_slice %arg8[%dma_wait3A_516, %dma_wait3A_517] : memref<6x128xi32, #tpu.memory_space<vmem>> -> memref<1x128xi32, #tpu.memory_space<vmem>>
      %dma_wait3A_519 = tpu.memref_squeeze %dma_wait3A_518 : memref<1x128xi32, #tpu.memory_space<vmem>> -> memref<128xi32, #tpu.memory_space<vmem>>
      %dma_wait3A_520 = arith.constant 0 : i32
      %dma_wait3A_521 = arith.constant 0 : i32
      %dma_wait3A_522 = tpu.memref_slice %arg4[%dma_wait3A_520, %dma_wait3A_521] : memref<20000x64xf32, #tpu.memory_space<hbm>> -> memref<20000x64xf32, #tpu.memory_space<hbm>>
      tpu.wait_indirect_dma semaphore(%arg17 : memref<!tpu.dma_semaphore, #tpu.memory_space<semaphore_mem>>) src(%dma_wait3A_522 : memref<20000x64xf32, #tpu.memory_space<hbm>>) dst(%arg10 : memref<128x64xf32, #tpu.memory_space<vmem>>)
      %dma_start3A_523 = arith.constant 0 : i32
      %dma_start3A_524 = arith.constant 0 : i32
      %dma_start3A_525 = tpu.memref_slice %arg9[%dma_start3A_523, %dma_start3A_524] : memref<6x128xi32, #tpu.memory_space<vmem>> -> memref<1x128xi32, #tpu.memory_space<vmem>>
      %dma_start3A_526 = tpu.memref_squeeze %dma_start3A_525 : memref<1x128xi32, #tpu.memory_space<vmem>> -> memref<128xi32, #tpu.memory_space<vmem>>
      %dma_start3A_527 = arith.constant 0 : i32
      %dma_start3A_528 = arith.constant 0 : i32
      %dma_start3A_529 = tpu.memref_slice %arg16[%dma_start3A_527, %dma_start3A_528] : memref<10240x64xf32, #tpu.memory_space<vmem_shared>> -> memref<10240x64xf32, #tpu.memory_space<vmem_shared>>
      tpu.enqueue_indirect_dma source(%arg10 : memref<128x64xf32, #tpu.memory_space<vmem>>) target(%dma_start3A_529 : memref<10240x64xf32, #tpu.memory_space<vmem_shared>>) offsets(%dma_start3A_526 : memref<128xi32, #tpu.memory_space<vmem>>) semaphore(%arg23 : memref<!tpu.dma_semaphore, #tpu.memory_space<semaphore_mem>>) {add = true}
      %scan3A_530 = arith.constant 0 : i32
      scf.yield %scan3A_530 : i32
    }
    %scan3A_32 = arith.constant 13 : i32
    %dma_wait3A = arith.constant 1 : i32
    %dma_wait3A_33 = arith.constant 0 : i32
    %dma_wait3A_34 = tpu.memref_slice %arg8[%dma_wait3A, %dma_wait3A_33] : memref<6x128xi32, #tpu.memory_space<vmem>> -> memref<1x128xi32, #tpu.memory_space<vmem>>
    %dma_wait3A_35 = tpu.memref_squeeze %dma_wait3A_34 : memref<1x128xi32, #tpu.memory_space<vmem>> -> memref<128xi32, #tpu.memory_space<vmem>>
    %dma_wait3A_36 = arith.constant 0 : i32
    %dma_wait3A_37 = arith.constant 0 : i32
    %dma_wait3A_38 = tpu.memref_slice %arg4[%dma_wait3A_36, %dma_wait3A_37] : memref<20000x64xf32, #tpu.memory_space<hbm>> -> memref<20000x64xf32, #tpu.memory_space<hbm>>
    tpu.wait_indirect_dma semaphore(%arg18 : memref<!tpu.dma_semaphore, #tpu.memory_space<semaphore_mem>>) src(%dma_wait3A_38 : memref<20000x64xf32, #tpu.memory_space<hbm>>) dst(%arg11 : memref<128x64xf32, #tpu.memory_space<vmem>>)
    %dma_start3A = arith.constant 1 : i32
    %dma_start3A_39 = arith.constant 0 : i32
    %dma_start3A_40 = tpu.memref_slice %arg9[%dma_start3A, %dma_start3A_39] : memref<6x128xi32, #tpu.memory_space<vmem>> -> memref<1x128xi32, #tpu.memory_space<vmem>>
    %dma_start3A_41 = tpu.memref_squeeze %dma_start3A_40 : memref<1x128xi32, #tpu.memory_space<vmem>> -> memref<128xi32, #tpu.memory_space<vmem>>
    %dma_start3A_42 = arith.constant 0 : i32
    %dma_start3A_43 = arith.constant 0 : i32
    %dma_start3A_44 = tpu.memref_slice %arg16[%dma_start3A_42, %dma_start3A_43] : memref<10240x64xf32, #tpu.memory_space<vmem_shared>> -> memref<10240x64xf32, #tpu.memory_space<vmem_shared>>
    tpu.enqueue_indirect_dma source(%arg11 : memref<128x64xf32, #tpu.memory_space<vmem>>) target(%dma_start3A_44 : memref<10240x64xf32, #tpu.memory_space<vmem_shared>>) offsets(%dma_start3A_41 : memref<128xi32, #tpu.memory_space<vmem>>) semaphore(%arg24 : memref<!tpu.dma_semaphore, #tpu.memory_space<semaphore_mem>>) {add = true}
    %dma_wait3A_45 = arith.constant 2 : i32
    %dma_wait3A_46 = arith.constant 0 : i32
    %dma_wait3A_47 = tpu.memref_slice %arg8[%dma_wait3A_45, %dma_wait3A_46] : memref<6x128xi32, #tpu.memory_space<vmem>> -> memref<1x128xi32, #tpu.memory_space<vmem>>
    %dma_wait3A_48 = tpu.memref_squeeze %dma_wait3A_47 : memref<1x128xi32, #tpu.memory_space<vmem>> -> memref<128xi32, #tpu.memory_space<vmem>>
    %dma_wait3A_49 = arith.constant 0 : i32
    %dma_wait3A_50 = arith.constant 0 : i32
    %dma_wait3A_51 = tpu.memref_slice %arg4[%dma_wait3A_49, %dma_wait3A_50] : memref<20000x64xf32, #tpu.memory_space<hbm>> -> memref<20000x64xf32, #tpu.memory_space<hbm>>
    tpu.wait_indirect_dma semaphore(%arg19 : memref<!tpu.dma_semaphore, #tpu.memory_space<semaphore_mem>>) src(%dma_wait3A_51 : memref<20000x64xf32, #tpu.memory_space<hbm>>) dst(%arg12 : memref<128x64xf32, #tpu.memory_space<vmem>>)
    %dma_start3A_52 = arith.constant 2 : i32
    %dma_start3A_53 = arith.constant 0 : i32
    %dma_start3A_54 = tpu.memref_slice %arg9[%dma_start3A_52, %dma_start3A_53] : memref<6x128xi32, #tpu.memory_space<vmem>> -> memref<1x128xi32, #tpu.memory_space<vmem>>
    %dma_start3A_55 = tpu.memref_squeeze %dma_start3A_54 : memref<1x128xi32, #tpu.memory_space<vmem>> -> memref<128xi32, #tpu.memory_space<vmem>>
    %dma_start3A_56 = arith.constant 0 : i32
    %dma_start3A_57 = arith.constant 0 : i32
    %dma_start3A_58 = tpu.memref_slice %arg16[%dma_start3A_56, %dma_start3A_57] : memref<10240x64xf32, #tpu.memory_space<vmem_shared>> -> memref<10240x64xf32, #tpu.memory_space<vmem_shared>>
    tpu.enqueue_indirect_dma source(%arg12 : memref<128x64xf32, #tpu.memory_space<vmem>>) target(%dma_start3A_58 : memref<10240x64xf32, #tpu.memory_space<vmem_shared>>) offsets(%dma_start3A_55 : memref<128xi32, #tpu.memory_space<vmem>>) semaphore(%arg25 : memref<!tpu.dma_semaphore, #tpu.memory_space<semaphore_mem>>) {add = true}
    %dma_wait3A_59 = arith.constant 3 : i32
    %dma_wait3A_60 = arith.constant 0 : i32
    %dma_wait3A_61 = tpu.memref_slice %arg8[%dma_wait3A_59, %dma_wait3A_60] : memref<6x128xi32, #tpu.memory_space<vmem>> -> memref<1x128xi32, #tpu.memory_space<vmem>>
    %dma_wait3A_62 = tpu.memref_squeeze %dma_wait3A_61 : memref<1x128xi32, #tpu.memory_space<vmem>> -> memref<128xi32, #tpu.memory_space<vmem>>
    %dma_wait3A_63 = arith.constant 0 : i32
    %dma_wait3A_64 = arith.constant 0 : i32
    %dma_wait3A_65 = tpu.memref_slice %arg4[%dma_wait3A_63, %dma_wait3A_64] : memref<20000x64xf32, #tpu.memory_space<hbm>> -> memref<20000x64xf32, #tpu.memory_space<hbm>>
    tpu.wait_indirect_dma semaphore(%arg20 : memref<!tpu.dma_semaphore, #tpu.memory_space<semaphore_mem>>) src(%dma_wait3A_65 : memref<20000x64xf32, #tpu.memory_space<hbm>>) dst(%arg13 : memref<128x64xf32, #tpu.memory_space<vmem>>)
    %dma_start3A_66 = arith.constant 3 : i32
    %dma_start3A_67 = arith.constant 0 : i32
    %dma_start3A_68 = tpu.memref_slice %arg9[%dma_start3A_66, %dma_start3A_67] : memref<6x128xi32, #tpu.memory_space<vmem>> -> memref<1x128xi32, #tpu.memory_space<vmem>>
    %dma_start3A_69 = tpu.memref_squeeze %dma_start3A_68 : memref<1x128xi32, #tpu.memory_space<vmem>> -> memref<128xi32, #tpu.memory_space<vmem>>
    %dma_start3A_70 = arith.constant 0 : i32
    %dma_start3A_71 = arith.constant 0 : i32
    %dma_start3A_72 = tpu.memref_slice %arg16[%dma_start3A_70, %dma_start3A_71] : memref<10240x64xf32, #tpu.memory_space<vmem_shared>> -> memref<10240x64xf32, #tpu.memory_space<vmem_shared>>
    tpu.enqueue_indirect_dma source(%arg13 : memref<128x64xf32, #tpu.memory_space<vmem>>) target(%dma_start3A_72 : memref<10240x64xf32, #tpu.memory_space<vmem_shared>>) offsets(%dma_start3A_69 : memref<128xi32, #tpu.memory_space<vmem>>) semaphore(%arg26 : memref<!tpu.dma_semaphore, #tpu.memory_space<semaphore_mem>>) {add = true}
    %dma_wait3A_73 = arith.constant 4 : i32
    %dma_wait3A_74 = arith.constant 0 : i32
    %dma_wait3A_75 = tpu.memref_slice %arg8[%dma_wait3A_73, %dma_wait3A_74] : memref<6x128xi32, #tpu.memory_space<vmem>> -> memref<1x128xi32, #tpu.memory_space<vmem>>
    %dma_wait3A_76 = tpu.memref_squeeze %dma_wait3A_75 : memref<1x128xi32, #tpu.memory_space<vmem>> -> memref<128xi32, #tpu.memory_space<vmem>>
    %dma_wait3A_77 = arith.constant 0 : i32
    %dma_wait3A_78 = arith.constant 0 : i32
    %dma_wait3A_79 = tpu.memref_slice %arg4[%dma_wait3A_77, %dma_wait3A_78] : memref<20000x64xf32, #tpu.memory_space<hbm>> -> memref<20000x64xf32, #tpu.memory_space<hbm>>
    tpu.wait_indirect_dma semaphore(%arg21 : memref<!tpu.dma_semaphore, #tpu.memory_space<semaphore_mem>>) src(%dma_wait3A_79 : memref<20000x64xf32, #tpu.memory_space<hbm>>) dst(%arg14 : memref<128x64xf32, #tpu.memory_space<vmem>>)
    %dma_start3A_80 = arith.constant 4 : i32
    %dma_start3A_81 = arith.constant 0 : i32
    %dma_start3A_82 = tpu.memref_slice %arg9[%dma_start3A_80, %dma_start3A_81] : memref<6x128xi32, #tpu.memory_space<vmem>> -> memref<1x128xi32, #tpu.memory_space<vmem>>
    %dma_start3A_83 = tpu.memref_squeeze %dma_start3A_82 : memref<1x128xi32, #tpu.memory_space<vmem>> -> memref<128xi32, #tpu.memory_space<vmem>>
    %dma_start3A_84 = arith.constant 0 : i32
    %dma_start3A_85 = arith.constant 0 : i32
    %dma_start3A_86 = tpu.memref_slice %arg16[%dma_start3A_84, %dma_start3A_85] : memref<10240x64xf32, #tpu.memory_space<vmem_shared>> -> memref<10240x64xf32, #tpu.memory_space<vmem_shared>>
    tpu.enqueue_indirect_dma source(%arg14 : memref<128x64xf32, #tpu.memory_space<vmem>>) target(%dma_start3A_86 : memref<10240x64xf32, #tpu.memory_space<vmem_shared>>) offsets(%dma_start3A_83 : memref<128xi32, #tpu.memory_space<vmem>>) semaphore(%arg27 : memref<!tpu.dma_semaphore, #tpu.memory_space<semaphore_mem>>) {add = true}
    %dma_wait3A_87 = arith.constant 5 : i32
    %dma_wait3A_88 = arith.constant 0 : i32
    %dma_wait3A_89 = tpu.memref_slice %arg8[%dma_wait3A_87, %dma_wait3A_88] : memref<6x128xi32, #tpu.memory_space<vmem>> -> memref<1x128xi32, #tpu.memory_space<vmem>>
    %dma_wait3A_90 = tpu.memref_squeeze %dma_wait3A_89 : memref<1x128xi32, #tpu.memory_space<vmem>> -> memref<128xi32, #tpu.memory_space<vmem>>
    %dma_wait3A_91 = arith.constant 0 : i32
    %dma_wait3A_92 = arith.constant 0 : i32
    %dma_wait3A_93 = tpu.memref_slice %arg4[%dma_wait3A_91, %dma_wait3A_92] : memref<20000x64xf32, #tpu.memory_space<hbm>> -> memref<20000x64xf32, #tpu.memory_space<hbm>>
    tpu.wait_indirect_dma semaphore(%arg22 : memref<!tpu.dma_semaphore, #tpu.memory_space<semaphore_mem>>) src(%dma_wait3A_93 : memref<20000x64xf32, #tpu.memory_space<hbm>>) dst(%arg15 : memref<128x64xf32, #tpu.memory_space<vmem>>)
    %dma_start3A_94 = arith.constant 5 : i32
    %dma_start3A_95 = arith.constant 0 : i32
    %dma_start3A_96 = tpu.memref_slice %arg9[%dma_start3A_94, %dma_start3A_95] : memref<6x128xi32, #tpu.memory_space<vmem>> -> memref<1x128xi32, #tpu.memory_space<vmem>>
    %dma_start3A_97 = tpu.memref_squeeze %dma_start3A_96 : memref<1x128xi32, #tpu.memory_space<vmem>> -> memref<128xi32, #tpu.memory_space<vmem>>
    %dma_start3A_98 = arith.constant 0 : i32
    %dma_start3A_99 = arith.constant 0 : i32
    %dma_start3A_100 = tpu.memref_slice %arg16[%dma_start3A_98, %dma_start3A_99] : memref<10240x64xf32, #tpu.memory_space<vmem_shared>> -> memref<10240x64xf32, #tpu.memory_space<vmem_shared>>
    tpu.enqueue_indirect_dma source(%arg15 : memref<128x64xf32, #tpu.memory_space<vmem>>) target(%dma_start3A_100 : memref<10240x64xf32, #tpu.memory_space<vmem_shared>>) offsets(%dma_start3A_97 : memref<128xi32, #tpu.memory_space<vmem>>) semaphore(%arg28 : memref<!tpu.dma_semaphore, #tpu.memory_space<semaphore_mem>>) {add = true}
    %dma_wait3A_101 = arith.constant 0 : i32
    %dma_wait3A_102 = arith.constant 0 : i32
    %dma_wait3A_103 = tpu.memref_slice %arg9[%dma_wait3A_101, %dma_wait3A_102] : memref<6x128xi32, #tpu.memory_space<vmem>> -> memref<1x128xi32, #tpu.memory_space<vmem>>
    %dma_wait3A_104 = tpu.memref_squeeze %dma_wait3A_103 : memref<1x128xi32, #tpu.memory_space<vmem>> -> memref<128xi32, #tpu.memory_space<vmem>>
    %dma_wait3A_105 = arith.constant 0 : i32
    %dma_wait3A_106 = arith.constant 0 : i32
    %dma_wait3A_107 = tpu.memref_slice %arg16[%dma_wait3A_105, %dma_wait3A_106] : memref<10240x64xf32, #tpu.memory_space<vmem_shared>> -> memref<10240x64xf32, #tpu.memory_space<vmem_shared>>
    tpu.wait_indirect_dma semaphore(%arg23 : memref<!tpu.dma_semaphore, #tpu.memory_space<semaphore_mem>>) src(%arg10 : memref<128x64xf32, #tpu.memory_space<vmem>>) dst(%dma_wait3A_107 : memref<10240x64xf32, #tpu.memory_space<vmem_shared>>)
    %dma_wait3A_108 = arith.constant 1 : i32
    %dma_wait3A_109 = arith.constant 0 : i32
    %dma_wait3A_110 = tpu.memref_slice %arg9[%dma_wait3A_108, %dma_wait3A_109] : memref<6x128xi32, #tpu.memory_space<vmem>> -> memref<1x128xi32, #tpu.memory_space<vmem>>
    %dma_wait3A_111 = tpu.memref_squeeze %dma_wait3A_110 : memref<1x128xi32, #tpu.memory_space<vmem>> -> memref<128xi32, #tpu.memory_space<vmem>>
    %dma_wait3A_112 = arith.constant 0 : i32
    %dma_wait3A_113 = arith.constant 0 : i32
    %dma_wait3A_114 = tpu.memref_slice %arg16[%dma_wait3A_112, %dma_wait3A_113] : memref<10240x64xf32, #tpu.memory_space<vmem_shared>> -> memref<10240x64xf32, #tpu.memory_space<vmem_shared>>
    tpu.wait_indirect_dma semaphore(%arg24 : memref<!tpu.dma_semaphore, #tpu.memory_space<semaphore_mem>>) src(%arg11 : memref<128x64xf32, #tpu.memory_space<vmem>>) dst(%dma_wait3A_114 : memref<10240x64xf32, #tpu.memory_space<vmem_shared>>)
    %dma_wait3A_115 = arith.constant 2 : i32
    %dma_wait3A_116 = arith.constant 0 : i32
    %dma_wait3A_117 = tpu.memref_slice %arg9[%dma_wait3A_115, %dma_wait3A_116] : memref<6x128xi32, #tpu.memory_space<vmem>> -> memref<1x128xi32, #tpu.memory_space<vmem>>
    %dma_wait3A_118 = tpu.memref_squeeze %dma_wait3A_117 : memref<1x128xi32, #tpu.memory_space<vmem>> -> memref<128xi32, #tpu.memory_space<vmem>>
    %dma_wait3A_119 = arith.constant 0 : i32
    %dma_wait3A_120 = arith.constant 0 : i32
    %dma_wait3A_121 = tpu.memref_slice %arg16[%dma_wait3A_119, %dma_wait3A_120] : memref<10240x64xf32, #tpu.memory_space<vmem_shared>> -> memref<10240x64xf32, #tpu.memory_space<vmem_shared>>
    tpu.wait_indirect_dma semaphore(%arg25 : memref<!tpu.dma_semaphore, #tpu.memory_space<semaphore_mem>>) src(%arg12 : memref<128x64xf32, #tpu.memory_space<vmem>>) dst(%dma_wait3A_121 : memref<10240x64xf32, #tpu.memory_space<vmem_shared>>)
    %dma_wait3A_122 = arith.constant 3 : i32
    %dma_wait3A_123 = arith.constant 0 : i32
    %dma_wait3A_124 = tpu.memref_slice %arg9[%dma_wait3A_122, %dma_wait3A_123] : memref<6x128xi32, #tpu.memory_space<vmem>> -> memref<1x128xi32, #tpu.memory_space<vmem>>
    %dma_wait3A_125 = tpu.memref_squeeze %dma_wait3A_124 : memref<1x128xi32, #tpu.memory_space<vmem>> -> memref<128xi32, #tpu.memory_space<vmem>>
    %dma_wait3A_126 = arith.constant 0 : i32
    %dma_wait3A_127 = arith.constant 0 : i32
    %dma_wait3A_128 = tpu.memref_slice %arg16[%dma_wait3A_126, %dma_wait3A_127] : memref<10240x64xf32, #tpu.memory_space<vmem_shared>> -> memref<10240x64xf32, #tpu.memory_space<vmem_shared>>
    tpu.wait_indirect_dma semaphore(%arg26 : memref<!tpu.dma_semaphore, #tpu.memory_space<semaphore_mem>>) src(%arg13 : memref<128x64xf32, #tpu.memory_space<vmem>>) dst(%dma_wait3A_128 : memref<10240x64xf32, #tpu.memory_space<vmem_shared>>)
    %dma_wait3A_129 = arith.constant 4 : i32
    %dma_wait3A_130 = arith.constant 0 : i32
    %dma_wait3A_131 = tpu.memref_slice %arg9[%dma_wait3A_129, %dma_wait3A_130] : memref<6x128xi32, #tpu.memory_space<vmem>> -> memref<1x128xi32, #tpu.memory_space<vmem>>
    %dma_wait3A_132 = tpu.memref_squeeze %dma_wait3A_131 : memref<1x128xi32, #tpu.memory_space<vmem>> -> memref<128xi32, #tpu.memory_space<vmem>>
    %dma_wait3A_133 = arith.constant 0 : i32
    %dma_wait3A_134 = arith.constant 0 : i32
    %dma_wait3A_135 = tpu.memref_slice %arg16[%dma_wait3A_133, %dma_wait3A_134] : memref<10240x64xf32, #tpu.memory_space<vmem_shared>> -> memref<10240x64xf32, #tpu.memory_space<vmem_shared>>
    tpu.wait_indirect_dma semaphore(%arg27 : memref<!tpu.dma_semaphore, #tpu.memory_space<semaphore_mem>>) src(%arg14 : memref<128x64xf32, #tpu.memory_space<vmem>>) dst(%dma_wait3A_135 : memref<10240x64xf32, #tpu.memory_space<vmem_shared>>)
    %dma_wait3A_136 = arith.constant 5 : i32
    %dma_wait3A_137 = arith.constant 0 : i32
    %dma_wait3A_138 = tpu.memref_slice %arg9[%dma_wait3A_136, %dma_wait3A_137] : memref<6x128xi32, #tpu.memory_space<vmem>> -> memref<1x128xi32, #tpu.memory_space<vmem>>
    %dma_wait3A_139 = tpu.memref_squeeze %dma_wait3A_138 : memref<1x128xi32, #tpu.memory_space<vmem>> -> memref<128xi32, #tpu.memory_space<vmem>>
    %dma_wait3A_140 = arith.constant 0 : i32
    %dma_wait3A_141 = arith.constant 0 : i32
    %dma_wait3A_142 = tpu.memref_slice %arg16[%dma_wait3A_140, %dma_wait3A_141] : memref<10240x64xf32, #tpu.memory_space<vmem_shared>> -> memref<10240x64xf32, #tpu.memory_space<vmem_shared>>
    tpu.wait_indirect_dma semaphore(%arg28 : memref<!tpu.dma_semaphore, #tpu.memory_space<semaphore_mem>>) src(%arg15 : memref<128x64xf32, #tpu.memory_space<vmem>>) dst(%dma_wait3A_142 : memref<10240x64xf32, #tpu.memory_space<vmem_shared>>)
    %lt3A = arith.constant 4 : i32
    %lt3A_143 = arith.cmpi slt, %arg1, %lt3A : i32
    %convert_element_type3A = arith.extui %lt3A_143 : i1 to i32
    %cond3A = arith.constant 0 : i32
    %cond3A_144 = arith.cmpi ne, %convert_element_type3A, %cond3A : i32
    scf.if %cond3A_144 {
      %add3A_166 = arith.constant 2496 : i32
      %add3A_167 = arith.addi %add3A_166, %arg1 : i32
      %mul3A_168 = arith.constant 2500 : i32
      %mul3A_169 = arith.muli %arg0, %mul3A_168 : i32
      %add3A_170 = arith.addi %mul3A_169, %add3A_167 : i32
      "tpu.region"() ({
        %run_scoped3A = tpu.sem_alloc : memref<!tpu.dma_semaphore, #tpu.memory_space<semaphore_mem>>
        %dma_start3A_199 = arith.constant 0 : i32
        %dma_start3A_200 = arith.constant 0 : i32
        %dma_start3A_201 = tpu.memref_slice %arg6[%dma_start3A_199, %dma_start3A_200] : memref<6x128xi32, #tpu.memory_space<vmem>> -> memref<1x128xi32, #tpu.memory_space<vmem>>
        %dma_start3A_202 = arith.constant 0 : i32
        %dma_start3A_203 = tpu.memref_slice %arg2[%add3A_170, %dma_start3A_202] : memref<5000x128xi32, #tpu.memory_space<hbm>> -> memref<1x128xi32, #tpu.memory_space<hbm>>
        %dma_start3A_204 = arith.constant 0 : i32
        %dma_start3A_205 = arith.constant 0 : i32
        %dma_start3A_206 = tpu.memref_slice %arg6[%dma_start3A_204, %dma_start3A_205] : memref<6x128xi32, #tpu.memory_space<vmem>> -> memref<1x128xi32, #tpu.memory_space<vmem>>
        %dma_start3A_207 = arith.constant 0 : i32
        %dma_start3A_208 = tpu.memref_slice %arg2[%add3A_170, %dma_start3A_207] : memref<5000x128xi32, #tpu.memory_space<hbm>> -> memref<1x128xi32, #tpu.memory_space<hbm>>
        tpu.enqueue_dma source(%dma_start3A_208 : memref<1x128xi32, #tpu.memory_space<hbm>>) target(%dma_start3A_206 : memref<1x128xi32, #tpu.memory_space<vmem>>) target_semaphore(%run_scoped3A : memref<!tpu.dma_semaphore, #tpu.memory_space<semaphore_mem>>)
        %dma_wait3A_209 = arith.constant 0 : i32
        %dma_wait3A_210 = arith.constant 0 : i32
        %dma_wait3A_211 = tpu.memref_slice %arg6[%dma_wait3A_209, %dma_wait3A_210] : memref<6x128xi32, #tpu.memory_space<vmem>> -> memref<1x128xi32, #tpu.memory_space<vmem>>
        %dma_wait3A_212 = arith.constant 0 : i32
        %dma_wait3A_213 = tpu.memref_slice %arg2[%add3A_170, %dma_wait3A_212] : memref<5000x128xi32, #tpu.memory_space<hbm>> -> memref<1x128xi32, #tpu.memory_space<hbm>>
        %dma_wait3A_214 = arith.constant 0 : i32
        %dma_wait3A_215 = arith.constant 0 : i32
        %dma_wait3A_216 = tpu.memref_slice %arg6[%dma_wait3A_214, %dma_wait3A_215] : memref<6x128xi32, #tpu.memory_space<vmem>> -> memref<1x128xi32, #tpu.memory_space<vmem>>
        %dma_wait3A_217 = arith.constant 0 : i32
        %dma_wait3A_218 = tpu.memref_slice %arg2[%add3A_170, %dma_wait3A_217] : memref<5000x128xi32, #tpu.memory_space<hbm>> -> memref<1x128xi32, #tpu.memory_space<hbm>>
        tpu.wait_dma2 semaphore(%run_scoped3A : memref<!tpu.dma_semaphore, #tpu.memory_space<semaphore_mem>>) src(%dma_wait3A_218 : memref<1x128xi32, #tpu.memory_space<hbm>>) dst(%dma_wait3A_216 : memref<1x128xi32, #tpu.memory_space<vmem>>)
        tpu.yield
      }) : () -> ()
      "tpu.region"() ({
        %run_scoped3A = tpu.sem_alloc : memref<!tpu.dma_semaphore, #tpu.memory_space<semaphore_mem>>
        %dma_start3A_199 = arith.constant 0 : i32
        %dma_start3A_200 = arith.constant 0 : i32
        %dma_start3A_201 = tpu.memref_slice %arg7[%dma_start3A_199, %dma_start3A_200] : memref<6x128xi32, #tpu.memory_space<vmem>> -> memref<1x128xi32, #tpu.memory_space<vmem>>
        %dma_start3A_202 = arith.constant 0 : i32
        %dma_start3A_203 = tpu.memref_slice %arg3[%add3A_167, %dma_start3A_202] : memref<2500x128xi32, #tpu.memory_space<hbm>> -> memref<1x128xi32, #tpu.memory_space<hbm>>
        %dma_start3A_204 = arith.constant 0 : i32
        %dma_start3A_205 = arith.constant 0 : i32
        %dma_start3A_206 = tpu.memref_slice %arg7[%dma_start3A_204, %dma_start3A_205] : memref<6x128xi32, #tpu.memory_space<vmem>> -> memref<1x128xi32, #tpu.memory_space<vmem>>
        %dma_start3A_207 = arith.constant 0 : i32
        %dma_start3A_208 = tpu.memref_slice %arg3[%add3A_167, %dma_start3A_207] : memref<2500x128xi32, #tpu.memory_space<hbm>> -> memref<1x128xi32, #tpu.memory_space<hbm>>
        tpu.enqueue_dma source(%dma_start3A_208 : memref<1x128xi32, #tpu.memory_space<hbm>>) target(%dma_start3A_206 : memref<1x128xi32, #tpu.memory_space<vmem>>) target_semaphore(%run_scoped3A : memref<!tpu.dma_semaphore, #tpu.memory_space<semaphore_mem>>)
        %dma_wait3A_209 = arith.constant 0 : i32
        %dma_wait3A_210 = arith.constant 0 : i32
        %dma_wait3A_211 = tpu.memref_slice %arg7[%dma_wait3A_209, %dma_wait3A_210] : memref<6x128xi32, #tpu.memory_space<vmem>> -> memref<1x128xi32, #tpu.memory_space<vmem>>
        %dma_wait3A_212 = arith.constant 0 : i32
        %dma_wait3A_213 = tpu.memref_slice %arg3[%add3A_167, %dma_wait3A_212] : memref<2500x128xi32, #tpu.memory_space<hbm>> -> memref<1x128xi32, #tpu.memory_space<hbm>>
        %dma_wait3A_214 = arith.constant 0 : i32
        %dma_wait3A_215 = arith.constant 0 : i32
        %dma_wait3A_216 = tpu.memref_slice %arg7[%dma_wait3A_214, %dma_wait3A_215] : memref<6x128xi32, #tpu.memory_space<vmem>> -> memref<1x128xi32, #tpu.memory_space<vmem>>
        %dma_wait3A_217 = arith.constant 0 : i32
        %dma_wait3A_218 = tpu.memref_slice %arg3[%add3A_167, %dma_wait3A_217] : memref<2500x128xi32, #tpu.memory_space<hbm>> -> memref<1x128xi32, #tpu.memory_space<hbm>>
        tpu.wait_dma2 semaphore(%run_scoped3A : memref<!tpu.dma_semaphore, #tpu.memory_space<semaphore_mem>>) src(%dma_wait3A_218 : memref<1x128xi32, #tpu.memory_space<hbm>>) dst(%dma_wait3A_216 : memref<1x128xi32, #tpu.memory_space<vmem>>)
        tpu.yield
      }) : () -> ()
      %dma_start3A_171 = arith.constant 0 : i32
      %dma_start3A_172 = arith.constant 0 : i32
      %dma_start3A_173 = tpu.memref_slice %arg6[%dma_start3A_171, %dma_start3A_172] : memref<6x128xi32, #tpu.memory_space<vmem>> -> memref<1x128xi32, #tpu.memory_space<vmem>>
      %dma_start3A_174 = tpu.memref_squeeze %dma_start3A_173 : memref<1x128xi32, #tpu.memory_space<vmem>> -> memref<128xi32, #tpu.memory_space<vmem>>
      %dma_start3A_175 = arith.constant 0 : i32
      %dma_start3A_176 = arith.constant 0 : i32
      %dma_start3A_177 = tpu.memref_slice %arg4[%dma_start3A_175, %dma_start3A_176] : memref<20000x64xf32, #tpu.memory_space<hbm>> -> memref<20000x64xf32, #tpu.memory_space<hbm>>
      tpu.enqueue_indirect_dma source(%dma_start3A_177 : memref<20000x64xf32, #tpu.memory_space<hbm>>) target(%arg10 : memref<128x64xf32, #tpu.memory_space<vmem>>) offsets(%dma_start3A_174 : memref<128xi32, #tpu.memory_space<vmem>>) semaphore(%arg17 : memref<!tpu.dma_semaphore, #tpu.memory_space<semaphore_mem>>)
      %dma_wait3A_178 = arith.constant 0 : i32
      %dma_wait3A_179 = arith.constant 0 : i32
      %dma_wait3A_180 = tpu.memref_slice %arg6[%dma_wait3A_178, %dma_wait3A_179] : memref<6x128xi32, #tpu.memory_space<vmem>> -> memref<1x128xi32, #tpu.memory_space<vmem>>
      %dma_wait3A_181 = tpu.memref_squeeze %dma_wait3A_180 : memref<1x128xi32, #tpu.memory_space<vmem>> -> memref<128xi32, #tpu.memory_space<vmem>>
      %dma_wait3A_182 = arith.constant 0 : i32
      %dma_wait3A_183 = arith.constant 0 : i32
      %dma_wait3A_184 = tpu.memref_slice %arg4[%dma_wait3A_182, %dma_wait3A_183] : memref<20000x64xf32, #tpu.memory_space<hbm>> -> memref<20000x64xf32, #tpu.memory_space<hbm>>
      tpu.wait_indirect_dma semaphore(%arg17 : memref<!tpu.dma_semaphore, #tpu.memory_space<semaphore_mem>>) src(%dma_wait3A_184 : memref<20000x64xf32, #tpu.memory_space<hbm>>) dst(%arg10 : memref<128x64xf32, #tpu.memory_space<vmem>>)
      %dma_start3A_185 = arith.constant 0 : i32
      %dma_start3A_186 = arith.constant 0 : i32
      %dma_start3A_187 = tpu.memref_slice %arg7[%dma_start3A_185, %dma_start3A_186] : memref<6x128xi32, #tpu.memory_space<vmem>> -> memref<1x128xi32, #tpu.memory_space<vmem>>
      %dma_start3A_188 = tpu.memref_squeeze %dma_start3A_187 : memref<1x128xi32, #tpu.memory_space<vmem>> -> memref<128xi32, #tpu.memory_space<vmem>>
      %dma_start3A_189 = arith.constant 0 : i32
      %dma_start3A_190 = arith.constant 0 : i32
      %dma_start3A_191 = tpu.memref_slice %arg16[%dma_start3A_189, %dma_start3A_190] : memref<10240x64xf32, #tpu.memory_space<vmem_shared>> -> memref<10240x64xf32, #tpu.memory_space<vmem_shared>>
      tpu.enqueue_indirect_dma source(%arg10 : memref<128x64xf32, #tpu.memory_space<vmem>>) target(%dma_start3A_191 : memref<10240x64xf32, #tpu.memory_space<vmem_shared>>) offsets(%dma_start3A_188 : memref<128xi32, #tpu.memory_space<vmem>>) semaphore(%arg23 : memref<!tpu.dma_semaphore, #tpu.memory_space<semaphore_mem>>) {add = true}
      %dma_wait3A_192 = arith.constant 0 : i32
      %dma_wait3A_193 = arith.constant 0 : i32
      %dma_wait3A_194 = tpu.memref_slice %arg7[%dma_wait3A_192, %dma_wait3A_193] : memref<6x128xi32, #tpu.memory_space<vmem>> -> memref<1x128xi32, #tpu.memory_space<vmem>>
      %dma_wait3A_195 = tpu.memref_squeeze %dma_wait3A_194 : memref<1x128xi32, #tpu.memory_space<vmem>> -> memref<128xi32, #tpu.memory_space<vmem>>
      %dma_wait3A_196 = arith.constant 0 : i32
      %dma_wait3A_197 = arith.constant 0 : i32
      %dma_wait3A_198 = tpu.memref_slice %arg16[%dma_wait3A_196, %dma_wait3A_197] : memref<10240x64xf32, #tpu.memory_space<vmem_shared>> -> memref<10240x64xf32, #tpu.memory_space<vmem_shared>>
      tpu.wait_indirect_dma semaphore(%arg23 : memref<!tpu.dma_semaphore, #tpu.memory_space<semaphore_mem>>) src(%arg10 : memref<128x64xf32, #tpu.memory_space<vmem>>) dst(%dma_wait3A_198 : memref<10240x64xf32, #tpu.memory_space<vmem_shared>>)
    } else {
    }
    %barrier3A_145 = arith.constant 0 : index
    tpu.barrier barrier_id(%barrier3A_145)
    %mul3A_146 = arith.constant 640 : i32
    %mul3A_147 = arith.muli %arg1, %mul3A_146 : i32
    %add3A_148 = arith.constant 0 : i32
    %add3A_149 = arith.addi %mul3A_147, %add3A_148 : i32
    "tpu.region"() ({
      %run_scoped3A = tpu.sem_alloc : memref<!tpu.dma_semaphore, #tpu.memory_space<semaphore_mem>>
      %dma_start3A_166 = arith.constant 0 : i32
      %dma_start3A_167 = tpu.memref_slice %arg5[%arg0, %add3A_149, %dma_start3A_166] : memref<2x10240x64xf32, #tpu.memory_space<hbm>> -> memref<1x128x64xf32, #tpu.memory_space<hbm>>
      %dma_start3A_168 = tpu.memref_squeeze %dma_start3A_167 : memref<1x128x64xf32, #tpu.memory_space<hbm>> -> memref<128x64xf32, #tpu.memory_space<hbm>>
      %dma_start3A_169 = arith.constant 0 : i32
      %dma_start3A_170 = tpu.memref_slice %arg16[%add3A_149, %dma_start3A_169] : memref<10240x64xf32, #tpu.memory_space<vmem_shared>> -> memref<128x64xf32, #tpu.memory_space<vmem_shared>>
      tpu.enqueue_dma source(%dma_start3A_170 : memref<128x64xf32, #tpu.memory_space<vmem_shared>>) target(%dma_start3A_168 : memref<128x64xf32, #tpu.memory_space<hbm>>) target_semaphore(%run_scoped3A : memref<!tpu.dma_semaphore, #tpu.memory_space<semaphore_mem>>)
      %dma_wait3A_171 = arith.constant 0 : i32
      %dma_wait3A_172 = tpu.memref_slice %arg5[%arg0, %add3A_149, %dma_wait3A_171] : memref<2x10240x64xf32, #tpu.memory_space<hbm>> -> memref<1x128x64xf32, #tpu.memory_space<hbm>>
      %dma_wait3A_173 = tpu.memref_squeeze %dma_wait3A_172 : memref<1x128x64xf32, #tpu.memory_space<hbm>> -> memref<128x64xf32, #tpu.memory_space<hbm>>
      %dma_wait3A_174 = arith.constant 0 : i32
      %dma_wait3A_175 = tpu.memref_slice %arg16[%add3A_149, %dma_wait3A_174] : memref<10240x64xf32, #tpu.memory_space<vmem_shared>> -> memref<128x64xf32, #tpu.memory_space<vmem_shared>>
      tpu.wait_dma2 semaphore(%run_scoped3A : memref<!tpu.dma_semaphore, #tpu.memory_space<semaphore_mem>>) src(%dma_wait3A_175 : memref<128x64xf32, #tpu.memory_space<vmem_shared>>) dst(%dma_wait3A_173 : memref<128x64xf32, #tpu.memory_space<hbm>>)
      tpu.yield
    }) : () -> ()
    %mul3A_150 = arith.constant 640 : i32
    %mul3A_151 = arith.muli %arg1, %mul3A_150 : i32
    %add3A_152 = arith.constant 128 : i32
    %add3A_153 = arith.addi %mul3A_151, %add3A_152 : i32
    "tpu.region"() ({
      %run_scoped3A = tpu.sem_alloc : memref<!tpu.dma_semaphore, #tpu.memory_space<semaphore_mem>>
      %dma_start3A_166 = arith.constant 0 : i32
      %dma_start3A_167 = tpu.memref_slice %arg5[%arg0, %add3A_153, %dma_start3A_166] : memref<2x10240x64xf32, #tpu.memory_space<hbm>> -> memref<1x128x64xf32, #tpu.memory_space<hbm>>
      %dma_start3A_168 = tpu.memref_squeeze %dma_start3A_167 : memref<1x128x64xf32, #tpu.memory_space<hbm>> -> memref<128x64xf32, #tpu.memory_space<hbm>>
      %dma_start3A_169 = arith.constant 0 : i32
      %dma_start3A_170 = tpu.memref_slice %arg16[%add3A_153, %dma_start3A_169] : memref<10240x64xf32, #tpu.memory_space<vmem_shared>> -> memref<128x64xf32, #tpu.memory_space<vmem_shared>>
      tpu.enqueue_dma source(%dma_start3A_170 : memref<128x64xf32, #tpu.memory_space<vmem_shared>>) target(%dma_start3A_168 : memref<128x64xf32, #tpu.memory_space<hbm>>) target_semaphore(%run_scoped3A : memref<!tpu.dma_semaphore, #tpu.memory_space<semaphore_mem>>)
      %dma_wait3A_171 = arith.constant 0 : i32
      %dma_wait3A_172 = tpu.memref_slice %arg5[%arg0, %add3A_153, %dma_wait3A_171] : memref<2x10240x64xf32, #tpu.memory_space<hbm>> -> memref<1x128x64xf32, #tpu.memory_space<hbm>>
      %dma_wait3A_173 = tpu.memref_squeeze %dma_wait3A_172 : memref<1x128x64xf32, #tpu.memory_space<hbm>> -> memref<128x64xf32, #tpu.memory_space<hbm>>
      %dma_wait3A_174 = arith.constant 0 : i32
      %dma_wait3A_175 = tpu.memref_slice %arg16[%add3A_153, %dma_wait3A_174] : memref<10240x64xf32, #tpu.memory_space<vmem_shared>> -> memref<128x64xf32, #tpu.memory_space<vmem_shared>>
      tpu.wait_dma2 semaphore(%run_scoped3A : memref<!tpu.dma_semaphore, #tpu.memory_space<semaphore_mem>>) src(%dma_wait3A_175 : memref<128x64xf32, #tpu.memory_space<vmem_shared>>) dst(%dma_wait3A_173 : memref<128x64xf32, #tpu.memory_space<hbm>>)
      tpu.yield
    }) : () -> ()
    %mul3A_154 = arith.constant 640 : i32
    %mul3A_155 = arith.muli %arg1, %mul3A_154 : i32
    %add3A_156 = arith.constant 256 : i32
    %add3A_157 = arith.addi %mul3A_155, %add3A_156 : i32
    "tpu.region"() ({
      %run_scoped3A = tpu.sem_alloc : memref<!tpu.dma_semaphore, #tpu.memory_space<semaphore_mem>>
      %dma_start3A_166 = arith.constant 0 : i32
      %dma_start3A_167 = tpu.memref_slice %arg5[%arg0, %add3A_157, %dma_start3A_166] : memref<2x10240x64xf32, #tpu.memory_space<hbm>> -> memref<1x128x64xf32, #tpu.memory_space<hbm>>
      %dma_start3A_168 = tpu.memref_squeeze %dma_start3A_167 : memref<1x128x64xf32, #tpu.memory_space<hbm>> -> memref<128x64xf32, #tpu.memory_space<hbm>>
      %dma_start3A_169 = arith.constant 0 : i32
      %dma_start3A_170 = tpu.memref_slice %arg16[%add3A_157, %dma_start3A_169] : memref<10240x64xf32, #tpu.memory_space<vmem_shared>> -> memref<128x64xf32, #tpu.memory_space<vmem_shared>>
      tpu.enqueue_dma source(%dma_start3A_170 : memref<128x64xf32, #tpu.memory_space<vmem_shared>>) target(%dma_start3A_168 : memref<128x64xf32, #tpu.memory_space<hbm>>) target_semaphore(%run_scoped3A : memref<!tpu.dma_semaphore, #tpu.memory_space<semaphore_mem>>)
      %dma_wait3A_171 = arith.constant 0 : i32
      %dma_wait3A_172 = tpu.memref_slice %arg5[%arg0, %add3A_157, %dma_wait3A_171] : memref<2x10240x64xf32, #tpu.memory_space<hbm>> -> memref<1x128x64xf32, #tpu.memory_space<hbm>>
      %dma_wait3A_173 = tpu.memref_squeeze %dma_wait3A_172 : memref<1x128x64xf32, #tpu.memory_space<hbm>> -> memref<128x64xf32, #tpu.memory_space<hbm>>
      %dma_wait3A_174 = arith.constant 0 : i32
      %dma_wait3A_175 = tpu.memref_slice %arg16[%add3A_157, %dma_wait3A_174] : memref<10240x64xf32, #tpu.memory_space<vmem_shared>> -> memref<128x64xf32, #tpu.memory_space<vmem_shared>>
      tpu.wait_dma2 semaphore(%run_scoped3A : memref<!tpu.dma_semaphore, #tpu.memory_space<semaphore_mem>>) src(%dma_wait3A_175 : memref<128x64xf32, #tpu.memory_space<vmem_shared>>) dst(%dma_wait3A_173 : memref<128x64xf32, #tpu.memory_space<hbm>>)
      tpu.yield
    }) : () -> ()
    %mul3A_158 = arith.constant 640 : i32
    %mul3A_159 = arith.muli %arg1, %mul3A_158 : i32
    %add3A_160 = arith.constant 384 : i32
    %add3A_161 = arith.addi %mul3A_159, %add3A_160 : i32
    "tpu.region"() ({
      %run_scoped3A = tpu.sem_alloc : memref<!tpu.dma_semaphore, #tpu.memory_space<semaphore_mem>>
      %dma_start3A_166 = arith.constant 0 : i32
      %dma_start3A_167 = tpu.memref_slice %arg5[%arg0, %add3A_161, %dma_start3A_166] : memref<2x10240x64xf32, #tpu.memory_space<hbm>> -> memref<1x128x64xf32, #tpu.memory_space<hbm>>
      %dma_start3A_168 = tpu.memref_squeeze %dma_start3A_167 : memref<1x128x64xf32, #tpu.memory_space<hbm>> -> memref<128x64xf32, #tpu.memory_space<hbm>>
      %dma_start3A_169 = arith.constant 0 : i32
      %dma_start3A_170 = tpu.memref_slice %arg16[%add3A_161, %dma_start3A_169] : memref<10240x64xf32, #tpu.memory_space<vmem_shared>> -> memref<128x64xf32, #tpu.memory_space<vmem_shared>>
      tpu.enqueue_dma source(%dma_start3A_170 : memref<128x64xf32, #tpu.memory_space<vmem_shared>>) target(%dma_start3A_168 : memref<128x64xf32, #tpu.memory_space<hbm>>) target_semaphore(%run_scoped3A : memref<!tpu.dma_semaphore, #tpu.memory_space<semaphore_mem>>)
      %dma_wait3A_171 = arith.constant 0 : i32
      %dma_wait3A_172 = tpu.memref_slice %arg5[%arg0, %add3A_161, %dma_wait3A_171] : memref<2x10240x64xf32, #tpu.memory_space<hbm>> -> memref<1x128x64xf32, #tpu.memory_space<hbm>>
      %dma_wait3A_173 = tpu.memref_squeeze %dma_wait3A_172 : memref<1x128x64xf32, #tpu.memory_space<hbm>> -> memref<128x64xf32, #tpu.memory_space<hbm>>
      %dma_wait3A_174 = arith.constant 0 : i32
      %dma_wait3A_175 = tpu.memref_slice %arg16[%add3A_161, %dma_wait3A_174] : memref<10240x64xf32, #tpu.memory_space<vmem_shared>> -> memref<128x64xf32, #tpu.memory_space<vmem_shared>>
      tpu.wait_dma2 semaphore(%run_scoped3A : memref<!tpu.dma_semaphore, #tpu.memory_space<semaphore_mem>>) src(%dma_wait3A_175 : memref<128x64xf32, #tpu.memory_space<vmem_shared>>) dst(%dma_wait3A_173 : memref<128x64xf32, #tpu.memory_space<hbm>>)
      tpu.yield
    }) : () -> ()
    %mul3A_162 = arith.constant 640 : i32
    %mul3A_163 = arith.muli %arg1, %mul3A_162 : i32
    %add3A_164 = arith.constant 512 : i32
    %add3A_165 = arith.addi %mul3A_163, %add3A_164 : i32
    "tpu.region"() ({
      %run_scoped3A = tpu.sem_alloc : memref<!tpu.dma_semaphore, #tpu.memory_space<semaphore_mem>>
      %dma_start3A_166 = arith.constant 0 : i32
      %dma_start3A_167 = tpu.memref_slice %arg5[%arg0, %add3A_165, %dma_start3A_166] : memref<2x10240x64xf32, #tpu.memory_space<hbm>> -> memref<1x128x64xf32, #tpu.memory_space<hbm>>
      %dma_start3A_168 = tpu.memref_squeeze %dma_start3A_167 : memref<1x128x64xf32, #tpu.memory_space<hbm>> -> memref<128x64xf32, #tpu.memory_space<hbm>>
      %dma_start3A_169 = arith.constant 0 : i32
      %dma_start3A_170 = tpu.memref_slice %arg16[%add3A_165, %dma_start3A_169] : memref<10240x64xf32, #tpu.memory_space<vmem_shared>> -> memref<128x64xf32, #tpu.memory_space<vmem_shared>>
      tpu.enqueue_dma source(%dma_start3A_170 : memref<128x64xf32, #tpu.memory_space<vmem_shared>>) target(%dma_start3A_168 : memref<128x64xf32, #tpu.memory_space<hbm>>) target_semaphore(%run_scoped3A : memref<!tpu.dma_semaphore, #tpu.memory_space<semaphore_mem>>)
      %dma_wait3A_171 = arith.constant 0 : i32
      %dma_wait3A_172 = tpu.memref_slice %arg5[%arg0, %add3A_165, %dma_wait3A_171] : memref<2x10240x64xf32, #tpu.memory_space<hbm>> -> memref<1x128x64xf32, #tpu.memory_space<hbm>>
      %dma_wait3A_173 = tpu.memref_squeeze %dma_wait3A_172 : memref<1x128x64xf32, #tpu.memory_space<hbm>> -> memref<128x64xf32, #tpu.memory_space<hbm>>
      %dma_wait3A_174 = arith.constant 0 : i32
      %dma_wait3A_175 = tpu.memref_slice %arg16[%add3A_165, %dma_wait3A_174] : memref<10240x64xf32, #tpu.memory_space<vmem_shared>> -> memref<128x64xf32, #tpu.memory_space<vmem_shared>>
      tpu.wait_dma2 semaphore(%run_scoped3A : memref<!tpu.dma_semaphore, #tpu.memory_space<semaphore_mem>>) src(%dma_wait3A_175 : memref<128x64xf32, #tpu.memory_space<vmem_shared>>) dst(%dma_wait3A_173 : memref<128x64xf32, #tpu.memory_space<hbm>>)
      tpu.yield
    }) : () -> ()
    return
  }
}

module attributes {stable_mosaic.version = 14 : i64} {
  func.func @_dense_body(%arg0: i32, %arg1: memref<2x1000x64xf32, #tpu.memory_space<vmem>>, %arg2: memref<2x1000x16xf32, #tpu.memory_space<vmem>>, %arg3: memref<1000x128xf32, #tpu.memory_space<vmem>>, %arg4: memref<128x128xf32, #tpu.memory_space<vmem>>, %arg5: memref<1x128xf32, #tpu.memory_space<vmem>>, %arg6: memref<128x128xf32, #tpu.memory_space<vmem>>, %arg7: memref<1000x128xf32, #tpu.memory_space<vmem>>) attributes {dimension_semantics = [#tpu.dimension_semantics<arbitrary>], iteration_bounds = array<i64: 10>, scalar_prefetch = 0 : i64, scratch_operands = 0 : i64, tpu.core_type = #tpu.core_type<tc>, window_params = [{transform_indices = @transform_0, window_bounds = array<i64: 2, 1000, 64>}, {transform_indices = @transform_1, window_bounds = array<i64: 2, 1000, 16>}, {transform_indices = @transform_2, window_bounds = array<i64: 1000, 128>}, {pipeline_mode = #tpu.pipeline_mode<synchronous>, transform_indices = @transform_3, window_bounds = array<i64: 128, 128>}, {pipeline_mode = #tpu.pipeline_mode<synchronous>, transform_indices = @transform_4, window_bounds = array<i64: 1, 128>}, {pipeline_mode = #tpu.pipeline_mode<synchronous>, transform_indices = @transform_5, window_bounds = array<i64: 128, 128>}, {transform_indices = @transform_6, window_bounds = array<i64: 1000, 128>}]} {
    %get3A = arith.constant 0 : index
    %get3A_0 = arith.constant 0 : index
    %get3A_1 = arith.constant 0 : index
    %get3A_2 = vector.load %arg2[%get3A, %get3A_0, %get3A_1] : memref<2x1000x16xf32, #tpu.memory_space<vmem>>, vector<1x1000x1xf32>
    %get3A_3 = vector.shape_cast %get3A_2 : vector<1x1000x1xf32> to vector<1000x1xf32>
    %get3A_4 = arith.constant 1 : index
    %get3A_5 = arith.constant 0 : index
    %get3A_6 = arith.constant 0 : index
    %get3A_7 = vector.load %arg2[%get3A_4, %get3A_5, %get3A_6] : memref<2x1000x16xf32, #tpu.memory_space<vmem>>, vector<1x1000x1xf32>
    %get3A_8 = vector.shape_cast %get3A_7 : vector<1x1000x1xf32> to vector<1000x1xf32>
    %add3A = arith.addf %get3A_3, %get3A_8 : vector<1000x1xf32>
    %max3A = arith.constant 1.000000e+00 : f32
    %max3A_9 = vector.broadcast %max3A : f32 to vector<1000x1xf32>
    %max3A_10 = arith.maximumf %add3A, %max3A_9 : vector<1000x1xf32>
    %div3A = arith.constant 1.000000e+00 : f32
    %div3A_11 = vector.broadcast %div3A : f32 to vector<1000x1xf32>
    %div3A_12 = arith.divf %div3A_11, %max3A_10 : vector<1000x1xf32>
    %get3A_13 = arith.constant 0 : index
    %get3A_14 = arith.constant 0 : index
    %get3A_15 = arith.constant 0 : index
    %get3A_16 = vector.load %arg1[%get3A_13, %get3A_14, %get3A_15] : memref<2x1000x64xf32, #tpu.memory_space<vmem>>, vector<1x1000x64xf32>
    %get3A_17 = vector.shape_cast %get3A_16 : vector<1x1000x64xf32> to vector<1000x64xf32>
    %mul3A = vector.broadcast %div3A_12 : vector<1000x1xf32> to vector<1000x64xf32>
    %mul3A_18 = arith.mulf %get3A_17, %mul3A : vector<1000x64xf32>
    %get3A_19 = arith.constant 0 : index
    %get3A_20 = arith.constant 0 : index
    %get3A_21 = vector.load %arg4[%get3A_19, %get3A_20] : memref<128x128xf32, #tpu.memory_space<vmem>>, vector<128x64xf32>
    %dot_general3A = arith.constant dense<0.000000e+00> : vector<1000x128xf32>
    %dot_general3A_22 = tpu.matmul %mul3A_18, %get3A_21, %dot_general3A {dimension_numbers = #tpu.dot_dimension_numbers<[1], [1], [0], [0], [0, 0, 1, 0], [], []>, transpose_lhs_hint = false} : vector<1000x64xf32>, vector<128x64xf32>, vector<1000x128xf32> -> vector<1000x128xf32>
    %get3A_23 = arith.constant 1 : index
    %get3A_24 = arith.constant 0 : index
    %get3A_25 = arith.constant 0 : index
    %get3A_26 = vector.load %arg1[%get3A_23, %get3A_24, %get3A_25] : memref<2x1000x64xf32, #tpu.memory_space<vmem>>, vector<1x1000x64xf32>
    %get3A_27 = vector.shape_cast %get3A_26 : vector<1x1000x64xf32> to vector<1000x64xf32>
    %mul3A_28 = vector.broadcast %div3A_12 : vector<1000x1xf32> to vector<1000x64xf32>
    %mul3A_29 = arith.mulf %get3A_27, %mul3A_28 : vector<1000x64xf32>
    %get3A_30 = arith.constant 0 : index
    %get3A_31 = arith.constant 64 : index
    %get3A_32 = vector.load %arg4[%get3A_30, %get3A_31] : memref<128x128xf32, #tpu.memory_space<vmem>>, vector<128x64xf32>
    %dot_general3A_33 = arith.constant dense<0.000000e+00> : vector<1000x128xf32>
    %dot_general3A_34 = tpu.matmul %mul3A_29, %get3A_32, %dot_general3A_33 {dimension_numbers = #tpu.dot_dimension_numbers<[1], [1], [0], [0], [0, 0, 1, 0], [], []>, transpose_lhs_hint = false} : vector<1000x64xf32>, vector<128x64xf32>, vector<1000x128xf32> -> vector<1000x128xf32>
    %add3A_35 = arith.addf %dot_general3A_22, %dot_general3A_34 : vector<1000x128xf32>
    %get3A_36 = arith.constant 0 : index
    %get3A_37 = arith.constant 0 : index
    %get3A_38 = vector.load %arg5[%get3A_36, %get3A_37] : memref<1x128xf32, #tpu.memory_space<vmem>>, vector<1x128xf32>
    %add3A_39 = vector.broadcast %get3A_38 : vector<1x128xf32> to vector<1000x128xf32>
    %add3A_40 = arith.addf %add3A_35, %add3A_39 : vector<1000x128xf32>
    %get3A_41 = arith.constant 0 : index
    %get3A_42 = arith.constant 0 : index
    %get3A_43 = vector.load %arg3[%get3A_41, %get3A_42] : memref<1000x128xf32, #tpu.memory_space<vmem>>, vector<1000x128xf32>
    %get3A_44 = arith.constant 0 : index
    %get3A_45 = arith.constant 0 : index
    %get3A_46 = vector.load %arg6[%get3A_44, %get3A_45] : memref<128x128xf32, #tpu.memory_space<vmem>>, vector<128x128xf32>
    %dot_general3A_47 = arith.constant dense<0.000000e+00> : vector<1000x128xf32>
    %dot_general3A_48 = tpu.matmul %get3A_43, %get3A_46, %dot_general3A_47 {dimension_numbers = #tpu.dot_dimension_numbers<[1], [1], [0], [0], [0, 0, 1, 0], [], []>, transpose_lhs_hint = false} : vector<1000x128xf32>, vector<128x128xf32>, vector<1000x128xf32> -> vector<1000x128xf32>
    %add3A_49 = arith.addf %add3A_40, %dot_general3A_48 : vector<1000x128xf32>
    %max3A_50 = arith.constant 0.000000e+00 : f32
    %max3A_51 = vector.broadcast %max3A_50 : f32 to vector<1000x128xf32>
    %max3A_52 = arith.maximumf %add3A_49, %max3A_51 : vector<1000x128xf32>
    %swap3A = arith.constant 0 : index
    %swap3A_53 = arith.constant 0 : index
    %swap3A_54 = vector.load %arg7[%swap3A, %swap3A_53] : memref<1000x128xf32, #tpu.memory_space<vmem>>, vector<1000x128xf32>
    tpu.vector_store %arg7[%swap3A, %swap3A_53], %max3A_52 {strides = array<i32>} : memref<1000x128xf32, #tpu.memory_space<vmem>>, vector<1000x128xf32>,
    return
  }
  func.func @transform_0(%arg0: i32) -> (i32, i32, i32) {
    %c0_i32 = arith.constant 0 : i32
    %c0_i32_0 = arith.constant 0 : i32
    %c0_i32_1 = arith.constant 0 : i32
    return %c0_i32, %arg0, %c0_i32_0 : i32, i32, i32
  }
  func.func @transform_1(%arg0: i32) -> (i32, i32, i32) {
    %c0_i32 = arith.constant 0 : i32
    %c0_i32_0 = arith.constant 0 : i32
    %c0_i32_1 = arith.constant 0 : i32
    return %c0_i32, %arg0, %c0_i32_0 : i32, i32, i32
  }
  func.func @transform_2(%arg0: i32) -> (i32, i32) {
    %c0_i32 = arith.constant 0 : i32
    %c0_i32_0 = arith.constant 0 : i32
    return %arg0, %c0_i32 : i32, i32
  }
  func.func @transform_3(%arg0: i32) -> (i32, i32) {
    %c0_i32 = arith.constant 0 : i32
    %c0_i32_0 = arith.constant 0 : i32
    %c0_i32_1 = arith.constant 0 : i32
    return %c0_i32, %c0_i32_0 : i32, i32
  }
  func.func @transform_4(%arg0: i32) -> (i32, i32) {
    %c0_i32 = arith.constant 0 : i32
    %c0_i32_0 = arith.constant 0 : i32
    %c0_i32_1 = arith.constant 0 : i32
    return %c0_i32, %c0_i32_0 : i32, i32
  }
  func.func @transform_5(%arg0: i32) -> (i32, i32) {
    %c0_i32 = arith.constant 0 : i32
    %c0_i32_0 = arith.constant 0 : i32
    %c0_i32_1 = arith.constant 0 : i32
    return %c0_i32, %c0_i32_0 : i32, i32
  }
  func.func @transform_6(%arg0: i32) -> (i32, i32) {
    %c0_i32 = arith.constant 0 : i32
    %c0_i32_0 = arith.constant 0 : i32
    return %arg0, %c0_i32 : i32, i32
  }
}

module attributes {stable_mosaic.version = 14 : i64} {
  func.func @_dense2_body(%arg0: i32, %arg1: memref<2x1000x64xf32, #tpu.memory_space<vmem>>, %arg2: memref<2x1000x16xf32, #tpu.memory_space<vmem>>, %arg3: memref<1000x128xf32, #tpu.memory_space<vmem>>, %arg4: memref<128x128xf32, #tpu.memory_space<vmem>>, %arg5: memref<1x128xf32, #tpu.memory_space<vmem>>, %arg6: memref<128x128xf32, #tpu.memory_space<vmem>>, %arg7: memref<1x1x1000xi32, #tpu.memory_space<vmem>>, %arg8: memref<128x128xf32, #tpu.memory_space<vmem>>, %arg9: memref<1x128xf32, #tpu.memory_space<vmem>>, %arg10: memref<128x128xf32, #tpu.memory_space<vmem>>, %arg11: memref<128x128xf32, #tpu.memory_space<vmem>>, %arg12: memref<128x128xf32, #tpu.memory_space<vmem>>) attributes {dimension_semantics = [#tpu.dimension_semantics<arbitrary>], iteration_bounds = array<i64: 10>, scalar_prefetch = 0 : i64, scratch_operands = 2 : i64, tpu.core_type = #tpu.core_type<tc>, window_params = [{transform_indices = @transform_0, window_bounds = array<i64: 2, 1000, 64>}, {transform_indices = @transform_1, window_bounds = array<i64: 2, 1000, 16>}, {transform_indices = @transform_2, window_bounds = array<i64: 1000, 128>}, {pipeline_mode = #tpu.pipeline_mode<synchronous>, transform_indices = @transform_3, window_bounds = array<i64: 128, 128>}, {pipeline_mode = #tpu.pipeline_mode<synchronous>, transform_indices = @transform_4, window_bounds = array<i64: 1, 128>}, {pipeline_mode = #tpu.pipeline_mode<synchronous>, transform_indices = @transform_5, window_bounds = array<i64: 128, 128>}, {transform_indices = @transform_6, window_bounds = array<i64: 1, 1, 1000>}, {pipeline_mode = #tpu.pipeline_mode<synchronous>, transform_indices = @transform_7, window_bounds = array<i64: 128, 128>}, {pipeline_mode = #tpu.pipeline_mode<synchronous>, transform_indices = @transform_8, window_bounds = array<i64: 1, 128>}, {pipeline_mode = #tpu.pipeline_mode<synchronous>, transform_indices = @transform_9, window_bounds = array<i64: 128, 128>}]} {
    %eq3A = arith.constant 0 : i32
    %eq3A_0 = arith.cmpi eq, %arg0, %eq3A : i32
    %convert_element_type3A = arith.extui %eq3A_0 : i1 to i32
    %cond3A = arith.constant 0 : i32
    %cond3A_1 = arith.cmpi ne, %convert_element_type3A, %cond3A : i32
    scf.if %cond3A_1 {
      %broadcast_in_dim3A_89 = arith.constant 0.000000e+00 : f32
      %broadcast_in_dim3A_90 = vector.broadcast %broadcast_in_dim3A_89 : f32 to vector<128x128xf32>
      %swap3A_91 = arith.constant 0 : index
      %swap3A_92 = arith.constant 0 : index
      %swap3A_93 = vector.load %arg11[%swap3A_91, %swap3A_92] : memref<128x128xf32, #tpu.memory_space<vmem>>, vector<128x128xf32>
      tpu.vector_store %arg11[%swap3A_91, %swap3A_92], %broadcast_in_dim3A_90 {strides = array<i32>} : memref<128x128xf32, #tpu.memory_space<vmem>>, vector<128x128xf32>,
      %broadcast_in_dim3A_94 = arith.constant 0.000000e+00 : f32
      %broadcast_in_dim3A_95 = vector.broadcast %broadcast_in_dim3A_94 : f32 to vector<128x128xf32>
      %swap3A_96 = arith.constant 0 : index
      %swap3A_97 = arith.constant 0 : index
      %swap3A_98 = vector.load %arg12[%swap3A_96, %swap3A_97] : memref<128x128xf32, #tpu.memory_space<vmem>>, vector<128x128xf32>
      tpu.vector_store %arg12[%swap3A_96, %swap3A_97], %broadcast_in_dim3A_95 {strides = array<i32>} : memref<128x128xf32, #tpu.memory_space<vmem>>, vector<128x128xf32>,
    } else {
    }
    %get3A = arith.constant 0 : index
    %get3A_2 = arith.constant 0 : index
    %get3A_3 = arith.constant 0 : index
    %get3A_4 = vector.load %arg2[%get3A, %get3A_2, %get3A_3] : memref<2x1000x16xf32, #tpu.memory_space<vmem>>, vector<1x1000x1xf32>
    %get3A_5 = vector.shape_cast %get3A_4 : vector<1x1000x1xf32> to vector<1000x1xf32>
    %get3A_6 = arith.constant 1 : index
    %get3A_7 = arith.constant 0 : index
    %get3A_8 = arith.constant 0 : index
    %get3A_9 = vector.load %arg2[%get3A_6, %get3A_7, %get3A_8] : memref<2x1000x16xf32, #tpu.memory_space<vmem>>, vector<1x1000x1xf32>
    %get3A_10 = vector.shape_cast %get3A_9 : vector<1x1000x1xf32> to vector<1000x1xf32>
    %add3A = arith.addf %get3A_5, %get3A_10 : vector<1000x1xf32>
    %max3A = arith.constant 1.000000e+00 : f32
    %max3A_11 = vector.broadcast %max3A : f32 to vector<1000x1xf32>
    %max3A_12 = arith.maximumf %add3A, %max3A_11 : vector<1000x1xf32>
    %div3A = arith.constant 1.000000e+00 : f32
    %div3A_13 = vector.broadcast %div3A : f32 to vector<1000x1xf32>
    %div3A_14 = arith.divf %div3A_13, %max3A_12 : vector<1000x1xf32>
    %get3A_15 = arith.constant 0 : index
    %get3A_16 = arith.constant 0 : index
    %get3A_17 = arith.constant 0 : index
    %get3A_18 = vector.load %arg1[%get3A_15, %get3A_16, %get3A_17] : memref<2x1000x64xf32, #tpu.memory_space<vmem>>, vector<1x1000x64xf32>
    %get3A_19 = vector.shape_cast %get3A_18 : vector<1x1000x64xf32> to vector<1000x64xf32>
    %mul3A = vector.broadcast %div3A_14 : vector<1000x1xf32> to vector<1000x64xf32>
    %mul3A_20 = arith.mulf %get3A_19, %mul3A : vector<1000x64xf32>
    %get3A_21 = arith.constant 0 : index
    %get3A_22 = arith.constant 0 : index
    %get3A_23 = vector.load %arg4[%get3A_21, %get3A_22] : memref<128x128xf32, #tpu.memory_space<vmem>>, vector<128x64xf32>
    %dot_general3A = arith.constant dense<0.000000e+00> : vector<1000x128xf32>
    %dot_general3A_24 = tpu.matmul %mul3A_20, %get3A_23, %dot_general3A {dimension_numbers = #tpu.dot_dimension_numbers<[1], [1], [0], [0], [0, 0, 1, 0], [], []>, transpose_lhs_hint = false} : vector<1000x64xf32>, vector<128x64xf32>, vector<1000x128xf32> -> vector<1000x128xf32>
    %get3A_25 = arith.constant 1 : index
    %get3A_26 = arith.constant 0 : index
    %get3A_27 = arith.constant 0 : index
    %get3A_28 = vector.load %arg1[%get3A_25, %get3A_26, %get3A_27] : memref<2x1000x64xf32, #tpu.memory_space<vmem>>, vector<1x1000x64xf32>
    %get3A_29 = vector.shape_cast %get3A_28 : vector<1x1000x64xf32> to vector<1000x64xf32>
    %mul3A_30 = vector.broadcast %div3A_14 : vector<1000x1xf32> to vector<1000x64xf32>
    %mul3A_31 = arith.mulf %get3A_29, %mul3A_30 : vector<1000x64xf32>
    %get3A_32 = arith.constant 0 : index
    %get3A_33 = arith.constant 64 : index
    %get3A_34 = vector.load %arg4[%get3A_32, %get3A_33] : memref<128x128xf32, #tpu.memory_space<vmem>>, vector<128x64xf32>
    %dot_general3A_35 = arith.constant dense<0.000000e+00> : vector<1000x128xf32>
    %dot_general3A_36 = tpu.matmul %mul3A_31, %get3A_34, %dot_general3A_35 {dimension_numbers = #tpu.dot_dimension_numbers<[1], [1], [0], [0], [0, 0, 1, 0], [], []>, transpose_lhs_hint = false} : vector<1000x64xf32>, vector<128x64xf32>, vector<1000x128xf32> -> vector<1000x128xf32>
    %add3A_37 = arith.addf %dot_general3A_24, %dot_general3A_36 : vector<1000x128xf32>
    %get3A_38 = arith.constant 0 : index
    %get3A_39 = arith.constant 0 : index
    %get3A_40 = vector.load %arg5[%get3A_38, %get3A_39] : memref<1x128xf32, #tpu.memory_space<vmem>>, vector<1x128xf32>
    %add3A_41 = vector.broadcast %get3A_40 : vector<1x128xf32> to vector<1000x128xf32>
    %add3A_42 = arith.addf %add3A_37, %add3A_41 : vector<1000x128xf32>
    %get3A_43 = arith.constant 0 : index
    %get3A_44 = arith.constant 0 : index
    %get3A_45 = vector.load %arg3[%get3A_43, %get3A_44] : memref<1000x128xf32, #tpu.memory_space<vmem>>, vector<1000x128xf32>
    %get3A_46 = arith.constant 0 : index
    %get3A_47 = arith.constant 0 : index
    %get3A_48 = vector.load %arg6[%get3A_46, %get3A_47] : memref<128x128xf32, #tpu.memory_space<vmem>>, vector<128x128xf32>
    %dot_general3A_49 = arith.constant dense<0.000000e+00> : vector<1000x128xf32>
    %dot_general3A_50 = tpu.matmul %get3A_45, %get3A_48, %dot_general3A_49 {dimension_numbers = #tpu.dot_dimension_numbers<[1], [1], [0], [0], [0, 0, 1, 0], [], []>, transpose_lhs_hint = false} : vector<1000x128xf32>, vector<128x128xf32>, vector<1000x128xf32> -> vector<1000x128xf32>
    %add3A_51 = arith.addf %add3A_42, %dot_general3A_50 : vector<1000x128xf32>
    %max3A_52 = arith.constant 0.000000e+00 : f32
    %max3A_53 = vector.broadcast %max3A_52 : f32 to vector<1000x128xf32>
    %max3A_54 = arith.maximumf %add3A_51, %max3A_53 : vector<1000x128xf32>
    %get3A_55 = arith.constant 0 : index
    %get3A_56 = arith.constant 0 : index
    %get3A_57 = arith.constant 0 : index
    %get3A_58 = vector.load %arg7[%get3A_55, %get3A_56, %get3A_57] : memref<1x1x1000xi32, #tpu.memory_space<vmem>>, vector<1x1x1000xi32>
    %get3A_59 = vector.shape_cast %get3A_58 : vector<1x1x1000xi32> to vector<1x1000xi32>
    %iota3A = tpu.iota {dimensions = array<i32: 0>} : vector<128x1xi32>
    %eq3A_60 = vector.broadcast %get3A_59 : vector<1x1000xi32> to vector<128x1000xi32>
    %eq3A_61 = vector.broadcast %iota3A : vector<128x1xi32> to vector<128x1000xi32>
    %eq3A_62 = arith.cmpi eq, %eq3A_60, %eq3A_61 : vector<128x1000xi32>
    %jit3A = arith.constant 1.000000e+00 : f32
    %jit3A_63 = arith.constant 0.000000e+00 : f32
    %broadcast_in_dim3A = vector.broadcast %jit3A : f32 to vector<128x1000xf32>
    %broadcast_in_dim3A_64 = vector.broadcast %jit3A_63 : f32 to vector<128x1000xf32>
    %select_n3A = arith.select %eq3A_62, %broadcast_in_dim3A, %broadcast_in_dim3A_64 : vector<128x1000xi1>, vector<128x1000xf32>
    %get3A_65 = arith.constant 0 : index
    %get3A_66 = arith.constant 0 : index
    %get3A_67 = vector.load %arg11[%get3A_65, %get3A_66] : memref<128x128xf32, #tpu.memory_space<vmem>>, vector<128x128xf32>
    %dot_general3A_68 = arith.constant dense<0.000000e+00> : vector<128x128xf32>
    %dot_general3A_69 = tpu.matmul %select_n3A, %max3A_54, %dot_general3A_68 {dimension_numbers = #tpu.dot_dimension_numbers<[1], [0], [0], [1], [0, 0, 1, 1], [], []>, transpose_lhs_hint = false} : vector<128x1000xf32>, vector<1000x128xf32>, vector<128x128xf32> -> vector<128x128xf32>
    %add3A_70 = arith.addf %get3A_67, %dot_general3A_69 : vector<128x128xf32>
    %swap3A = arith.constant 0 : index
    %swap3A_71 = arith.constant 0 : index
    %swap3A_72 = vector.load %arg11[%swap3A, %swap3A_71] : memref<128x128xf32, #tpu.memory_space<vmem>>, vector<128x128xf32>
    tpu.vector_store %arg11[%swap3A, %swap3A_71], %add3A_70 {strides = array<i32>} : memref<128x128xf32, #tpu.memory_space<vmem>>, vector<128x128xf32>,
    %get3A_73 = arith.constant 0 : index
    %get3A_74 = arith.constant 0 : index
    %get3A_75 = vector.load %arg12[%get3A_73, %get3A_74] : memref<128x128xf32, #tpu.memory_space<vmem>>, vector<128x128xf32>
    %reduce_sum3A = arith.constant dense<0.000000e+00> : vector<128xf32>
    %reduce_sum3A_76 = vector.multi_reduction <add>, %select_n3A, %reduce_sum3A [1] : vector<128x1000xf32> to vector<128xf32>
    %broadcast_in_dim3A_77 = vector.shape_cast %reduce_sum3A_76 : vector<128xf32> to vector<128x1xf32>
    %broadcast_in_dim3A_78 = vector.shape_cast %broadcast_in_dim3A_77 : vector<128x1xf32> to vector<128x1xf32>
    %broadcast_in_dim3A_79 = vector.broadcast %broadcast_in_dim3A_78 : vector<128x1xf32> to vector<128x128xf32>
    %add3A_80 = arith.addf %get3A_75, %broadcast_in_dim3A_79 : vector<128x128xf32>
    %swap3A_81 = arith.constant 0 : index
    %swap3A_82 = arith.constant 0 : index
    %swap3A_83 = vector.load %arg12[%swap3A_81, %swap3A_82] : memref<128x128xf32, #tpu.memory_space<vmem>>, vector<128x128xf32>
    tpu.vector_store %arg12[%swap3A_81, %swap3A_82], %add3A_80 {strides = array<i32>} : memref<128x128xf32, #tpu.memory_space<vmem>>, vector<128x128xf32>,
    %eq3A_84 = arith.constant 9 : i32
    %eq3A_85 = arith.cmpi eq, %arg0, %eq3A_84 : i32
    %convert_element_type3A_86 = arith.extui %eq3A_85 : i1 to i32
    %cond3A_87 = arith.constant 0 : i32
    %cond3A_88 = arith.cmpi ne, %convert_element_type3A_86, %cond3A_87 : i32
    scf.if %cond3A_88 {
      %get3A_89 = arith.constant 0 : index
      %get3A_90 = arith.constant 0 : index
      %get3A_91 = vector.load %arg11[%get3A_89, %get3A_90] : memref<128x128xf32, #tpu.memory_space<vmem>>, vector<128x128xf32>
      %get3A_92 = arith.constant 0 : index
      %get3A_93 = arith.constant 0 : index
      %get3A_94 = vector.load %arg12[%get3A_92, %get3A_93] : memref<128x128xf32, #tpu.memory_space<vmem>>, vector<128x1xf32>
      %max3A_95 = arith.constant 1.000000e+00 : f32
      %max3A_96 = vector.broadcast %max3A_95 : f32 to vector<128x1xf32>
      %max3A_97 = arith.maximumf %get3A_94, %max3A_96 : vector<128x1xf32>
      %div3A_98 = vector.broadcast %max3A_97 : vector<128x1xf32> to vector<128x128xf32>
      %div3A_99 = arith.divf %get3A_91, %div3A_98 : vector<128x128xf32>
      %get3A_100 = arith.constant 0 : index
      %get3A_101 = arith.constant 0 : index
      %get3A_102 = vector.load %arg8[%get3A_100, %get3A_101] : memref<128x128xf32, #tpu.memory_space<vmem>>, vector<128x128xf32>
      %dot_general3A_103 = arith.constant dense<0.000000e+00> : vector<128x128xf32>
      %dot_general3A_104 = tpu.matmul %div3A_99, %get3A_102, %dot_general3A_103 {dimension_numbers = #tpu.dot_dimension_numbers<[1], [1], [0], [0], [0, 0, 1, 0], [], []>, transpose_lhs_hint = false} : vector<128x128xf32>, vector<128x128xf32>, vector<128x128xf32> -> vector<128x128xf32>
      %get3A_105 = arith.constant 0 : index
      %get3A_106 = arith.constant 0 : index
      %get3A_107 = vector.load %arg9[%get3A_105, %get3A_106] : memref<1x128xf32, #tpu.memory_space<vmem>>, vector<1x128xf32>
      %add3A_108 = vector.broadcast %get3A_107 : vector<1x128xf32> to vector<128x128xf32>
      %add3A_109 = arith.addf %dot_general3A_104, %add3A_108 : vector<128x128xf32>
      %reduce_max3A = arith.constant dense<0xFF800000> : vector<128xf32>
      %reduce_max3A_110 = vector.multi_reduction <maximumf>, %add3A_109, %reduce_max3A [1] : vector<128x128xf32> to vector<128xf32>
      %broadcast_in_dim3A_111 = vector.shape_cast %reduce_max3A_110 : vector<128xf32> to vector<128x1xf32>
      %sub3A = vector.broadcast %broadcast_in_dim3A_111 : vector<128x1xf32> to vector<128x128xf32>
      %sub3A_112 = arith.subf %add3A_109, %sub3A : vector<128x128xf32>
      %exp3A = math.exp %sub3A_112 : vector<128x128xf32>
      %reduce_sum3A_113 = arith.constant dense<0.000000e+00> : vector<128xf32>
      %reduce_sum3A_114 = vector.multi_reduction <add>, %exp3A, %reduce_sum3A_113 [1] : vector<128x128xf32> to vector<128xf32>
      %broadcast_in_dim3A_115 = vector.shape_cast %reduce_sum3A_114 : vector<128xf32> to vector<128x1xf32>
      %log3A = math.log %broadcast_in_dim3A_115 : vector<128x1xf32>
      %sub3A_116 = vector.broadcast %log3A : vector<128x1xf32> to vector<128x128xf32>
      %sub3A_117 = arith.subf %sub3A_112, %sub3A_116 : vector<128x128xf32>
      %swap3A_118 = arith.constant 0 : index
      %swap3A_119 = arith.constant 0 : index
      %swap3A_120 = vector.load %arg10[%swap3A_118, %swap3A_119] : memref<128x128xf32, #tpu.memory_space<vmem>>, vector<128x128xf32>
      tpu.vector_store %arg10[%swap3A_118, %swap3A_119], %sub3A_117 {strides = array<i32>} : memref<128x128xf32, #tpu.memory_space<vmem>>, vector<128x128xf32>,
    } else {
    }
    return
  }
  func.func @transform_0(%arg0: i32) -> (i32, i32, i32) {
    %c0_i32 = arith.constant 0 : i32
    %c0_i32_0 = arith.constant 0 : i32
    %c0_i32_1 = arith.constant 0 : i32
    return %c0_i32, %arg0, %c0_i32_0 : i32, i32, i32
  }
  func.func @transform_1(%arg0: i32) -> (i32, i32, i32) {
    %c0_i32 = arith.constant 0 : i32
    %c0_i32_0 = arith.constant 0 : i32
    %c0_i32_1 = arith.constant 0 : i32
    return %c0_i32, %arg0, %c0_i32_0 : i32, i32, i32
  }
  func.func @transform_2(%arg0: i32) -> (i32, i32) {
    %c0_i32 = arith.constant 0 : i32
    %c0_i32_0 = arith.constant 0 : i32
    return %arg0, %c0_i32 : i32, i32
  }
  func.func @transform_3(%arg0: i32) -> (i32, i32) {
    %c0_i32 = arith.constant 0 : i32
    %c0_i32_0 = arith.constant 0 : i32
    %c0_i32_1 = arith.constant 0 : i32
    return %c0_i32, %c0_i32_0 : i32, i32
  }
  func.func @transform_4(%arg0: i32) -> (i32, i32) {
    %c0_i32 = arith.constant 0 : i32
    %c0_i32_0 = arith.constant 0 : i32
    %c0_i32_1 = arith.constant 0 : i32
    return %c0_i32, %c0_i32_0 : i32, i32
  }
  func.func @transform_5(%arg0: i32) -> (i32, i32) {
    %c0_i32 = arith.constant 0 : i32
    %c0_i32_0 = arith.constant 0 : i32
    %c0_i32_1 = arith.constant 0 : i32
    return %c0_i32, %c0_i32_0 : i32, i32
  }
  func.func @transform_6(%arg0: i32) -> (i32, i32, i32) {
    %c0_i32 = arith.constant 0 : i32
    %c0_i32_0 = arith.constant 0 : i32
    %c0_i32_1 = arith.constant 0 : i32
    return %arg0, %c0_i32, %c0_i32_0 : i32, i32, i32
  }
  func.func @transform_7(%arg0: i32) -> (i32, i32) {
    %c0_i32 = arith.constant 0 : i32
    %c0_i32_0 = arith.constant 0 : i32
    %c0_i32_1 = arith.constant 0 : i32
    return %c0_i32, %c0_i32_0 : i32, i32
  }
  func.func @transform_8(%arg0: i32) -> (i32, i32) {
    %c0_i32 = arith.constant 0 : i32
    %c0_i32_0 = arith.constant 0 : i32
    %c0_i32_1 = arith.constant 0 : i32
    return %c0_i32, %c0_i32_0 : i32, i32
  }
  func.func @transform_9(%arg0: i32) -> (i32, i32) {
    %c0_i32 = arith.constant 0 : i32
    %c0_i32_0 = arith.constant 0 : i32
    %c0_i32_1 = arith.constant 0 : i32
    return %c0_i32, %c0_i32_0 : i32, i32
  }
}

</mosaic_0001>

<sc_bundles>
// kernel: kernel.6.cloned.1.call-start
scs
__scs_entry_jumppad:
0x0: {  	(pc) =	sbr.rel $0x88, $3  }
0x1: {  	(tag) =	ssettag $0x0;
	lr =	simm.s32 $0x1  }
0x2: {  	[smem:$0x3F96] =	sst lr;
	_ =	strace $0xD0000000  }
0x3: {  	_ = 	snop  }
0x4: {  	_ = 	snop  }
0x5: {  	_ = 	snop  }
0x6: {  	_ = 	snop  }
0x7: {  	_ = 	snop  }
__scs_overlays_trampoline_lowered:
0x8: {  	[smem:$0x3FA5] =	sst s0  }
0x9: {  	[smem:$0x3FA6] =	sst s1  }
0xa: {  	[smem:$0x3FA7] =	sst s2  }
0xb: {  	[smem:$0x3FA8] =	sst s3  }
0xc: {  	[smem:$0x3FA9] =	sst s4  }
0xd: {  	[smem:$0x3FAA] =	sst s5  }
0xe: {  	[smem:$0x3FAB] =	sst s6  }
0xf: {  	[smem:$0x3FAC] =	sst s7  }
0x10: {  	[smem:$0x3FAD] =	sst s8  }
0x11: {  	[smem:$0x3FAE] =	sst s9;
	s0 =	simm.s32 @!p0 $0x0  }
0x12: {  	s1 =	sld [smem:$0x3F94];
	s0 =	simm.s32 @p0 $0x1  }
0x13: {  	[smem:$0x3FAF] =	sst s0;
	s0 =	simm.s32 @!p1 $0x0  }
0x14: {  	s2 =	sld [smem:$0x3F93];
	s0 =	simm.s32 @p1 $0x1  }
0x15: {  	[smem:$0x3FB0] =	sst s0;
	s0 =	simm.s32 @!p2 $0x0  }
0x16: {  	s3 =	sld [smem:$0x3FDB];
	s0 =	simm.s32 @p2 $0x1  }
0x17: {  	s4 =	simm.s32 $0x1BF5;
	[smem:$0x3FB2] =	sst s0  }
0x18: {  	s0 =	sld [smem:$0x3F95];
	_ =	swait.ge [sflag:s4], $0x0  }
0x19: {  	s7 =	sld [smem:$0x3F96]  }
0x1a: {  	s8 =	sadd.s32 $0xFFFFE003, lr  }
0x1b: {  	s9 =	sadd.s32 $0xFFFFFEF7, lr;
	s5 =	simm.s32 $0xFFFFFFFF;
	p2 =	slt.u32 s8, $0xFFFFF086  }
0x1c: {  	p1 =	slt.u32 s9, $0xF7A;
	s5 =	simm.s32 @!p2 $0x0  }
0x1d: {  	s5 =	simm.s32 @p1 $0x1;
	p0 =	seq.s32 s7, s2  }
0x1e: {  	s7 =	smul.u32 @!p0 $0xF7A, s2;
	p2 =	seq.s32 @!p0 s5, $0x0  }
0x1f: {  	s9 =	smul.u32 $0xF7A, s1;
	s8 =	simm.s32 @!p0 $0x1BF5;
	p2 =	por !p2, p0  }
0x20: {  	[sflag:s8] =	ssyncset.s32 @!p0 $0xFFFFF086;
	s6 =	sadd.s32 @!p0 s3, s7;
	s7 =	simm.s32 @!p0 $0x108  }
0x21: {  	s3 =	sadd.s32 s3, s9;
	s6 =	sadd.s32 @!p0 $0x88, s6;
	s7 =	simm.s32 @p2 $0x1082  }
0x22: {  	[simem:s7], [sflag:s8] =	dma.local @!p0 [hbm:s6], $0xF7A  }
0x23: {  	s9 =	sor.u32 $0xD0000000, s2;
	s6 =	simm.s32 $0x108;
	_ =	swait.ge @!p0 [sflag:s8], $0x0  }
0x24: {  	s3 =	sadd.s32 $0x88, s3;
	s6 =	simm.s32 @!p1 $0x1082;
	[sflag:s4] =	ssyncset.s32 $0xFFFFF086  }
0x25: {  	[simem:s6], [sflag:s4] =	dma.local [hbm:s3], $0xF7A  }
0x26: {  	[smem:$0x3F96] =	sst s1;
	(tag) =	ssettag s2;
	_ =	strace s9  }
0x27: {  	s1 =	sld [smem:$0x3FA6]  }
0x28: {  	s2 =	sld [smem:$0x3FA7]  }
0x29: {  	s4 =	sld [smem:$0x3FA9]  }
0x2a: {  	p0 =	seq.s32 s5, $0x0;
	s5 =	sld [smem:$0x3FAA]  }
0x2b: {  	s6 =	sld [smem:$0x3FAB]  }
0x2c: {  	s7 =	sld [smem:$0x3FAC]  }
0x2d: {  	s3 =	simm.s32 $0x108;
	s8 =	sld [smem:$0x3FAD]  }
0x2e: {  	s3 =	simm.s32 @!p0 $0x1082;
	s9 =	sld [smem:$0x3FAE]  }
0x2f: {  	lr =	sadd.s32 s0, s3;
	s0 =	sld [smem:$0x3FA5]  }
0x30: {  	s3 =	sld [smem:$0x3FA8]  }
0x31: {  	[smem:$0x3FB1] =	sst s10  }
0x32: {  	s10 =	sld [smem:$0x3FAF];
	_ =	sdelay $0x3  }
0x33: {  	p0 =	seq.s32 s10, $0x1;
	s10 =	sld [smem:$0x3FB1];
	_ =	sdelay $0x3  }
0x34: {  	[smem:$0x3FB1] =	sst s10  }
0x35: {  	s10 =	sld [smem:$0x3FB0];
	_ =	sdelay $0x3  }
0x36: {  	p1 =	seq.s32 s10, $0x1;
	s10 =	sld [smem:$0x3FB1];
	_ =	sdelay $0x3  }
0x37: {  	[smem:$0x3FB1] =	sst s10  }
0x38: {  	s10 =	sld [smem:$0x3FB2]  }
0x39: {  	_ = 	snop;
	(pc) =	sbr.ind lr, $3  }
0x3a: {  	_ = 	snop  }
0x3b: {  	_ = 	snop  }
0x3c: {  	p2 =	seq.s32 s10, $0x1;
	s10 =	sld [smem:$0x3FB1]  }
0x3d: {  	_ =	shalt  }
0x3e: {  	_ =	shalt  }
0x3f: {  	_ =	shalt  }
0x40: {  	_ =	shalt  }
0x41: {  	_ =	shalt  }
0x42: {  	_ =	shalt  }
0x43: {  	_ =	shalt  }
0x44: {  	_ =	shalt  }
0x45: {  	_ =	shalt  }
0x46: {  	_ =	shalt  }
0x47: {  	_ =	shalt  }
0x48: {  	_ =	shalt  }
0x49: {  	_ =	shalt  }
0x4a: {  	_ =	shalt  }
0x4b: {  	_ =	shalt  }
0x4c: {  	_ =	shalt  }
0x4d: {  	_ =	shalt  }
0x4e: {  	_ =	shalt  }
0x4f: {  	_ =	shalt  }
0x50: {  	_ =	shalt  }
0x51: {  	_ =	shalt  }
0x52: {  	_ =	shalt  }
0x53: {  	_ =	shalt  }
0x54: {  	_ =	shalt  }
0x55: {  	_ =	shalt  }
0x56: {  	_ =	shalt  }
0x57: {  	_ =	shalt  }
0x58: {  	_ =	shalt  }
0x59: {  	_ =	shalt  }
0x5a: {  	_ =	shalt  }
0x5b: {  	_ =	shalt  }
0x5c: {  	_ =	shalt  }
0x5d: {  	_ =	shalt  }
0x5e: {  	_ =	shalt  }
0x5f: {  	_ =	shalt  }
0x60: {  	_ =	shalt  }
0x61: {  	_ =	shalt  }
0x62: {  	_ =	shalt  }
0x63: {  	_ =	shalt  }
0x64: {  	_ =	shalt  }
0x65: {  	_ =	shalt  }
0x66: {  	_ =	shalt  }
0x67: {  	_ =	shalt  }
0x68: {  	_ =	shalt  }
0x69: {  	_ =	shalt  }
0x6a: {  	_ =	shalt  }
0x6b: {  	_ =	shalt  }
0x6c: {  	_ =	shalt  }
0x6d: {  	_ =	shalt  }
0x6e: {  	_ =	shalt  }
0x6f: {  	_ =	shalt  }
0x70: {  	_ =	shalt  }
0x71: {  	_ =	shalt  }
0x72: {  	_ =	shalt  }
0x73: {  	_ =	shalt  }
0x74: {  	_ =	shalt  }
0x75: {  	_ =	shalt  }
0x76: {  	_ =	shalt  }
0x77: {  	_ =	shalt  }
0x78: {  	_ =	shalt  }
0x79: {  	_ =	shalt  }
0x7a: {  	_ =	shalt  }
0x7b: {  	_ =	shalt  }
0x7c: {  	_ =	shalt  }
0x7d: {  	_ =	shalt  }
0x7e: {  	_ =	shalt  }
0x7f: {  	_ =	shalt  }
0x80: {  	_ =	shalt  }
0x81: {  	_ =	shalt  }
0x82: {  	_ =	shalt  }
0x83: {  	_ =	shalt  }
0x84: {  	_ =	shalt  }
0x85: {  	_ =	shalt  }
0x86: {  	_ =	shalt  }
0x87: {  	_ =	shalt  }
.Lfunc_end0:
.L_simem_size_0:
called_computation_lowered:
.L_overlay_start_0:
0x88: {  	s2 =	sld [smem:$0x3FD9]  }
0x89: {  	s3 =	sld [smem:$0x3FFE];
	_ =	sdelay $0x1  }
0x8a: {  	s1 =	srdreg.scid  }
0x8b: {  	s0 =	sand.u32 $0x1, s1  }
0x8c: {  	s17 =	sshll.u32 s0, $0xA;
	s2 =	sadd.s32 s3, s2  }
0x8d: {  	s2 =	sadd.s32 s2, s17  }
0x8e: {  	[smem:$0x3FBD] =	sst s2  }
0x8f: {  	_ = 	snop  }
0x90: {  	s2 =	sld [smem:$0x3FC9];
	(tm) =	ssettm $0x1  }
0x91: {  	s18 =	sld [smem:$0x3FFB];
	_ =	sdelay $0x3  }
0x92: {  	_ =	strace s18  }
0x93: {  	s3 =	sld [smem:$0x3FFC];
	_ =	sdelay $0x3  }
0x94: {  	_ =	strace s3  }
0x95: {  	s3 =	sld [smem:$0x3FFD];
	_ =	sdelay $0x3  }
0x96: {  	_ =	strace s3  }
0x97: {  	_ =	strace $0x8FFFFFFF  }
0x98: {  	s19 =	sld [smem:$0x3FDB];
	_ =	sdelay $0x1  }
0x99: {  	s4 =	simm.s32 $_scs_section_size  }
0x9a: {  	s5 =	simm.s32 $_size__tile_overlayer_lowered;
	s6 =	simm.s32 $_tile_overlayer_lowered  }
0x9b: {  	s22 =	simm.s32 $0x1BFF;
	s21 =	sshll.u32 s6, $0x1;
	s3 =	sadd.s32 s4, s19  }
0x9c: {  	s7 =	simm.s32 $0x0;
	s20 =	sshll.u32 s5, $0x1;
	s5 =	sadd.s32 s21, s3  }
0x9d: {  	[timem:s7], [sflag:s22] =	dma.local [hbm:s5], s20  }
0x9e: {  	_ =	swait.ge [sflag:s22], s20  }
0x9f: {  	s4 =	ssub.s32 $0x0, s20;
	[sflag:s22] =	ssyncset.done $0x0  }
0xa0: {  	[sflag:s22] =	ssyncadd.s32 s4;
	_ =	sdelay $0x1  }
0xa1: {  	s23 =	simm.s32 $0x1B8B  }
0xa2: {  	_ =	swait.ge [sflag:s23], $0x1  }
0xa3: {  	[sflag:s23] =	ssyncset.done $0x0  }
0xa4: {  	s25 =	simm.s32 $0x1B8E;
	s24 =	sld [smem:$0x3FFE];
	[sflag:s23] =	ssyncadd.s32 $0xFFFFFFFF  }
0xa5: {  	s26 =	simm.s32 $execute0_lowered;
	[smem:$0x3FD2] =	sst s25  }
0xa6: {  	s5 =	sshll.u32 s26, $0x1;
	_ =	strace $0x80000046;
	[dreg:$0x1] =	wrdreg $0xFFFFFFFF  }
0xa7: {  	s28 =	simm.s32 $_size_execute0_lowered;
	s3 =	sadd.s32 s3, s5;
	[dreg:$0x0] =	wrdreg $0x0  }
0xa8: {  	s5 =	sshll.u32 s28, $0x1;
	[dreg:$0x2] =	wrdreg s3  }
0xa9: {  	[dreg:$0x3] =	wrdreg s5  }
0xaa: {  	[dreg:$0x4] =	wrdreg $0xC0  }
0xab: {  	_ =	task [dreg:s7], $0x5FFFF  }
0xac: {  	[dreg:$0x1] =	wrdreg $0xFFFFFFFF  }
0xad: {  	[dreg:$0x0] =	wrdreg $0x60  }
0xae: {  	[dreg:$0x2] =	wrdreg s24  }
0xaf: {  	[dreg:$0x3] =	wrdreg s2  }
0xb0: {  	[dreg:$0x4] =	wrdreg $0xFC000  }
0xb1: {  	[dreg:$0x5] =	wrdreg $0x19C000  }
0xb2: {  	[dreg:$0x6] =	wrdreg $0x9  }
0xb3: {  	_ =	task.clear_ibuf [dreg:s7], $0x7FFFF;
	_ =	strace $0x90000046  }
0xb4: {  	s29 =	simm.s32 $0x9;
	_ =	strace $0x80000048  }
0xb5: {  	_ =	swait.ge [sflag:s29], $0x1  }
0xb6: {  	[sflag:s29] =	ssyncadd.s32 $0xFFFFFFFF  }
0xb7: {  	_ =	strace $0x90000048  }
0xb8: {  	_ =	sfence  }
0xb9: {  	s30 =	sld [smem:$0x0];
	_ =	sdelay $0x2  }
0xba: {  	s31 =	sshll.u32 s1, $0xD;
	s1 =	sshrl.u32 s1, $0x2  }
0xbb: {  	s3 =	sand.u32 $0x4000, s31;
	s1 =	sadd.s32 s1, s30  }
0xbc: {  	s0 =	sor.u32 s3, s0;
	s1 =	sshll.u32 s1, $0x11  }
0xbd: {  	s0 =	sor.u32 s1, s0  }
0xbe: {  	s0 =	sadd.s32 $0x8F2B, s0  }
0xbf: {  	[sflag:s0] =	ssyncadd.remote.s32 $0x1  }
0xc0: {  	_ =	sfence.sel $0xFFFF  }
0xc1: {  	[dreg:$0x0] =	wrdreg $0xFFFFFFFF;
	(pc) =	sbr.abs _section_cstart, $3  }
0xc2: {  	[dreg:$0x1] =	wrdreg $0xFFFFFFFF  }
0xc3: {  	_ =	task.clear_ibuf [dreg:s7], $0x2FFFF;
	_ =	strace $0x9FFFFFFF  }
0xc4: {  	(tm) =	ssettm $0x7FFFFFFF  }
0xc5: {  	_ =	shalt  }
tec
execute0_lowered:
.L_overlay_start_1:
0x0: {  	(tag) =	ssettag $0x1  }
0x1: {  	s0 =	rddreg [dreg:$0x0]  }
0x2: {  	s1 =	rddreg [dreg:$0x1]  }
0x3: {  	s3 =	rddreg [dreg:$0x2]  }
0x4: {  	s4 =	rddreg [dreg:$0x3];
	s2 =	srdreg.scid  }
0x5: {  	s18 =	stileid.u32;
	s5 =	simm.s32 $0x0;
	s29 =	simm.s32 $0x80  }
0x6: {  	s30 =	simm.s32 $0x2C00;
	s2 =	sand.u32 $0x1, s2;
	s6 =	smul.u32 $0x2800, s18  }
0x7: {  	[smem:$0x7FF] =	sst s5;
	s8 =	sadd.s32 $0xBC00, s0;
	s12 =	smul.u32 $0xA000, s18  }
0x8: {  	s9 =	sadd.s32 $0x1E00, s0;
	s13 =	sadd.s32 $0x29600, s0;
	s7 =	smul.u32 $0x28000, s2  }
0x9: {  	s17 =	sor.u32 $0x9C0, s18;
	p1 =	sgt.u32 s18, $0x3;
	s14 =	smul.u32 $0x9C4, s2  }
0xa: {  	_ =	strace $0x80000047;
	s10 =	ssub.s32 $0x2, s2;
	s20 =	smul.u32 $0xA0000, s2  }
0xb: {  	p0 =	seq.s32 s2, $0x1;
	s23 =	sshll.u32 s17, $0x4;
	p2 =	seq.s32 s2, $0x0  }
0xc: {  	s11 =	sshrl.u32 s10, $0x1;
	s21 =	sadd.s32 s12, s3;
	s15 =	sadd.s32 $0x6000, s12  }
0xd: {  	s16 =	sadd.s32 $0x8000, s12;
	s31 =	sadd.s32 s6, s4;
	s7 =	sadd.s32 s6, s7  }
0xe: {  	s25 =	sadd.s32 s15, s3;
	s28 =	sadd.s32 s16, s3;
	[dreg:$0x5] =	wrdreg s21  }
0xf: {  	s14 =	sadd.s32 s17, s14;
	s26 =	sadd.s32 s12, s20;
	[dreg:$0xa] =	wrdreg s31  }
0x10: {  	s7 =	sshrl.u32 s7, $0x3;
	s19 =	sshll.u32 s14, $0x4;
	[dreg:$0x8] =	wrdreg s25  }
0x11: {  	s14 =	simm.s32 $0xC;
	[dreg:$0x9] =	wrdreg s28;
	s0 =	sadd.s32 s7, s0  }
0x12: {  	s7 =	ssub.s32 s10, s11;
	s10 =	sadd.s32 $0x2000, s12;
	s11 =	sadd.s32 $0x4000, s12  }
0x13: {  	s12 =	sadd.s32 s20, s15;
	s15 =	sadd.s32 s20, s16;
	s16 =	smul.u32 $0x9C40, s2  }
0x14: {  	s6 =	sadd.s32 s8, s19;
	s19 =	smul.u32 $0x9C0, s18;
	s22 =	sadd.s32 s10, s3  }
0x15: {  	s24 =	sadd.s32 s11, s3;
	[dreg:$0xb] =	wrdreg s6;
	s6 =	sadd.s32 s9, s23  }
0x16: {  	s10 =	sadd.s32 s20, s10;
	s11 =	sadd.s32 s20, s11;
	s0 =	sadd.s32 $0x1F600, s0  }
0x17: {  	s20 =	smax.u32 s7, $0x1;
	s7 =	simm.s32 $0xA;
	[dreg:$0xc] =	wrdreg s6  }
0x18: {  	s6 =	sshrl.u32 s26, $0x3;
	s10 =	sshrl.u32 s10, $0x3;
	[dreg:$0x12] =	wrdreg s0  }
0x19: {  	s11 =	sshrl.u32 s11, $0x3;
	s8 =	sadd.s32 s16, s8;
	[dreg:$0x13] =	wrdreg s20  }
0x1a: {  	s23 =	sadd.s32 s19, s9;
	s16 =	simm.s32 $0x1;
	[dreg:$0x6] =	wrdreg s22  }
0x1b: {  	s20 =	simm.s32 $0x2;
	[dreg:$0x7] =	wrdreg s24;
	s6 =	sadd.s32 s13, s6  }
0x1c: {  	s10 =	sadd.s32 s13, s10;
	[dreg:$0x14] =	wrdreg s23;
	s26 =	sadd.s32 s19, s8  }
0x1d: {  	s23 =	simm.s32 $0xC00;
	s19 =	simm.s32 $0x7;
	[dreg:$0xd] =	wrdreg s6  }
0x1e: {  	s8 =	simm.s32 $0x8;
	[dreg:$0xe] =	wrdreg s10;
	s6 =	sadd.s32 s13, s11  }
0x1f: {  	s10 =	sshrl.u32 s15, $0x3;
	[dreg:$0x15] =	wrdreg s26;
	s26 =	simm.s32 $0xE  }
0x20: {  	s15 =	simm.s32 $0xAC00;
	[dreg:$0xf] =	wrdreg s6;
	s6 =	sshrl.u32 s12, $0x3  }
.Ltmp0:
0x21: {  	s17 =	sadd.s32 s13, s10;
	s10 =	sand.u32 $0x1, s18;
	(pc) =	sbr.rel .LBB2_1-.Ltmp0, $4  }
0x22: {  	s18 =	simm.s32 $0x900;
	s12 =	simm.s32 $0x5;
	s6 =	sadd.s32 s13, s6  }
0x23: {  	[dreg:$0x11] =	wrdreg s17;
	p3 =	sne.s32 @!p1 s10, s2;
	s2 =	simm.s32 $0x6C00  }
0x24: {  	s13 =	simm.s32 $0x8C00;
	s17 =	simm.s32 $0x600;
	s10 =	simm.s32 $0x3  }
0x25: {  	v0 =	vimm.f32 $0.0e+00;
	v1 =	vimm.f32 $1.000000000e+00;
	[dreg:$0x10] =	wrdreg s6;
	p3 =	por p3, p1;
	s6 =	simm.s32 $0x0  }
.LBB2_12:
0x26: {  	_ =	swait.ge [sflag:s20], $0x2000  }
0x27: {  	[sflag:s20] =	ssyncset.done $0x0  }
0x28: {  	s0 =	simm.s32 $0x980;
	[sflag:s20] =	ssyncadd.s32 $0xFFFFE000  }
0x29: {  	[spmem:s3] =	stream.indirect.scatter.add.f32 [tilespmem:s30], [sflag:$0x8], $0x40, s0, s29, $0xb8;
	[tilespmem:$0x1C400] =	vst v63  }
0x2a: {  	s0 =	simm.s32 @p2 $0x3  }
0x2b: {  	_ =	swait.ge @p2 [sflag:s0], $0x2000  }
0x2c: {  	s6 =	simm.s32 @p2 $0xA00;
	[sflag:s0] =	ssyncset.done @p2 $0x0  }
0x2d: {  	s9 =	simm.s32 @p2 $0x4C00;
	[sflag:s0] =	ssyncadd.s32 @p2 $0xFFFFE000;
	s0 =	simm.s32 @p2 $0x80  }
0x2e: {  	[spmem:s3] =	stream.indirect.scatter.add.f32 @p2 [tilespmem:s9], [sflag:$0x9], $0x40, s6, s0, $0xb8;
	[tilespmem:$0x1C400] =	vst v63  }
0x2f: {  	s11 =	simm.s32 @!p2 $0xCC00;
	s6 =	simm.s32 @!p2 $0x80;
	s9 =	simm.s32 @!p2 $0x980  }
0x30: {  	[spmem:s4] =	stream.indirect.scatter.add.f32 @!p2 [tilespmem:s11], [sflag:$0xD], $0x10, s9, s6, $0xb8;
	[tilespmem:$0x1C400] =	vst v63  }
0x31: {  	s9 =	simm.s32 @!p2 $0xD  }
0x32: {  	_ =	swait.ge @!p2 [sflag:s9], $0x800  }
0x33: {  	[sflag:s9] =	ssyncset.done @!p2 $0x0  }
0x34: {  	s21 =	simm.s32 @!p2 $0x3;
	[sflag:s9] =	ssyncadd.s32 @!p2 $0xFFFFF800  }
0x35: {  	_ =	swait.ge @!p2 [sflag:s21], $0x2000  }
0x36: {  	[sflag:s21] =	ssyncset.done @!p2 $0x0  }
0x37: {  	s22 =	simm.s32 @!p2 $0x4C00;
	[sflag:s21] =	ssyncadd.s32 @!p2 $0xFFFFE000;
	s21 =	simm.s32 @!p2 $0xA00  }
0x38: {  	[spmem:s3] =	stream.indirect.scatter.add.f32 @!p2 [tilespmem:s22], [sflag:$0x9], $0x40, s21, s6, $0xb8;
	[tilespmem:$0x1C400] =	vst v63  }
0x39: {  	_ = 	snop  }
0x3a: {  	[spmem:s4] =	stream.indirect.scatter.add.f32 @!p2 [tilespmem:s11], [sflag:$0xD], $0x10, s21, s6, $0xb8;
	[tilespmem:$0x1C400] =	vst v63  }
0x3b: {  	_ =	swait.ge @!p2 [sflag:s9], $0x800  }
0x3c: {  	[sflag:s9] =	ssyncset.done @!p2 $0x0  }
0x3d: {  	s24 =	simm.s32 $0x4;
	[sflag:s9] =	ssyncadd.s32 @!p2 $0xFFFFF800  }
0x3e: {  	_ =	swait.ge [sflag:s24], $0x2000  }
0x3f: {  	[sflag:s24] =	ssyncset.done $0x0  }
0x40: {  	s25 =	simm.s32 $0xA80;
	s21 =	simm.s32 @p2 $0x5;
	[sflag:s24] =	ssyncadd.s32 $0xFFFFE000  }
0x41: {  	[spmem:s3] =	stream.indirect.scatter.add.f32 [tilespmem:s2], [sflag:$0xA], $0x40, s25, s29, $0xb8;
	[tilespmem:$0x1C400] =	vst v63  }
0x42: {  	_ =	swait.ge @p2 [sflag:s21], $0x2000  }
0x43: {  	[sflag:s21] =	ssyncset.done @p2 $0x0  }
0x44: {  	s22 =	simm.s32 @p2 $0x8C00;
	[sflag:s21] =	ssyncadd.s32 @p2 $0xFFFFE000;
	s21 =	simm.s32 @p2 $0xB00  }
0x45: {  	[spmem:s3] =	stream.indirect.scatter.add.f32 @p2 [tilespmem:s22], [sflag:$0xB], $0x40, s21, s0, $0xb8;
	[tilespmem:$0x1C400] =	vst v63  }
0x46: {  	s0 =	simm.s32 @!p2 $0xA80  }
0x47: {  	[spmem:s4] =	stream.indirect.scatter.add.f32 @!p2 [tilespmem:s11], [sflag:$0xD], $0x10, s0, s6, $0xb8;
	[tilespmem:$0x1C400] =	vst v63  }
0x48: {  	_ =	swait.ge @!p2 [sflag:s9], $0x800  }
0x49: {  	[sflag:s9] =	ssyncset.done @!p2 $0x0  }
0x4a: {  	s0 =	simm.s32 @!p2 $0x5;
	[sflag:s9] =	ssyncadd.s32 @!p2 $0xFFFFF800  }
0x4b: {  	_ =	swait.ge @!p2 [sflag:s0], $0x2000  }
0x4c: {  	[sflag:s0] =	ssyncset.done @!p2 $0x0  }
0x4d: {  	s21 =	simm.s32 @!p2 $0x8C00;
	[sflag:s0] =	ssyncadd.s32 @!p2 $0xFFFFE000;
	s0 =	simm.s32 @!p2 $0xB00  }
0x4e: {  	[spmem:s3] =	stream.indirect.scatter.add.f32 @!p2 [tilespmem:s21], [sflag:$0xB], $0x40, s0, s6, $0xb8;
	[tilespmem:$0x1C400] =	vst v63  }
0x4f: {  	_ = 	snop  }
0x50: {  	[spmem:s4] =	stream.indirect.scatter.add.f32 @!p2 [tilespmem:s11], [sflag:$0xD], $0x10, s0, s6, $0xb8;
	[tilespmem:$0x1C400] =	vst v63  }
0x51: {  	_ =	swait.ge @!p2 [sflag:s9], $0x800  }
0x52: {  	[sflag:s9] =	ssyncset.done @!p2 $0x0  }
0x53: {  	s22 =	simm.s32 $0x6;
	[sflag:s9] =	ssyncadd.s32 @!p2 $0xFFFFF800  }
0x54: {  	_ =	swait.ge [sflag:s22], $0x2000  }
0x55: {  	[sflag:s22] =	ssyncset.done $0x0  }
0x56: {  	s24 =	simm.s32 $0xB80;
	[sflag:s22] =	ssyncadd.s32 $0xFFFFE000  }
0x57: {  	[spmem:s3] =	stream.indirect.scatter.add.f32 [tilespmem:s15], [sflag:$0xC], $0x40, s24, s29, $0xb8;
	[tilespmem:$0x1C400] =	vst v63  }
0x58: {  	s0 =	simm.s32 @!p2 $0xB80  }
0x59: {  	[spmem:s4] =	stream.indirect.scatter.add.f32 @!p2 [tilespmem:s11], [sflag:$0xD], $0x10, s0, s6, $0xb8;
	[tilespmem:$0x1C400] =	vst v63  }
0x5a: {  	_ =	swait.ge @!p2 [sflag:s9], $0x800  }
0x5b: {  	[sflag:s9] =	ssyncset.done @!p2 $0x0  }
0x5c: {  	[sflag:s9] =	ssyncadd.s32 @!p2 $0xFFFFF800  }
0x5d: {  	_ =	swait.ge [sflag:s19], $0x2000  }
0x5e: {  	[sflag:s19] =	ssyncset.done $0x0  }
0x5f: {  	[sflag:s19] =	ssyncadd.s32 $0xFFFFE000  }
0x60: {  	_ =	swait.ge [sflag:s8], $0x2000  }
0x61: {  	[sflag:s8] =	ssyncset.done $0x0  }
0x62: {  	s25 =	simm.s32 $0x9;
	[sflag:s8] =	ssyncadd.s32 $0xFFFFE000  }
0x63: {  	_ =	swait.ge [sflag:s25], $0x2000  }
0x64: {  	[sflag:s25] =	ssyncset.done $0x0  }
0x65: {  	[sflag:s25] =	ssyncadd.s32 $0xFFFFE000  }
0x66: {  	_ =	swait.ge [sflag:s7], $0x2000  }
0x67: {  	[sflag:s7] =	ssyncset.done $0x0  }
0x68: {  	s6 =	simm.s32 $0xB;
	[sflag:s7] =	ssyncadd.s32 $0xFFFFE000  }
0x69: {  	_ =	swait.ge [sflag:s6], $0x2000  }
0x6a: {  	[sflag:s6] =	ssyncset.done $0x0  }
0x6b: {  	[sflag:s6] =	ssyncadd.s32 $0xFFFFE000  }
0x6c: {  	_ =	swait.ge [sflag:s14], $0x2000  }
0x6d: {  	[sflag:s14] =	ssyncset.done $0x0  }
0x6e: {  	s0 =	simm.s32 @!p1 $0x0;
	s6 =	rddreg [dreg:$0xb];
	[sflag:s14] =	ssyncadd.s32 $0xFFFFE000  }
0x6f: {  	[tilespmem:s0], [sflag:$0xD] =	stream.linear.gather @!p1 [hbm4b:s6+s0], $0x80, $0x38;
	[tilespmem:$0x1C400] =	vst v63  }
0x70: {  	s6 =	simm.s32 @!p1 $0xD  }
0x71: {  	_ =	swait.ge @!p1 [sflag:s6], $0x80  }
0x72: {  	[sflag:s6] =	ssyncset.done @!p1 $0x0  }
0x73: {  	s9 =	simm.s32 @!p1 $0x300;
	s11 =	rddreg [dreg:$0xc];
	[sflag:s6] =	ssyncadd.s32 @!p1 $0xFFFFFF80  }
0x74: {  	[tilespmem:s9], [sflag:$0xD] =	stream.linear.gather @!p1 [hbm4b:s11+s0], $0x80, $0x38;
	[tilespmem:$0x1C400] =	vst v63  }
0x75: {  	_ =	swait.ge @!p1 [sflag:s6], $0x80  }
0x76: {  	[sflag:s6] =	ssyncset.done @!p1 $0x0  }
0x77: {  	s11 =	simm.s32 @!p1 $0xC00;
	[sflag:s6] =	ssyncadd.s32 @!p1 $0xFFFFFF80;
	s6 =	simm.s32 @!p1 $0x80  }
0x78: {  	[tilespmem:s11], [sflag:$0x1] =	stream.indirect.gather @!p1 [hbm4b:s1+s6], $0x40, s0, s6, $0xb8;
	[tilespmem:$0x1C400] =	vst v63  }
0x79: {  	s0 =	simm.s32 @!p1 $0x1  }
0x7a: {  	_ =	swait.ge @!p1 [sflag:s0], $0x2000  }
0x7b: {  	[sflag:s0] =	ssyncset.done @!p1 $0x0  }
0x7c: {  	[sflag:s0] =	ssyncadd.s32 @!p1 $0xFFFFE000;
	s0 =	simm.s32 @!p1 $0x7  }
0x7d: {  	[spmem:s3] =	stream.indirect.scatter.add.f32 @!p1 [tilespmem:s11], [sflag:$0x7], $0x40, s9, s6, $0xb8;
	[tilespmem:$0x1C400] =	vst v63  }
0x7e: {  	_ =	swait.ge @!p1 [sflag:s0], $0x2000  }
0x7f: {  	s6 =	simm.s32 @!p3 $0x300;
	[sflag:s0] =	ssyncset.done @!p1 $0x0  }
0x80: {  	s9 =	simm.s32 @!p3 $0xCC00;
	[sflag:s0] =	ssyncadd.s32 @!p1 $0xFFFFE000;
	s0 =	simm.s32 @!p3 $0x80  }
0x81: {  	[spmem:s4] =	stream.indirect.scatter.add.f32 @!p3 [tilespmem:s9], [sflag:$0xD], $0x10, s6, s0, $0xb8;
	[tilespmem:$0x1C400] =	vst v63  }
0x82: {  	s0 =	simm.s32 @!p3 $0xD  }
0x83: {  	_ =	swait.ge @!p3 [sflag:s0], $0x800  }
0x84: {  	[sflag:s0] =	ssyncset.done @!p3 $0x0  }
0x85: {  	[sflag:s0] =	ssyncadd.s32 @!p3 $0xFFFFF800  }
0x86: {  	s9 =	stileid.u32;
	[bflag:$0x0] =	sbarrier.arrive $0xFFFF  }
0x87: {  	s0 =	sshll.u32 s9, $0x6;
	s21 =	rddreg [dreg:$0x5]  }
0x88: {  	s0 =	sor.u32 $0x1C0D, s0;
	s22 =	rddreg [dreg:$0xd];
	s11 =	sshrl.u32 s21, $0x3  }
0x89: {  	[hbm:s22], [sflag:s0] =	dma.local [spmem:s11], $0x400  }
0x8a: {  	s11 =	simm.s32 $0xD  }
0x8b: {  	_ =	swait.ge [sflag:s11], $0x400  }
0x8c: {  	[sflag:s11] =	ssyncset.done $0x0;
	s22 =	rddreg [dreg:$0x6]  }
0x8d: {  	s25 =	rddreg [dreg:$0xe];
	[sflag:s11] =	ssyncadd.s32 $0xFFFFFC00;
	s24 =	sshrl.u32 s22, $0x3  }
0x8e: {  	[hbm:s25], [sflag:s0] =	dma.local [spmem:s24], $0x400  }
0x8f: {  	_ =	swait.ge [sflag:s11], $0x400  }
0x90: {  	[sflag:s11] =	ssyncset.done $0x0;
	s24 =	rddreg [dreg:$0x7]  }
0x91: {  	s25 =	rddreg [dreg:$0xf];
	[sflag:s11] =	ssyncadd.s32 $0xFFFFFC00;
	s9 =	sshrl.u32 s24, $0x3  }
0x92: {  	[hbm:s25], [sflag:s0] =	dma.local [spmem:s9], $0x400  }
0x93: {  	_ =	swait.ge [sflag:s11], $0x400  }
0x94: {  	[sflag:s11] =	ssyncset.done $0x0;
	s25 =	rddreg [dreg:$0x8]  }
0x95: {  	s9 =	rddreg [dreg:$0x10];
	[sflag:s11] =	ssyncadd.s32 $0xFFFFFC00;
	s6 =	sshrl.u32 s25, $0x3  }
0x96: {  	[hbm:s9], [sflag:s0] =	dma.local [spmem:s6], $0x400  }
0x97: {  	_ =	swait.ge [sflag:s11], $0x400  }
0x98: {  	[sflag:s11] =	ssyncset.done $0x0;
	s28 =	rddreg [dreg:$0x9]  }
0x99: {  	s9 =	rddreg [dreg:$0x11];
	[sflag:s11] =	ssyncadd.s32 $0xFFFFFC00;
	s6 =	sshrl.u32 s28, $0x3  }
0x9a: {  	[hbm:s9], [sflag:s0] =	dma.local [spmem:s6], $0x400  }
0x9b: {  	_ =	swait.ge [sflag:s11], $0x400  }
0x9c: {  	[sflag:s11] =	ssyncset.done $0x0;
	s31 =	rddreg [dreg:$0xa]  }
0x9d: {  	s9 =	rddreg [dreg:$0x12];
	[sflag:s11] =	ssyncadd.s32 $0xFFFFFC00;
	s6 =	sshrl.u32 s31, $0x3  }
0x9e: {  	[hbm:s9], [sflag:s0] =	dma.local [spmem:s6], $0x500  }
0x9f: {  	_ =	swait.ge [sflag:s11], $0x500  }
0xa0: {  	s0 =	rddreg [dreg:$0x16]  }
0xa1: {  	s9 =	rddreg [dreg:$0x13];
	s6 =	sadd.s32 $0x1, s0  }
0xa2: {  	p4 =	sne.s32 s6, s9  }
.Ltmp1:
0xa3: {  	_ = 	snop;
	(pc) =	sbr.rel @!p4 .LBB2_13-.Ltmp1, $3  }
0xa4: {  	_ =	sdelay $0x1  }
0xa5: {  	[sflag:s11] =	ssyncset.done $0x0  }
0xa6: {  	[sflag:s11] =	ssyncadd.s32 $0xFFFFFB00  }
.LBB2_1:
0xa7: {  	[dreg:$0x16] =	wrdreg s6;
	s9 =	simm.s32 $0x100;
	s6 =	simm.s32 $0x0  }
.LBB2_2:
0xa8: {  	p4 =	sne.s32 s9, $0x7F00;
	[tilespmem:s6+$0xC30] =	vst v0;
	s11 =	smov.u32 s9;
	s9 =	sadd.s32 $0x100, s9  }
.Ltmp2:
0xa9: {  	[tilespmem:s6+$0xC20] =	vst v0;
	(pc) =	sbr.rel @p4 .LBB2_2-.Ltmp2, $3  }
0xaa: {  	[tilespmem:s6+$0xC00] =	vst v0  }
0xab: {  	[tilespmem:s6+$0xC10] =	vst v0;
	_ =	sdelay $0x1  }
0xac: {  	s6 =	sshra.s32 s11, $0x2  }
0xad: {  	[tilespmem:s6+$0xC30] =	vst v0  }
0xae: {  	[tilespmem:s6+$0xC20] =	vst v0  }
0xaf: {  	[tilespmem:s6+$0xC00] =	vst v0  }
0xb0: {  	[tilespmem:s6+$0xC10] =	vst v0;
	s6 =	simm.s32 $0x40;
	s9 =	simm.s32 $0x0  }
.LBB2_4:
0xb1: {  	p4 =	sne.s32 s6, $0x1FC0;
	[tilespmem:s9+$0xCC00] =	vst v1;
	s9 =	smov.u32 s6;
	s6 =	sadd.s32 $0x40, s6  }
.Ltmp3:
0xb2: {  	(pc) =	sbr.rel @p4 .LBB2_4-.Ltmp3, $2  }
0xb3: {  	_ =	sdelay $0x2  }
0xb4: {  	s9 =	sshra.s32 s9, $0x2  }
0xb5: {  	[tilespmem:s9+$0xCC00] =	vst v1;
	s6 =	simm.s32 $0x40;
	s9 =	simm.s32 $0x0  }
.LBB2_6:
0xb6: {  	p4 =	sne.s32 s6, $0x9FC0;
	[tilespmem:s9+$0xD400] =	vst v0;
	s9 =	smov.u32 s6;
	s6 =	sadd.s32 $0x40, s6  }
.Ltmp4:
0xb7: {  	(pc) =	sbr.rel @p4 .LBB2_6-.Ltmp4, $2  }
0xb8: {  	_ =	sdelay $0x2  }
0xb9: {  	s9 =	sshra.s32 s9, $0x2  }
0xba: {  	[tilespmem:s9+$0xD400] =	vst v0;
	s0 =	simm.s32 $0xD  }
0xbb: {  	[spmem:s21] =	stream.linear.scatter [tilespmem:s23], [sflag:$0xD], $0x2000, $0x38;
	[tilespmem:$0x1C400] =	vst v63  }
0xbc: {  	_ =	swait.ge [sflag:s0], $0x2000  }
0xbd: {  	[sflag:s0] =	ssyncset.done $0x0  }
0xbe: {  	[sflag:s0] =	ssyncadd.s32 $0xFFFFE000  }
0xbf: {  	[spmem:s22] =	stream.linear.scatter [tilespmem:s23], [sflag:$0xD], $0x2000, $0x38;
	[tilespmem:$0x1C400] =	vst v63  }
0xc0: {  	_ =	swait.ge [sflag:s0], $0x2000  }
0xc1: {  	[sflag:s0] =	ssyncset.done $0x0  }
0xc2: {  	[sflag:s0] =	ssyncadd.s32 $0xFFFFE000  }
0xc3: {  	[spmem:s24] =	stream.linear.scatter [tilespmem:s23], [sflag:$0xD], $0x2000, $0x38;
	[tilespmem:$0x1C400] =	vst v63  }
0xc4: {  	_ =	swait.ge [sflag:s0], $0x2000  }
0xc5: {  	[sflag:s0] =	ssyncset.done $0x0  }
0xc6: {  	[sflag:s0] =	ssyncadd.s32 $0xFFFFE000  }
0xc7: {  	[spmem:s25] =	stream.linear.scatter [tilespmem:s23], [sflag:$0xD], $0x2000, $0x38;
	[tilespmem:$0x1C400] =	vst v63  }
0xc8: {  	_ =	swait.ge [sflag:s0], $0x2000  }
0xc9: {  	[sflag:s0] =	ssyncset.done $0x0  }
0xca: {  	[sflag:s0] =	ssyncadd.s32 $0xFFFFE000  }
0xcb: {  	[spmem:s28] =	stream.linear.scatter [tilespmem:s23], [sflag:$0xD], $0x2000, $0x38;
	[tilespmem:$0x1C400] =	vst v63  }
0xcc: {  	_ =	swait.ge [sflag:s0], $0x2000  }
0xcd: {  	[sflag:s0] =	ssyncset.done $0x0  }
0xce: {  	s6 =	simm.s32 $0xD400;
	[sflag:s0] =	ssyncadd.s32 $0xFFFFE000  }
0xcf: {  	[spmem:s31] =	stream.linear.scatter [tilespmem:s6], [sflag:$0xD], $0x2800, $0x38;
	[tilespmem:$0x1C400] =	vst v63  }
.Ltmp5:
0xd0: {  	_ =	swait.ge [sflag:s0], $0x2800;
	(pc) =	sbr.rel .LBB2_8-.Ltmp5, $4  }
0xd1: {  	[sflag:s0] =	ssyncset.done $0x0  }
0xd2: {  	[sflag:s0] =	ssyncadd.s32 $0xFFFFD800  }
0xd3: {  	[bflag:$0x0] =	sbarrier.arrive $0xFFFF  }
0xd4: {  	s11 =	simm.s32 $0x0;
	s28 =	simm.s32 $0x300;
	s31 =	simm.s32 $0x0  }
.LBB2_10:
0xd5: {  	[tilespmem:s23], [sflag:$0x1] =	stream.indirect.gather [hbm4b:s1+s29], $0x40, s5, s29, $0xb8;
	[tilespmem:$0x1C400] =	vst v63  }
0xd6: {  	_ = 	snop  }
0xd7: {  	[tilespmem:s30], [sflag:$0x2] =	stream.indirect.gather [hbm4b:s1+s29], $0x40, s29, s29, $0xb8;
	[tilespmem:$0x1C400] =	vst v63  }
0xd8: {  	s0 =	simm.s32 $0x100;
	s6 =	simm.s32 $0x4C00  }
0xd9: {  	[tilespmem:s6], [sflag:$0x3] =	stream.indirect.gather [hbm4b:s1+s29], $0x40, s0, s29, $0xb8;
	[tilespmem:$0x1C400] =	vst v63  }
0xda: {  	s21 =	simm.s32 $0x180  }
0xdb: {  	[tilespmem:s2], [sflag:$0x4] =	stream.indirect.gather [hbm4b:s1+s29], $0x40, s21, s29, $0xb8;
	[tilespmem:$0x1C400] =	vst v63  }
0xdc: {  	s22 =	simm.s32 $0x200  }
0xdd: {  	[tilespmem:s13], [sflag:$0x5] =	stream.indirect.gather [hbm4b:s1+s29], $0x40, s22, s29, $0xb8;
	[tilespmem:$0x1C400] =	vst v63  }
.LBB2_11:
0xde: {  	s0 =	simm.s32 $0x280  }
0xdf: {  	[tilespmem:s15], [sflag:$0x6] =	stream.indirect.gather [hbm4b:s1+s29], $0x40, s0, s29, $0xb8;
	[tilespmem:$0x1C400] =	vst v63  }
0xe0: {  	p5 =	sgt.u32 s31, $0x6;
	s0 =	simm.s32 $0x1;
	_ =	swait.ge [sflag:s16], $0x2000  }
0xe1: {  	s0 =	simm.s32 @!p5 $0x0;
	[sflag:s16] =	ssyncset.done $0x0  }
0xe2: {  	p4 =	seq.s32 s25, s0;
	[sflag:s16] =	ssyncadd.s32 $0xFFFFE000  }
0xe3: {  	[spmem:s3] =	stream.indirect.scatter.add.f32 [tilespmem:s23], [sflag:$0x7], $0x40, s28, s29, $0xb8;
	[tilespmem:$0x1C400] =	vst v63  }
0xe4: {  	s0 =	simm.s32 @!p4 $0x80;
	s6 =	simm.s32 @!p4 $0x300;
	s21 =	simm.s32 @!p4 $0xCC00  }
0xe5: {  	[spmem:s4] =	stream.indirect.scatter.add.f32 @!p4 [tilespmem:s21], [sflag:$0xE], $0x10, s6, s0, $0xb8;
	[tilespmem:$0x1C400] =	vst v63  }
0xe6: {  	s0 =	simm.s32 @!p4 $0xE  }
0xe7: {  	_ =	swait.ge @!p4 [sflag:s0], $0x800  }
0xe8: {  	[sflag:s0] =	ssyncset.done @!p4 $0x0  }
0xe9: {  	s21 =	sadd.s32 $0x60, s9;
	[sflag:s0] =	ssyncadd.s32 @!p4 $0xFFFFF800  }
0xea: {  	[tilespmem:s17], [sflag:$0xE] =	stream.linear.gather [hbm4b:s21+s5], $0x300, $0x38;
	[tilespmem:$0x1C400] =	vst v63  }
0xeb: {  	_ =	swait.ge [sflag:s26], $0x300  }
0xec: {  	[sflag:s26] =	ssyncset.done $0x0  }
0xed: {  	s22 =	sadd.s32 $0x60, s24;
	[sflag:s26] =	ssyncadd.s32 $0xFFFFFD00  }
0xee: {  	[tilespmem:s18], [sflag:$0xE] =	stream.linear.gather [hbm4b:s22+s5], $0x300, $0x38;
	[tilespmem:$0x1C400] =	vst v63  }
0xef: {  	_ =	swait.ge [sflag:s26], $0x300  }
0xf0: {  	[sflag:s26] =	ssyncset.done $0x0  }
0xf1: {  	[sflag:s26] =	ssyncadd.s32 $0xFFFFFD00  }
0xf2: {  	_ =	swait.ge [sflag:s19], $0x2000  }
0xf3: {  	[sflag:s19] =	ssyncset.done $0x0  }
0xf4: {  	p6 =	slt.u32 s31, $0x7;
	[sflag:s19] =	ssyncadd.s32 $0xFFFFE000  }
0xf5: {  	[tilespmem:s23], [sflag:$0x1] =	stream.indirect.gather [hbm4b:s1+s29], $0x40, s17, s29, $0xb8;
	[tilespmem:$0x1C400] =	vst v63  }
0xf6: {  	p4 =	por !p2, !p6;
	p6 =	por !p5, !p0;
	_ =	swait.ge [sflag:s20], $0x2000  }
0xf7: {  	p4 =	por !p4, !p4;
	p6 =	por !p6, !p6;
	[sflag:s20] =	ssyncset.done $0x0  }
0xf8: {  	s24 =	simm.s32 $0x380;
	p4 =	por p4, p6;
	[sflag:s20] =	ssyncadd.s32 $0xFFFFE000  }
0xf9: {  	[spmem:s3] =	stream.indirect.scatter.add.f32 [tilespmem:s30], [sflag:$0x8], $0x40, s24, s29, $0xb8;
	[tilespmem:$0x1C400] =	vst v63  }
0xfa: {  	s0 =	simm.s32 @p4 $0x380;
	s6 =	simm.s32 @p4 $0xCC00  }
0xfb: {  	[spmem:s4] =	stream.indirect.scatter.add.f32 @p4 [tilespmem:s6], [sflag:$0xE], $0x10, s0, s29, $0xb8;
	[tilespmem:$0x1C400] =	vst v63  }
0xfc: {  	_ =	swait.ge @p4 [sflag:s26], $0x800  }
0xfd: {  	[sflag:s26] =	ssyncset.done @p4 $0x0  }
0xfe: {  	[sflag:s26] =	ssyncadd.s32 @p4 $0xFFFFF800  }
0xff: {  	_ =	swait.ge [sflag:s8], $0x2000  }
0x100: {  	[sflag:s8] =	ssyncset.done $0x0  }
0x101: {  	s6 =	simm.s32 $0x680;
	[sflag:s8] =	ssyncadd.s32 $0xFFFFE000  }
0x102: {  	[tilespmem:s30], [sflag:$0x2] =	stream.indirect.gather [hbm4b:s1+s29], $0x40, s6, s29, $0xb8;
	[tilespmem:$0x1C400] =	vst v63  }
0x103: {  	p4 =	por !p5, !p5;
	_ =	swait.ge [sflag:s10], $0x2000  }
0x104: {  	s9 =	simm.s32 $0x4C00;
	p4 =	por @!p2 p5, p5;
	[sflag:s10] =	ssyncset.done $0x0  }
0x105: {  	s21 =	simm.s32 $0x400;
	s0 =	simm.s32 @!p4 $0x9;
	[sflag:s10] =	ssyncadd.s32 $0xFFFFE000  }
0x106: {  	[spmem:s3] =	stream.indirect.scatter.add.f32 [tilespmem:s9], [sflag:$0x9], $0x40, s21, s29, $0xb8;
	[tilespmem:$0x1C400] =	vst v63  }
0x107: {  	_ =	swait.ge @!p4 [sflag:s0], $0x2000  }
0x108: {  	s6 =	simm.s32 @!p4 $0x700;
	[sflag:s0] =	ssyncset.done @!p4 $0x0  }
0x109: {  	s9 =	simm.s32 @!p4 $0x4C00;
	[sflag:s0] =	ssyncadd.s32 @!p4 $0xFFFFE000;
	s0 =	simm.s32 @!p4 $0x80  }
0x10a: {  	[tilespmem:s9], [sflag:$0x3] =	stream.indirect.gather @!p4 [hbm4b:s1+s0], $0x40, s6, s0, $0xb8;
	[tilespmem:$0x1C400] =	vst v63  }
0x10b: {  	s6 =	simm.s32 @!p4 $0x4  }
0x10c: {  	_ =	swait.ge @!p4 [sflag:s6], $0x2000  }
0x10d: {  	s24 =	simm.s32 @p4 $0xE;
	[sflag:s6] =	ssyncset.done @!p4 $0x0  }
0x10e: {  	s9 =	simm.s32 @!p4 $0x6C00;
	[sflag:s6] =	ssyncadd.s32 @!p4 $0xFFFFE000;
	s6 =	simm.s32 @!p4 $0x480  }
0x10f: {  	[spmem:s3] =	stream.indirect.scatter.add.f32 @!p4 [tilespmem:s9], [sflag:$0xA], $0x40, s6, s0, $0xb8;
	[tilespmem:$0x1C400] =	vst v63  }
0x110: {  	s21 =	simm.s32 @p4 $0x400;
	s9 =	simm.s32 @p4 $0x80;
	s6 =	simm.s32 @p4 $0xCC00  }
0x111: {  	[spmem:s4] =	stream.indirect.scatter.add.f32 @p4 [tilespmem:s6], [sflag:$0xE], $0x10, s21, s9, $0xb8;
	[tilespmem:$0x1C400] =	vst v63  }
0x112: {  	_ =	swait.ge @p4 [sflag:s24], $0x800  }
0x113: {  	[sflag:s24] =	ssyncset.done @p4 $0x0  }
0x114: {  	s21 =	simm.s32 @p4 $0x9;
	[sflag:s24] =	ssyncadd.s32 @p4 $0xFFFFF800  }
0x115: {  	_ =	swait.ge @p4 [sflag:s21], $0x2000  }
0x116: {  	[sflag:s21] =	ssyncset.done @p4 $0x0  }
0x117: {  	s22 =	simm.s32 @p4 $0x4C00;
	[sflag:s21] =	ssyncadd.s32 @p4 $0xFFFFE000;
	s21 =	simm.s32 @p4 $0x700  }
0x118: {  	[tilespmem:s22], [sflag:$0x3] =	stream.indirect.gather @p4 [hbm4b:s1+s9], $0x40, s21, s9, $0xb8;
	[tilespmem:$0x1C400] =	vst v63  }
0x119: {  	s21 =	simm.s32 @p4 $0x4  }
0x11a: {  	_ =	swait.ge @p4 [sflag:s21], $0x2000  }
0x11b: {  	[sflag:s21] =	ssyncset.done @p4 $0x0  }
0x11c: {  	s22 =	simm.s32 @p4 $0x6C00;
	[sflag:s21] =	ssyncadd.s32 @p4 $0xFFFFE000;
	s21 =	simm.s32 @p4 $0x480  }
0x11d: {  	[spmem:s3] =	stream.indirect.scatter.add.f32 @p4 [tilespmem:s22], [sflag:$0xA], $0x40, s21, s9, $0xb8;
	[tilespmem:$0x1C400] =	vst v63  }
0x11e: {  	_ = 	snop  }
0x11f: {  	[spmem:s4] =	stream.indirect.scatter.add.f32 @p4 [tilespmem:s6], [sflag:$0xE], $0x10, s21, s9, $0xb8;
	[tilespmem:$0x1C400] =	vst v63  }
0x120: {  	_ =	swait.ge @p4 [sflag:s24], $0x800  }
0x121: {  	[sflag:s24] =	ssyncset.done @p4 $0x0  }
0x122: {  	[sflag:s24] =	ssyncadd.s32 @p4 $0xFFFFF800  }
0x123: {  	_ =	swait.ge [sflag:s7], $0x2000  }
0x124: {  	[sflag:s7] =	ssyncset.done $0x0  }
0x125: {  	s22 =	simm.s32 $0x780;
	[sflag:s7] =	ssyncadd.s32 $0xFFFFE000  }
0x126: {  	[tilespmem:s2], [sflag:$0x4] =	stream.indirect.gather [hbm4b:s1+s29], $0x40, s22, s29, $0xb8;
	[tilespmem:$0x1C400] =	vst v63  }
0x127: {  	_ =	swait.ge [sflag:s12], $0x2000  }
0x128: {  	[sflag:s12] =	ssyncset.done $0x0  }
0x129: {  	s21 =	simm.s32 @!p4 $0xB;
	s22 =	simm.s32 $0x500;
	[sflag:s12] =	ssyncadd.s32 $0xFFFFE000  }
0x12a: {  	[spmem:s3] =	stream.indirect.scatter.add.f32 [tilespmem:s13], [sflag:$0xB], $0x40, s22, s29, $0xb8;
	[tilespmem:$0x1C400] =	vst v63  }
0x12b: {  	_ =	swait.ge @!p4 [sflag:s21], $0x2000  }
0x12c: {  	[sflag:s21] =	ssyncset.done @!p4 $0x0  }
0x12d: {  	s22 =	simm.s32 @!p4 $0x8C00;
	[sflag:s21] =	ssyncadd.s32 @!p4 $0xFFFFE000;
	s21 =	simm.s32 @!p4 $0x800  }
0x12e: {  	[tilespmem:s22], [sflag:$0x5] =	stream.indirect.gather @!p4 [hbm4b:s1+s0], $0x40, s21, s0, $0xb8;
	[tilespmem:$0x1C400] =	vst v63  }
0x12f: {  	s21 =	simm.s32 @!p4 $0x6  }
0x130: {  	_ =	swait.ge @!p4 [sflag:s21], $0x2000  }
0x131: {  	[sflag:s21] =	ssyncset.done @!p4 $0x0  }
0x132: {  	s22 =	simm.s32 @!p4 $0xAC00;
	[sflag:s21] =	ssyncadd.s32 @!p4 $0xFFFFE000;
	s21 =	simm.s32 @!p4 $0x580  }
0x133: {  	[spmem:s3] =	stream.indirect.scatter.add.f32 @!p4 [tilespmem:s22], [sflag:$0xC], $0x40, s21, s0, $0xb8;
	[tilespmem:$0x1C400] =	vst v63  }
0x134: {  	s0 =	simm.s32 @p4 $0x500  }
0x135: {  	[spmem:s4] =	stream.indirect.scatter.add.f32 @p4 [tilespmem:s6], [sflag:$0xE], $0x10, s0, s9, $0xb8;
	[tilespmem:$0x1C400] =	vst v63  }
0x136: {  	_ =	swait.ge @p4 [sflag:s24], $0x800  }
0x137: {  	[sflag:s24] =	ssyncset.done @p4 $0x0  }
0x138: {  	s0 =	simm.s32 @p4 $0xB;
	[sflag:s24] =	ssyncadd.s32 @p4 $0xFFFFF800  }
0x139: {  	_ =	swait.ge @p4 [sflag:s0], $0x2000  }
0x13a: {  	[sflag:s0] =	ssyncset.done @p4 $0x0  }
0x13b: {  	s21 =	simm.s32 @p4 $0x8C00;
	[sflag:s0] =	ssyncadd.s32 @p4 $0xFFFFE000;
	s0 =	simm.s32 @p4 $0x800  }
0x13c: {  	[tilespmem:s21], [sflag:$0x5] =	stream.indirect.gather @p4 [hbm4b:s1+s9], $0x40, s0, s9, $0xb8;
	[tilespmem:$0x1C400] =	vst v63  }
0x13d: {  	s0 =	simm.s32 @p4 $0x6  }
0x13e: {  	_ =	swait.ge @p4 [sflag:s0], $0x2000  }
0x13f: {  	[sflag:s0] =	ssyncset.done @p4 $0x0  }
0x140: {  	s21 =	simm.s32 @p4 $0xAC00;
	[sflag:s0] =	ssyncadd.s32 @p4 $0xFFFFE000;
	s0 =	simm.s32 @p4 $0x580  }
0x141: {  	[spmem:s3] =	stream.indirect.scatter.add.f32 @p4 [tilespmem:s21], [sflag:$0xC], $0x40, s0, s9, $0xb8;
	[tilespmem:$0x1C400] =	vst v63  }
0x142: {  	_ = 	snop  }
0x143: {  	[spmem:s4] =	stream.indirect.scatter.add.f32 @p4 [tilespmem:s6], [sflag:$0xE], $0x10, s0, s9, $0xb8;
	[tilespmem:$0x1C400] =	vst v63  }
0x144: {  	_ =	swait.ge @p4 [sflag:s24], $0x800  }
0x145: {  	[sflag:s24] =	ssyncset.done @p4 $0x0  }
0x146: {  	[sflag:s24] =	ssyncadd.s32 @p4 $0xFFFFF800  }
0x147: {  	_ =	swait.ge [sflag:s14], $0x2000  }
0x148: {  	[sflag:s14] =	ssyncset.done $0x0  }
0x149: {  	s24 =	simm.s32 $0x880;
	[sflag:s14] =	ssyncadd.s32 $0xFFFFE000  }
0x14a: {  	[tilespmem:s15], [sflag:$0x6] =	stream.indirect.gather [hbm4b:s1+s29], $0x40, s24, s29, $0xb8;
	[tilespmem:$0x1C400] =	vst v63  }
0x14b: {  	s0 =	simm.s32 $0x1;
	p4 =	sgt.u32 s31, $0x5;
	_ =	swait.ge [sflag:s16], $0x2000  }
0x14c: {  	s11 =	sadd.s32 $0xC0, s11;
	s0 =	simm.s32 @!p4 $0x0;
	[sflag:s16] =	ssyncset.done $0x0  }
0x14d: {  	p5 =	sne.s32 s11, $0x9C0;
	p4 =	seq.s32 s25, s0;
	[sflag:s16] =	ssyncadd.s32 $0xFFFFE000  }
0x14e: {  	[spmem:s3] =	stream.indirect.scatter.add.f32 [tilespmem:s23], [sflag:$0x7], $0x40, s18, s29, $0xb8;
	[tilespmem:$0x1C400] =	vst v63  }
0x14f: {  	s0 =	simm.s32 @!p4 $0x80;
	s6 =	simm.s32 @!p4 $0x900;
	s9 =	simm.s32 @!p4 $0xCC00  }
0x150: {  	[spmem:s4] =	stream.indirect.scatter.add.f32 @!p4 [tilespmem:s9], [sflag:$0xD], $0x10, s6, s0, $0xb8;
	[tilespmem:$0x1C400] =	vst v63  }
.Ltmp6:
0x151: {  	_ = 	snop;
	(pc) =	sbr.rel @!p5 .LBB2_12-.Ltmp6, $4  }
0x152: {  	s0 =	simm.s32 @!p4 $0xD  }
0x153: {  	_ =	swait.ge @!p4 [sflag:s0], $0x800  }
0x154: {  	[sflag:s0] =	ssyncset.done @!p4 $0x0  }
0x155: {  	s31 =	sadd.s32 $0x1, s31;
	[sflag:s0] =	ssyncadd.s32 @!p4 $0xFFFFF800  }
.LBB2_8:
0x156: {  	s0 =	rddreg [dreg:$0x15]  }
0x157: {  	s9 =	sadd.s32 s11, s0  }
0x158: {  	[tilespmem:s5], [sflag:$0xE] =	stream.linear.gather [hbm4b:s9+s5], $0x300, $0x38;
	[tilespmem:$0x1C400] =	vst v63  }
0x159: {  	_ =	swait.ge [sflag:s26], $0x300  }
0x15a: {  	p4 =	seq.s32 s11, $0x0;
	[sflag:s26] =	ssyncset.done $0x0;
	s25 =	rddreg [dreg:$0x14]  }
.Ltmp7:
0x15b: {  	[sflag:s26] =	ssyncadd.s32 $0xFFFFFD00;
	s24 =	sadd.s32 s11, s25;
	(pc) =	sbr.rel @p4 .LBB2_10-.Ltmp7, $4  }
0x15c: {  	[tilespmem:s28], [sflag:$0xE] =	stream.linear.gather [hbm4b:s24+s5], $0x300, $0x38;
	[tilespmem:$0x1C400] =	vst v63  }
0x15d: {  	_ =	swait.ge [sflag:s26], $0x300  }
0x15e: {  	s25 =	simm.s32 $0x1;
	[sflag:s26] =	ssyncset.done $0x0  }
0x15f: {  	s25 =	simm.s32 @!p2 $0x0;
	[sflag:s26] =	ssyncadd.s32 $0xFFFFFD00  }
0x160: {  	_ =	swait.ge [sflag:s19], $0x2000  }
0x161: {  	[sflag:s19] =	ssyncset.done $0x0  }
0x162: {  	p4 =	sgt.u32 s31, $0x6;
	s6 =	simm.s32 $0x1;
	[sflag:s19] =	ssyncadd.s32 $0xFFFFE000  }
0x163: {  	[tilespmem:s23], [sflag:$0x1] =	stream.indirect.gather [hbm4b:s1+s29], $0x40, s5, s29, $0xb8;
	[tilespmem:$0x1C400] =	vst v63  }
0x164: {  	s6 =	simm.s32 @!p4 $0x0;
	_ =	swait.ge [sflag:s20], $0x2000  }
0x165: {  	p5 =	seq.s32 s25, s6;
	[sflag:s20] =	ssyncset.done $0x0  }
0x166: {  	s0 =	simm.s32 $0x980;
	s6 =	simm.s32 @p5 $0x8;
	[sflag:s20] =	ssyncadd.s32 $0xFFFFE000  }
0x167: {  	[spmem:s3] =	stream.indirect.scatter.add.f32 [tilespmem:s30], [sflag:$0x8], $0x40, s0, s29, $0xb8;
	[tilespmem:$0x1C400] =	vst v63  }
0x168: {  	_ =	swait.ge @p5 [sflag:s6], $0x2000  }
0x169: {  	[sflag:s6] =	ssyncset.done @p5 $0x0  }
0x16a: {  	s0 =	simm.s32 @p5 $0x2C00;
	[sflag:s6] =	ssyncadd.s32 @p5 $0xFFFFE000;
	s6 =	simm.s32 @p5 $0x80  }
0x16b: {  	[tilespmem:s0], [sflag:$0x2] =	stream.indirect.gather @p5 [hbm4b:s1+s6], $0x40, s6, s6, $0xb8;
	[tilespmem:$0x1C400] =	vst v63  }
0x16c: {  	s0 =	simm.s32 @p5 $0x3  }
0x16d: {  	_ =	swait.ge @p5 [sflag:s0], $0x2000  }
0x16e: {  	[sflag:s0] =	ssyncset.done @p5 $0x0  }
0x16f: {  	s21 =	simm.s32 @p5 $0x4C00;
	[sflag:s0] =	ssyncadd.s32 @p5 $0xFFFFE000;
	s0 =	simm.s32 @p5 $0xA00  }
0x170: {  	[spmem:s3] =	stream.indirect.scatter.add.f32 @p5 [tilespmem:s21], [sflag:$0x9], $0x40, s0, s6, $0xb8;
	[tilespmem:$0x1C400] =	vst v63  }
0x171: {  	s0 =	simm.s32 @p5 $0x9  }
0x172: {  	_ =	swait.ge @p5 [sflag:s0], $0x2000  }
0x173: {  	[sflag:s0] =	ssyncset.done @p5 $0x0  }
0x174: {  	[sflag:s0] =	ssyncadd.s32 @p5 $0xFFFFE000;
	s0 =	simm.s32 @p5 $0x100  }
0x175: {  	[tilespmem:s21], [sflag:$0x3] =	stream.indirect.gather @p5 [hbm4b:s1+s6], $0x40, s0, s6, $0xb8;
	[tilespmem:$0x1C400] =	vst v63  }
0x176: {  	s0 =	simm.s32 @p5 $0x4  }
0x177: {  	_ =	swait.ge @p5 [sflag:s0], $0x2000  }
0x178: {  	[sflag:s0] =	ssyncset.done @p5 $0x0  }
0x179: {  	s21 =	simm.s32 @p5 $0x6C00;
	[sflag:s0] =	ssyncadd.s32 @p5 $0xFFFFE000;
	s0 =	simm.s32 @p5 $0xA80  }
0x17a: {  	[spmem:s3] =	stream.indirect.scatter.add.f32 @p5 [tilespmem:s21], [sflag:$0xA], $0x40, s0, s6, $0xb8;
	[tilespmem:$0x1C400] =	vst v63  }
0x17b: {  	s0 =	simm.s32 @!p5 $0x80;
	s6 =	simm.s32 @!p5 $0x980;
	s21 =	simm.s32 @!p5 $0xCC00  }
0x17c: {  	[spmem:s4] =	stream.indirect.scatter.add.f32 @!p5 [tilespmem:s21], [sflag:$0xE], $0x10, s6, s0, $0xb8;
	[tilespmem:$0x1C400] =	vst v63  }
0x17d: {  	s6 =	simm.s32 @!p5 $0xE  }
0x17e: {  	_ =	swait.ge @!p5 [sflag:s6], $0x800  }
0x17f: {  	[sflag:s6] =	ssyncset.done @!p5 $0x0  }
0x180: {  	s22 =	simm.s32 @!p5 $0x8;
	[sflag:s6] =	ssyncadd.s32 @!p5 $0xFFFFF800  }
0x181: {  	_ =	swait.ge @!p5 [sflag:s22], $0x2000  }
0x182: {  	[sflag:s22] =	ssyncset.done @!p5 $0x0  }
0x183: {  	[sflag:s22] =	ssyncadd.s32 @!p5 $0xFFFFE000;
	s22 =	simm.s32 @!p5 $0x2C00  }
0x184: {  	[tilespmem:s22], [sflag:$0x2] =	stream.indirect.gather @!p5 [hbm4b:s1+s0], $0x40, s0, s0, $0xb8;
	[tilespmem:$0x1C400] =	vst v63  }
0x185: {  	s22 =	simm.s32 @!p5 $0x3  }
0x186: {  	_ =	swait.ge @!p5 [sflag:s22], $0x2000  }
0x187: {  	[sflag:s22] =	ssyncset.done @!p5 $0x0  }
0x188: {  	s28 =	simm.s32 @!p5 $0x4C00;
	[sflag:s22] =	ssyncadd.s32 @!p5 $0xFFFFE000;
	s22 =	simm.s32 @!p5 $0xA00  }
0x189: {  	[spmem:s3] =	stream.indirect.scatter.add.f32 @!p5 [tilespmem:s28], [sflag:$0x9], $0x40, s22, s0, $0xb8;
	[tilespmem:$0x1C400] =	vst v63  }
0x18a: {  	_ = 	snop  }
0x18b: {  	[spmem:s4] =	stream.indirect.scatter.add.f32 @!p5 [tilespmem:s21], [sflag:$0xE], $0x10, s22, s0, $0xb8;
	[tilespmem:$0x1C400] =	vst v63  }
0x18c: {  	_ =	swait.ge @!p5 [sflag:s6], $0x800  }
0x18d: {  	[sflag:s6] =	ssyncset.done @!p5 $0x0  }
0x18e: {  	s22 =	simm.s32 @!p5 $0x9;
	[sflag:s6] =	ssyncadd.s32 @!p5 $0xFFFFF800  }
0x18f: {  	_ =	swait.ge @!p5 [sflag:s22], $0x2000  }
0x190: {  	[sflag:s22] =	ssyncset.done @!p5 $0x0  }
0x191: {  	[sflag:s22] =	ssyncadd.s32 @!p5 $0xFFFFE000;
	s22 =	simm.s32 @!p5 $0x100  }
0x192: {  	[tilespmem:s28], [sflag:$0x3] =	stream.indirect.gather @!p5 [hbm4b:s1+s0], $0x40, s22, s0, $0xb8;
	[tilespmem:$0x1C400] =	vst v63  }
0x193: {  	s22 =	simm.s32 @!p5 $0x4  }
0x194: {  	_ =	swait.ge @!p5 [sflag:s22], $0x2000  }
0x195: {  	[sflag:s22] =	ssyncset.done @!p5 $0x0  }
0x196: {  	s28 =	simm.s32 @!p5 $0x6C00;
	[sflag:s22] =	ssyncadd.s32 @!p5 $0xFFFFE000;
	s22 =	simm.s32 @!p5 $0xA80  }
0x197: {  	[spmem:s3] =	stream.indirect.scatter.add.f32 @!p5 [tilespmem:s28], [sflag:$0xA], $0x40, s22, s0, $0xb8;
	[tilespmem:$0x1C400] =	vst v63  }
0x198: {  	_ = 	snop  }
0x199: {  	[spmem:s4] =	stream.indirect.scatter.add.f32 @!p5 [tilespmem:s21], [sflag:$0xE], $0x10, s22, s0, $0xb8;
	[tilespmem:$0x1C400] =	vst v63  }
0x19a: {  	_ =	swait.ge @!p5 [sflag:s6], $0x800  }
0x19b: {  	[sflag:s6] =	ssyncset.done @!p5 $0x0  }
0x19c: {  	[sflag:s6] =	ssyncadd.s32 @!p5 $0xFFFFF800  }
0x19d: {  	_ =	swait.ge [sflag:s7], $0x2000  }
0x19e: {  	[sflag:s7] =	ssyncset.done $0x0  }
0x19f: {  	s21 =	simm.s32 $0x180;
	[sflag:s7] =	ssyncadd.s32 $0xFFFFE000  }
0x1a0: {  	[tilespmem:s2], [sflag:$0x4] =	stream.indirect.gather [hbm4b:s1+s29], $0x40, s21, s29, $0xb8;
	[tilespmem:$0x1C400] =	vst v63  }
0x1a1: {  	p5 =	por !p4, !p4;
	_ =	swait.ge [sflag:s12], $0x2000  }
0x1a2: {  	p5 =	por @!p2 p4, p4;
	[sflag:s12] =	ssyncset.done $0x0  }
0x1a3: {  	s22 =	simm.s32 $0xB00;
	s0 =	simm.s32 @!p5 $0xB;
	[sflag:s12] =	ssyncadd.s32 $0xFFFFE000  }
0x1a4: {  	[spmem:s3] =	stream.indirect.scatter.add.f32 [tilespmem:s13], [sflag:$0xB], $0x40, s22, s29, $0xb8;
	[tilespmem:$0x1C400] =	vst v63  }
0x1a5: {  	_ =	swait.ge @!p5 [sflag:s0], $0x2000  }
0x1a6: {  	s6 =	simm.s32 @!p5 $0x200;
	[sflag:s0] =	ssyncset.done @!p5 $0x0  }
0x1a7: {  	s21 =	simm.s32 @!p5 $0x8C00;
	[sflag:s0] =	ssyncadd.s32 @!p5 $0xFFFFE000;
	s0 =	simm.s32 @!p5 $0x80  }
0x1a8: {  	[tilespmem:s21], [sflag:$0x5] =	stream.indirect.gather @!p5 [hbm4b:s1+s0], $0x40, s6, s0, $0xb8;
	[tilespmem:$0x1C400] =	vst v63  }
0x1a9: {  	s6 =	simm.s32 @!p5 $0x6  }
0x1aa: {  	_ =	swait.ge @!p5 [sflag:s6], $0x2000  }
0x1ab: {  	[sflag:s6] =	ssyncset.done @!p5 $0x0  }
0x1ac: {  	s21 =	simm.s32 @!p5 $0xAC00;
	[sflag:s6] =	ssyncadd.s32 @!p5 $0xFFFFE000;
	s6 =	simm.s32 @!p5 $0xB80  }
0x1ad: {  	[spmem:s3] =	stream.indirect.scatter.add.f32 @!p5 [tilespmem:s21], [sflag:$0xC], $0x40, s6, s0, $0xb8;
	[tilespmem:$0x1C400] =	vst v63  }
0x1ae: {  	s0 =	simm.s32 @p5 $0x80;
	s6 =	simm.s32 @p5 $0xB00;
	s21 =	simm.s32 @p5 $0xCC00  }
0x1af: {  	[spmem:s4] =	stream.indirect.scatter.add.f32 @p5 [tilespmem:s21], [sflag:$0xE], $0x10, s6, s0, $0xb8;
	[tilespmem:$0x1C400] =	vst v63  }
0x1b0: {  	s6 =	simm.s32 @p5 $0xE  }
0x1b1: {  	_ =	swait.ge @p5 [sflag:s6], $0x800  }
0x1b2: {  	[sflag:s6] =	ssyncset.done @p5 $0x0  }
0x1b3: {  	s22 =	simm.s32 @p5 $0xB;
	[sflag:s6] =	ssyncadd.s32 @p5 $0xFFFFF800  }
0x1b4: {  	_ =	swait.ge @p5 [sflag:s22], $0x2000  }
0x1b5: {  	[sflag:s22] =	ssyncset.done @p5 $0x0  }
0x1b6: {  	s28 =	simm.s32 @p5 $0x8C00;
	[sflag:s22] =	ssyncadd.s32 @p5 $0xFFFFE000;
	s22 =	simm.s32 @p5 $0x200  }
0x1b7: {  	[tilespmem:s28], [sflag:$0x5] =	stream.indirect.gather @p5 [hbm4b:s1+s0], $0x40, s22, s0, $0xb8;
	[tilespmem:$0x1C400] =	vst v63  }
0x1b8: {  	s22 =	simm.s32 @p5 $0x6  }
0x1b9: {  	_ =	swait.ge @p5 [sflag:s22], $0x2000  }
0x1ba: {  	[sflag:s22] =	ssyncset.done @p5 $0x0  }
0x1bb: {  	s28 =	simm.s32 @p5 $0xAC00;
	[sflag:s22] =	ssyncadd.s32 @p5 $0xFFFFE000;
	s22 =	simm.s32 @p5 $0xB80  }
0x1bc: {  	[spmem:s3] =	stream.indirect.scatter.add.f32 @p5 [tilespmem:s28], [sflag:$0xC], $0x40, s22, s0, $0xb8;
	[tilespmem:$0x1C400] =	vst v63  }
0x1bd: {  	_ = 	snop  }
0x1be: {  	[spmem:s4] =	stream.indirect.scatter.add.f32 @p5 [tilespmem:s21], [sflag:$0xE], $0x10, s22, s0, $0xb8;
	[tilespmem:$0x1C400] =	vst v63  }
0x1bf: {  	_ =	swait.ge @p5 [sflag:s6], $0x800  }
.Ltmp8:
0x1c0: {  	[sflag:s6] =	ssyncset.done @p5 $0x0;
	(pc) =	sbr.rel .LBB2_11-.Ltmp8, $4  }
0x1c1: {  	[sflag:s6] =	ssyncadd.s32 @p5 $0xFFFFF800  }
0x1c2: {  	_ =	swait.ge [sflag:s14], $0x2000  }
0x1c3: {  	[sflag:s14] =	ssyncset.done $0x0  }
0x1c4: {  	s28 =	simm.s32 $0x300;
	[sflag:s14] =	ssyncadd.s32 $0xFFFFE000  }
.LBB2_13:
0x1c5: {  	_ =	sfence.sel $0x180000  }
0x1c6: {  	[bflag:$0x0] =	sbarrier.arrive $0xFFFF  }
0x1c7: {  	_ =	strace $0x90000047  }
0x1c8: {  	s0 =	stileid.u32;
	[bflag:$0x2] =	sbarrier.arrive $0xFFFF  }
0x1c9: {  	p0 =	sne.s32 s0, $0x0;
	s0 =	rddreg [dreg:$0x4]  }
0x1ca: {  	s0 =	sadd.s32 @!p0 $0x100000, s0  }
0x1cb: {  	[sflag:s0] =	ssyncadd.tile.s32 @!p0 $0x1;
	_ =	shalt  }
.Lfunc_end2:
_tile_overlayer_lowered:
.L_overlay_start_2:
0x1cc: {  	(tag) =	ssettag $0x2  }
0x1cd: {  	s0 =	rddreg [dreg:$0x0];
	s2 =	stileid.u32  }
0x1ce: {  	s1 =	rddreg [dreg:$0x1];
	p0 =	sne.s32 s2, $0x0  }
0x1cf: {  	s3 =	rddreg [dreg:$0x2];
	[bflag:$0x3] =	sbarrier.arrive $0xFFFF;
	s2 =	simm.s32 @!p0 $0x1C0D  }
0x1d0: {  	[timem:s3], [sflag:s2] =	dma.local @!p0 [hbm:s0], s1  }
0x1d1: {  	s0 =	simm.s32 @!p0 $0xD  }
0x1d2: {  	_ =	swait.ge @!p0 [sflag:s0], s1  }
0x1d3: {  	s1 =	ssub.s32 @!p0 $0x0, s1;
	[sflag:s0] =	ssyncset.done @!p0 $0x0  }
0x1d4: {  	[sflag:s0] =	ssyncadd.s32 @!p0 s1  }
0x1d5: {  	[bflag:$0x3] =	sbarrier.arrive $0xFFFF  }
0x1d6: {  	_ =	shalt  }

// kernel: kernel.9.cloned.1.call-start
scs
__scs_entry_jumppad:
0x0: {  	(pc) =	sbr.rel $0x88, $3  }
0x1: {  	(tag) =	ssettag $0x0;
	lr =	simm.s32 $0x1  }
0x2: {  	[smem:$0x3F96] =	sst lr;
	_ =	strace $0xD0000000  }
0x3: {  	_ = 	snop  }
0x4: {  	_ = 	snop  }
0x5: {  	_ = 	snop  }
0x6: {  	_ = 	snop  }
0x7: {  	_ = 	snop  }
__scs_overlays_trampoline_lowered:
0x8: {  	[smem:$0x3FA5] =	sst s0  }
0x9: {  	[smem:$0x3FA6] =	sst s1  }
0xa: {  	[smem:$0x3FA7] =	sst s2  }
0xb: {  	[smem:$0x3FA8] =	sst s3  }
0xc: {  	[smem:$0x3FA9] =	sst s4  }
0xd: {  	[smem:$0x3FAA] =	sst s5  }
0xe: {  	[smem:$0x3FAB] =	sst s6  }
0xf: {  	[smem:$0x3FAC] =	sst s7  }
0x10: {  	[smem:$0x3FAD] =	sst s8  }
0x11: {  	[smem:$0x3FAE] =	sst s9;
	s0 =	simm.s32 @!p0 $0x0  }
0x12: {  	s1 =	sld [smem:$0x3F94];
	s0 =	simm.s32 @p0 $0x1  }
0x13: {  	[smem:$0x3FAF] =	sst s0;
	s0 =	simm.s32 @!p1 $0x0  }
0x14: {  	s2 =	sld [smem:$0x3F93];
	s0 =	simm.s32 @p1 $0x1  }
0x15: {  	[smem:$0x3FB0] =	sst s0;
	s0 =	simm.s32 @!p2 $0x0  }
0x16: {  	s3 =	sld [smem:$0x3FDB];
	s0 =	simm.s32 @p2 $0x1  }
0x17: {  	s4 =	simm.s32 $0x1BF5;
	[smem:$0x3FB2] =	sst s0  }
0x18: {  	s0 =	sld [smem:$0x3F95];
	_ =	swait.ge [sflag:s4], $0x0  }
0x19: {  	s7 =	sld [smem:$0x3F96]  }
0x1a: {  	s8 =	sadd.s32 $0xFFFFE003, lr  }
0x1b: {  	s9 =	sadd.s32 $0xFFFFFEF7, lr;
	s5 =	simm.s32 $0xFFFFFFFF;
	p2 =	slt.u32 s8, $0xFFFFF086  }
0x1c: {  	p1 =	slt.u32 s9, $0xF7A;
	s5 =	simm.s32 @!p2 $0x0  }
0x1d: {  	s5 =	simm.s32 @p1 $0x1;
	p0 =	seq.s32 s7, s2  }
0x1e: {  	s7 =	smul.u32 @!p0 $0xF7A, s2;
	p2 =	seq.s32 @!p0 s5, $0x0  }
0x1f: {  	s9 =	smul.u32 $0xF7A, s1;
	s8 =	simm.s32 @!p0 $0x1BF5;
	p2 =	por !p2, p0  }
0x20: {  	[sflag:s8] =	ssyncset.s32 @!p0 $0xFFFFF086;
	s6 =	sadd.s32 @!p0 s3, s7;
	s7 =	simm.s32 @!p0 $0x108  }
0x21: {  	s3 =	sadd.s32 s3, s9;
	s6 =	sadd.s32 @!p0 $0x88, s6;
	s7 =	simm.s32 @p2 $0x1082  }
0x22: {  	[simem:s7], [sflag:s8] =	dma.local @!p0 [hbm:s6], $0xF7A  }
0x23: {  	s9 =	sor.u32 $0xD0000000, s2;
	s6 =	simm.s32 $0x108;
	_ =	swait.ge @!p0 [sflag:s8], $0x0  }
0x24: {  	s3 =	sadd.s32 $0x88, s3;
	s6 =	simm.s32 @!p1 $0x1082;
	[sflag:s4] =	ssyncset.s32 $0xFFFFF086  }
0x25: {  	[simem:s6], [sflag:s4] =	dma.local [hbm:s3], $0xF7A  }
0x26: {  	[smem:$0x3F96] =	sst s1;
	(tag) =	ssettag s2;
	_ =	strace s9  }
0x27: {  	s1 =	sld [smem:$0x3FA6]  }
0x28: {  	s2 =	sld [smem:$0x3FA7]  }
0x29: {  	s4 =	sld [smem:$0x3FA9]  }
0x2a: {  	p0 =	seq.s32 s5, $0x0;
	s5 =	sld [smem:$0x3FAA]  }
0x2b: {  	s6 =	sld [smem:$0x3FAB]  }
0x2c: {  	s7 =	sld [smem:$0x3FAC]  }
0x2d: {  	s3 =	simm.s32 $0x108;
	s8 =	sld [smem:$0x3FAD]  }
0x2e: {  	s3 =	simm.s32 @!p0 $0x1082;
	s9 =	sld [smem:$0x3FAE]  }
0x2f: {  	lr =	sadd.s32 s0, s3;
	s0 =	sld [smem:$0x3FA5]  }
0x30: {  	s3 =	sld [smem:$0x3FA8]  }
0x31: {  	[smem:$0x3FB1] =	sst s10  }
0x32: {  	s10 =	sld [smem:$0x3FAF];
	_ =	sdelay $0x3  }
0x33: {  	p0 =	seq.s32 s10, $0x1;
	s10 =	sld [smem:$0x3FB1];
	_ =	sdelay $0x3  }
0x34: {  	[smem:$0x3FB1] =	sst s10  }
0x35: {  	s10 =	sld [smem:$0x3FB0];
	_ =	sdelay $0x3  }
0x36: {  	p1 =	seq.s32 s10, $0x1;
	s10 =	sld [smem:$0x3FB1];
	_ =	sdelay $0x3  }
0x37: {  	[smem:$0x3FB1] =	sst s10  }
0x38: {  	s10 =	sld [smem:$0x3FB2]  }
0x39: {  	_ = 	snop;
	(pc) =	sbr.ind lr, $3  }
0x3a: {  	_ = 	snop  }
0x3b: {  	_ = 	snop  }
0x3c: {  	p2 =	seq.s32 s10, $0x1;
	s10 =	sld [smem:$0x3FB1]  }
0x3d: {  	_ =	shalt  }
0x3e: {  	_ =	shalt  }
0x3f: {  	_ =	shalt  }
0x40: {  	_ =	shalt  }
0x41: {  	_ =	shalt  }
0x42: {  	_ =	shalt  }
0x43: {  	_ =	shalt  }
0x44: {  	_ =	shalt  }
0x45: {  	_ =	shalt  }
0x46: {  	_ =	shalt  }
0x47: {  	_ =	shalt  }
0x48: {  	_ =	shalt  }
0x49: {  	_ =	shalt  }
0x4a: {  	_ =	shalt  }
0x4b: {  	_ =	shalt  }
0x4c: {  	_ =	shalt  }
0x4d: {  	_ =	shalt  }
0x4e: {  	_ =	shalt  }
0x4f: {  	_ =	shalt  }
0x50: {  	_ =	shalt  }
0x51: {  	_ =	shalt  }
0x52: {  	_ =	shalt  }
0x53: {  	_ =	shalt  }
0x54: {  	_ =	shalt  }
0x55: {  	_ =	shalt  }
0x56: {  	_ =	shalt  }
0x57: {  	_ =	shalt  }
0x58: {  	_ =	shalt  }
0x59: {  	_ =	shalt  }
0x5a: {  	_ =	shalt  }
0x5b: {  	_ =	shalt  }
0x5c: {  	_ =	shalt  }
0x5d: {  	_ =	shalt  }
0x5e: {  	_ =	shalt  }
0x5f: {  	_ =	shalt  }
0x60: {  	_ =	shalt  }
0x61: {  	_ =	shalt  }
0x62: {  	_ =	shalt  }
0x63: {  	_ =	shalt  }
0x64: {  	_ =	shalt  }
0x65: {  	_ =	shalt  }
0x66: {  	_ =	shalt  }
0x67: {  	_ =	shalt  }
0x68: {  	_ =	shalt  }
0x69: {  	_ =	shalt  }
0x6a: {  	_ =	shalt  }
0x6b: {  	_ =	shalt  }
0x6c: {  	_ =	shalt  }
0x6d: {  	_ =	shalt  }
0x6e: {  	_ =	shalt  }
0x6f: {  	_ =	shalt  }
0x70: {  	_ =	shalt  }
0x71: {  	_ =	shalt  }
0x72: {  	_ =	shalt  }
0x73: {  	_ =	shalt  }
0x74: {  	_ =	shalt  }
0x75: {  	_ =	shalt  }
0x76: {  	_ =	shalt  }
0x77: {  	_ =	shalt  }
0x78: {  	_ =	shalt  }
0x79: {  	_ =	shalt  }
0x7a: {  	_ =	shalt  }
0x7b: {  	_ =	shalt  }
0x7c: {  	_ =	shalt  }
0x7d: {  	_ =	shalt  }
0x7e: {  	_ =	shalt  }
0x7f: {  	_ =	shalt  }
0x80: {  	_ =	shalt  }
0x81: {  	_ =	shalt  }
0x82: {  	_ =	shalt  }
0x83: {  	_ =	shalt  }
0x84: {  	_ =	shalt  }
0x85: {  	_ =	shalt  }
0x86: {  	_ =	shalt  }
0x87: {  	_ =	shalt  }
.Lfunc_end0:
.L_simem_size_0:
called_computation.1_lowered:
.L_overlay_start_0:
0x88: {  	s2 =	sld [smem:$0x3FD9]  }
0x89: {  	s3 =	sld [smem:$0x3FFE];
	_ =	sdelay $0x1  }
0x8a: {  	s1 =	srdreg.scid  }
0x8b: {  	s0 =	sand.u32 $0x1, s1  }
0x8c: {  	s16 =	sshll.u32 s0, $0xA;
	s2 =	sadd.s32 s3, s2  }
0x8d: {  	s2 =	sadd.s32 s2, s16  }
0x8e: {  	[smem:$0x3FBD] =	sst s2  }
0x8f: {  	_ = 	snop  }
0x90: {  	(tm) =	ssettm $0x1  }
0x91: {  	s17 =	sld [smem:$0x3FFB];
	_ =	sdelay $0x3  }
0x92: {  	_ =	strace s17  }
0x93: {  	s2 =	sld [smem:$0x3FFC];
	_ =	sdelay $0x3  }
0x94: {  	_ =	strace s2  }
0x95: {  	s2 =	sld [smem:$0x3FFD];
	_ =	sdelay $0x3  }
0x96: {  	_ =	strace s2  }
0x97: {  	_ =	strace $0x8FFFFFFF  }
0x98: {  	s18 =	sld [smem:$0x3FDB];
	_ =	sdelay $0x1  }
0x99: {  	s19 =	simm.s32 $_scs_section_size  }
0x9a: {  	s4 =	simm.s32 $_size__tile_overlayer_lowered;
	s5 =	simm.s32 $_tile_overlayer_lowered  }
0x9b: {  	s22 =	simm.s32 $0x1BFF;
	s21 =	sshll.u32 s5, $0x1;
	s2 =	sadd.s32 s19, s18  }
0x9c: {  	s6 =	simm.s32 $0x0;
	s20 =	sshll.u32 s4, $0x1;
	s4 =	sadd.s32 s21, s2  }
0x9d: {  	[timem:s6], [sflag:s22] =	dma.local [hbm:s4], s20  }
0x9e: {  	_ =	swait.ge [sflag:s22], s20  }
0x9f: {  	s3 =	ssub.s32 $0x0, s20;
	[sflag:s22] =	ssyncset.done $0x0  }
0xa0: {  	[sflag:s22] =	ssyncadd.s32 s3;
	_ =	sdelay $0x1  }
0xa1: {  	s23 =	simm.s32 $0x1B8B  }
0xa2: {  	_ =	swait.ge [sflag:s23], $0x1  }
0xa3: {  	[sflag:s23] =	ssyncset.done $0x0  }
0xa4: {  	s25 =	simm.s32 $0x1B8E;
	s24 =	sld [smem:$0x3FFE];
	[sflag:s23] =	ssyncadd.s32 $0xFFFFFFFF  }
0xa5: {  	s26 =	simm.s32 $execute0_lowered;
	[smem:$0x3FD2] =	sst s25  }
0xa6: {  	s4 =	sshll.u32 s26, $0x1;
	_ =	strace $0x80000049;
	[dreg:$0x1] =	wrdreg $0xFFFFFFFF  }
0xa7: {  	s28 =	simm.s32 $_size_execute0_lowered;
	s2 =	sadd.s32 s2, s4;
	[dreg:$0x0] =	wrdreg $0x0  }
0xa8: {  	s4 =	sshll.u32 s28, $0x1;
	[dreg:$0x2] =	wrdreg s2  }
0xa9: {  	[dreg:$0x3] =	wrdreg s4  }
0xaa: {  	[dreg:$0x4] =	wrdreg $0xC0  }
0xab: {  	_ =	task [dreg:s6], $0x5FFFF  }
0xac: {  	[dreg:$0x1] =	wrdreg $0xFFFFFFFF  }
0xad: {  	[dreg:$0x0] =	wrdreg $0x60  }
0xae: {  	[dreg:$0x2] =	wrdreg s24  }
0xaf: {  	[dreg:$0x3] =	wrdreg $0xCC000  }
0xb0: {  	[dreg:$0x4] =	wrdreg $0x9  }
0xb1: {  	_ =	task.clear_ibuf [dreg:s6], $0x5FFFF;
	_ =	strace $0x90000049  }
0xb2: {  	s29 =	simm.s32 $0x9;
	_ =	strace $0x8000004B  }
0xb3: {  	_ =	swait.ge [sflag:s29], $0x1  }
0xb4: {  	[sflag:s29] =	ssyncadd.s32 $0xFFFFFFFF  }
0xb5: {  	_ =	strace $0x9000004B  }
0xb6: {  	_ =	sfence  }
0xb7: {  	s30 =	sld [smem:$0x0];
	_ =	sdelay $0x2  }
0xb8: {  	s31 =	sshll.u32 s1, $0xD;
	s1 =	sshrl.u32 s1, $0x2  }
0xb9: {  	s3 =	sand.u32 $0x4000, s31;
	s1 =	sadd.s32 s1, s30  }
0xba: {  	s0 =	sor.u32 s3, s0;
	s1 =	sshll.u32 s1, $0x11  }
0xbb: {  	s0 =	sor.u32 s1, s0  }
0xbc: {  	s0 =	sadd.s32 $0x8F2B, s0  }
0xbd: {  	[sflag:s0] =	ssyncadd.remote.s32 $0x1  }
0xbe: {  	_ =	sfence.sel $0xFFFF  }
0xbf: {  	[dreg:$0x0] =	wrdreg $0xFFFFFFFF;
	(pc) =	sbr.abs _section_cstart, $3  }
0xc0: {  	[dreg:$0x1] =	wrdreg $0xFFFFFFFF  }
0xc1: {  	_ =	task.clear_ibuf [dreg:s6], $0x2FFFF;
	_ =	strace $0x9FFFFFFF  }
0xc2: {  	(tm) =	ssettm $0x7FFFFFFF  }
0xc3: {  	_ =	shalt  }
tec
execute0_lowered:
.L_overlay_start_1:
0x0: {  	(tag) =	ssettag $0x1  }
0x1: {  	s0 =	rddreg [dreg:$0x0]  }
0x2: {  	s1 =	rddreg [dreg:$0x1];
	s3 =	simm.s32 $0x0;
	s2 =	srdreg.scid  }
0x3: {  	s16 =	stileid.u32;
	s29 =	simm.s32 $0x6C00;
	s31 =	simm.s32 $0x8C00  }
0x4: {  	s28 =	simm.s32 $0xA;
	s30 =	simm.s32 $0xC;
	[smem:$0x7FF] =	sst s3  }
0x5: {  	s2 =	sand.u32 $0x1, s2;
	s5 =	sadd.s32 $0xBC00, s0;
	s7 =	smul.u32 $0xA000, s16  }
0x6: {  	s8 =	sadd.s32 $0x1E00, s0;
	s4 =	sadd.s32 $0x1F600, s0;
	s0 =	sadd.s32 $0xA1600, s0  }
0x7: {  	s13 =	sor.u32 $0x9C0, s16;
	p0 =	sgt.u32 s16, $0x3;
	s24 =	smul.u32 $0x9C4, s2  }
0x8: {  	_ =	strace $0x8000004A;
	s6 =	ssub.s32 $0x2, s2;
	s15 =	smul.u32 $0xA0000, s2  }
0x9: {  	s2 =	smul.u32 $0x9C40, s2;
	s9 =	sshrl.u32 s6, $0x1;
	s22 =	sadd.s32 $0x2000, s7  }
0xa: {  	s10 =	sadd.s32 s7, s1;
	s11 =	sadd.s32 $0x4000, s7;
	s12 =	sadd.s32 $0x6000, s7  }
0xb: {  	s26 =	sadd.s32 $0x8000, s7;
	s6 =	ssub.s32 s6, s9;
	[dreg:$0x3] =	wrdreg s10  }
0xc: {  	s23 =	sadd.s32 s22, s1;
	s14 =	sadd.s32 s11, s1;
	s25 =	sadd.s32 s12, s1  }
0xd: {  	s10 =	sadd.s32 s13, s24;
	s17 =	sadd.s32 s26, s1;
	s13 =	sshll.u32 s13, $0x4  }
0xe: {  	s7 =	sadd.s32 s7, s15;
	s9 =	sadd.s32 s15, s22;
	s20 =	sadd.s32 s15, s12  }
0xf: {  	s21 =	sadd.s32 s15, s26;
	s22 =	smul.u32 $0x9C0, s16;
	[dreg:$0x4] =	wrdreg s23  }
0x10: {  	s26 =	sadd.s32 s2, s5;
	s2 =	simm.s32 $0xAC00;
	[dreg:$0x5] =	wrdreg s14  }
0x11: {  	s12 =	simm.s32 $0x900;
	s16 =	simm.s32 $0x8;
	[dreg:$0x6] =	wrdreg s25  }
0x12: {  	s10 =	sshll.u32 s10, $0x4;
	[dreg:$0x7] =	wrdreg s17;
	s7 =	sshrl.u32 s7, $0x3  }
0x13: {  	s9 =	sshrl.u32 s9, $0x3;
	s17 =	sadd.s32 s15, s11;
	s24 =	smax.u32 s6, $0x1  }
0x14: {  	s11 =	simm.s32 $0x600;
	s14 =	simm.s32 $0x2;
	s15 =	simm.s32 $0x0  }
0x15: {  	s10 =	sadd.s32 s5, s10;
	s7 =	sadd.s32 s0, s7;
	s18 =	sadd.s32 s0, s9  }
0x16: {  	s19 =	sshrl.u32 s17, $0x3;
	s9 =	sshrl.u32 s20, $0x3;
	[dreg:$0xf] =	wrdreg s24  }
0x17: {  	s25 =	sadd.s32 s22, s8;
	s20 =	simm.s32 $0xC00;
	[dreg:$0x8] =	wrdreg s10  }
0x18: {  	s24 =	simm.s32 $0x2C00;
	s5 =	simm.s32 $0x3;
	[dreg:$0xa] =	wrdreg s7  }
0x19: {  	s17 =	simm.s32 $0xB;
	s10 =	sadd.s32 s8, s13;
	[dreg:$0xb] =	wrdreg s18  }
0x1a: {  	s7 =	sadd.s32 s0, s19;
	s23 =	sadd.s32 s0, s9;
	[dreg:$0x10] =	wrdreg s25  }
0x1b: {  	s19 =	sadd.s32 s22, s26;
	s22 =	simm.s32 $0x300;
	s26 =	simm.s32 $0x4C00  }
.Ltmp0:
0x1c: {  	s13 =	simm.s32 $0x7;
	[dreg:$0x9] =	wrdreg s10;
	(pc) =	sbr.rel .LBB2_1-.Ltmp0, $4  }
0x1d: {  	s9 =	simm.s32 $0x4;
	s8 =	simm.s32 $0x6;
	[dreg:$0xc] =	wrdreg s7  }
0x1e: {  	s10 =	sshrl.u32 s21, $0x3;
	[dreg:$0xd] =	wrdreg s23;
	s21 =	simm.s32 $0xD  }
0x1f: {  	s23 =	simm.s32 $0x80;
	s7 =	simm.s32 $0x9;
	s0 =	sadd.s32 s0, s10  }
0x20: {  	v0 =	vimm.f32 $0.0e+00;
	s10 =	simm.s32 $0x1;
	[dreg:$0xe] =	wrdreg s0;
	s0 =	simm.s32 $0x5  }
.LBB2_8:
0x21: {  	_ =	swait.ge [sflag:s14], $0x2000  }
0x22: {  	[sflag:s14] =	ssyncset.done $0x0  }
0x23: {  	s6 =	simm.s32 $0x980;
	[sflag:s14] =	ssyncadd.s32 $0xFFFFE000  }
0x24: {  	[spmem:s1] =	stream.indirect.scatter.add.f32 [tilespmem:s24], [sflag:$0x8], $0x40, s6, s23, $0xb8;
	[tilespmem:$0x16C00] =	vst v63  }
0x25: {  	_ =	swait.ge [sflag:s5], $0x2000  }
0x26: {  	[sflag:s5] =	ssyncset.done $0x0  }
0x27: {  	s15 =	simm.s32 $0xA00;
	[sflag:s5] =	ssyncadd.s32 $0xFFFFE000  }
0x28: {  	[spmem:s1] =	stream.indirect.scatter.add.f32 [tilespmem:s26], [sflag:$0x9], $0x40, s15, s23, $0xb8;
	[tilespmem:$0x16C00] =	vst v63  }
0x29: {  	_ =	swait.ge [sflag:s9], $0x2000  }
0x2a: {  	[sflag:s9] =	ssyncset.done $0x0  }
0x2b: {  	s18 =	simm.s32 $0xA80;
	[sflag:s9] =	ssyncadd.s32 $0xFFFFE000  }
0x2c: {  	[spmem:s1] =	stream.indirect.scatter.add.f32 [tilespmem:s29], [sflag:$0xA], $0x40, s18, s23, $0xb8;
	[tilespmem:$0x16C00] =	vst v63  }
0x2d: {  	_ =	swait.ge [sflag:s0], $0x2000  }
0x2e: {  	[sflag:s0] =	ssyncset.done $0x0  }
0x2f: {  	s25 =	simm.s32 $0xB00;
	[sflag:s0] =	ssyncadd.s32 $0xFFFFE000  }
0x30: {  	[spmem:s1] =	stream.indirect.scatter.add.f32 [tilespmem:s31], [sflag:$0xB], $0x40, s25, s23, $0xb8;
	[tilespmem:$0x16C00] =	vst v63  }
0x31: {  	_ =	swait.ge [sflag:s8], $0x2000  }
0x32: {  	[sflag:s8] =	ssyncset.done $0x0  }
0x33: {  	s15 =	simm.s32 $0xB80;
	[sflag:s8] =	ssyncadd.s32 $0xFFFFE000  }
0x34: {  	[spmem:s1] =	stream.indirect.scatter.add.f32 [tilespmem:s2], [sflag:$0xC], $0x40, s15, s23, $0xb8;
	[tilespmem:$0x16C00] =	vst v63  }
0x35: {  	_ =	swait.ge [sflag:s13], $0x2000  }
0x36: {  	[sflag:s13] =	ssyncset.done $0x0  }
0x37: {  	[sflag:s13] =	ssyncadd.s32 $0xFFFFE000  }
0x38: {  	_ =	swait.ge [sflag:s16], $0x2000  }
0x39: {  	[sflag:s16] =	ssyncset.done $0x0  }
0x3a: {  	[sflag:s16] =	ssyncadd.s32 $0xFFFFE000  }
0x3b: {  	_ =	swait.ge [sflag:s7], $0x2000  }
0x3c: {  	[sflag:s7] =	ssyncset.done $0x0  }
0x3d: {  	[sflag:s7] =	ssyncadd.s32 $0xFFFFE000  }
0x3e: {  	_ =	swait.ge [sflag:s28], $0x2000  }
0x3f: {  	[sflag:s28] =	ssyncset.done $0x0  }
0x40: {  	[sflag:s28] =	ssyncadd.s32 $0xFFFFE000  }
0x41: {  	_ =	swait.ge [sflag:s17], $0x2000  }
0x42: {  	[sflag:s17] =	ssyncset.done $0x0  }
0x43: {  	[sflag:s17] =	ssyncadd.s32 $0xFFFFE000  }
0x44: {  	_ =	swait.ge [sflag:s30], $0x2000  }
0x45: {  	[sflag:s30] =	ssyncset.done $0x0  }
0x46: {  	s6 =	simm.s32 @!p0 $0x0;
	s15 =	rddreg [dreg:$0x8];
	[sflag:s30] =	ssyncadd.s32 $0xFFFFE000  }
0x47: {  	[tilespmem:s6], [sflag:$0xD] =	stream.linear.gather @!p0 [hbm4b:s15+s6], $0x80, $0x38;
	[tilespmem:$0x16C00] =	vst v63  }
0x48: {  	s15 =	simm.s32 @!p0 $0xD  }
0x49: {  	_ =	swait.ge @!p0 [sflag:s15], $0x80  }
0x4a: {  	[sflag:s15] =	ssyncset.done @!p0 $0x0  }
0x4b: {  	s18 =	simm.s32 @!p0 $0x300;
	s25 =	rddreg [dreg:$0x9];
	[sflag:s15] =	ssyncadd.s32 @!p0 $0xFFFFFF80  }
0x4c: {  	[tilespmem:s18], [sflag:$0xD] =	stream.linear.gather @!p0 [hbm4b:s25+s6], $0x80, $0x38;
	[tilespmem:$0x16C00] =	vst v63  }
0x4d: {  	_ =	swait.ge @!p0 [sflag:s15], $0x80  }
0x4e: {  	[sflag:s15] =	ssyncset.done @!p0 $0x0  }
0x4f: {  	s25 =	simm.s32 @!p0 $0x80;
	[sflag:s15] =	ssyncadd.s32 @!p0 $0xFFFFFF80;
	s15 =	simm.s32 @!p0 $0xC00  }
0x50: {  	[tilespmem:s15], [sflag:$0x1] =	stream.indirect.gather @!p0 [hbm4b:s4+s25], $0x40, s6, s25, $0xb8;
	[tilespmem:$0x16C00] =	vst v63  }
0x51: {  	s6 =	simm.s32 @!p0 $0x1  }
0x52: {  	_ =	swait.ge @!p0 [sflag:s6], $0x2000  }
0x53: {  	[sflag:s6] =	ssyncset.done @!p0 $0x0  }
0x54: {  	[sflag:s6] =	ssyncadd.s32 @!p0 $0xFFFFE000;
	s6 =	simm.s32 @!p0 $0x7  }
0x55: {  	[spmem:s1] =	stream.indirect.scatter.add.f32 @!p0 [tilespmem:s15], [sflag:$0x7], $0x40, s18, s25, $0xb8;
	[tilespmem:$0x16C00] =	vst v63  }
0x56: {  	_ =	swait.ge @!p0 [sflag:s6], $0x2000  }
0x57: {  	[sflag:s6] =	ssyncset.done @!p0 $0x0  }
0x58: {  	[sflag:s6] =	ssyncadd.s32 @!p0 $0xFFFFE000  }
0x59: {  	s18 =	stileid.u32;
	[bflag:$0x0] =	sbarrier.arrive $0xFFFF  }
0x5a: {  	s6 =	sshll.u32 s18, $0x6;
	s25 =	rddreg [dreg:$0x3]  }
0x5b: {  	s6 =	sor.u32 $0x1C0D, s6;
	s18 =	rddreg [dreg:$0xa];
	s15 =	sshrl.u32 s25, $0x3  }
0x5c: {  	[hbm:s18], [sflag:s6] =	dma.local [spmem:s15], $0x400  }
0x5d: {  	_ =	swait.ge [sflag:s21], $0x400  }
0x5e: {  	[sflag:s21] =	ssyncset.done $0x0;
	s25 =	rddreg [dreg:$0x4]  }
0x5f: {  	s18 =	rddreg [dreg:$0xb];
	[sflag:s21] =	ssyncadd.s32 $0xFFFFFC00;
	s15 =	sshrl.u32 s25, $0x3  }
0x60: {  	[hbm:s18], [sflag:s6] =	dma.local [spmem:s15], $0x400  }
0x61: {  	_ =	swait.ge [sflag:s21], $0x400  }
0x62: {  	[sflag:s21] =	ssyncset.done $0x0;
	s25 =	rddreg [dreg:$0x5]  }
0x63: {  	s18 =	rddreg [dreg:$0xc];
	[sflag:s21] =	ssyncadd.s32 $0xFFFFFC00;
	s15 =	sshrl.u32 s25, $0x3  }
0x64: {  	[hbm:s18], [sflag:s6] =	dma.local [spmem:s15], $0x400  }
0x65: {  	_ =	swait.ge [sflag:s21], $0x400  }
0x66: {  	[sflag:s21] =	ssyncset.done $0x0;
	s25 =	rddreg [dreg:$0x6]  }
0x67: {  	s18 =	rddreg [dreg:$0xd];
	[sflag:s21] =	ssyncadd.s32 $0xFFFFFC00;
	s15 =	sshrl.u32 s25, $0x3  }
0x68: {  	[hbm:s18], [sflag:s6] =	dma.local [spmem:s15], $0x400  }
0x69: {  	_ =	swait.ge [sflag:s21], $0x400  }
0x6a: {  	[sflag:s21] =	ssyncset.done $0x0;
	s25 =	rddreg [dreg:$0x7]  }
0x6b: {  	s18 =	rddreg [dreg:$0xe];
	[sflag:s21] =	ssyncadd.s32 $0xFFFFFC00;
	s15 =	sshrl.u32 s25, $0x3  }
0x6c: {  	[hbm:s18], [sflag:s6] =	dma.local [spmem:s15], $0x400  }
0x6d: {  	_ =	swait.ge [sflag:s21], $0x400  }
0x6e: {  	s18 =	rddreg [dreg:$0x11]  }
0x6f: {  	s25 =	rddreg [dreg:$0xf];
	s15 =	sadd.s32 $0x1, s18  }
0x70: {  	p1 =	sne.s32 s15, s25  }
.Ltmp1:
0x71: {  	_ = 	snop;
	(pc) =	sbr.rel @!p1 .LBB2_9-.Ltmp1, $3  }
0x72: {  	_ =	sdelay $0x1  }
0x73: {  	[sflag:s21] =	ssyncset.done $0x0  }
0x74: {  	[sflag:s21] =	ssyncadd.s32 $0xFFFFFC00  }
.LBB2_1:
0x75: {  	[dreg:$0x11] =	wrdreg s15;
	s15 =	simm.s32 $0x100;
	s6 =	simm.s32 $0x0  }
.LBB2_2:
0x76: {  	p1 =	sne.s32 s15, $0x7F00;
	[tilespmem:s6+$0xC30] =	vst v0;
	s25 =	smov.u32 s15;
	s15 =	sadd.s32 $0x100, s15  }
.Ltmp2:
0x77: {  	[tilespmem:s6+$0xC20] =	vst v0;
	(pc) =	sbr.rel @p1 .LBB2_2-.Ltmp2, $3  }
0x78: {  	[tilespmem:s6+$0xC00] =	vst v0  }
0x79: {  	[tilespmem:s6+$0xC10] =	vst v0;
	_ =	sdelay $0x1  }
0x7a: {  	s6 =	sshra.s32 s25, $0x2  }
0x7b: {  	[tilespmem:s6+$0xC30] =	vst v0  }
0x7c: {  	[tilespmem:s6+$0xC20] =	vst v0  }
0x7d: {  	[tilespmem:s6+$0xC00] =	vst v0  }
0x7e: {  	[tilespmem:s6+$0xC10] =	vst v0;
	s18 =	rddreg [dreg:$0x3]  }
0x7f: {  	[spmem:s18] =	stream.linear.scatter [tilespmem:s20], [sflag:$0xD], $0x2000, $0x38;
	[tilespmem:$0x16C00] =	vst v63  }
0x80: {  	_ =	swait.ge [sflag:s21], $0x2000  }
0x81: {  	[sflag:s21] =	ssyncset.done $0x0  }
0x82: {  	s25 =	rddreg [dreg:$0x4];
	[sflag:s21] =	ssyncadd.s32 $0xFFFFE000  }
0x83: {  	[spmem:s25] =	stream.linear.scatter [tilespmem:s20], [sflag:$0xD], $0x2000, $0x38;
	[tilespmem:$0x16C00] =	vst v63  }
0x84: {  	_ =	swait.ge [sflag:s21], $0x2000  }
0x85: {  	[sflag:s21] =	ssyncset.done $0x0  }
0x86: {  	s15 =	rddreg [dreg:$0x5];
	[sflag:s21] =	ssyncadd.s32 $0xFFFFE000  }
0x87: {  	[spmem:s15] =	stream.linear.scatter [tilespmem:s20], [sflag:$0xD], $0x2000, $0x38;
	[tilespmem:$0x16C00] =	vst v63  }
0x88: {  	_ =	swait.ge [sflag:s21], $0x2000  }
0x89: {  	[sflag:s21] =	ssyncset.done $0x0  }
0x8a: {  	s18 =	rddreg [dreg:$0x6];
	[sflag:s21] =	ssyncadd.s32 $0xFFFFE000  }
0x8b: {  	[spmem:s18] =	stream.linear.scatter [tilespmem:s20], [sflag:$0xD], $0x2000, $0x38;
	[tilespmem:$0x16C00] =	vst v63  }
0x8c: {  	_ =	swait.ge [sflag:s21], $0x2000  }
0x8d: {  	[sflag:s21] =	ssyncset.done $0x0  }
0x8e: {  	s25 =	rddreg [dreg:$0x7];
	[sflag:s21] =	ssyncadd.s32 $0xFFFFE000  }
0x8f: {  	[spmem:s25] =	stream.linear.scatter [tilespmem:s20], [sflag:$0xD], $0x2000, $0x38;
	[tilespmem:$0x16C00] =	vst v63  }
.Ltmp3:
0x90: {  	_ =	swait.ge [sflag:s21], $0x2000;
	(pc) =	sbr.rel .LBB2_4-.Ltmp3, $4  }
0x91: {  	[sflag:s21] =	ssyncset.done $0x0  }
0x92: {  	[sflag:s21] =	ssyncadd.s32 $0xFFFFE000  }
0x93: {  	[bflag:$0x0] =	sbarrier.arrive $0xFFFF  }
0x94: {  	s6 =	simm.s32 $0x0  }
.LBB2_6:
0x95: {  	[tilespmem:s20], [sflag:$0x1] =	stream.indirect.gather [hbm4b:s4+s23], $0x40, s3, s23, $0xb8;
	[tilespmem:$0x16C00] =	vst v63  }
0x96: {  	_ = 	snop  }
0x97: {  	[tilespmem:s24], [sflag:$0x2] =	stream.indirect.gather [hbm4b:s4+s23], $0x40, s23, s23, $0xb8;
	[tilespmem:$0x16C00] =	vst v63  }
0x98: {  	s18 =	simm.s32 $0x100  }
0x99: {  	[tilespmem:s26], [sflag:$0x3] =	stream.indirect.gather [hbm4b:s4+s23], $0x40, s18, s23, $0xb8;
	[tilespmem:$0x16C00] =	vst v63  }
0x9a: {  	s18 =	simm.s32 $0x180  }
0x9b: {  	[tilespmem:s29], [sflag:$0x4] =	stream.indirect.gather [hbm4b:s4+s23], $0x40, s18, s23, $0xb8;
	[tilespmem:$0x16C00] =	vst v63  }
0x9c: {  	s18 =	simm.s32 $0x200  }
0x9d: {  	[tilespmem:s31], [sflag:$0x5] =	stream.indirect.gather [hbm4b:s4+s23], $0x40, s18, s23, $0xb8;
	[tilespmem:$0x16C00] =	vst v63  }
.LBB2_7:
0x9e: {  	s18 =	simm.s32 $0x280  }
0x9f: {  	[tilespmem:s2], [sflag:$0x6] =	stream.indirect.gather [hbm4b:s4+s23], $0x40, s18, s23, $0xb8;
	[tilespmem:$0x16C00] =	vst v63  }
0xa0: {  	_ =	swait.ge [sflag:s10], $0x2000  }
0xa1: {  	[sflag:s10] =	ssyncset.done $0x0  }
0xa2: {  	[sflag:s10] =	ssyncadd.s32 $0xFFFFE000  }
0xa3: {  	[spmem:s1] =	stream.indirect.scatter.add.f32 [tilespmem:s20], [sflag:$0x7], $0x40, s22, s23, $0xb8;
	[tilespmem:$0x16C00] =	vst v63  }
0xa4: {  	s25 =	sadd.s32 $0x60, s25  }
0xa5: {  	[tilespmem:s11], [sflag:$0xD] =	stream.linear.gather [hbm4b:s25+s3], $0x300, $0x38;
	[tilespmem:$0x16C00] =	vst v63  }
0xa6: {  	_ =	swait.ge [sflag:s21], $0x300  }
0xa7: {  	[sflag:s21] =	ssyncset.done $0x0  }
0xa8: {  	s15 =	sadd.s32 $0x60, s15;
	[sflag:s21] =	ssyncadd.s32 $0xFFFFFD00  }
0xa9: {  	[tilespmem:s12], [sflag:$0xD] =	stream.linear.gather [hbm4b:s15+s3], $0x300, $0x38;
	[tilespmem:$0x16C00] =	vst v63  }
0xaa: {  	_ =	swait.ge [sflag:s21], $0x300  }
0xab: {  	[sflag:s21] =	ssyncset.done $0x0  }
0xac: {  	[sflag:s21] =	ssyncadd.s32 $0xFFFFFD00  }
0xad: {  	_ =	swait.ge [sflag:s13], $0x2000  }
0xae: {  	[sflag:s13] =	ssyncset.done $0x0  }
0xaf: {  	[sflag:s13] =	ssyncadd.s32 $0xFFFFE000  }
0xb0: {  	[tilespmem:s20], [sflag:$0x1] =	stream.indirect.gather [hbm4b:s4+s23], $0x40, s11, s23, $0xb8;
	[tilespmem:$0x16C00] =	vst v63  }
0xb1: {  	_ =	swait.ge [sflag:s14], $0x2000  }
0xb2: {  	[sflag:s14] =	ssyncset.done $0x0  }
0xb3: {  	s18 =	simm.s32 $0x380;
	[sflag:s14] =	ssyncadd.s32 $0xFFFFE000  }
0xb4: {  	[spmem:s1] =	stream.indirect.scatter.add.f32 [tilespmem:s24], [sflag:$0x8], $0x40, s18, s23, $0xb8;
	[tilespmem:$0x16C00] =	vst v63  }
0xb5: {  	_ =	swait.ge [sflag:s16], $0x2000  }
0xb6: {  	[sflag:s16] =	ssyncset.done $0x0  }
0xb7: {  	s25 =	simm.s32 $0x680;
	[sflag:s16] =	ssyncadd.s32 $0xFFFFE000  }
0xb8: {  	[tilespmem:s24], [sflag:$0x2] =	stream.indirect.gather [hbm4b:s4+s23], $0x40, s25, s23, $0xb8;
	[tilespmem:$0x16C00] =	vst v63  }
0xb9: {  	_ =	swait.ge [sflag:s5], $0x2000  }
0xba: {  	[sflag:s5] =	ssyncset.done $0x0  }
0xbb: {  	s18 =	simm.s32 $0x400;
	[sflag:s5] =	ssyncadd.s32 $0xFFFFE000  }
0xbc: {  	[spmem:s1] =	stream.indirect.scatter.add.f32 [tilespmem:s26], [sflag:$0x9], $0x40, s18, s23, $0xb8;
	[tilespmem:$0x16C00] =	vst v63  }
0xbd: {  	_ =	swait.ge [sflag:s7], $0x2000  }
0xbe: {  	[sflag:s7] =	ssyncset.done $0x0  }
0xbf: {  	s25 =	simm.s32 $0x700;
	[sflag:s7] =	ssyncadd.s32 $0xFFFFE000  }
0xc0: {  	[tilespmem:s26], [sflag:$0x3] =	stream.indirect.gather [hbm4b:s4+s23], $0x40, s25, s23, $0xb8;
	[tilespmem:$0x16C00] =	vst v63  }
0xc1: {  	_ =	swait.ge [sflag:s9], $0x2000  }
0xc2: {  	[sflag:s9] =	ssyncset.done $0x0  }
0xc3: {  	s18 =	simm.s32 $0x480;
	[sflag:s9] =	ssyncadd.s32 $0xFFFFE000  }
0xc4: {  	[spmem:s1] =	stream.indirect.scatter.add.f32 [tilespmem:s29], [sflag:$0xA], $0x40, s18, s23, $0xb8;
	[tilespmem:$0x16C00] =	vst v63  }
0xc5: {  	_ =	swait.ge [sflag:s28], $0x2000  }
0xc6: {  	[sflag:s28] =	ssyncset.done $0x0  }
0xc7: {  	s25 =	simm.s32 $0x780;
	[sflag:s28] =	ssyncadd.s32 $0xFFFFE000  }
0xc8: {  	[tilespmem:s29], [sflag:$0x4] =	stream.indirect.gather [hbm4b:s4+s23], $0x40, s25, s23, $0xb8;
	[tilespmem:$0x16C00] =	vst v63  }
0xc9: {  	_ =	swait.ge [sflag:s0], $0x2000  }
0xca: {  	[sflag:s0] =	ssyncset.done $0x0  }
0xcb: {  	s18 =	simm.s32 $0x500;
	[sflag:s0] =	ssyncadd.s32 $0xFFFFE000  }
0xcc: {  	[spmem:s1] =	stream.indirect.scatter.add.f32 [tilespmem:s31], [sflag:$0xB], $0x40, s18, s23, $0xb8;
	[tilespmem:$0x16C00] =	vst v63  }
0xcd: {  	_ =	swait.ge [sflag:s17], $0x2000  }
0xce: {  	[sflag:s17] =	ssyncset.done $0x0  }
0xcf: {  	s25 =	simm.s32 $0x800;
	[sflag:s17] =	ssyncadd.s32 $0xFFFFE000  }
0xd0: {  	[tilespmem:s31], [sflag:$0x5] =	stream.indirect.gather [hbm4b:s4+s23], $0x40, s25, s23, $0xb8;
	[tilespmem:$0x16C00] =	vst v63  }
0xd1: {  	_ =	swait.ge [sflag:s8], $0x2000  }
0xd2: {  	[sflag:s8] =	ssyncset.done $0x0  }
0xd3: {  	s18 =	simm.s32 $0x580;
	[sflag:s8] =	ssyncadd.s32 $0xFFFFE000  }
0xd4: {  	[spmem:s1] =	stream.indirect.scatter.add.f32 [tilespmem:s2], [sflag:$0xC], $0x40, s18, s23, $0xb8;
	[tilespmem:$0x16C00] =	vst v63  }
0xd5: {  	_ =	swait.ge [sflag:s30], $0x2000  }
0xd6: {  	s6 =	sadd.s32 $0xC0, s6;
	[sflag:s30] =	ssyncset.done $0x0  }
0xd7: {  	p1 =	sne.s32 s6, $0x9C0;
	s25 =	simm.s32 $0x880;
	[sflag:s30] =	ssyncadd.s32 $0xFFFFE000  }
0xd8: {  	[tilespmem:s2], [sflag:$0x6] =	stream.indirect.gather [hbm4b:s4+s23], $0x40, s25, s23, $0xb8;
	[tilespmem:$0x16C00] =	vst v63  }
.Ltmp4:
0xd9: {  	_ = 	snop;
	(pc) =	sbr.rel @!p1 .LBB2_8-.Ltmp4, $4  }
0xda: {  	_ =	swait.ge [sflag:s10], $0x2000  }
0xdb: {  	[sflag:s10] =	ssyncset.done $0x0  }
0xdc: {  	[sflag:s10] =	ssyncadd.s32 $0xFFFFE000  }
0xdd: {  	[spmem:s1] =	stream.indirect.scatter.add.f32 [tilespmem:s20], [sflag:$0x7], $0x40, s12, s23, $0xb8;
	[tilespmem:$0x16C00] =	vst v63  }
.LBB2_4:
0xde: {  	s25 =	sadd.s32 s6, s19  }
0xdf: {  	[tilespmem:s3], [sflag:$0xD] =	stream.linear.gather [hbm4b:s25+s3], $0x300, $0x38;
	[tilespmem:$0x16C00] =	vst v63  }
0xe0: {  	_ =	swait.ge [sflag:s21], $0x300  }
0xe1: {  	p1 =	seq.s32 s6, $0x0;
	[sflag:s21] =	ssyncset.done $0x0;
	s15 =	rddreg [dreg:$0x10]  }
.Ltmp5:
0xe2: {  	[sflag:s21] =	ssyncadd.s32 $0xFFFFFD00;
	s15 =	sadd.s32 s6, s15;
	(pc) =	sbr.rel @p1 .LBB2_6-.Ltmp5, $4  }
0xe3: {  	[tilespmem:s22], [sflag:$0xD] =	stream.linear.gather [hbm4b:s15+s3], $0x300, $0x38;
	[tilespmem:$0x16C00] =	vst v63  }
0xe4: {  	_ =	swait.ge [sflag:s21], $0x300  }
0xe5: {  	[sflag:s21] =	ssyncset.done $0x0  }
0xe6: {  	[sflag:s21] =	ssyncadd.s32 $0xFFFFFD00  }
0xe7: {  	_ =	swait.ge [sflag:s13], $0x2000  }
0xe8: {  	[sflag:s13] =	ssyncset.done $0x0  }
0xe9: {  	[sflag:s13] =	ssyncadd.s32 $0xFFFFE000  }
0xea: {  	[tilespmem:s20], [sflag:$0x1] =	stream.indirect.gather [hbm4b:s4+s23], $0x40, s3, s23, $0xb8;
	[tilespmem:$0x16C00] =	vst v63  }
0xeb: {  	_ =	swait.ge [sflag:s14], $0x2000  }
0xec: {  	[sflag:s14] =	ssyncset.done $0x0  }
0xed: {  	s18 =	simm.s32 $0x980;
	[sflag:s14] =	ssyncadd.s32 $0xFFFFE000  }
0xee: {  	[spmem:s1] =	stream.indirect.scatter.add.f32 [tilespmem:s24], [sflag:$0x8], $0x40, s18, s23, $0xb8;
	[tilespmem:$0x16C00] =	vst v63  }
0xef: {  	_ =	swait.ge [sflag:s16], $0x2000  }
0xf0: {  	[sflag:s16] =	ssyncset.done $0x0  }
0xf1: {  	[sflag:s16] =	ssyncadd.s32 $0xFFFFE000  }
0xf2: {  	[tilespmem:s24], [sflag:$0x2] =	stream.indirect.gather [hbm4b:s4+s23], $0x40, s23, s23, $0xb8;
	[tilespmem:$0x16C00] =	vst v63  }
0xf3: {  	_ =	swait.ge [sflag:s5], $0x2000  }
0xf4: {  	[sflag:s5] =	ssyncset.done $0x0  }
0xf5: {  	s18 =	simm.s32 $0xA00;
	[sflag:s5] =	ssyncadd.s32 $0xFFFFE000  }
0xf6: {  	[spmem:s1] =	stream.indirect.scatter.add.f32 [tilespmem:s26], [sflag:$0x9], $0x40, s18, s23, $0xb8;
	[tilespmem:$0x16C00] =	vst v63  }
0xf7: {  	_ =	swait.ge [sflag:s7], $0x2000  }
0xf8: {  	[sflag:s7] =	ssyncset.done $0x0  }
0xf9: {  	s18 =	simm.s32 $0x100;
	[sflag:s7] =	ssyncadd.s32 $0xFFFFE000  }
0xfa: {  	[tilespmem:s26], [sflag:$0x3] =	stream.indirect.gather [hbm4b:s4+s23], $0x40, s18, s23, $0xb8;
	[tilespmem:$0x16C00] =	vst v63  }
0xfb: {  	_ =	swait.ge [sflag:s9], $0x2000  }
0xfc: {  	[sflag:s9] =	ssyncset.done $0x0  }
0xfd: {  	s18 =	simm.s32 $0xA80;
	[sflag:s9] =	ssyncadd.s32 $0xFFFFE000  }
0xfe: {  	[spmem:s1] =	stream.indirect.scatter.add.f32 [tilespmem:s29], [sflag:$0xA], $0x40, s18, s23, $0xb8;
	[tilespmem:$0x16C00] =	vst v63  }
0xff: {  	_ =	swait.ge [sflag:s28], $0x2000  }
0x100: {  	[sflag:s28] =	ssyncset.done $0x0  }
0x101: {  	s18 =	simm.s32 $0x180;
	[sflag:s28] =	ssyncadd.s32 $0xFFFFE000  }
0x102: {  	[tilespmem:s29], [sflag:$0x4] =	stream.indirect.gather [hbm4b:s4+s23], $0x40, s18, s23, $0xb8;
	[tilespmem:$0x16C00] =	vst v63  }
0x103: {  	_ =	swait.ge [sflag:s0], $0x2000  }
0x104: {  	[sflag:s0] =	ssyncset.done $0x0  }
0x105: {  	s18 =	simm.s32 $0xB00;
	[sflag:s0] =	ssyncadd.s32 $0xFFFFE000  }
0x106: {  	[spmem:s1] =	stream.indirect.scatter.add.f32 [tilespmem:s31], [sflag:$0xB], $0x40, s18, s23, $0xb8;
	[tilespmem:$0x16C00] =	vst v63  }
0x107: {  	_ =	swait.ge [sflag:s17], $0x2000  }
0x108: {  	[sflag:s17] =	ssyncset.done $0x0  }
0x109: {  	s18 =	simm.s32 $0x200;
	[sflag:s17] =	ssyncadd.s32 $0xFFFFE000  }
0x10a: {  	[tilespmem:s31], [sflag:$0x5] =	stream.indirect.gather [hbm4b:s4+s23], $0x40, s18, s23, $0xb8;
	[tilespmem:$0x16C00] =	vst v63  }
0x10b: {  	_ =	swait.ge [sflag:s8], $0x2000  }
0x10c: {  	[sflag:s8] =	ssyncset.done $0x0  }
.Ltmp6:
0x10d: {  	s18 =	simm.s32 $0xB80;
	[sflag:s8] =	ssyncadd.s32 $0xFFFFE000;
	(pc) =	sbr.rel .LBB2_7-.Ltmp6, $4  }
0x10e: {  	[spmem:s1] =	stream.indirect.scatter.add.f32 [tilespmem:s2], [sflag:$0xC], $0x40, s18, s23, $0xb8;
	[tilespmem:$0x16C00] =	vst v63  }
0x10f: {  	_ =	swait.ge [sflag:s30], $0x2000  }
0x110: {  	[sflag:s30] =	ssyncset.done $0x0  }
0x111: {  	[sflag:s30] =	ssyncadd.s32 $0xFFFFE000  }
.LBB2_9:
0x112: {  	_ =	sfence.sel $0x180000  }
0x113: {  	[bflag:$0x0] =	sbarrier.arrive $0xFFFF  }
0x114: {  	_ =	strace $0x9000004A  }
0x115: {  	s0 =	stileid.u32;
	[bflag:$0x2] =	sbarrier.arrive $0xFFFF  }
0x116: {  	p0 =	sne.s32 s0, $0x0;
	s0 =	rddreg [dreg:$0x2]  }
0x117: {  	s0 =	sadd.s32 @!p0 $0x100000, s0  }
0x118: {  	[sflag:s0] =	ssyncadd.tile.s32 @!p0 $0x1;
	_ =	shalt  }
.Lfunc_end2:
_tile_overlayer_lowered:
.L_overlay_start_2:
0x119: {  	(tag) =	ssettag $0x2  }
0x11a: {  	s0 =	rddreg [dreg:$0x0];
	s2 =	stileid.u32  }
0x11b: {  	s1 =	rddreg [dreg:$0x1];
	p0 =	sne.s32 s2, $0x0  }
0x11c: {  	s3 =	rddreg [dreg:$0x2];
	[bflag:$0x3] =	sbarrier.arrive $0xFFFF;
	s2 =	simm.s32 @!p0 $0x1C0D  }
0x11d: {  	[timem:s3], [sflag:s2] =	dma.local @!p0 [hbm:s0], s1  }
0x11e: {  	s0 =	simm.s32 @!p0 $0xD  }
0x11f: {  	_ =	swait.ge @!p0 [sflag:s0], s1  }
0x120: {  	s1 =	ssub.s32 @!p0 $0x0, s1;
	[sflag:s0] =	ssyncset.done @!p0 $0x0  }
0x121: {  	[sflag:s0] =	ssyncadd.s32 @!p0 s1  }
0x122: {  	[bflag:$0x3] =	sbarrier.arrive $0xFFFF  }
0x123: {  	_ =	shalt  }

</sc_bundles>
